<compile_context>
chip_gen: v7x
topology: tpu7x:2x2x1
jax: 0.10.2.dev20260603
libtpu: 0.0.44.dev20260713+nightly
codegen_flags: <defaults>
</compile_context>

<pallas_src>
import functools

import jax
import jax.numpy as jnp
from jax import lax
from jax.experimental import pallas as pl
from jax.experimental.pallas import tpu as pltpu
from jax.experimental.pallas import tpu_sc as plsc

L = 16
NC = 2
NS = 16
ROW = 128


def _precompute_body(nhp, ntp, nrp, h_ref, r_ref, t_ref, m_ref, ts_ref,
                     rs_ref):
    h_t = h_ref[...]
    r_raw = r_ref[...]
    r_t = jnp.concatenate(
        [r_raw, jnp.zeros((r_raw.shape[0], nrp - r_raw.shape[1]),
                          jnp.float32)], axis=1)
    t_t = t_ref[...]
    nh = h_t.shape[1]
    nt = t_t.shape[1]
    mm = lax.dot_general(h_t, r_t, (((0,), (0,)), ((), ())),
                         preferred_element_type=jnp.float32)
    m_ref[...] = jnp.concatenate(
        [mm, jnp.zeros((nhp - nh, mm.shape[1]), jnp.float32)], axis=0)
    ts = jnp.sum(t_t, axis=0, keepdims=True)
    ts_ref[...] = jnp.concatenate(
        [ts, jnp.zeros((1, ntp - nt), jnp.float32)], axis=1)
    rs_ref[...] = jnp.sum(r_t, axis=0, keepdims=True)


def _precompute(h_t, r_t, t_t):
    nh = h_t.shape[1]
    nrp = 128
    nt = t_t.shape[1]
    nhp = (nh + 7) // 8 * 8
    ntp = (nt + 1023) // 1024 * 1024
    return pl.pallas_call(
        functools.partial(_precompute_body, nhp, ntp, nrp),
        out_shape=(
            jax.ShapeDtypeStruct((nhp, nrp), jnp.float32),
            jax.ShapeDtypeStruct((1, ntp), jnp.float32),
            jax.ShapeDtypeStruct((1, nrp), jnp.float32),
        ),
    )(h_t, r_t, t_t)


def _combine_body(dim, acc_ref, v_ref):
    a = acc_ref[...]
    den = a[0:1, :] + a[2:3, :]
    num = a[1:2, :] + a[3:4, :]
    v = jnp.where(den > 0.0, num / den, 0.0)
    v_ref[...] = jnp.broadcast_to(v, (dim, v.shape[1]))


def _combine(acc, dim):
    b = acc.shape[1]
    return pl.pallas_call(
        functools.partial(_combine_body, dim),
        out_shape=jax.ShapeDtypeStruct((dim, b), jnp.float32),
    )(acc)


def _sc_kernel(n_tok, b, nrp,
               seg_hbm, r_hbm, t_hbm, h_hbm, m_hbm, tsum_hbm, rsum_hbm,
               acc_hbm,
               h_v, tsum_v, rsum_v, seg_l, r_l, t_l,
               seg_v, idx_v, s_v, ex_v, exd_v, zero_v,
               den_sp, num_sp,
               sem_in, sem_in2, sem_ga, sem_gb, sem_s):
    cid = lax.axis_index("c")
    sid = lax.axis_index("s")
    tid = cid * NS + sid
    tokens_per_w = n_tok // (NC * NS)
    rows_per_w = tokens_per_w // ROW
    bpw = b // NS
    tok0 = tid * tokens_per_w
    grp = 8
    ngrp = rows_per_w // grp

    copies_a = [
        (seg_hbm.at[pl.ds(tok0, tokens_per_w)], seg_l),
        (r_hbm.at[pl.ds(tok0, tokens_per_w)], r_l),
        (h_hbm, h_v),
    ]
    copies_b = [
        (t_hbm.at[pl.ds(tok0, tokens_per_w)], t_l),
        (tsum_hbm, tsum_v),
        (rsum_hbm, rsum_v),
    ]
    for src, dst in copies_a:
        pltpu.async_copy(src, dst, sem_in)
    for src, dst in copies_b:
        pltpu.async_copy(src, dst, sem_in2)

    @pl.loop(0, bpw // L)
    def _zero(k):
        zero_v[pl.ds(k * L, L)] = jnp.zeros((L,), jnp.float32)

    pltpu.sync_copy(zero_v, den_sp.at[pl.ds(sid * bpw, bpw)])
    pltpu.sync_copy(zero_v, num_sp.at[pl.ds(sid * bpw, bpw)])

    for src, dst in copies_a:
        pltpu.make_async_copy(src, dst, sem_in).wait()

    def _mk_idx(g):
        @pl.loop(g * grp, g * grp + grp)
        def _idx(j):
            for u in range(ROW // L):
                sl = pl.ds(u * L, L)
                fl = pl.ds(j * ROW + u * L, L)
                seg16 = seg_l[fl]
                r16 = r_l[fl]
                h16 = plsc.load_gather(h_v, [seg16])
                seg_v[j, sl] = seg16
                idx_v[j, sl] = h16 * nrp + r16

    gsems = (sem_ga, sem_gb)

    def _fire_gathers(g, sem):
        @pl.loop(g * grp, g * grp + grp)
        def _f(j):
            pltpu.async_copy(m_hbm.at[idx_v.at[j]], s_v.at[j], sem)

    def _drain_gathers(g, sem):
        @pl.loop(g * grp, g * grp + grp)
        def _d(j):
            pltpu.make_async_copy(m_hbm.at[idx_v.at[j]], s_v.at[j], sem).wait()

    _mk_idx(0)
    _fire_gathers(0, gsems[0])
    if ngrp > 1:
        _mk_idx(1)

    for src, dst in copies_b:
        pltpu.make_async_copy(src, dst, sem_in2).wait()

    plsc.subcore_barrier()

    for g in range(ngrp):
        if g + 1 < ngrp:
            _fire_gathers(g + 1, gsems[(g + 1) % 2])
        _drain_gathers(g, gsems[g % 2])

        @pl.loop(g * grp, g * grp + grp)
        def _compute(j):
            for u in range(ROW // L):
                sl = pl.ds(u * L, L)
                fl = pl.ds(j * ROW + u * L, L)
                s16 = s_v[j, sl]
                t16 = t_l[fl]
                r16 = r_l[fl]
                d16 = (plsc.load_gather(tsum_v, [t16])
                       - plsc.load_gather(rsum_v, [r16]))
                ex16 = jnp.exp(s16)
                ex_v[j, sl] = ex16
                exd_v[j, sl] = ex16 * d16

        @pl.loop(g * grp, g * grp + grp)
        def _scatter(j):
            pltpu.async_copy(ex_v.at[j], den_sp.at[seg_v.at[j]], sem_s,
                             add=True)
            pltpu.async_copy(exd_v.at[j], num_sp.at[seg_v.at[j]], sem_s,
                             add=True)

        if g + 2 < ngrp:
            _mk_idx(g + 2)

    @pl.loop(0, rows_per_w)
    def _drain_s(j):
        pltpu.make_async_copy(ex_v.at[j], den_sp.at[seg_v.at[j]],
                              sem_s).wait()
        pltpu.make_async_copy(exd_v.at[j], num_sp.at[seg_v.at[j]],
                              sem_s).wait()

    plsc.subcore_barrier()

    pltpu.sync_copy(den_sp.at[pl.ds(sid * bpw, bpw)],
                    acc_hbm.at[2 * cid, pl.ds(sid * bpw, bpw)])
    pltpu.sync_copy(num_sp.at[pl.ds(sid * bpw, bpw)],
                    acc_hbm.at[2 * cid + 1, pl.ds(sid * bpw, bpw)])


def _sc_run(seg, r_flat, t_flat, h, m_flat, tsum, rsum):
    n_tok = seg.shape[0]
    b = h.shape[0]
    ntp = tsum.shape[0]
    nrp = rsum.shape[0]
    bpw = b // NS
    tokens_per_w = n_tok // (NC * NS)
    rows_per_w = tokens_per_w // ROW
    mesh = plsc.VectorSubcoreMesh(
        core_axis_name="c", subcore_axis_name="s", num_cores=NC)
    grid_kernel = pl.kernel(
        functools.partial(_sc_kernel, n_tok, b, nrp),
        out_type=jax.ShapeDtypeStruct((4, b), jnp.float32),
        mesh=mesh,
        compiler_params=pltpu.CompilerParams(needs_layout_passes=False),
        scratch_types=[
            pltpu.VMEM((b,), jnp.int32),
            pltpu.VMEM((ntp,), jnp.float32),
            pltpu.VMEM((nrp,), jnp.float32),
            pltpu.VMEM((tokens_per_w,), jnp.int32),
            pltpu.VMEM((tokens_per_w,), jnp.int32),
            pltpu.VMEM((tokens_per_w,), jnp.int32),
            pltpu.VMEM((rows_per_w, ROW), jnp.int32),
            pltpu.VMEM((rows_per_w, ROW), jnp.int32),
            pltpu.VMEM((rows_per_w, ROW), jnp.float32),
            pltpu.VMEM((rows_per_w, ROW), jnp.float32),
            pltpu.VMEM((rows_per_w, ROW), jnp.float32),
            pltpu.VMEM((bpw,), jnp.float32),
            pltpu.VMEM_SHARED((b,), jnp.float32),
            pltpu.VMEM_SHARED((b,), jnp.float32),
            pltpu.SemaphoreType.DMA,
            pltpu.SemaphoreType.DMA,
            pltpu.SemaphoreType.DMA,
            pltpu.SemaphoreType.DMA,
            pltpu.SemaphoreType.DMA,
        ],
    )
    return grid_kernel(seg, r_flat, t_flat, h, m_flat, tsum, rsum)


def kernel(h, r_flat, t_flat, segment_ids, H_table, R_table, T_table):
    b = h.shape[0]
    dim = H_table.shape[1]
    m, ts, rs = _precompute(H_table.T, R_table.T, T_table.T)

    acc = _sc_run(segment_ids, r_flat, t_flat, h, m.reshape(-1),
                  ts.reshape(-1), rs.reshape(-1))
    return _combine(acc, dim).T

# --- scband reference (transcript-rebuilt; emitter-appended) ---
"""Pipeline reference for scband-hcn-58085137711655 (READ-ONLY COPY).

The authoritative reference and input builder live on the scoring server;
editing this copy changes nothing except your own understanding.
"""

import jax, jax.numpy as jnp
import numpy as np

DIM = 32
B = 16384
N = 131072

def setup_inputs(seed: int = 0) -> dict:
    key = jax.random.key(seed)
    k1, k2, k3, k4, k5, k6, k7 = jax.random.split(key, 7)
    h = jax.random.randint(k1, (B,), 0, 3846, dtype=jnp.int64 if jax.config.jax_enable_x64 else jnp.int32).astype(jnp.int32)
    r_flat = jax.random.randint(k2, (N,), 0, 60).astype(jnp.int32)
    t_flat = jax.random.randint(k3, (N,), 0, 9366).astype(jnp.int32)
    segment_ids = jnp.sort(jax.random.randint(k4, (N,), 0, B)).astype(jnp.int32)
    H_table = jax.random.normal(k5, (3846, DIM), dtype=jnp.float32)
    R_table = jax.random.normal(k6, (60, DIM), dtype=jnp.float32)
    T_table = jax.random.normal(k7, (9366, DIM), dtype=jnp.float32)
    return {"h": h, "r_flat": r_flat, "t_flat": t_flat, "segment_ids": segment_ids,
            "H_table": H_table, "R_table": R_table, "T_table": T_table}

def reference(h, r_flat, t_flat, segment_ids, H_table, R_table, T_table):
    b = h.shape[0]
    dim = H_table.shape[1]
    # embedding lookups (gathers)
    H_v = jnp.take(H_table, h, axis=0)            # [B, dim]
    R_v = jnp.take(R_table, r_flat, axis=0)       # [N, dim]
    T_v = jnp.take(T_table, t_flat, axis=0)       # [N, dim]
    # per-neighbor attention score: sum(H_v[head] * R_v)
    H_g = jnp.take(H_v, segment_ids, axis=0)      # [N, dim] gather
    scores = jnp.sum(H_g * R_v, axis=1)           # [N]
    # segment softmax over each head's ragged neighbor list (faithful to per-row F.softmax)
    seg_max = jax.ops.segment_max(scores, segment_ids, num_segments=b)
    seg_max = jnp.where(jnp.isfinite(seg_max), seg_max, 0.0)
    ex = jnp.exp(scores - jnp.take(seg_max, segment_ids))
    denom = jax.ops.segment_sum(ex, segment_ids, num_segments=b)
    score = ex / (jnp.take(denom, segment_ids) + 1e-9)
    # Hv = (T_v - R_v) * score ; V_New = torch.sum(Hv) is a full scalar sum per head
    weighted = (T_v - R_v) * score[:, None]       # [N, dim]
    per_nbr = jnp.sum(weighted, axis=1)           # [N]
    v_scalar = jax.ops.segment_sum(per_nbr, segment_ids, num_segments=b)  # [B]
    # v_c[j] = scalar broadcast across the dim-sized row (as in the torch code)
    v_c = jnp.broadcast_to(v_scalar[:, None], (b, dim))
    return v_c

if __name__ == "__main__":
    import jax
    _d = setup_inputs()
    print(jax.jit(kernel)(*tuple(_d.values())))

</pallas_src>

<mosaic_0001>
#map = affine_map<(d0, d1) -> (0)>
#map1 = affine_map<(d0, d1) -> (0, 0)>
module attributes {stable_mosaic.version = 14 : i64} {
  func.func @_sc_kernel(%arg0: i32, %arg1: i32, %arg2: memref<131072xi32, #tpu.memory_space<hbm>>, %arg3: memref<131072xi32, #tpu.memory_space<hbm>>, %arg4: memref<131072xi32, #tpu.memory_space<hbm>>, %arg5: memref<16384xi32, #tpu.memory_space<hbm>>, %arg6: memref<492544xf32, #tpu.memory_space<hbm>>, %arg7: memref<10240xf32, #tpu.memory_space<hbm>>, %arg8: memref<128xf32, #tpu.memory_space<hbm>>, %arg9: memref<4x16384xf32, #tpu.memory_space<hbm>>, %arg10: memref<16384xi32, #tpu.memory_space<vmem>>, %arg11: memref<10240xf32, #tpu.memory_space<vmem>>, %arg12: memref<128xf32, #tpu.memory_space<vmem>>, %arg13: memref<4096xi32, #tpu.memory_space<vmem>>, %arg14: memref<4096xi32, #tpu.memory_space<vmem>>, %arg15: memref<4096xi32, #tpu.memory_space<vmem>>, %arg16: memref<32x128xi32, #tpu.memory_space<vmem>>, %arg17: memref<32x128xi32, #tpu.memory_space<vmem>>, %arg18: memref<32x128xf32, #tpu.memory_space<vmem>>, %arg19: memref<32x128xf32, #tpu.memory_space<vmem>>, %arg20: memref<32x128xf32, #tpu.memory_space<vmem>>, %arg21: memref<1024xf32, #tpu.memory_space<vmem>>, %arg22: memref<16384xf32, #tpu.memory_space<vmem_shared>>, %arg23: memref<16384xf32, #tpu.memory_space<vmem_shared>>, %arg24: memref<!tpu.dma_semaphore, #tpu.memory_space<semaphore_mem>>, %arg25: memref<!tpu.dma_semaphore, #tpu.memory_space<semaphore_mem>>, %arg26: memref<!tpu.dma_semaphore, #tpu.memory_space<semaphore_mem>>, %arg27: memref<!tpu.dma_semaphore, #tpu.memory_space<semaphore_mem>>, %arg28: memref<!tpu.dma_semaphore, #tpu.memory_space<semaphore_mem>>) attributes {dimension_semantics = [#tpu.dimension_semantics<core_parallel>, #tpu.dimension_semantics<subcore_parallel>], iteration_bounds = array<i64: 2, 16>, scalar_prefetch = 0 : i64, scratch_operands = 19 : i64, tpu.core_type = #tpu.core_type<sc_vector_subcore>, window_params = [{transform_indices = #map}, {transform_indices = #map}, {transform_indices = #map}, {transform_indices = #map}, {transform_indices = #map}, {transform_indices = #map}, {transform_indices = #map}, {transform_indices = #map1}]} {
    %mul3A = arith.constant 16 : i32
    %mul3A_0 = arith.muli %arg0, %mul3A : i32
    %add3A = arith.addi %mul3A_0, %arg1 : i32
    %mul3A_1 = arith.constant 4096 : i32
    %mul3A_2 = arith.muli %add3A, %mul3A_1 : i32
    %dma_start3A = tpu.memref_slice %arg2[%mul3A_2] : memref<131072xi32, #tpu.memory_space<hbm>> -> memref<4096xi32, #tpu.memory_space<hbm>>
    %dma_start3A_3 = tpu.memref_slice %arg2[%mul3A_2] : memref<131072xi32, #tpu.memory_space<hbm>> -> memref<4096xi32, #tpu.memory_space<hbm>>
    tpu.enqueue_dma source(%dma_start3A_3 : memref<4096xi32, #tpu.memory_space<hbm>>) target(%arg13 : memref<4096xi32, #tpu.memory_space<vmem>>) target_semaphore(%arg24 : memref<!tpu.dma_semaphore, #tpu.memory_space<semaphore_mem>>)
    %dma_start3A_4 = tpu.memref_slice %arg3[%mul3A_2] : memref<131072xi32, #tpu.memory_space<hbm>> -> memref<4096xi32, #tpu.memory_space<hbm>>
    %dma_start3A_5 = tpu.memref_slice %arg3[%mul3A_2] : memref<131072xi32, #tpu.memory_space<hbm>> -> memref<4096xi32, #tpu.memory_space<hbm>>
    tpu.enqueue_dma source(%dma_start3A_5 : memref<4096xi32, #tpu.memory_space<hbm>>) target(%arg14 : memref<4096xi32, #tpu.memory_space<vmem>>) target_semaphore(%arg24 : memref<!tpu.dma_semaphore, #tpu.memory_space<semaphore_mem>>)
    tpu.enqueue_dma source(%arg5 : memref<16384xi32, #tpu.memory_space<hbm>>) target(%arg10 : memref<16384xi32, #tpu.memory_space<vmem>>) target_semaphore(%arg24 : memref<!tpu.dma_semaphore, #tpu.memory_space<semaphore_mem>>)
    %dma_start3A_6 = tpu.memref_slice %arg4[%mul3A_2] : memref<131072xi32, #tpu.memory_space<hbm>> -> memref<4096xi32, #tpu.memory_space<hbm>>
    %dma_start3A_7 = tpu.memref_slice %arg4[%mul3A_2] : memref<131072xi32, #tpu.memory_space<hbm>> -> memref<4096xi32, #tpu.memory_space<hbm>>
    tpu.enqueue_dma source(%dma_start3A_7 : memref<4096xi32, #tpu.memory_space<hbm>>) target(%arg15 : memref<4096xi32, #tpu.memory_space<vmem>>) target_semaphore(%arg25 : memref<!tpu.dma_semaphore, #tpu.memory_space<semaphore_mem>>)
    tpu.enqueue_dma source(%arg7 : memref<10240xf32, #tpu.memory_space<hbm>>) target(%arg11 : memref<10240xf32, #tpu.memory_space<vmem>>) target_semaphore(%arg25 : memref<!tpu.dma_semaphore, #tpu.memory_space<semaphore_mem>>)
    tpu.enqueue_dma source(%arg8 : memref<128xf32, #tpu.memory_space<hbm>>) target(%arg12 : memref<128xf32, #tpu.memory_space<vmem>>) target_semaphore(%arg25 : memref<!tpu.dma_semaphore, #tpu.memory_space<semaphore_mem>>)
    %scan3A = arith.constant 0 : i32
    %scan3A_8 = arith.constant 64 : i32
    %scan3A_9 = arith.addi %scan3A, %scan3A_8 : i32
    %scan3A_10 = arith.constant 1 : i32
    scf.for %scan3A_141 = %scan3A to %scan3A_9 step %scan3A_10  : i32 {
      %mul3A_142 = arith.constant 1 : i32
      %mul3A_143 = arith.muli %scan3A_141, %mul3A_142 : i32
      %add3A_144 = arith.constant 0 : i32
      %add3A_145 = arith.addi %add3A_144, %mul3A_143 : i32
      %broadcast_in_dim3A = arith.constant 0.000000e+00 : f32
      %broadcast_in_dim3A_146 = vector.broadcast %broadcast_in_dim3A : f32 to vector<16xf32>
      %mul3A_147 = arith.constant 16 : i32
      %mul3A_148 = arith.muli %add3A_145, %mul3A_147 : i32
      %swap3A = arith.index_cast %mul3A_148 : i32 to index
      %swap3A_149 = tpu.vector_load %arg21[%swap3A] {strides = array<i32>} : memref<1024xf32, #tpu.memory_space<vmem>>, vector<16xf32>,
      tpu.vector_store %arg21[%swap3A], %broadcast_in_dim3A_146 {strides = array<i32>} : memref<1024xf32, #tpu.memory_space<vmem>>, vector<16xf32>,
    }
    %scan3A_11 = arith.constant 64 : i32
    %mul3A_12 = arith.constant 1024 : i32
    %mul3A_13 = arith.muli %arg1, %mul3A_12 : i32
    "tpu.region"() ({
      %run_scoped3A = tpu.sem_alloc : memref<!tpu.dma_semaphore, #tpu.memory_space<semaphore_mem>>
      %dma_start3A_141 = tpu.memref_slice %arg22[%mul3A_13] : memref<16384xf32, #tpu.memory_space<vmem_shared>> -> memref<1024xf32, #tpu.memory_space<vmem_shared>>
      %dma_start3A_142 = tpu.memref_slice %arg22[%mul3A_13] : memref<16384xf32, #tpu.memory_space<vmem_shared>> -> memref<1024xf32, #tpu.memory_space<vmem_shared>>
      tpu.enqueue_dma source(%arg21 : memref<1024xf32, #tpu.memory_space<vmem>>) target(%dma_start3A_142 : memref<1024xf32, #tpu.memory_space<vmem_shared>>) target_semaphore(%run_scoped3A : memref<!tpu.dma_semaphore, #tpu.memory_space<semaphore_mem>>)
      %dma_wait3A_143 = tpu.memref_slice %arg22[%mul3A_13] : memref<16384xf32, #tpu.memory_space<vmem_shared>> -> memref<1024xf32, #tpu.memory_space<vmem_shared>>
      %dma_wait3A_144 = tpu.memref_slice %arg22[%mul3A_13] : memref<16384xf32, #tpu.memory_space<vmem_shared>> -> memref<1024xf32, #tpu.memory_space<vmem_shared>>
      tpu.wait_dma2 semaphore(%run_scoped3A : memref<!tpu.dma_semaphore, #tpu.memory_space<semaphore_mem>>) src(%arg21 : memref<1024xf32, #tpu.memory_space<vmem>>) dst(%dma_wait3A_144 : memref<1024xf32, #tpu.memory_space<vmem_shared>>)
      tpu.yield
    }) : () -> ()
    %mul3A_14 = arith.constant 1024 : i32
    %mul3A_15 = arith.muli %arg1, %mul3A_14 : i32
    "tpu.region"() ({
      %run_scoped3A = tpu.sem_alloc : memref<!tpu.dma_semaphore, #tpu.memory_space<semaphore_mem>>
      %dma_start3A_141 = tpu.memref_slice %arg23[%mul3A_15] : memref<16384xf32, #tpu.memory_space<vmem_shared>> -> memref<1024xf32, #tpu.memory_space<vmem_shared>>
      %dma_start3A_142 = tpu.memref_slice %arg23[%mul3A_15] : memref<16384xf32, #tpu.memory_space<vmem_shared>> -> memref<1024xf32, #tpu.memory_space<vmem_shared>>
      tpu.enqueue_dma source(%arg21 : memref<1024xf32, #tpu.memory_space<vmem>>) target(%dma_start3A_142 : memref<1024xf32, #tpu.memory_space<vmem_shared>>) target_semaphore(%run_scoped3A : memref<!tpu.dma_semaphore, #tpu.memory_space<semaphore_mem>>)
      %dma_wait3A_143 = tpu.memref_slice %arg23[%mul3A_15] : memref<16384xf32, #tpu.memory_space<vmem_shared>> -> memref<1024xf32, #tpu.memory_space<vmem_shared>>
      %dma_wait3A_144 = tpu.memref_slice %arg23[%mul3A_15] : memref<16384xf32, #tpu.memory_space<vmem_shared>> -> memref<1024xf32, #tpu.memory_space<vmem_shared>>
      tpu.wait_dma2 semaphore(%run_scoped3A : memref<!tpu.dma_semaphore, #tpu.memory_space<semaphore_mem>>) src(%arg21 : memref<1024xf32, #tpu.memory_space<vmem>>) dst(%dma_wait3A_144 : memref<1024xf32, #tpu.memory_space<vmem_shared>>)
      tpu.yield
    }) : () -> ()
    %dma_wait3A = tpu.memref_slice %arg2[%mul3A_2] : memref<131072xi32, #tpu.memory_space<hbm>> -> memref<4096xi32, #tpu.memory_space<hbm>>
    %dma_wait3A_16 = tpu.memref_slice %arg2[%mul3A_2] : memref<131072xi32, #tpu.memory_space<hbm>> -> memref<4096xi32, #tpu.memory_space<hbm>>
    tpu.wait_dma2 semaphore(%arg24 : memref<!tpu.dma_semaphore, #tpu.memory_space<semaphore_mem>>) src(%dma_wait3A_16 : memref<4096xi32, #tpu.memory_space<hbm>>) dst(%arg13 : memref<4096xi32, #tpu.memory_space<vmem>>)
    %dma_wait3A_17 = tpu.memref_slice %arg3[%mul3A_2] : memref<131072xi32, #tpu.memory_space<hbm>> -> memref<4096xi32, #tpu.memory_space<hbm>>
    %dma_wait3A_18 = tpu.memref_slice %arg3[%mul3A_2] : memref<131072xi32, #tpu.memory_space<hbm>> -> memref<4096xi32, #tpu.memory_space<hbm>>
    tpu.wait_dma2 semaphore(%arg24 : memref<!tpu.dma_semaphore, #tpu.memory_space<semaphore_mem>>) src(%dma_wait3A_18 : memref<4096xi32, #tpu.memory_space<hbm>>) dst(%arg14 : memref<4096xi32, #tpu.memory_space<vmem>>)
    tpu.wait_dma2 semaphore(%arg24 : memref<!tpu.dma_semaphore, #tpu.memory_space<semaphore_mem>>) src(%arg5 : memref<16384xi32, #tpu.memory_space<hbm>>) dst(%arg10 : memref<16384xi32, #tpu.memory_space<vmem>>)
    %scan3A_19 = arith.constant 0 : i32
    %scan3A_20 = arith.constant 8 : i32
    %scan3A_21 = arith.addi %scan3A_19, %scan3A_20 : i32
    %scan3A_22 = arith.constant 1 : i32
    scf.for %scan3A_141 = %scan3A_19 to %scan3A_21 step %scan3A_22  : i32 {
      %mul3A_142 = arith.constant 1 : i32
      %mul3A_143 = arith.muli %scan3A_141, %mul3A_142 : i32
      %add3A_144 = arith.constant 0 : i32
      %add3A_145 = arith.addi %add3A_144, %mul3A_143 : i32
      %mul3A_146 = arith.constant 128 : i32
      %mul3A_147 = arith.muli %add3A_145, %mul3A_146 : i32
      %add3A_148 = arith.constant 0 : i32
      %add3A_149 = arith.addi %mul3A_147, %add3A_148 : i32
      %get3A = arith.index_cast %add3A_149 : i32 to index
      %get3A_150 = tpu.vector_load %arg13[%get3A] {strides = array<i32>} : memref<4096xi32, #tpu.memory_space<vmem>>, vector<16xi32>,
      %get3A_151 = arith.index_cast %add3A_149 : i32 to index
      %get3A_152 = tpu.vector_load %arg14[%get3A_151] {strides = array<i32>} : memref<4096xi32, #tpu.memory_space<vmem>>, vector<16xi32>,
      %gather3A = tpu.vector_load_idx %arg10[%get3A_150] : memref<16384xi32, #tpu.memory_space<vmem>>[vector<16xi32>], vector<16xi32>,
      %swap3A = arith.index_cast %add3A_145 : i32 to index
      %swap3A_153 = arith.constant 0 : index
      %swap3A_154 = tpu.vector_load %arg16[%swap3A, %swap3A_153] {strides = array<i32>} : memref<32x128xi32, #tpu.memory_space<vmem>>, vector<16xi32>,
      tpu.vector_store %arg16[%swap3A, %swap3A_153], %get3A_150 {strides = array<i32>} : memref<32x128xi32, #tpu.memory_space<vmem>>, vector<16xi32>,
      %mul3A_155 = arith.constant 128 : i32
      %mul3A_156 = vector.broadcast %mul3A_155 : i32 to vector<16xi32>
      %mul3A_157 = arith.muli %gather3A, %mul3A_156 : vector<16xi32>
      %add3A_158 = arith.addi %mul3A_157, %get3A_152 : vector<16xi32>
      %swap3A_159 = arith.index_cast %add3A_145 : i32 to index
      %swap3A_160 = arith.constant 0 : index
      %swap3A_161 = tpu.vector_load %arg17[%swap3A_159, %swap3A_160] {strides = array<i32>} : memref<32x128xi32, #tpu.memory_space<vmem>>, vector<16xi32>,
      tpu.vector_store %arg17[%swap3A_159, %swap3A_160], %add3A_158 {strides = array<i32>} : memref<32x128xi32, #tpu.memory_space<vmem>>, vector<16xi32>,
      %mul3A_162 = arith.constant 128 : i32
      %mul3A_163 = arith.muli %add3A_145, %mul3A_162 : i32
      %add3A_164 = arith.constant 16 : i32
      %add3A_165 = arith.addi %mul3A_163, %add3A_164 : i32
      %get3A_166 = arith.index_cast %add3A_165 : i32 to index
      %get3A_167 = tpu.vector_load %arg13[%get3A_166] {strides = array<i32>} : memref<4096xi32, #tpu.memory_space<vmem>>, vector<16xi32>,
      %get3A_168 = arith.index_cast %add3A_165 : i32 to index
      %get3A_169 = tpu.vector_load %arg14[%get3A_168] {strides = array<i32>} : memref<4096xi32, #tpu.memory_space<vmem>>, vector<16xi32>,
      %gather3A_170 = tpu.vector_load_idx %arg10[%get3A_167] : memref<16384xi32, #tpu.memory_space<vmem>>[vector<16xi32>], vector<16xi32>,
      %swap3A_171 = arith.index_cast %add3A_145 : i32 to index
      %swap3A_172 = arith.constant 16 : index
      %swap3A_173 = tpu.vector_load %arg16[%swap3A_171, %swap3A_172] {strides = array<i32>} : memref<32x128xi32, #tpu.memory_space<vmem>>, vector<16xi32>,
      tpu.vector_store %arg16[%swap3A_171, %swap3A_172], %get3A_167 {strides = array<i32>} : memref<32x128xi32, #tpu.memory_space<vmem>>, vector<16xi32>,
      %mul3A_174 = arith.constant 128 : i32
      %mul3A_175 = vector.broadcast %mul3A_174 : i32 to vector<16xi32>
      %mul3A_176 = arith.muli %gather3A_170, %mul3A_175 : vector<16xi32>
      %add3A_177 = arith.addi %mul3A_176, %get3A_169 : vector<16xi32>
      %swap3A_178 = arith.index_cast %add3A_145 : i32 to index
      %swap3A_179 = arith.constant 16 : index
      %swap3A_180 = tpu.vector_load %arg17[%swap3A_178, %swap3A_179] {strides = array<i32>} : memref<32x128xi32, #tpu.memory_space<vmem>>, vector<16xi32>,
      tpu.vector_store %arg17[%swap3A_178, %swap3A_179], %add3A_177 {strides = array<i32>} : memref<32x128xi32, #tpu.memory_space<vmem>>, vector<16xi32>,
      %mul3A_181 = arith.constant 128 : i32
      %mul3A_182 = arith.muli %add3A_145, %mul3A_181 : i32
      %add3A_183 = arith.constant 32 : i32
      %add3A_184 = arith.addi %mul3A_182, %add3A_183 : i32
      %get3A_185 = arith.index_cast %add3A_184 : i32 to index
      %get3A_186 = tpu.vector_load %arg13[%get3A_185] {strides = array<i32>} : memref<4096xi32, #tpu.memory_space<vmem>>, vector<16xi32>,
      %get3A_187 = arith.index_cast %add3A_184 : i32 to index
      %get3A_188 = tpu.vector_load %arg14[%get3A_187] {strides = array<i32>} : memref<4096xi32, #tpu.memory_space<vmem>>, vector<16xi32>,
      %gather3A_189 = tpu.vector_load_idx %arg10[%get3A_186] : memref<16384xi32, #tpu.memory_space<vmem>>[vector<16xi32>], vector<16xi32>,
      %swap3A_190 = arith.index_cast %add3A_145 : i32 to index
      %swap3A_191 = arith.constant 32 : index
      %swap3A_192 = tpu.vector_load %arg16[%swap3A_190, %swap3A_191] {strides = array<i32>} : memref<32x128xi32, #tpu.memory_space<vmem>>, vector<16xi32>,
      tpu.vector_store %arg16[%swap3A_190, %swap3A_191], %get3A_186 {strides = array<i32>} : memref<32x128xi32, #tpu.memory_space<vmem>>, vector<16xi32>,
      %mul3A_193 = arith.constant 128 : i32
      %mul3A_194 = vector.broadcast %mul3A_193 : i32 to vector<16xi32>
      %mul3A_195 = arith.muli %gather3A_189, %mul3A_194 : vector<16xi32>
      %add3A_196 = arith.addi %mul3A_195, %get3A_188 : vector<16xi32>
      %swap3A_197 = arith.index_cast %add3A_145 : i32 to index
      %swap3A_198 = arith.constant 32 : index
      %swap3A_199 = tpu.vector_load %arg17[%swap3A_197, %swap3A_198] {strides = array<i32>} : memref<32x128xi32, #tpu.memory_space<vmem>>, vector<16xi32>,
      tpu.vector_store %arg17[%swap3A_197, %swap3A_198], %add3A_196 {strides = array<i32>} : memref<32x128xi32, #tpu.memory_space<vmem>>, vector<16xi32>,
      %mul3A_200 = arith.constant 128 : i32
      %mul3A_201 = arith.muli %add3A_145, %mul3A_200 : i32
      %add3A_202 = arith.constant 48 : i32
      %add3A_203 = arith.addi %mul3A_201, %add3A_202 : i32
      %get3A_204 = arith.index_cast %add3A_203 : i32 to index
      %get3A_205 = tpu.vector_load %arg13[%get3A_204] {strides = array<i32>} : memref<4096xi32, #tpu.memory_space<vmem>>, vector<16xi32>,
      %get3A_206 = arith.index_cast %add3A_203 : i32 to index
      %get3A_207 = tpu.vector_load %arg14[%get3A_206] {strides = array<i32>} : memref<4096xi32, #tpu.memory_space<vmem>>, vector<16xi32>,
      %gather3A_208 = tpu.vector_load_idx %arg10[%get3A_205] : memref<16384xi32, #tpu.memory_space<vmem>>[vector<16xi32>], vector<16xi32>,
      %swap3A_209 = arith.index_cast %add3A_145 : i32 to index
      %swap3A_210 = arith.constant 48 : index
      %swap3A_211 = tpu.vector_load %arg16[%swap3A_209, %swap3A_210] {strides = array<i32>} : memref<32x128xi32, #tpu.memory_space<vmem>>, vector<16xi32>,
      tpu.vector_store %arg16[%swap3A_209, %swap3A_210], %get3A_205 {strides = array<i32>} : memref<32x128xi32, #tpu.memory_space<vmem>>, vector<16xi32>,
      %mul3A_212 = arith.constant 128 : i32
      %mul3A_213 = vector.broadcast %mul3A_212 : i32 to vector<16xi32>
      %mul3A_214 = arith.muli %gather3A_208, %mul3A_213 : vector<16xi32>
      %add3A_215 = arith.addi %mul3A_214, %get3A_207 : vector<16xi32>
      %swap3A_216 = arith.index_cast %add3A_145 : i32 to index
      %swap3A_217 = arith.constant 48 : index
      %swap3A_218 = tpu.vector_load %arg17[%swap3A_216, %swap3A_217] {strides = array<i32>} : memref<32x128xi32, #tpu.memory_space<vmem>>, vector<16xi32>,
      tpu.vector_store %arg17[%swap3A_216, %swap3A_217], %add3A_215 {strides = array<i32>} : memref<32x128xi32, #tpu.memory_space<vmem>>, vector<16xi32>,
      %mul3A_219 = arith.constant 128 : i32
      %mul3A_220 = arith.muli %add3A_145, %mul3A_219 : i32
      %add3A_221 = arith.constant 64 : i32
      %add3A_222 = arith.addi %mul3A_220, %add3A_221 : i32
      %get3A_223 = arith.index_cast %add3A_222 : i32 to index
      %get3A_224 = tpu.vector_load %arg13[%get3A_223] {strides = array<i32>} : memref<4096xi32, #tpu.memory_space<vmem>>, vector<16xi32>,
      %get3A_225 = arith.index_cast %add3A_222 : i32 to index
      %get3A_226 = tpu.vector_load %arg14[%get3A_225] {strides = array<i32>} : memref<4096xi32, #tpu.memory_space<vmem>>, vector<16xi32>,
      %gather3A_227 = tpu.vector_load_idx %arg10[%get3A_224] : memref<16384xi32, #tpu.memory_space<vmem>>[vector<16xi32>], vector<16xi32>,
      %swap3A_228 = arith.index_cast %add3A_145 : i32 to index
      %swap3A_229 = arith.constant 64 : index
      %swap3A_230 = tpu.vector_load %arg16[%swap3A_228, %swap3A_229] {strides = array<i32>} : memref<32x128xi32, #tpu.memory_space<vmem>>, vector<16xi32>,
      tpu.vector_store %arg16[%swap3A_228, %swap3A_229], %get3A_224 {strides = array<i32>} : memref<32x128xi32, #tpu.memory_space<vmem>>, vector<16xi32>,
      %mul3A_231 = arith.constant 128 : i32
      %mul3A_232 = vector.broadcast %mul3A_231 : i32 to vector<16xi32>
      %mul3A_233 = arith.muli %gather3A_227, %mul3A_232 : vector<16xi32>
      %add3A_234 = arith.addi %mul3A_233, %get3A_226 : vector<16xi32>
      %swap3A_235 = arith.index_cast %add3A_145 : i32 to index
      %swap3A_236 = arith.constant 64 : index
      %swap3A_237 = tpu.vector_load %arg17[%swap3A_235, %swap3A_236] {strides = array<i32>} : memref<32x128xi32, #tpu.memory_space<vmem>>, vector<16xi32>,
      tpu.vector_store %arg17[%swap3A_235, %swap3A_236], %add3A_234 {strides = array<i32>} : memref<32x128xi32, #tpu.memory_space<vmem>>, vector<16xi32>,
      %mul3A_238 = arith.constant 128 : i32
      %mul3A_239 = arith.muli %add3A_145, %mul3A_238 : i32
      %add3A_240 = arith.constant 80 : i32
      %add3A_241 = arith.addi %mul3A_239, %add3A_240 : i32
      %get3A_242 = arith.index_cast %add3A_241 : i32 to index
      %get3A_243 = tpu.vector_load %arg13[%get3A_242] {strides = array<i32>} : memref<4096xi32, #tpu.memory_space<vmem>>, vector<16xi32>,
      %get3A_244 = arith.index_cast %add3A_241 : i32 to index
      %get3A_245 = tpu.vector_load %arg14[%get3A_244] {strides = array<i32>} : memref<4096xi32, #tpu.memory_space<vmem>>, vector<16xi32>,
      %gather3A_246 = tpu.vector_load_idx %arg10[%get3A_243] : memref<16384xi32, #tpu.memory_space<vmem>>[vector<16xi32>], vector<16xi32>,
      %swap3A_247 = arith.index_cast %add3A_145 : i32 to index
      %swap3A_248 = arith.constant 80 : index
      %swap3A_249 = tpu.vector_load %arg16[%swap3A_247, %swap3A_248] {strides = array<i32>} : memref<32x128xi32, #tpu.memory_space<vmem>>, vector<16xi32>,
      tpu.vector_store %arg16[%swap3A_247, %swap3A_248], %get3A_243 {strides = array<i32>} : memref<32x128xi32, #tpu.memory_space<vmem>>, vector<16xi32>,
      %mul3A_250 = arith.constant 128 : i32
      %mul3A_251 = vector.broadcast %mul3A_250 : i32 to vector<16xi32>
      %mul3A_252 = arith.muli %gather3A_246, %mul3A_251 : vector<16xi32>
      %add3A_253 = arith.addi %mul3A_252, %get3A_245 : vector<16xi32>
      %swap3A_254 = arith.index_cast %add3A_145 : i32 to index
      %swap3A_255 = arith.constant 80 : index
      %swap3A_256 = tpu.vector_load %arg17[%swap3A_254, %swap3A_255] {strides = array<i32>} : memref<32x128xi32, #tpu.memory_space<vmem>>, vector<16xi32>,
      tpu.vector_store %arg17[%swap3A_254, %swap3A_255], %add3A_253 {strides = array<i32>} : memref<32x128xi32, #tpu.memory_space<vmem>>, vector<16xi32>,
      %mul3A_257 = arith.constant 128 : i32
      %mul3A_258 = arith.muli %add3A_145, %mul3A_257 : i32
      %add3A_259 = arith.constant 96 : i32
      %add3A_260 = arith.addi %mul3A_258, %add3A_259 : i32
      %get3A_261 = arith.index_cast %add3A_260 : i32 to index
      %get3A_262 = tpu.vector_load %arg13[%get3A_261] {strides = array<i32>} : memref<4096xi32, #tpu.memory_space<vmem>>, vector<16xi32>,
      %get3A_263 = arith.index_cast %add3A_260 : i32 to index
      %get3A_264 = tpu.vector_load %arg14[%get3A_263] {strides = array<i32>} : memref<4096xi32, #tpu.memory_space<vmem>>, vector<16xi32>,
      %gather3A_265 = tpu.vector_load_idx %arg10[%get3A_262] : memref<16384xi32, #tpu.memory_space<vmem>>[vector<16xi32>], vector<16xi32>,
      %swap3A_266 = arith.index_cast %add3A_145 : i32 to index
      %swap3A_267 = arith.constant 96 : index
      %swap3A_268 = tpu.vector_load %arg16[%swap3A_266, %swap3A_267] {strides = array<i32>} : memref<32x128xi32, #tpu.memory_space<vmem>>, vector<16xi32>,
      tpu.vector_store %arg16[%swap3A_266, %swap3A_267], %get3A_262 {strides = array<i32>} : memref<32x128xi32, #tpu.memory_space<vmem>>, vector<16xi32>,
      %mul3A_269 = arith.constant 128 : i32
      %mul3A_270 = vector.broadcast %mul3A_269 : i32 to vector<16xi32>
      %mul3A_271 = arith.muli %gather3A_265, %mul3A_270 : vector<16xi32>
      %add3A_272 = arith.addi %mul3A_271, %get3A_264 : vector<16xi32>
      %swap3A_273 = arith.index_cast %add3A_145 : i32 to index
      %swap3A_274 = arith.constant 96 : index
      %swap3A_275 = tpu.vector_load %arg17[%swap3A_273, %swap3A_274] {strides = array<i32>} : memref<32x128xi32, #tpu.memory_space<vmem>>, vector<16xi32>,
      tpu.vector_store %arg17[%swap3A_273, %swap3A_274], %add3A_272 {strides = array<i32>} : memref<32x128xi32, #tpu.memory_space<vmem>>, vector<16xi32>,
      %mul3A_276 = arith.constant 128 : i32
      %mul3A_277 = arith.muli %add3A_145, %mul3A_276 : i32
      %add3A_278 = arith.constant 112 : i32
      %add3A_279 = arith.addi %mul3A_277, %add3A_278 : i32
      %get3A_280 = arith.index_cast %add3A_279 : i32 to index
      %get3A_281 = tpu.vector_load %arg13[%get3A_280] {strides = array<i32>} : memref<4096xi32, #tpu.memory_space<vmem>>, vector<16xi32>,
      %get3A_282 = arith.index_cast %add3A_279 : i32 to index
      %get3A_283 = tpu.vector_load %arg14[%get3A_282] {strides = array<i32>} : memref<4096xi32, #tpu.memory_space<vmem>>, vector<16xi32>,
      %gather3A_284 = tpu.vector_load_idx %arg10[%get3A_281] : memref<16384xi32, #tpu.memory_space<vmem>>[vector<16xi32>], vector<16xi32>,
      %swap3A_285 = arith.index_cast %add3A_145 : i32 to index
      %swap3A_286 = arith.constant 112 : index
      %swap3A_287 = tpu.vector_load %arg16[%swap3A_285, %swap3A_286] {strides = array<i32>} : memref<32x128xi32, #tpu.memory_space<vmem>>, vector<16xi32>,
      tpu.vector_store %arg16[%swap3A_285, %swap3A_286], %get3A_281 {strides = array<i32>} : memref<32x128xi32, #tpu.memory_space<vmem>>, vector<16xi32>,
      %mul3A_288 = arith.constant 128 : i32
      %mul3A_289 = vector.broadcast %mul3A_288 : i32 to vector<16xi32>
      %mul3A_290 = arith.muli %gather3A_284, %mul3A_289 : vector<16xi32>
      %add3A_291 = arith.addi %mul3A_290, %get3A_283 : vector<16xi32>
      %swap3A_292 = arith.index_cast %add3A_145 : i32 to index
      %swap3A_293 = arith.constant 112 : index
      %swap3A_294 = tpu.vector_load %arg17[%swap3A_292, %swap3A_293] {strides = array<i32>} : memref<32x128xi32, #tpu.memory_space<vmem>>, vector<16xi32>,
      tpu.vector_store %arg17[%swap3A_292, %swap3A_293], %add3A_291 {strides = array<i32>} : memref<32x128xi32, #tpu.memory_space<vmem>>, vector<16xi32>,
    }
    %scan3A_23 = arith.constant 8 : i32
    %scan3A_24 = arith.constant 0 : i32
    %scan3A_25 = arith.constant 8 : i32
    %scan3A_26 = arith.addi %scan3A_24, %scan3A_25 : i32
    %scan3A_27 = arith.constant 1 : i32
    scf.for %scan3A_141 = %scan3A_24 to %scan3A_26 step %scan3A_27  : i32 {
      %mul3A_142 = arith.constant 1 : i32
      %mul3A_143 = arith.muli %scan3A_141, %mul3A_142 : i32
      %add3A_144 = arith.constant 0 : i32
      %add3A_145 = arith.addi %add3A_144, %mul3A_143 : i32
      %dma_start3A_146 = arith.constant 0 : i32
      %dma_start3A_147 = tpu.memref_slice %arg18[%add3A_145, %dma_start3A_146] : memref<32x128xf32, #tpu.memory_space<vmem>> -> memref<1x128xf32, #tpu.memory_space<vmem>>
      %dma_start3A_148 = tpu.memref_squeeze %dma_start3A_147 : memref<1x128xf32, #tpu.memory_space<vmem>> -> memref<128xf32, #tpu.memory_space<vmem>>
      %dma_start3A_149 = arith.constant 0 : i32
      %dma_start3A_150 = tpu.memref_slice %arg17[%add3A_145, %dma_start3A_149] : memref<32x128xi32, #tpu.memory_space<vmem>> -> memref<1x128xi32, #tpu.memory_space<vmem>>
      %dma_start3A_151 = tpu.memref_squeeze %dma_start3A_150 : memref<1x128xi32, #tpu.memory_space<vmem>> -> memref<128xi32, #tpu.memory_space<vmem>>
      %dma_start3A_152 = arith.constant 0 : i32
      %dma_start3A_153 = tpu.memref_slice %arg6[%dma_start3A_152] : memref<492544xf32, #tpu.memory_space<hbm>> -> memref<492544xf32, #tpu.memory_space<hbm>>
      tpu.enqueue_indirect_dma source(%dma_start3A_153 : memref<492544xf32, #tpu.memory_space<hbm>>) target(%dma_start3A_148 : memref<128xf32, #tpu.memory_space<vmem>>) offsets(%dma_start3A_151 : memref<128xi32, #tpu.memory_space<vmem>>) semaphore(%arg26 : memref<!tpu.dma_semaphore, #tpu.memory_space<semaphore_mem>>)
    }
    %scan3A_28 = arith.constant 8 : i32
    %scan3A_29 = arith.constant 0 : i32
    %scan3A_30 = arith.constant 8 : i32
    %scan3A_31 = arith.addi %scan3A_29, %scan3A_30 : i32
    %scan3A_32 = arith.constant 1 : i32
    scf.for %scan3A_141 = %scan3A_29 to %scan3A_31 step %scan3A_32  : i32 {
      %mul3A_142 = arith.constant 1 : i32
      %mul3A_143 = arith.muli %scan3A_141, %mul3A_142 : i32
      %add3A_144 = arith.constant 8 : i32
      %add3A_145 = arith.addi %add3A_144, %mul3A_143 : i32
      %mul3A_146 = arith.constant 128 : i32
      %mul3A_147 = arith.muli %add3A_145, %mul3A_146 : i32
      %add3A_148 = arith.constant 0 : i32
      %add3A_149 = arith.addi %mul3A_147, %add3A_148 : i32
      %get3A = arith.index_cast %add3A_149 : i32 to index
      %get3A_150 = tpu.vector_load %arg13[%get3A] {strides = array<i32>} : memref<4096xi32, #tpu.memory_space<vmem>>, vector<16xi32>,
      %get3A_151 = arith.index_cast %add3A_149 : i32 to index
      %get3A_152 = tpu.vector_load %arg14[%get3A_151] {strides = array<i32>} : memref<4096xi32, #tpu.memory_space<vmem>>, vector<16xi32>,
      %gather3A = tpu.vector_load_idx %arg10[%get3A_150] : memref<16384xi32, #tpu.memory_space<vmem>>[vector<16xi32>], vector<16xi32>,
      %swap3A = arith.index_cast %add3A_145 : i32 to index
      %swap3A_153 = arith.constant 0 : index
      %swap3A_154 = tpu.vector_load %arg16[%swap3A, %swap3A_153] {strides = array<i32>} : memref<32x128xi32, #tpu.memory_space<vmem>>, vector<16xi32>,
      tpu.vector_store %arg16[%swap3A, %swap3A_153], %get3A_150 {strides = array<i32>} : memref<32x128xi32, #tpu.memory_space<vmem>>, vector<16xi32>,
      %mul3A_155 = arith.constant 128 : i32
      %mul3A_156 = vector.broadcast %mul3A_155 : i32 to vector<16xi32>
      %mul3A_157 = arith.muli %gather3A, %mul3A_156 : vector<16xi32>
      %add3A_158 = arith.addi %mul3A_157, %get3A_152 : vector<16xi32>
      %swap3A_159 = arith.index_cast %add3A_145 : i32 to index
      %swap3A_160 = arith.constant 0 : index
      %swap3A_161 = tpu.vector_load %arg17[%swap3A_159, %swap3A_160] {strides = array<i32>} : memref<32x128xi32, #tpu.memory_space<vmem>>, vector<16xi32>,
      tpu.vector_store %arg17[%swap3A_159, %swap3A_160], %add3A_158 {strides = array<i32>} : memref<32x128xi32, #tpu.memory_space<vmem>>, vector<16xi32>,
      %mul3A_162 = arith.constant 128 : i32
      %mul3A_163 = arith.muli %add3A_145, %mul3A_162 : i32
      %add3A_164 = arith.constant 16 : i32
      %add3A_165 = arith.addi %mul3A_163, %add3A_164 : i32
      %get3A_166 = arith.index_cast %add3A_165 : i32 to index
      %get3A_167 = tpu.vector_load %arg13[%get3A_166] {strides = array<i32>} : memref<4096xi32, #tpu.memory_space<vmem>>, vector<16xi32>,
      %get3A_168 = arith.index_cast %add3A_165 : i32 to index
      %get3A_169 = tpu.vector_load %arg14[%get3A_168] {strides = array<i32>} : memref<4096xi32, #tpu.memory_space<vmem>>, vector<16xi32>,
      %gather3A_170 = tpu.vector_load_idx %arg10[%get3A_167] : memref<16384xi32, #tpu.memory_space<vmem>>[vector<16xi32>], vector<16xi32>,
      %swap3A_171 = arith.index_cast %add3A_145 : i32 to index
      %swap3A_172 = arith.constant 16 : index
      %swap3A_173 = tpu.vector_load %arg16[%swap3A_171, %swap3A_172] {strides = array<i32>} : memref<32x128xi32, #tpu.memory_space<vmem>>, vector<16xi32>,
      tpu.vector_store %arg16[%swap3A_171, %swap3A_172], %get3A_167 {strides = array<i32>} : memref<32x128xi32, #tpu.memory_space<vmem>>, vector<16xi32>,
      %mul3A_174 = arith.constant 128 : i32
      %mul3A_175 = vector.broadcast %mul3A_174 : i32 to vector<16xi32>
      %mul3A_176 = arith.muli %gather3A_170, %mul3A_175 : vector<16xi32>
      %add3A_177 = arith.addi %mul3A_176, %get3A_169 : vector<16xi32>
      %swap3A_178 = arith.index_cast %add3A_145 : i32 to index
      %swap3A_179 = arith.constant 16 : index
      %swap3A_180 = tpu.vector_load %arg17[%swap3A_178, %swap3A_179] {strides = array<i32>} : memref<32x128xi32, #tpu.memory_space<vmem>>, vector<16xi32>,
      tpu.vector_store %arg17[%swap3A_178, %swap3A_179], %add3A_177 {strides = array<i32>} : memref<32x128xi32, #tpu.memory_space<vmem>>, vector<16xi32>,
      %mul3A_181 = arith.constant 128 : i32
      %mul3A_182 = arith.muli %add3A_145, %mul3A_181 : i32
      %add3A_183 = arith.constant 32 : i32
      %add3A_184 = arith.addi %mul3A_182, %add3A_183 : i32
      %get3A_185 = arith.index_cast %add3A_184 : i32 to index
      %get3A_186 = tpu.vector_load %arg13[%get3A_185] {strides = array<i32>} : memref<4096xi32, #tpu.memory_space<vmem>>, vector<16xi32>,
      %get3A_187 = arith.index_cast %add3A_184 : i32 to index
      %get3A_188 = tpu.vector_load %arg14[%get3A_187] {strides = array<i32>} : memref<4096xi32, #tpu.memory_space<vmem>>, vector<16xi32>,
      %gather3A_189 = tpu.vector_load_idx %arg10[%get3A_186] : memref<16384xi32, #tpu.memory_space<vmem>>[vector<16xi32>], vector<16xi32>,
      %swap3A_190 = arith.index_cast %add3A_145 : i32 to index
      %swap3A_191 = arith.constant 32 : index
      %swap3A_192 = tpu.vector_load %arg16[%swap3A_190, %swap3A_191] {strides = array<i32>} : memref<32x128xi32, #tpu.memory_space<vmem>>, vector<16xi32>,
      tpu.vector_store %arg16[%swap3A_190, %swap3A_191], %get3A_186 {strides = array<i32>} : memref<32x128xi32, #tpu.memory_space<vmem>>, vector<16xi32>,
      %mul3A_193 = arith.constant 128 : i32
      %mul3A_194 = vector.broadcast %mul3A_193 : i32 to vector<16xi32>
      %mul3A_195 = arith.muli %gather3A_189, %mul3A_194 : vector<16xi32>
      %add3A_196 = arith.addi %mul3A_195, %get3A_188 : vector<16xi32>
      %swap3A_197 = arith.index_cast %add3A_145 : i32 to index
      %swap3A_198 = arith.constant 32 : index
      %swap3A_199 = tpu.vector_load %arg17[%swap3A_197, %swap3A_198] {strides = array<i32>} : memref<32x128xi32, #tpu.memory_space<vmem>>, vector<16xi32>,
      tpu.vector_store %arg17[%swap3A_197, %swap3A_198], %add3A_196 {strides = array<i32>} : memref<32x128xi32, #tpu.memory_space<vmem>>, vector<16xi32>,
      %mul3A_200 = arith.constant 128 : i32
      %mul3A_201 = arith.muli %add3A_145, %mul3A_200 : i32
      %add3A_202 = arith.constant 48 : i32
      %add3A_203 = arith.addi %mul3A_201, %add3A_202 : i32
      %get3A_204 = arith.index_cast %add3A_203 : i32 to index
      %get3A_205 = tpu.vector_load %arg13[%get3A_204] {strides = array<i32>} : memref<4096xi32, #tpu.memory_space<vmem>>, vector<16xi32>,
      %get3A_206 = arith.index_cast %add3A_203 : i32 to index
      %get3A_207 = tpu.vector_load %arg14[%get3A_206] {strides = array<i32>} : memref<4096xi32, #tpu.memory_space<vmem>>, vector<16xi32>,
      %gather3A_208 = tpu.vector_load_idx %arg10[%get3A_205] : memref<16384xi32, #tpu.memory_space<vmem>>[vector<16xi32>], vector<16xi32>,
      %swap3A_209 = arith.index_cast %add3A_145 : i32 to index
      %swap3A_210 = arith.constant 48 : index
      %swap3A_211 = tpu.vector_load %arg16[%swap3A_209, %swap3A_210] {strides = array<i32>} : memref<32x128xi32, #tpu.memory_space<vmem>>, vector<16xi32>,
      tpu.vector_store %arg16[%swap3A_209, %swap3A_210], %get3A_205 {strides = array<i32>} : memref<32x128xi32, #tpu.memory_space<vmem>>, vector<16xi32>,
      %mul3A_212 = arith.constant 128 : i32
      %mul3A_213 = vector.broadcast %mul3A_212 : i32 to vector<16xi32>
      %mul3A_214 = arith.muli %gather3A_208, %mul3A_213 : vector<16xi32>
      %add3A_215 = arith.addi %mul3A_214, %get3A_207 : vector<16xi32>
      %swap3A_216 = arith.index_cast %add3A_145 : i32 to index
      %swap3A_217 = arith.constant 48 : index
      %swap3A_218 = tpu.vector_load %arg17[%swap3A_216, %swap3A_217] {strides = array<i32>} : memref<32x128xi32, #tpu.memory_space<vmem>>, vector<16xi32>,
      tpu.vector_store %arg17[%swap3A_216, %swap3A_217], %add3A_215 {strides = array<i32>} : memref<32x128xi32, #tpu.memory_space<vmem>>, vector<16xi32>,
      %mul3A_219 = arith.constant 128 : i32
      %mul3A_220 = arith.muli %add3A_145, %mul3A_219 : i32
      %add3A_221 = arith.constant 64 : i32
      %add3A_222 = arith.addi %mul3A_220, %add3A_221 : i32
      %get3A_223 = arith.index_cast %add3A_222 : i32 to index
      %get3A_224 = tpu.vector_load %arg13[%get3A_223] {strides = array<i32>} : memref<4096xi32, #tpu.memory_space<vmem>>, vector<16xi32>,
      %get3A_225 = arith.index_cast %add3A_222 : i32 to index
      %get3A_226 = tpu.vector_load %arg14[%get3A_225] {strides = array<i32>} : memref<4096xi32, #tpu.memory_space<vmem>>, vector<16xi32>,
      %gather3A_227 = tpu.vector_load_idx %arg10[%get3A_224] : memref<16384xi32, #tpu.memory_space<vmem>>[vector<16xi32>], vector<16xi32>,
      %swap3A_228 = arith.index_cast %add3A_145 : i32 to index
      %swap3A_229 = arith.constant 64 : index
      %swap3A_230 = tpu.vector_load %arg16[%swap3A_228, %swap3A_229] {strides = array<i32>} : memref<32x128xi32, #tpu.memory_space<vmem>>, vector<16xi32>,
      tpu.vector_store %arg16[%swap3A_228, %swap3A_229], %get3A_224 {strides = array<i32>} : memref<32x128xi32, #tpu.memory_space<vmem>>, vector<16xi32>,
      %mul3A_231 = arith.constant 128 : i32
      %mul3A_232 = vector.broadcast %mul3A_231 : i32 to vector<16xi32>
      %mul3A_233 = arith.muli %gather3A_227, %mul3A_232 : vector<16xi32>
      %add3A_234 = arith.addi %mul3A_233, %get3A_226 : vector<16xi32>
      %swap3A_235 = arith.index_cast %add3A_145 : i32 to index
      %swap3A_236 = arith.constant 64 : index
      %swap3A_237 = tpu.vector_load %arg17[%swap3A_235, %swap3A_236] {strides = array<i32>} : memref<32x128xi32, #tpu.memory_space<vmem>>, vector<16xi32>,
      tpu.vector_store %arg17[%swap3A_235, %swap3A_236], %add3A_234 {strides = array<i32>} : memref<32x128xi32, #tpu.memory_space<vmem>>, vector<16xi32>,
      %mul3A_238 = arith.constant 128 : i32
      %mul3A_239 = arith.muli %add3A_145, %mul3A_238 : i32
      %add3A_240 = arith.constant 80 : i32
      %add3A_241 = arith.addi %mul3A_239, %add3A_240 : i32
      %get3A_242 = arith.index_cast %add3A_241 : i32 to index
      %get3A_243 = tpu.vector_load %arg13[%get3A_242] {strides = array<i32>} : memref<4096xi32, #tpu.memory_space<vmem>>, vector<16xi32>,
      %get3A_244 = arith.index_cast %add3A_241 : i32 to index
      %get3A_245 = tpu.vector_load %arg14[%get3A_244] {strides = array<i32>} : memref<4096xi32, #tpu.memory_space<vmem>>, vector<16xi32>,
      %gather3A_246 = tpu.vector_load_idx %arg10[%get3A_243] : memref<16384xi32, #tpu.memory_space<vmem>>[vector<16xi32>], vector<16xi32>,
      %swap3A_247 = arith.index_cast %add3A_145 : i32 to index
      %swap3A_248 = arith.constant 80 : index
      %swap3A_249 = tpu.vector_load %arg16[%swap3A_247, %swap3A_248] {strides = array<i32>} : memref<32x128xi32, #tpu.memory_space<vmem>>, vector<16xi32>,
      tpu.vector_store %arg16[%swap3A_247, %swap3A_248], %get3A_243 {strides = array<i32>} : memref<32x128xi32, #tpu.memory_space<vmem>>, vector<16xi32>,
      %mul3A_250 = arith.constant 128 : i32
      %mul3A_251 = vector.broadcast %mul3A_250 : i32 to vector<16xi32>
      %mul3A_252 = arith.muli %gather3A_246, %mul3A_251 : vector<16xi32>
      %add3A_253 = arith.addi %mul3A_252, %get3A_245 : vector<16xi32>
      %swap3A_254 = arith.index_cast %add3A_145 : i32 to index
      %swap3A_255 = arith.constant 80 : index
      %swap3A_256 = tpu.vector_load %arg17[%swap3A_254, %swap3A_255] {strides = array<i32>} : memref<32x128xi32, #tpu.memory_space<vmem>>, vector<16xi32>,
      tpu.vector_store %arg17[%swap3A_254, %swap3A_255], %add3A_253 {strides = array<i32>} : memref<32x128xi32, #tpu.memory_space<vmem>>, vector<16xi32>,
      %mul3A_257 = arith.constant 128 : i32
      %mul3A_258 = arith.muli %add3A_145, %mul3A_257 : i32
      %add3A_259 = arith.constant 96 : i32
      %add3A_260 = arith.addi %mul3A_258, %add3A_259 : i32
      %get3A_261 = arith.index_cast %add3A_260 : i32 to index
      %get3A_262 = tpu.vector_load %arg13[%get3A_261] {strides = array<i32>} : memref<4096xi32, #tpu.memory_space<vmem>>, vector<16xi32>,
      %get3A_263 = arith.index_cast %add3A_260 : i32 to index
      %get3A_264 = tpu.vector_load %arg14[%get3A_263] {strides = array<i32>} : memref<4096xi32, #tpu.memory_space<vmem>>, vector<16xi32>,
      %gather3A_265 = tpu.vector_load_idx %arg10[%get3A_262] : memref<16384xi32, #tpu.memory_space<vmem>>[vector<16xi32>], vector<16xi32>,
      %swap3A_266 = arith.index_cast %add3A_145 : i32 to index
      %swap3A_267 = arith.constant 96 : index
      %swap3A_268 = tpu.vector_load %arg16[%swap3A_266, %swap3A_267] {strides = array<i32>} : memref<32x128xi32, #tpu.memory_space<vmem>>, vector<16xi32>,
      tpu.vector_store %arg16[%swap3A_266, %swap3A_267], %get3A_262 {strides = array<i32>} : memref<32x128xi32, #tpu.memory_space<vmem>>, vector<16xi32>,
      %mul3A_269 = arith.constant 128 : i32
      %mul3A_270 = vector.broadcast %mul3A_269 : i32 to vector<16xi32>
      %mul3A_271 = arith.muli %gather3A_265, %mul3A_270 : vector<16xi32>
      %add3A_272 = arith.addi %mul3A_271, %get3A_264 : vector<16xi32>
      %swap3A_273 = arith.index_cast %add3A_145 : i32 to index
      %swap3A_274 = arith.constant 96 : index
      %swap3A_275 = tpu.vector_load %arg17[%swap3A_273, %swap3A_274] {strides = array<i32>} : memref<32x128xi32, #tpu.memory_space<vmem>>, vector<16xi32>,
      tpu.vector_store %arg17[%swap3A_273, %swap3A_274], %add3A_272 {strides = array<i32>} : memref<32x128xi32, #tpu.memory_space<vmem>>, vector<16xi32>,
      %mul3A_276 = arith.constant 128 : i32
      %mul3A_277 = arith.muli %add3A_145, %mul3A_276 : i32
      %add3A_278 = arith.constant 112 : i32
      %add3A_279 = arith.addi %mul3A_277, %add3A_278 : i32
      %get3A_280 = arith.index_cast %add3A_279 : i32 to index
      %get3A_281 = tpu.vector_load %arg13[%get3A_280] {strides = array<i32>} : memref<4096xi32, #tpu.memory_space<vmem>>, vector<16xi32>,
      %get3A_282 = arith.index_cast %add3A_279 : i32 to index
      %get3A_283 = tpu.vector_load %arg14[%get3A_282] {strides = array<i32>} : memref<4096xi32, #tpu.memory_space<vmem>>, vector<16xi32>,
      %gather3A_284 = tpu.vector_load_idx %arg10[%get3A_281] : memref<16384xi32, #tpu.memory_space<vmem>>[vector<16xi32>], vector<16xi32>,
      %swap3A_285 = arith.index_cast %add3A_145 : i32 to index
      %swap3A_286 = arith.constant 112 : index
      %swap3A_287 = tpu.vector_load %arg16[%swap3A_285, %swap3A_286] {strides = array<i32>} : memref<32x128xi32, #tpu.memory_space<vmem>>, vector<16xi32>,
      tpu.vector_store %arg16[%swap3A_285, %swap3A_286], %get3A_281 {strides = array<i32>} : memref<32x128xi32, #tpu.memory_space<vmem>>, vector<16xi32>,
      %mul3A_288 = arith.constant 128 : i32
      %mul3A_289 = vector.broadcast %mul3A_288 : i32 to vector<16xi32>
      %mul3A_290 = arith.muli %gather3A_284, %mul3A_289 : vector<16xi32>
      %add3A_291 = arith.addi %mul3A_290, %get3A_283 : vector<16xi32>
      %swap3A_292 = arith.index_cast %add3A_145 : i32 to index
      %swap3A_293 = arith.constant 112 : index
      %swap3A_294 = tpu.vector_load %arg17[%swap3A_292, %swap3A_293] {strides = array<i32>} : memref<32x128xi32, #tpu.memory_space<vmem>>, vector<16xi32>,
      tpu.vector_store %arg17[%swap3A_292, %swap3A_293], %add3A_291 {strides = array<i32>} : memref<32x128xi32, #tpu.memory_space<vmem>>, vector<16xi32>,
    }
    %scan3A_33 = arith.constant 8 : i32
    %dma_wait3A_34 = tpu.memref_slice %arg4[%mul3A_2] : memref<131072xi32, #tpu.memory_space<hbm>> -> memref<4096xi32, #tpu.memory_space<hbm>>
    %dma_wait3A_35 = tpu.memref_slice %arg4[%mul3A_2] : memref<131072xi32, #tpu.memory_space<hbm>> -> memref<4096xi32, #tpu.memory_space<hbm>>
    tpu.wait_dma2 semaphore(%arg25 : memref<!tpu.dma_semaphore, #tpu.memory_space<semaphore_mem>>) src(%dma_wait3A_35 : memref<4096xi32, #tpu.memory_space<hbm>>) dst(%arg15 : memref<4096xi32, #tpu.memory_space<vmem>>)
    tpu.wait_dma2 semaphore(%arg25 : memref<!tpu.dma_semaphore, #tpu.memory_space<semaphore_mem>>) src(%arg7 : memref<10240xf32, #tpu.memory_space<hbm>>) dst(%arg11 : memref<10240xf32, #tpu.memory_space<vmem>>)
    tpu.wait_dma2 semaphore(%arg25 : memref<!tpu.dma_semaphore, #tpu.memory_space<semaphore_mem>>) src(%arg8 : memref<128xf32, #tpu.memory_space<hbm>>) dst(%arg12 : memref<128xf32, #tpu.memory_space<vmem>>)
    %barrier3A = arith.constant 0 : index
    tpu.barrier barrier_id(%barrier3A)
    %scan3A_36 = arith.constant 0 : i32
    %scan3A_37 = arith.constant 8 : i32
    %scan3A_38 = arith.addi %scan3A_36, %scan3A_37 : i32
    %scan3A_39 = arith.constant 1 : i32
    scf.for %scan3A_141 = %scan3A_36 to %scan3A_38 step %scan3A_39  : i32 {
      %mul3A_142 = arith.constant 1 : i32
      %mul3A_143 = arith.muli %scan3A_141, %mul3A_142 : i32
      %add3A_144 = arith.constant 8 : i32
      %add3A_145 = arith.addi %add3A_144, %mul3A_143 : i32
      %dma_start3A_146 = arith.constant 0 : i32
      %dma_start3A_147 = tpu.memref_slice %arg18[%add3A_145, %dma_start3A_146] : memref<32x128xf32, #tpu.memory_space<vmem>> -> memref<1x128xf32, #tpu.memory_space<vmem>>
      %dma_start3A_148 = tpu.memref_squeeze %dma_start3A_147 : memref<1x128xf32, #tpu.memory_space<vmem>> -> memref<128xf32, #tpu.memory_space<vmem>>
      %dma_start3A_149 = arith.constant 0 : i32
      %dma_start3A_150 = tpu.memref_slice %arg17[%add3A_145, %dma_start3A_149] : memref<32x128xi32, #tpu.memory_space<vmem>> -> memref<1x128xi32, #tpu.memory_space<vmem>>
      %dma_start3A_151 = tpu.memref_squeeze %dma_start3A_150 : memref<1x128xi32, #tpu.memory_space<vmem>> -> memref<128xi32, #tpu.memory_space<vmem>>
      %dma_start3A_152 = arith.constant 0 : i32
      %dma_start3A_153 = tpu.memref_slice %arg6[%dma_start3A_152] : memref<492544xf32, #tpu.memory_space<hbm>> -> memref<492544xf32, #tpu.memory_space<hbm>>
      tpu.enqueue_indirect_dma source(%dma_start3A_153 : memref<492544xf32, #tpu.memory_space<hbm>>) target(%dma_start3A_148 : memref<128xf32, #tpu.memory_space<vmem>>) offsets(%dma_start3A_151 : memref<128xi32, #tpu.memory_space<vmem>>) semaphore(%arg27 : memref<!tpu.dma_semaphore, #tpu.memory_space<semaphore_mem>>)
    }
    %scan3A_40 = arith.constant 8 : i32
    %scan3A_41 = arith.constant 0 : i32
    %scan3A_42 = arith.constant 8 : i32
    %scan3A_43 = arith.addi %scan3A_41, %scan3A_42 : i32
    %scan3A_44 = arith.constant 1 : i32
    scf.for %scan3A_141 = %scan3A_41 to %scan3A_43 step %scan3A_44  : i32 {
      %mul3A_142 = arith.constant 1 : i32
      %mul3A_143 = arith.muli %scan3A_141, %mul3A_142 : i32
      %add3A_144 = arith.constant 0 : i32
      %add3A_145 = arith.addi %add3A_144, %mul3A_143 : i32
      %dma_wait3A_146 = arith.constant 0 : i32
      %dma_wait3A_147 = tpu.memref_slice %arg18[%add3A_145, %dma_wait3A_146] : memref<32x128xf32, #tpu.memory_space<vmem>> -> memref<1x128xf32, #tpu.memory_space<vmem>>
      %dma_wait3A_148 = tpu.memref_squeeze %dma_wait3A_147 : memref<1x128xf32, #tpu.memory_space<vmem>> -> memref<128xf32, #tpu.memory_space<vmem>>
      %dma_wait3A_149 = arith.constant 0 : i32
      %dma_wait3A_150 = tpu.memref_slice %arg17[%add3A_145, %dma_wait3A_149] : memref<32x128xi32, #tpu.memory_space<vmem>> -> memref<1x128xi32, #tpu.memory_space<vmem>>
      %dma_wait3A_151 = tpu.memref_squeeze %dma_wait3A_150 : memref<1x128xi32, #tpu.memory_space<vmem>> -> memref<128xi32, #tpu.memory_space<vmem>>
      %dma_wait3A_152 = arith.constant 0 : i32
      %dma_wait3A_153 = tpu.memref_slice %arg6[%dma_wait3A_152] : memref<492544xf32, #tpu.memory_space<hbm>> -> memref<492544xf32, #tpu.memory_space<hbm>>
      tpu.wait_indirect_dma semaphore(%arg26 : memref<!tpu.dma_semaphore, #tpu.memory_space<semaphore_mem>>) src(%dma_wait3A_153 : memref<492544xf32, #tpu.memory_space<hbm>>) dst(%dma_wait3A_148 : memref<128xf32, #tpu.memory_space<vmem>>)
    }
    %scan3A_45 = arith.constant 8 : i32
    %scan3A_46 = arith.constant 0 : i32
    %scan3A_47 = arith.constant 8 : i32
    %scan3A_48 = arith.addi %scan3A_46, %scan3A_47 : i32
    %scan3A_49 = arith.constant 1 : i32
    scf.for %scan3A_141 = %scan3A_46 to %scan3A_48 step %scan3A_49  : i32 {
      %mul3A_142 = arith.constant 1 : i32
      %mul3A_143 = arith.muli %scan3A_141, %mul3A_142 : i32
      %add3A_144 = arith.constant 0 : i32
      %add3A_145 = arith.addi %add3A_144, %mul3A_143 : i32
      %mul3A_146 = arith.constant 128 : i32
      %mul3A_147 = arith.muli %add3A_145, %mul3A_146 : i32
      %add3A_148 = arith.constant 0 : i32
      %add3A_149 = arith.addi %mul3A_147, %add3A_148 : i32
      %get3A = arith.index_cast %add3A_145 : i32 to index
      %get3A_150 = arith.constant 0 : index
      %get3A_151 = tpu.vector_load %arg18[%get3A, %get3A_150] {strides = array<i32>} : memref<32x128xf32, #tpu.memory_space<vmem>>, vector<16xf32>,
      %get3A_152 = arith.index_cast %add3A_149 : i32 to index
      %get3A_153 = tpu.vector_load %arg15[%get3A_152] {strides = array<i32>} : memref<4096xi32, #tpu.memory_space<vmem>>, vector<16xi32>,
      %get3A_154 = arith.index_cast %add3A_149 : i32 to index
      %get3A_155 = tpu.vector_load %arg14[%get3A_154] {strides = array<i32>} : memref<4096xi32, #tpu.memory_space<vmem>>, vector<16xi32>,
      %gather3A = tpu.vector_load_idx %arg11[%get3A_153] : memref<10240xf32, #tpu.memory_space<vmem>>[vector<16xi32>], vector<16xf32>,
      %gather3A_156 = tpu.vector_load_idx %arg12[%get3A_155] : memref<128xf32, #tpu.memory_space<vmem>>[vector<16xi32>], vector<16xf32>,
      %sub3A = arith.subf %gather3A, %gather3A_156 : vector<16xf32>
      %exp3A = math.exp %get3A_151 : vector<16xf32>
      %swap3A = arith.index_cast %add3A_145 : i32 to index
      %swap3A_157 = arith.constant 0 : index
      %swap3A_158 = tpu.vector_load %arg19[%swap3A, %swap3A_157] {strides = array<i32>} : memref<32x128xf32, #tpu.memory_space<vmem>>, vector<16xf32>,
      tpu.vector_store %arg19[%swap3A, %swap3A_157], %exp3A {strides = array<i32>} : memref<32x128xf32, #tpu.memory_space<vmem>>, vector<16xf32>,
      %mul3A_159 = arith.mulf %exp3A, %sub3A : vector<16xf32>
      %swap3A_160 = arith.index_cast %add3A_145 : i32 to index
      %swap3A_161 = arith.constant 0 : index
      %swap3A_162 = tpu.vector_load %arg20[%swap3A_160, %swap3A_161] {strides = array<i32>} : memref<32x128xf32, #tpu.memory_space<vmem>>, vector<16xf32>,
      tpu.vector_store %arg20[%swap3A_160, %swap3A_161], %mul3A_159 {strides = array<i32>} : memref<32x128xf32, #tpu.memory_space<vmem>>, vector<16xf32>,
      %mul3A_163 = arith.constant 128 : i32
      %mul3A_164 = arith.muli %add3A_145, %mul3A_163 : i32
      %add3A_165 = arith.constant 16 : i32
      %add3A_166 = arith.addi %mul3A_164, %add3A_165 : i32
      %get3A_167 = arith.index_cast %add3A_145 : i32 to index
      %get3A_168 = arith.constant 16 : index
      %get3A_169 = tpu.vector_load %arg18[%get3A_167, %get3A_168] {strides = array<i32>} : memref<32x128xf32, #tpu.memory_space<vmem>>, vector<16xf32>,
      %get3A_170 = arith.index_cast %add3A_166 : i32 to index
      %get3A_171 = tpu.vector_load %arg15[%get3A_170] {strides = array<i32>} : memref<4096xi32, #tpu.memory_space<vmem>>, vector<16xi32>,
      %get3A_172 = arith.index_cast %add3A_166 : i32 to index
      %get3A_173 = tpu.vector_load %arg14[%get3A_172] {strides = array<i32>} : memref<4096xi32, #tpu.memory_space<vmem>>, vector<16xi32>,
      %gather3A_174 = tpu.vector_load_idx %arg11[%get3A_171] : memref<10240xf32, #tpu.memory_space<vmem>>[vector<16xi32>], vector<16xf32>,
      %gather3A_175 = tpu.vector_load_idx %arg12[%get3A_173] : memref<128xf32, #tpu.memory_space<vmem>>[vector<16xi32>], vector<16xf32>,
      %sub3A_176 = arith.subf %gather3A_174, %gather3A_175 : vector<16xf32>
      %exp3A_177 = math.exp %get3A_169 : vector<16xf32>
      %swap3A_178 = arith.index_cast %add3A_145 : i32 to index
      %swap3A_179 = arith.constant 16 : index
      %swap3A_180 = tpu.vector_load %arg19[%swap3A_178, %swap3A_179] {strides = array<i32>} : memref<32x128xf32, #tpu.memory_space<vmem>>, vector<16xf32>,
      tpu.vector_store %arg19[%swap3A_178, %swap3A_179], %exp3A_177 {strides = array<i32>} : memref<32x128xf32, #tpu.memory_space<vmem>>, vector<16xf32>,
      %mul3A_181 = arith.mulf %exp3A_177, %sub3A_176 : vector<16xf32>
      %swap3A_182 = arith.index_cast %add3A_145 : i32 to index
      %swap3A_183 = arith.constant 16 : index
      %swap3A_184 = tpu.vector_load %arg20[%swap3A_182, %swap3A_183] {strides = array<i32>} : memref<32x128xf32, #tpu.memory_space<vmem>>, vector<16xf32>,
      tpu.vector_store %arg20[%swap3A_182, %swap3A_183], %mul3A_181 {strides = array<i32>} : memref<32x128xf32, #tpu.memory_space<vmem>>, vector<16xf32>,
      %mul3A_185 = arith.constant 128 : i32
      %mul3A_186 = arith.muli %add3A_145, %mul3A_185 : i32
      %add3A_187 = arith.constant 32 : i32
      %add3A_188 = arith.addi %mul3A_186, %add3A_187 : i32
      %get3A_189 = arith.index_cast %add3A_145 : i32 to index
      %get3A_190 = arith.constant 32 : index
      %get3A_191 = tpu.vector_load %arg18[%get3A_189, %get3A_190] {strides = array<i32>} : memref<32x128xf32, #tpu.memory_space<vmem>>, vector<16xf32>,
      %get3A_192 = arith.index_cast %add3A_188 : i32 to index
      %get3A_193 = tpu.vector_load %arg15[%get3A_192] {strides = array<i32>} : memref<4096xi32, #tpu.memory_space<vmem>>, vector<16xi32>,
      %get3A_194 = arith.index_cast %add3A_188 : i32 to index
      %get3A_195 = tpu.vector_load %arg14[%get3A_194] {strides = array<i32>} : memref<4096xi32, #tpu.memory_space<vmem>>, vector<16xi32>,
      %gather3A_196 = tpu.vector_load_idx %arg11[%get3A_193] : memref<10240xf32, #tpu.memory_space<vmem>>[vector<16xi32>], vector<16xf32>,
      %gather3A_197 = tpu.vector_load_idx %arg12[%get3A_195] : memref<128xf32, #tpu.memory_space<vmem>>[vector<16xi32>], vector<16xf32>,
      %sub3A_198 = arith.subf %gather3A_196, %gather3A_197 : vector<16xf32>
      %exp3A_199 = math.exp %get3A_191 : vector<16xf32>
      %swap3A_200 = arith.index_cast %add3A_145 : i32 to index
      %swap3A_201 = arith.constant 32 : index
      %swap3A_202 = tpu.vector_load %arg19[%swap3A_200, %swap3A_201] {strides = array<i32>} : memref<32x128xf32, #tpu.memory_space<vmem>>, vector<16xf32>,
      tpu.vector_store %arg19[%swap3A_200, %swap3A_201], %exp3A_199 {strides = array<i32>} : memref<32x128xf32, #tpu.memory_space<vmem>>, vector<16xf32>,
      %mul3A_203 = arith.mulf %exp3A_199, %sub3A_198 : vector<16xf32>
      %swap3A_204 = arith.index_cast %add3A_145 : i32 to index
      %swap3A_205 = arith.constant 32 : index
      %swap3A_206 = tpu.vector_load %arg20[%swap3A_204, %swap3A_205] {strides = array<i32>} : memref<32x128xf32, #tpu.memory_space<vmem>>, vector<16xf32>,
      tpu.vector_store %arg20[%swap3A_204, %swap3A_205], %mul3A_203 {strides = array<i32>} : memref<32x128xf32, #tpu.memory_space<vmem>>, vector<16xf32>,
      %mul3A_207 = arith.constant 128 : i32
      %mul3A_208 = arith.muli %add3A_145, %mul3A_207 : i32
      %add3A_209 = arith.constant 48 : i32
      %add3A_210 = arith.addi %mul3A_208, %add3A_209 : i32
      %get3A_211 = arith.index_cast %add3A_145 : i32 to index
      %get3A_212 = arith.constant 48 : index
      %get3A_213 = tpu.vector_load %arg18[%get3A_211, %get3A_212] {strides = array<i32>} : memref<32x128xf32, #tpu.memory_space<vmem>>, vector<16xf32>,
      %get3A_214 = arith.index_cast %add3A_210 : i32 to index
      %get3A_215 = tpu.vector_load %arg15[%get3A_214] {strides = array<i32>} : memref<4096xi32, #tpu.memory_space<vmem>>, vector<16xi32>,
      %get3A_216 = arith.index_cast %add3A_210 : i32 to index
      %get3A_217 = tpu.vector_load %arg14[%get3A_216] {strides = array<i32>} : memref<4096xi32, #tpu.memory_space<vmem>>, vector<16xi32>,
      %gather3A_218 = tpu.vector_load_idx %arg11[%get3A_215] : memref<10240xf32, #tpu.memory_space<vmem>>[vector<16xi32>], vector<16xf32>,
      %gather3A_219 = tpu.vector_load_idx %arg12[%get3A_217] : memref<128xf32, #tpu.memory_space<vmem>>[vector<16xi32>], vector<16xf32>,
      %sub3A_220 = arith.subf %gather3A_218, %gather3A_219 : vector<16xf32>
      %exp3A_221 = math.exp %get3A_213 : vector<16xf32>
      %swap3A_222 = arith.index_cast %add3A_145 : i32 to index
      %swap3A_223 = arith.constant 48 : index
      %swap3A_224 = tpu.vector_load %arg19[%swap3A_222, %swap3A_223] {strides = array<i32>} : memref<32x128xf32, #tpu.memory_space<vmem>>, vector<16xf32>,
      tpu.vector_store %arg19[%swap3A_222, %swap3A_223], %exp3A_221 {strides = array<i32>} : memref<32x128xf32, #tpu.memory_space<vmem>>, vector<16xf32>,
      %mul3A_225 = arith.mulf %exp3A_221, %sub3A_220 : vector<16xf32>
      %swap3A_226 = arith.index_cast %add3A_145 : i32 to index
      %swap3A_227 = arith.constant 48 : index
      %swap3A_228 = tpu.vector_load %arg20[%swap3A_226, %swap3A_227] {strides = array<i32>} : memref<32x128xf32, #tpu.memory_space<vmem>>, vector<16xf32>,
      tpu.vector_store %arg20[%swap3A_226, %swap3A_227], %mul3A_225 {strides = array<i32>} : memref<32x128xf32, #tpu.memory_space<vmem>>, vector<16xf32>,
      %mul3A_229 = arith.constant 128 : i32
      %mul3A_230 = arith.muli %add3A_145, %mul3A_229 : i32
      %add3A_231 = arith.constant 64 : i32
      %add3A_232 = arith.addi %mul3A_230, %add3A_231 : i32
      %get3A_233 = arith.index_cast %add3A_145 : i32 to index
      %get3A_234 = arith.constant 64 : index
      %get3A_235 = tpu.vector_load %arg18[%get3A_233, %get3A_234] {strides = array<i32>} : memref<32x128xf32, #tpu.memory_space<vmem>>, vector<16xf32>,
      %get3A_236 = arith.index_cast %add3A_232 : i32 to index
      %get3A_237 = tpu.vector_load %arg15[%get3A_236] {strides = array<i32>} : memref<4096xi32, #tpu.memory_space<vmem>>, vector<16xi32>,
      %get3A_238 = arith.index_cast %add3A_232 : i32 to index
      %get3A_239 = tpu.vector_load %arg14[%get3A_238] {strides = array<i32>} : memref<4096xi32, #tpu.memory_space<vmem>>, vector<16xi32>,
      %gather3A_240 = tpu.vector_load_idx %arg11[%get3A_237] : memref<10240xf32, #tpu.memory_space<vmem>>[vector<16xi32>], vector<16xf32>,
      %gather3A_241 = tpu.vector_load_idx %arg12[%get3A_239] : memref<128xf32, #tpu.memory_space<vmem>>[vector<16xi32>], vector<16xf32>,
      %sub3A_242 = arith.subf %gather3A_240, %gather3A_241 : vector<16xf32>
      %exp3A_243 = math.exp %get3A_235 : vector<16xf32>
      %swap3A_244 = arith.index_cast %add3A_145 : i32 to index
      %swap3A_245 = arith.constant 64 : index
      %swap3A_246 = tpu.vector_load %arg19[%swap3A_244, %swap3A_245] {strides = array<i32>} : memref<32x128xf32, #tpu.memory_space<vmem>>, vector<16xf32>,
      tpu.vector_store %arg19[%swap3A_244, %swap3A_245], %exp3A_243 {strides = array<i32>} : memref<32x128xf32, #tpu.memory_space<vmem>>, vector<16xf32>,
      %mul3A_247 = arith.mulf %exp3A_243, %sub3A_242 : vector<16xf32>
      %swap3A_248 = arith.index_cast %add3A_145 : i32 to index
      %swap3A_249 = arith.constant 64 : index
      %swap3A_250 = tpu.vector_load %arg20[%swap3A_248, %swap3A_249] {strides = array<i32>} : memref<32x128xf32, #tpu.memory_space<vmem>>, vector<16xf32>,
      tpu.vector_store %arg20[%swap3A_248, %swap3A_249], %mul3A_247 {strides = array<i32>} : memref<32x128xf32, #tpu.memory_space<vmem>>, vector<16xf32>,
      %mul3A_251 = arith.constant 128 : i32
      %mul3A_252 = arith.muli %add3A_145, %mul3A_251 : i32
      %add3A_253 = arith.constant 80 : i32
      %add3A_254 = arith.addi %mul3A_252, %add3A_253 : i32
      %get3A_255 = arith.index_cast %add3A_145 : i32 to index
      %get3A_256 = arith.constant 80 : index
      %get3A_257 = tpu.vector_load %arg18[%get3A_255, %get3A_256] {strides = array<i32>} : memref<32x128xf32, #tpu.memory_space<vmem>>, vector<16xf32>,
      %get3A_258 = arith.index_cast %add3A_254 : i32 to index
      %get3A_259 = tpu.vector_load %arg15[%get3A_258] {strides = array<i32>} : memref<4096xi32, #tpu.memory_space<vmem>>, vector<16xi32>,
      %get3A_260 = arith.index_cast %add3A_254 : i32 to index
      %get3A_261 = tpu.vector_load %arg14[%get3A_260] {strides = array<i32>} : memref<4096xi32, #tpu.memory_space<vmem>>, vector<16xi32>,
      %gather3A_262 = tpu.vector_load_idx %arg11[%get3A_259] : memref<10240xf32, #tpu.memory_space<vmem>>[vector<16xi32>], vector<16xf32>,
      %gather3A_263 = tpu.vector_load_idx %arg12[%get3A_261] : memref<128xf32, #tpu.memory_space<vmem>>[vector<16xi32>], vector<16xf32>,
      %sub3A_264 = arith.subf %gather3A_262, %gather3A_263 : vector<16xf32>
      %exp3A_265 = math.exp %get3A_257 : vector<16xf32>
      %swap3A_266 = arith.index_cast %add3A_145 : i32 to index
      %swap3A_267 = arith.constant 80 : index
      %swap3A_268 = tpu.vector_load %arg19[%swap3A_266, %swap3A_267] {strides = array<i32>} : memref<32x128xf32, #tpu.memory_space<vmem>>, vector<16xf32>,
      tpu.vector_store %arg19[%swap3A_266, %swap3A_267], %exp3A_265 {strides = array<i32>} : memref<32x128xf32, #tpu.memory_space<vmem>>, vector<16xf32>,
      %mul3A_269 = arith.mulf %exp3A_265, %sub3A_264 : vector<16xf32>
      %swap3A_270 = arith.index_cast %add3A_145 : i32 to index
      %swap3A_271 = arith.constant 80 : index
      %swap3A_272 = tpu.vector_load %arg20[%swap3A_270, %swap3A_271] {strides = array<i32>} : memref<32x128xf32, #tpu.memory_space<vmem>>, vector<16xf32>,
      tpu.vector_store %arg20[%swap3A_270, %swap3A_271], %mul3A_269 {strides = array<i32>} : memref<32x128xf32, #tpu.memory_space<vmem>>, vector<16xf32>,
      %mul3A_273 = arith.constant 128 : i32
      %mul3A_274 = arith.muli %add3A_145, %mul3A_273 : i32
      %add3A_275 = arith.constant 96 : i32
      %add3A_276 = arith.addi %mul3A_274, %add3A_275 : i32
      %get3A_277 = arith.index_cast %add3A_145 : i32 to index
      %get3A_278 = arith.constant 96 : index
      %get3A_279 = tpu.vector_load %arg18[%get3A_277, %get3A_278] {strides = array<i32>} : memref<32x128xf32, #tpu.memory_space<vmem>>, vector<16xf32>,
      %get3A_280 = arith.index_cast %add3A_276 : i32 to index
      %get3A_281 = tpu.vector_load %arg15[%get3A_280] {strides = array<i32>} : memref<4096xi32, #tpu.memory_space<vmem>>, vector<16xi32>,
      %get3A_282 = arith.index_cast %add3A_276 : i32 to index
      %get3A_283 = tpu.vector_load %arg14[%get3A_282] {strides = array<i32>} : memref<4096xi32, #tpu.memory_space<vmem>>, vector<16xi32>,
      %gather3A_284 = tpu.vector_load_idx %arg11[%get3A_281] : memref<10240xf32, #tpu.memory_space<vmem>>[vector<16xi32>], vector<16xf32>,
      %gather3A_285 = tpu.vector_load_idx %arg12[%get3A_283] : memref<128xf32, #tpu.memory_space<vmem>>[vector<16xi32>], vector<16xf32>,
      %sub3A_286 = arith.subf %gather3A_284, %gather3A_285 : vector<16xf32>
      %exp3A_287 = math.exp %get3A_279 : vector<16xf32>
      %swap3A_288 = arith.index_cast %add3A_145 : i32 to index
      %swap3A_289 = arith.constant 96 : index
      %swap3A_290 = tpu.vector_load %arg19[%swap3A_288, %swap3A_289] {strides = array<i32>} : memref<32x128xf32, #tpu.memory_space<vmem>>, vector<16xf32>,
      tpu.vector_store %arg19[%swap3A_288, %swap3A_289], %exp3A_287 {strides = array<i32>} : memref<32x128xf32, #tpu.memory_space<vmem>>, vector<16xf32>,
      %mul3A_291 = arith.mulf %exp3A_287, %sub3A_286 : vector<16xf32>
      %swap3A_292 = arith.index_cast %add3A_145 : i32 to index
      %swap3A_293 = arith.constant 96 : index
      %swap3A_294 = tpu.vector_load %arg20[%swap3A_292, %swap3A_293] {strides = array<i32>} : memref<32x128xf32, #tpu.memory_space<vmem>>, vector<16xf32>,
      tpu.vector_store %arg20[%swap3A_292, %swap3A_293], %mul3A_291 {strides = array<i32>} : memref<32x128xf32, #tpu.memory_space<vmem>>, vector<16xf32>,
      %mul3A_295 = arith.constant 128 : i32
      %mul3A_296 = arith.muli %add3A_145, %mul3A_295 : i32
      %add3A_297 = arith.constant 112 : i32
      %add3A_298 = arith.addi %mul3A_296, %add3A_297 : i32
      %get3A_299 = arith.index_cast %add3A_145 : i32 to index
      %get3A_300 = arith.constant 112 : index
      %get3A_301 = tpu.vector_load %arg18[%get3A_299, %get3A_300] {strides = array<i32>} : memref<32x128xf32, #tpu.memory_space<vmem>>, vector<16xf32>,
      %get3A_302 = arith.index_cast %add3A_298 : i32 to index
      %get3A_303 = tpu.vector_load %arg15[%get3A_302] {strides = array<i32>} : memref<4096xi32, #tpu.memory_space<vmem>>, vector<16xi32>,
      %get3A_304 = arith.index_cast %add3A_298 : i32 to index
      %get3A_305 = tpu.vector_load %arg14[%get3A_304] {strides = array<i32>} : memref<4096xi32, #tpu.memory_space<vmem>>, vector<16xi32>,
      %gather3A_306 = tpu.vector_load_idx %arg11[%get3A_303] : memref<10240xf32, #tpu.memory_space<vmem>>[vector<16xi32>], vector<16xf32>,
      %gather3A_307 = tpu.vector_load_idx %arg12[%get3A_305] : memref<128xf32, #tpu.memory_space<vmem>>[vector<16xi32>], vector<16xf32>,
      %sub3A_308 = arith.subf %gather3A_306, %gather3A_307 : vector<16xf32>
      %exp3A_309 = math.exp %get3A_301 : vector<16xf32>
      %swap3A_310 = arith.index_cast %add3A_145 : i32 to index
      %swap3A_311 = arith.constant 112 : index
      %swap3A_312 = tpu.vector_load %arg19[%swap3A_310, %swap3A_311] {strides = array<i32>} : memref<32x128xf32, #tpu.memory_space<vmem>>, vector<16xf32>,
      tpu.vector_store %arg19[%swap3A_310, %swap3A_311], %exp3A_309 {strides = array<i32>} : memref<32x128xf32, #tpu.memory_space<vmem>>, vector<16xf32>,
      %mul3A_313 = arith.mulf %exp3A_309, %sub3A_308 : vector<16xf32>
      %swap3A_314 = arith.index_cast %add3A_145 : i32 to index
      %swap3A_315 = arith.constant 112 : index
      %swap3A_316 = tpu.vector_load %arg20[%swap3A_314, %swap3A_315] {strides = array<i32>} : memref<32x128xf32, #tpu.memory_space<vmem>>, vector<16xf32>,
      tpu.vector_store %arg20[%swap3A_314, %swap3A_315], %mul3A_313 {strides = array<i32>} : memref<32x128xf32, #tpu.memory_space<vmem>>, vector<16xf32>,
    }
    %scan3A_50 = arith.constant 8 : i32
    %scan3A_51 = arith.constant 0 : i32
    %scan3A_52 = arith.constant 8 : i32
    %scan3A_53 = arith.addi %scan3A_51, %scan3A_52 : i32
    %scan3A_54 = arith.constant 1 : i32
    scf.for %scan3A_141 = %scan3A_51 to %scan3A_53 step %scan3A_54  : i32 {
      %mul3A_142 = arith.constant 1 : i32
      %mul3A_143 = arith.muli %scan3A_141, %mul3A_142 : i32
      %add3A_144 = arith.constant 0 : i32
      %add3A_145 = arith.addi %add3A_144, %mul3A_143 : i32
      %dma_start3A_146 = arith.constant 0 : i32
      %dma_start3A_147 = tpu.memref_slice %arg19[%add3A_145, %dma_start3A_146] : memref<32x128xf32, #tpu.memory_space<vmem>> -> memref<1x128xf32, #tpu.memory_space<vmem>>
      %dma_start3A_148 = tpu.memref_squeeze %dma_start3A_147 : memref<1x128xf32, #tpu.memory_space<vmem>> -> memref<128xf32, #tpu.memory_space<vmem>>
      %dma_start3A_149 = arith.constant 0 : i32
      %dma_start3A_150 = tpu.memref_slice %arg16[%add3A_145, %dma_start3A_149] : memref<32x128xi32, #tpu.memory_space<vmem>> -> memref<1x128xi32, #tpu.memory_space<vmem>>
      %dma_start3A_151 = tpu.memref_squeeze %dma_start3A_150 : memref<1x128xi32, #tpu.memory_space<vmem>> -> memref<128xi32, #tpu.memory_space<vmem>>
      %dma_start3A_152 = arith.constant 0 : i32
      %dma_start3A_153 = tpu.memref_slice %arg22[%dma_start3A_152] : memref<16384xf32, #tpu.memory_space<vmem_shared>> -> memref<16384xf32, #tpu.memory_space<vmem_shared>>
      tpu.enqueue_indirect_dma source(%dma_start3A_148 : memref<128xf32, #tpu.memory_space<vmem>>) target(%dma_start3A_153 : memref<16384xf32, #tpu.memory_space<vmem_shared>>) offsets(%dma_start3A_151 : memref<128xi32, #tpu.memory_space<vmem>>) semaphore(%arg28 : memref<!tpu.dma_semaphore, #tpu.memory_space<semaphore_mem>>) {add = true}
      %dma_start3A_154 = arith.constant 0 : i32
      %dma_start3A_155 = tpu.memref_slice %arg20[%add3A_145, %dma_start3A_154] : memref<32x128xf32, #tpu.memory_space<vmem>> -> memref<1x128xf32, #tpu.memory_space<vmem>>
      %dma_start3A_156 = tpu.memref_squeeze %dma_start3A_155 : memref<1x128xf32, #tpu.memory_space<vmem>> -> memref<128xf32, #tpu.memory_space<vmem>>
      %dma_start3A_157 = arith.constant 0 : i32
      %dma_start3A_158 = tpu.memref_slice %arg16[%add3A_145, %dma_start3A_157] : memref<32x128xi32, #tpu.memory_space<vmem>> -> memref<1x128xi32, #tpu.memory_space<vmem>>
      %dma_start3A_159 = tpu.memref_squeeze %dma_start3A_158 : memref<1x128xi32, #tpu.memory_space<vmem>> -> memref<128xi32, #tpu.memory_space<vmem>>
      %dma_start3A_160 = arith.constant 0 : i32
      %dma_start3A_161 = tpu.memref_slice %arg23[%dma_start3A_160] : memref<16384xf32, #tpu.memory_space<vmem_shared>> -> memref<16384xf32, #tpu.memory_space<vmem_shared>>
      tpu.enqueue_indirect_dma source(%dma_start3A_156 : memref<128xf32, #tpu.memory_space<vmem>>) target(%dma_start3A_161 : memref<16384xf32, #tpu.memory_space<vmem_shared>>) offsets(%dma_start3A_159 : memref<128xi32, #tpu.memory_space<vmem>>) semaphore(%arg28 : memref<!tpu.dma_semaphore, #tpu.memory_space<semaphore_mem>>) {add = true}
    }
    %scan3A_55 = arith.constant 8 : i32
    %scan3A_56 = arith.constant 0 : i32
    %scan3A_57 = arith.constant 8 : i32
    %scan3A_58 = arith.addi %scan3A_56, %scan3A_57 : i32
    %scan3A_59 = arith.constant 1 : i32
    scf.for %scan3A_141 = %scan3A_56 to %scan3A_58 step %scan3A_59  : i32 {
      %mul3A_142 = arith.constant 1 : i32
      %mul3A_143 = arith.muli %scan3A_141, %mul3A_142 : i32
      %add3A_144 = arith.constant 16 : i32
      %add3A_145 = arith.addi %add3A_144, %mul3A_143 : i32
      %mul3A_146 = arith.constant 128 : i32
      %mul3A_147 = arith.muli %add3A_145, %mul3A_146 : i32
      %add3A_148 = arith.constant 0 : i32
      %add3A_149 = arith.addi %mul3A_147, %add3A_148 : i32
      %get3A = arith.index_cast %add3A_149 : i32 to index
      %get3A_150 = tpu.vector_load %arg13[%get3A] {strides = array<i32>} : memref<4096xi32, #tpu.memory_space<vmem>>, vector<16xi32>,
      %get3A_151 = arith.index_cast %add3A_149 : i32 to index
      %get3A_152 = tpu.vector_load %arg14[%get3A_151] {strides = array<i32>} : memref<4096xi32, #tpu.memory_space<vmem>>, vector<16xi32>,
      %gather3A = tpu.vector_load_idx %arg10[%get3A_150] : memref<16384xi32, #tpu.memory_space<vmem>>[vector<16xi32>], vector<16xi32>,
      %swap3A = arith.index_cast %add3A_145 : i32 to index
      %swap3A_153 = arith.constant 0 : index
      %swap3A_154 = tpu.vector_load %arg16[%swap3A, %swap3A_153] {strides = array<i32>} : memref<32x128xi32, #tpu.memory_space<vmem>>, vector<16xi32>,
      tpu.vector_store %arg16[%swap3A, %swap3A_153], %get3A_150 {strides = array<i32>} : memref<32x128xi32, #tpu.memory_space<vmem>>, vector<16xi32>,
      %mul3A_155 = arith.constant 128 : i32
      %mul3A_156 = vector.broadcast %mul3A_155 : i32 to vector<16xi32>
      %mul3A_157 = arith.muli %gather3A, %mul3A_156 : vector<16xi32>
      %add3A_158 = arith.addi %mul3A_157, %get3A_152 : vector<16xi32>
      %swap3A_159 = arith.index_cast %add3A_145 : i32 to index
      %swap3A_160 = arith.constant 0 : index
      %swap3A_161 = tpu.vector_load %arg17[%swap3A_159, %swap3A_160] {strides = array<i32>} : memref<32x128xi32, #tpu.memory_space<vmem>>, vector<16xi32>,
      tpu.vector_store %arg17[%swap3A_159, %swap3A_160], %add3A_158 {strides = array<i32>} : memref<32x128xi32, #tpu.memory_space<vmem>>, vector<16xi32>,
      %mul3A_162 = arith.constant 128 : i32
      %mul3A_163 = arith.muli %add3A_145, %mul3A_162 : i32
      %add3A_164 = arith.constant 16 : i32
      %add3A_165 = arith.addi %mul3A_163, %add3A_164 : i32
      %get3A_166 = arith.index_cast %add3A_165 : i32 to index
      %get3A_167 = tpu.vector_load %arg13[%get3A_166] {strides = array<i32>} : memref<4096xi32, #tpu.memory_space<vmem>>, vector<16xi32>,
      %get3A_168 = arith.index_cast %add3A_165 : i32 to index
      %get3A_169 = tpu.vector_load %arg14[%get3A_168] {strides = array<i32>} : memref<4096xi32, #tpu.memory_space<vmem>>, vector<16xi32>,
      %gather3A_170 = tpu.vector_load_idx %arg10[%get3A_167] : memref<16384xi32, #tpu.memory_space<vmem>>[vector<16xi32>], vector<16xi32>,
      %swap3A_171 = arith.index_cast %add3A_145 : i32 to index
      %swap3A_172 = arith.constant 16 : index
      %swap3A_173 = tpu.vector_load %arg16[%swap3A_171, %swap3A_172] {strides = array<i32>} : memref<32x128xi32, #tpu.memory_space<vmem>>, vector<16xi32>,
      tpu.vector_store %arg16[%swap3A_171, %swap3A_172], %get3A_167 {strides = array<i32>} : memref<32x128xi32, #tpu.memory_space<vmem>>, vector<16xi32>,
      %mul3A_174 = arith.constant 128 : i32
      %mul3A_175 = vector.broadcast %mul3A_174 : i32 to vector<16xi32>
      %mul3A_176 = arith.muli %gather3A_170, %mul3A_175 : vector<16xi32>
      %add3A_177 = arith.addi %mul3A_176, %get3A_169 : vector<16xi32>
      %swap3A_178 = arith.index_cast %add3A_145 : i32 to index
      %swap3A_179 = arith.constant 16 : index
      %swap3A_180 = tpu.vector_load %arg17[%swap3A_178, %swap3A_179] {strides = array<i32>} : memref<32x128xi32, #tpu.memory_space<vmem>>, vector<16xi32>,
      tpu.vector_store %arg17[%swap3A_178, %swap3A_179], %add3A_177 {strides = array<i32>} : memref<32x128xi32, #tpu.memory_space<vmem>>, vector<16xi32>,
      %mul3A_181 = arith.constant 128 : i32
      %mul3A_182 = arith.muli %add3A_145, %mul3A_181 : i32
      %add3A_183 = arith.constant 32 : i32
      %add3A_184 = arith.addi %mul3A_182, %add3A_183 : i32
      %get3A_185 = arith.index_cast %add3A_184 : i32 to index
      %get3A_186 = tpu.vector_load %arg13[%get3A_185] {strides = array<i32>} : memref<4096xi32, #tpu.memory_space<vmem>>, vector<16xi32>,
      %get3A_187 = arith.index_cast %add3A_184 : i32 to index
      %get3A_188 = tpu.vector_load %arg14[%get3A_187] {strides = array<i32>} : memref<4096xi32, #tpu.memory_space<vmem>>, vector<16xi32>,
      %gather3A_189 = tpu.vector_load_idx %arg10[%get3A_186] : memref<16384xi32, #tpu.memory_space<vmem>>[vector<16xi32>], vector<16xi32>,
      %swap3A_190 = arith.index_cast %add3A_145 : i32 to index
      %swap3A_191 = arith.constant 32 : index
      %swap3A_192 = tpu.vector_load %arg16[%swap3A_190, %swap3A_191] {strides = array<i32>} : memref<32x128xi32, #tpu.memory_space<vmem>>, vector<16xi32>,
      tpu.vector_store %arg16[%swap3A_190, %swap3A_191], %get3A_186 {strides = array<i32>} : memref<32x128xi32, #tpu.memory_space<vmem>>, vector<16xi32>,
      %mul3A_193 = arith.constant 128 : i32
      %mul3A_194 = vector.broadcast %mul3A_193 : i32 to vector<16xi32>
      %mul3A_195 = arith.muli %gather3A_189, %mul3A_194 : vector<16xi32>
      %add3A_196 = arith.addi %mul3A_195, %get3A_188 : vector<16xi32>
      %swap3A_197 = arith.index_cast %add3A_145 : i32 to index
      %swap3A_198 = arith.constant 32 : index
      %swap3A_199 = tpu.vector_load %arg17[%swap3A_197, %swap3A_198] {strides = array<i32>} : memref<32x128xi32, #tpu.memory_space<vmem>>, vector<16xi32>,
      tpu.vector_store %arg17[%swap3A_197, %swap3A_198], %add3A_196 {strides = array<i32>} : memref<32x128xi32, #tpu.memory_space<vmem>>, vector<16xi32>,
      %mul3A_200 = arith.constant 128 : i32
      %mul3A_201 = arith.muli %add3A_145, %mul3A_200 : i32
      %add3A_202 = arith.constant 48 : i32
      %add3A_203 = arith.addi %mul3A_201, %add3A_202 : i32
      %get3A_204 = arith.index_cast %add3A_203 : i32 to index
      %get3A_205 = tpu.vector_load %arg13[%get3A_204] {strides = array<i32>} : memref<4096xi32, #tpu.memory_space<vmem>>, vector<16xi32>,
      %get3A_206 = arith.index_cast %add3A_203 : i32 to index
      %get3A_207 = tpu.vector_load %arg14[%get3A_206] {strides = array<i32>} : memref<4096xi32, #tpu.memory_space<vmem>>, vector<16xi32>,
      %gather3A_208 = tpu.vector_load_idx %arg10[%get3A_205] : memref<16384xi32, #tpu.memory_space<vmem>>[vector<16xi32>], vector<16xi32>,
      %swap3A_209 = arith.index_cast %add3A_145 : i32 to index
      %swap3A_210 = arith.constant 48 : index
      %swap3A_211 = tpu.vector_load %arg16[%swap3A_209, %swap3A_210] {strides = array<i32>} : memref<32x128xi32, #tpu.memory_space<vmem>>, vector<16xi32>,
      tpu.vector_store %arg16[%swap3A_209, %swap3A_210], %get3A_205 {strides = array<i32>} : memref<32x128xi32, #tpu.memory_space<vmem>>, vector<16xi32>,
      %mul3A_212 = arith.constant 128 : i32
      %mul3A_213 = vector.broadcast %mul3A_212 : i32 to vector<16xi32>
      %mul3A_214 = arith.muli %gather3A_208, %mul3A_213 : vector<16xi32>
      %add3A_215 = arith.addi %mul3A_214, %get3A_207 : vector<16xi32>
      %swap3A_216 = arith.index_cast %add3A_145 : i32 to index
      %swap3A_217 = arith.constant 48 : index
      %swap3A_218 = tpu.vector_load %arg17[%swap3A_216, %swap3A_217] {strides = array<i32>} : memref<32x128xi32, #tpu.memory_space<vmem>>, vector<16xi32>,
      tpu.vector_store %arg17[%swap3A_216, %swap3A_217], %add3A_215 {strides = array<i32>} : memref<32x128xi32, #tpu.memory_space<vmem>>, vector<16xi32>,
      %mul3A_219 = arith.constant 128 : i32
      %mul3A_220 = arith.muli %add3A_145, %mul3A_219 : i32
      %add3A_221 = arith.constant 64 : i32
      %add3A_222 = arith.addi %mul3A_220, %add3A_221 : i32
      %get3A_223 = arith.index_cast %add3A_222 : i32 to index
      %get3A_224 = tpu.vector_load %arg13[%get3A_223] {strides = array<i32>} : memref<4096xi32, #tpu.memory_space<vmem>>, vector<16xi32>,
      %get3A_225 = arith.index_cast %add3A_222 : i32 to index
      %get3A_226 = tpu.vector_load %arg14[%get3A_225] {strides = array<i32>} : memref<4096xi32, #tpu.memory_space<vmem>>, vector<16xi32>,
      %gather3A_227 = tpu.vector_load_idx %arg10[%get3A_224] : memref<16384xi32, #tpu.memory_space<vmem>>[vector<16xi32>], vector<16xi32>,
      %swap3A_228 = arith.index_cast %add3A_145 : i32 to index
      %swap3A_229 = arith.constant 64 : index
      %swap3A_230 = tpu.vector_load %arg16[%swap3A_228, %swap3A_229] {strides = array<i32>} : memref<32x128xi32, #tpu.memory_space<vmem>>, vector<16xi32>,
      tpu.vector_store %arg16[%swap3A_228, %swap3A_229], %get3A_224 {strides = array<i32>} : memref<32x128xi32, #tpu.memory_space<vmem>>, vector<16xi32>,
      %mul3A_231 = arith.constant 128 : i32
      %mul3A_232 = vector.broadcast %mul3A_231 : i32 to vector<16xi32>
      %mul3A_233 = arith.muli %gather3A_227, %mul3A_232 : vector<16xi32>
      %add3A_234 = arith.addi %mul3A_233, %get3A_226 : vector<16xi32>
      %swap3A_235 = arith.index_cast %add3A_145 : i32 to index
      %swap3A_236 = arith.constant 64 : index
      %swap3A_237 = tpu.vector_load %arg17[%swap3A_235, %swap3A_236] {strides = array<i32>} : memref<32x128xi32, #tpu.memory_space<vmem>>, vector<16xi32>,
      tpu.vector_store %arg17[%swap3A_235, %swap3A_236], %add3A_234 {strides = array<i32>} : memref<32x128xi32, #tpu.memory_space<vmem>>, vector<16xi32>,
      %mul3A_238 = arith.constant 128 : i32
      %mul3A_239 = arith.muli %add3A_145, %mul3A_238 : i32
      %add3A_240 = arith.constant 80 : i32
      %add3A_241 = arith.addi %mul3A_239, %add3A_240 : i32
      %get3A_242 = arith.index_cast %add3A_241 : i32 to index
      %get3A_243 = tpu.vector_load %arg13[%get3A_242] {strides = array<i32>} : memref<4096xi32, #tpu.memory_space<vmem>>, vector<16xi32>,
      %get3A_244 = arith.index_cast %add3A_241 : i32 to index
      %get3A_245 = tpu.vector_load %arg14[%get3A_244] {strides = array<i32>} : memref<4096xi32, #tpu.memory_space<vmem>>, vector<16xi32>,
      %gather3A_246 = tpu.vector_load_idx %arg10[%get3A_243] : memref<16384xi32, #tpu.memory_space<vmem>>[vector<16xi32>], vector<16xi32>,
      %swap3A_247 = arith.index_cast %add3A_145 : i32 to index
      %swap3A_248 = arith.constant 80 : index
      %swap3A_249 = tpu.vector_load %arg16[%swap3A_247, %swap3A_248] {strides = array<i32>} : memref<32x128xi32, #tpu.memory_space<vmem>>, vector<16xi32>,
      tpu.vector_store %arg16[%swap3A_247, %swap3A_248], %get3A_243 {strides = array<i32>} : memref<32x128xi32, #tpu.memory_space<vmem>>, vector<16xi32>,
      %mul3A_250 = arith.constant 128 : i32
      %mul3A_251 = vector.broadcast %mul3A_250 : i32 to vector<16xi32>
      %mul3A_252 = arith.muli %gather3A_246, %mul3A_251 : vector<16xi32>
      %add3A_253 = arith.addi %mul3A_252, %get3A_245 : vector<16xi32>
      %swap3A_254 = arith.index_cast %add3A_145 : i32 to index
      %swap3A_255 = arith.constant 80 : index
      %swap3A_256 = tpu.vector_load %arg17[%swap3A_254, %swap3A_255] {strides = array<i32>} : memref<32x128xi32, #tpu.memory_space<vmem>>, vector<16xi32>,
      tpu.vector_store %arg17[%swap3A_254, %swap3A_255], %add3A_253 {strides = array<i32>} : memref<32x128xi32, #tpu.memory_space<vmem>>, vector<16xi32>,
      %mul3A_257 = arith.constant 128 : i32
      %mul3A_258 = arith.muli %add3A_145, %mul3A_257 : i32
      %add3A_259 = arith.constant 96 : i32
      %add3A_260 = arith.addi %mul3A_258, %add3A_259 : i32
      %get3A_261 = arith.index_cast %add3A_260 : i32 to index
      %get3A_262 = tpu.vector_load %arg13[%get3A_261] {strides = array<i32>} : memref<4096xi32, #tpu.memory_space<vmem>>, vector<16xi32>,
      %get3A_263 = arith.index_cast %add3A_260 : i32 to index
      %get3A_264 = tpu.vector_load %arg14[%get3A_263] {strides = array<i32>} : memref<4096xi32, #tpu.memory_space<vmem>>, vector<16xi32>,
      %gather3A_265 = tpu.vector_load_idx %arg10[%get3A_262] : memref<16384xi32, #tpu.memory_space<vmem>>[vector<16xi32>], vector<16xi32>,
      %swap3A_266 = arith.index_cast %add3A_145 : i32 to index
      %swap3A_267 = arith.constant 96 : index
      %swap3A_268 = tpu.vector_load %arg16[%swap3A_266, %swap3A_267] {strides = array<i32>} : memref<32x128xi32, #tpu.memory_space<vmem>>, vector<16xi32>,
      tpu.vector_store %arg16[%swap3A_266, %swap3A_267], %get3A_262 {strides = array<i32>} : memref<32x128xi32, #tpu.memory_space<vmem>>, vector<16xi32>,
      %mul3A_269 = arith.constant 128 : i32
      %mul3A_270 = vector.broadcast %mul3A_269 : i32 to vector<16xi32>
      %mul3A_271 = arith.muli %gather3A_265, %mul3A_270 : vector<16xi32>
      %add3A_272 = arith.addi %mul3A_271, %get3A_264 : vector<16xi32>
      %swap3A_273 = arith.index_cast %add3A_145 : i32 to index
      %swap3A_274 = arith.constant 96 : index
      %swap3A_275 = tpu.vector_load %arg17[%swap3A_273, %swap3A_274] {strides = array<i32>} : memref<32x128xi32, #tpu.memory_space<vmem>>, vector<16xi32>,
      tpu.vector_store %arg17[%swap3A_273, %swap3A_274], %add3A_272 {strides = array<i32>} : memref<32x128xi32, #tpu.memory_space<vmem>>, vector<16xi32>,
      %mul3A_276 = arith.constant 128 : i32
      %mul3A_277 = arith.muli %add3A_145, %mul3A_276 : i32
      %add3A_278 = arith.constant 112 : i32
      %add3A_279 = arith.addi %mul3A_277, %add3A_278 : i32
      %get3A_280 = arith.index_cast %add3A_279 : i32 to index
      %get3A_281 = tpu.vector_load %arg13[%get3A_280] {strides = array<i32>} : memref<4096xi32, #tpu.memory_space<vmem>>, vector<16xi32>,
      %get3A_282 = arith.index_cast %add3A_279 : i32 to index
      %get3A_283 = tpu.vector_load %arg14[%get3A_282] {strides = array<i32>} : memref<4096xi32, #tpu.memory_space<vmem>>, vector<16xi32>,
      %gather3A_284 = tpu.vector_load_idx %arg10[%get3A_281] : memref<16384xi32, #tpu.memory_space<vmem>>[vector<16xi32>], vector<16xi32>,
      %swap3A_285 = arith.index_cast %add3A_145 : i32 to index
      %swap3A_286 = arith.constant 112 : index
      %swap3A_287 = tpu.vector_load %arg16[%swap3A_285, %swap3A_286] {strides = array<i32>} : memref<32x128xi32, #tpu.memory_space<vmem>>, vector<16xi32>,
      tpu.vector_store %arg16[%swap3A_285, %swap3A_286], %get3A_281 {strides = array<i32>} : memref<32x128xi32, #tpu.memory_space<vmem>>, vector<16xi32>,
      %mul3A_288 = arith.constant 128 : i32
      %mul3A_289 = vector.broadcast %mul3A_288 : i32 to vector<16xi32>
      %mul3A_290 = arith.muli %gather3A_284, %mul3A_289 : vector<16xi32>
      %add3A_291 = arith.addi %mul3A_290, %get3A_283 : vector<16xi32>
      %swap3A_292 = arith.index_cast %add3A_145 : i32 to index
      %swap3A_293 = arith.constant 112 : index
      %swap3A_294 = tpu.vector_load %arg17[%swap3A_292, %swap3A_293] {strides = array<i32>} : memref<32x128xi32, #tpu.memory_space<vmem>>, vector<16xi32>,
      tpu.vector_store %arg17[%swap3A_292, %swap3A_293], %add3A_291 {strides = array<i32>} : memref<32x128xi32, #tpu.memory_space<vmem>>, vector<16xi32>,
    }
    %scan3A_60 = arith.constant 8 : i32
    %scan3A_61 = arith.constant 0 : i32
    %scan3A_62 = arith.constant 8 : i32
    %scan3A_63 = arith.addi %scan3A_61, %scan3A_62 : i32
    %scan3A_64 = arith.constant 1 : i32
    scf.for %scan3A_141 = %scan3A_61 to %scan3A_63 step %scan3A_64  : i32 {
      %mul3A_142 = arith.constant 1 : i32
      %mul3A_143 = arith.muli %scan3A_141, %mul3A_142 : i32
      %add3A_144 = arith.constant 16 : i32
      %add3A_145 = arith.addi %add3A_144, %mul3A_143 : i32
      %dma_start3A_146 = arith.constant 0 : i32
      %dma_start3A_147 = tpu.memref_slice %arg18[%add3A_145, %dma_start3A_146] : memref<32x128xf32, #tpu.memory_space<vmem>> -> memref<1x128xf32, #tpu.memory_space<vmem>>
      %dma_start3A_148 = tpu.memref_squeeze %dma_start3A_147 : memref<1x128xf32, #tpu.memory_space<vmem>> -> memref<128xf32, #tpu.memory_space<vmem>>
      %dma_start3A_149 = arith.constant 0 : i32
      %dma_start3A_150 = tpu.memref_slice %arg17[%add3A_145, %dma_start3A_149] : memref<32x128xi32, #tpu.memory_space<vmem>> -> memref<1x128xi32, #tpu.memory_space<vmem>>
      %dma_start3A_151 = tpu.memref_squeeze %dma_start3A_150 : memref<1x128xi32, #tpu.memory_space<vmem>> -> memref<128xi32, #tpu.memory_space<vmem>>
      %dma_start3A_152 = arith.constant 0 : i32
      %dma_start3A_153 = tpu.memref_slice %arg6[%dma_start3A_152] : memref<492544xf32, #tpu.memory_space<hbm>> -> memref<492544xf32, #tpu.memory_space<hbm>>
      tpu.enqueue_indirect_dma source(%dma_start3A_153 : memref<492544xf32, #tpu.memory_space<hbm>>) target(%dma_start3A_148 : memref<128xf32, #tpu.memory_space<vmem>>) offsets(%dma_start3A_151 : memref<128xi32, #tpu.memory_space<vmem>>) semaphore(%arg26 : memref<!tpu.dma_semaphore, #tpu.memory_space<semaphore_mem>>)
    }
    %scan3A_65 = arith.constant 8 : i32
    %scan3A_66 = arith.constant 0 : i32
    %scan3A_67 = arith.constant 8 : i32
    %scan3A_68 = arith.addi %scan3A_66, %scan3A_67 : i32
    %scan3A_69 = arith.constant 1 : i32
    scf.for %scan3A_141 = %scan3A_66 to %scan3A_68 step %scan3A_69  : i32 {
      %mul3A_142 = arith.constant 1 : i32
      %mul3A_143 = arith.muli %scan3A_141, %mul3A_142 : i32
      %add3A_144 = arith.constant 8 : i32
      %add3A_145 = arith.addi %add3A_144, %mul3A_143 : i32
      %dma_wait3A_146 = arith.constant 0 : i32
      %dma_wait3A_147 = tpu.memref_slice %arg18[%add3A_145, %dma_wait3A_146] : memref<32x128xf32, #tpu.memory_space<vmem>> -> memref<1x128xf32, #tpu.memory_space<vmem>>
      %dma_wait3A_148 = tpu.memref_squeeze %dma_wait3A_147 : memref<1x128xf32, #tpu.memory_space<vmem>> -> memref<128xf32, #tpu.memory_space<vmem>>
      %dma_wait3A_149 = arith.constant 0 : i32
      %dma_wait3A_150 = tpu.memref_slice %arg17[%add3A_145, %dma_wait3A_149] : memref<32x128xi32, #tpu.memory_space<vmem>> -> memref<1x128xi32, #tpu.memory_space<vmem>>
      %dma_wait3A_151 = tpu.memref_squeeze %dma_wait3A_150 : memref<1x128xi32, #tpu.memory_space<vmem>> -> memref<128xi32, #tpu.memory_space<vmem>>
      %dma_wait3A_152 = arith.constant 0 : i32
      %dma_wait3A_153 = tpu.memref_slice %arg6[%dma_wait3A_152] : memref<492544xf32, #tpu.memory_space<hbm>> -> memref<492544xf32, #tpu.memory_space<hbm>>
      tpu.wait_indirect_dma semaphore(%arg27 : memref<!tpu.dma_semaphore, #tpu.memory_space<semaphore_mem>>) src(%dma_wait3A_153 : memref<492544xf32, #tpu.memory_space<hbm>>) dst(%dma_wait3A_148 : memref<128xf32, #tpu.memory_space<vmem>>)
    }
    %scan3A_70 = arith.constant 8 : i32
    %scan3A_71 = arith.constant 0 : i32
    %scan3A_72 = arith.constant 8 : i32
    %scan3A_73 = arith.addi %scan3A_71, %scan3A_72 : i32
    %scan3A_74 = arith.constant 1 : i32
    scf.for %scan3A_141 = %scan3A_71 to %scan3A_73 step %scan3A_74  : i32 {
      %mul3A_142 = arith.constant 1 : i32
      %mul3A_143 = arith.muli %scan3A_141, %mul3A_142 : i32
      %add3A_144 = arith.constant 8 : i32
      %add3A_145 = arith.addi %add3A_144, %mul3A_143 : i32
      %mul3A_146 = arith.constant 128 : i32
      %mul3A_147 = arith.muli %add3A_145, %mul3A_146 : i32
      %add3A_148 = arith.constant 0 : i32
      %add3A_149 = arith.addi %mul3A_147, %add3A_148 : i32
      %get3A = arith.index_cast %add3A_145 : i32 to index
      %get3A_150 = arith.constant 0 : index
      %get3A_151 = tpu.vector_load %arg18[%get3A, %get3A_150] {strides = array<i32>} : memref<32x128xf32, #tpu.memory_space<vmem>>, vector<16xf32>,
      %get3A_152 = arith.index_cast %add3A_149 : i32 to index
      %get3A_153 = tpu.vector_load %arg15[%get3A_152] {strides = array<i32>} : memref<4096xi32, #tpu.memory_space<vmem>>, vector<16xi32>,
      %get3A_154 = arith.index_cast %add3A_149 : i32 to index
      %get3A_155 = tpu.vector_load %arg14[%get3A_154] {strides = array<i32>} : memref<4096xi32, #tpu.memory_space<vmem>>, vector<16xi32>,
      %gather3A = tpu.vector_load_idx %arg11[%get3A_153] : memref<10240xf32, #tpu.memory_space<vmem>>[vector<16xi32>], vector<16xf32>,
      %gather3A_156 = tpu.vector_load_idx %arg12[%get3A_155] : memref<128xf32, #tpu.memory_space<vmem>>[vector<16xi32>], vector<16xf32>,
      %sub3A = arith.subf %gather3A, %gather3A_156 : vector<16xf32>
      %exp3A = math.exp %get3A_151 : vector<16xf32>
      %swap3A = arith.index_cast %add3A_145 : i32 to index
      %swap3A_157 = arith.constant 0 : index
      %swap3A_158 = tpu.vector_load %arg19[%swap3A, %swap3A_157] {strides = array<i32>} : memref<32x128xf32, #tpu.memory_space<vmem>>, vector<16xf32>,
      tpu.vector_store %arg19[%swap3A, %swap3A_157], %exp3A {strides = array<i32>} : memref<32x128xf32, #tpu.memory_space<vmem>>, vector<16xf32>,
      %mul3A_159 = arith.mulf %exp3A, %sub3A : vector<16xf32>
      %swap3A_160 = arith.index_cast %add3A_145 : i32 to index
      %swap3A_161 = arith.constant 0 : index
      %swap3A_162 = tpu.vector_load %arg20[%swap3A_160, %swap3A_161] {strides = array<i32>} : memref<32x128xf32, #tpu.memory_space<vmem>>, vector<16xf32>,
      tpu.vector_store %arg20[%swap3A_160, %swap3A_161], %mul3A_159 {strides = array<i32>} : memref<32x128xf32, #tpu.memory_space<vmem>>, vector<16xf32>,
      %mul3A_163 = arith.constant 128 : i32
      %mul3A_164 = arith.muli %add3A_145, %mul3A_163 : i32
      %add3A_165 = arith.constant 16 : i32
      %add3A_166 = arith.addi %mul3A_164, %add3A_165 : i32
      %get3A_167 = arith.index_cast %add3A_145 : i32 to index
      %get3A_168 = arith.constant 16 : index
      %get3A_169 = tpu.vector_load %arg18[%get3A_167, %get3A_168] {strides = array<i32>} : memref<32x128xf32, #tpu.memory_space<vmem>>, vector<16xf32>,
      %get3A_170 = arith.index_cast %add3A_166 : i32 to index
      %get3A_171 = tpu.vector_load %arg15[%get3A_170] {strides = array<i32>} : memref<4096xi32, #tpu.memory_space<vmem>>, vector<16xi32>,
      %get3A_172 = arith.index_cast %add3A_166 : i32 to index
      %get3A_173 = tpu.vector_load %arg14[%get3A_172] {strides = array<i32>} : memref<4096xi32, #tpu.memory_space<vmem>>, vector<16xi32>,
      %gather3A_174 = tpu.vector_load_idx %arg11[%get3A_171] : memref<10240xf32, #tpu.memory_space<vmem>>[vector<16xi32>], vector<16xf32>,
      %gather3A_175 = tpu.vector_load_idx %arg12[%get3A_173] : memref<128xf32, #tpu.memory_space<vmem>>[vector<16xi32>], vector<16xf32>,
      %sub3A_176 = arith.subf %gather3A_174, %gather3A_175 : vector<16xf32>
      %exp3A_177 = math.exp %get3A_169 : vector<16xf32>
      %swap3A_178 = arith.index_cast %add3A_145 : i32 to index
      %swap3A_179 = arith.constant 16 : index
      %swap3A_180 = tpu.vector_load %arg19[%swap3A_178, %swap3A_179] {strides = array<i32>} : memref<32x128xf32, #tpu.memory_space<vmem>>, vector<16xf32>,
      tpu.vector_store %arg19[%swap3A_178, %swap3A_179], %exp3A_177 {strides = array<i32>} : memref<32x128xf32, #tpu.memory_space<vmem>>, vector<16xf32>,
      %mul3A_181 = arith.mulf %exp3A_177, %sub3A_176 : vector<16xf32>
      %swap3A_182 = arith.index_cast %add3A_145 : i32 to index
      %swap3A_183 = arith.constant 16 : index
      %swap3A_184 = tpu.vector_load %arg20[%swap3A_182, %swap3A_183] {strides = array<i32>} : memref<32x128xf32, #tpu.memory_space<vmem>>, vector<16xf32>,
      tpu.vector_store %arg20[%swap3A_182, %swap3A_183], %mul3A_181 {strides = array<i32>} : memref<32x128xf32, #tpu.memory_space<vmem>>, vector<16xf32>,
      %mul3A_185 = arith.constant 128 : i32
      %mul3A_186 = arith.muli %add3A_145, %mul3A_185 : i32
      %add3A_187 = arith.constant 32 : i32
      %add3A_188 = arith.addi %mul3A_186, %add3A_187 : i32
      %get3A_189 = arith.index_cast %add3A_145 : i32 to index
      %get3A_190 = arith.constant 32 : index
      %get3A_191 = tpu.vector_load %arg18[%get3A_189, %get3A_190] {strides = array<i32>} : memref<32x128xf32, #tpu.memory_space<vmem>>, vector<16xf32>,
      %get3A_192 = arith.index_cast %add3A_188 : i32 to index
      %get3A_193 = tpu.vector_load %arg15[%get3A_192] {strides = array<i32>} : memref<4096xi32, #tpu.memory_space<vmem>>, vector<16xi32>,
      %get3A_194 = arith.index_cast %add3A_188 : i32 to index
      %get3A_195 = tpu.vector_load %arg14[%get3A_194] {strides = array<i32>} : memref<4096xi32, #tpu.memory_space<vmem>>, vector<16xi32>,
      %gather3A_196 = tpu.vector_load_idx %arg11[%get3A_193] : memref<10240xf32, #tpu.memory_space<vmem>>[vector<16xi32>], vector<16xf32>,
      %gather3A_197 = tpu.vector_load_idx %arg12[%get3A_195] : memref<128xf32, #tpu.memory_space<vmem>>[vector<16xi32>], vector<16xf32>,
      %sub3A_198 = arith.subf %gather3A_196, %gather3A_197 : vector<16xf32>
      %exp3A_199 = math.exp %get3A_191 : vector<16xf32>
      %swap3A_200 = arith.index_cast %add3A_145 : i32 to index
      %swap3A_201 = arith.constant 32 : index
      %swap3A_202 = tpu.vector_load %arg19[%swap3A_200, %swap3A_201] {strides = array<i32>} : memref<32x128xf32, #tpu.memory_space<vmem>>, vector<16xf32>,
      tpu.vector_store %arg19[%swap3A_200, %swap3A_201], %exp3A_199 {strides = array<i32>} : memref<32x128xf32, #tpu.memory_space<vmem>>, vector<16xf32>,
      %mul3A_203 = arith.mulf %exp3A_199, %sub3A_198 : vector<16xf32>
      %swap3A_204 = arith.index_cast %add3A_145 : i32 to index
      %swap3A_205 = arith.constant 32 : index
      %swap3A_206 = tpu.vector_load %arg20[%swap3A_204, %swap3A_205] {strides = array<i32>} : memref<32x128xf32, #tpu.memory_space<vmem>>, vector<16xf32>,
      tpu.vector_store %arg20[%swap3A_204, %swap3A_205], %mul3A_203 {strides = array<i32>} : memref<32x128xf32, #tpu.memory_space<vmem>>, vector<16xf32>,
      %mul3A_207 = arith.constant 128 : i32
      %mul3A_208 = arith.muli %add3A_145, %mul3A_207 : i32
      %add3A_209 = arith.constant 48 : i32
      %add3A_210 = arith.addi %mul3A_208, %add3A_209 : i32
      %get3A_211 = arith.index_cast %add3A_145 : i32 to index
      %get3A_212 = arith.constant 48 : index
      %get3A_213 = tpu.vector_load %arg18[%get3A_211, %get3A_212] {strides = array<i32>} : memref<32x128xf32, #tpu.memory_space<vmem>>, vector<16xf32>,
      %get3A_214 = arith.index_cast %add3A_210 : i32 to index
      %get3A_215 = tpu.vector_load %arg15[%get3A_214] {strides = array<i32>} : memref<4096xi32, #tpu.memory_space<vmem>>, vector<16xi32>,
      %get3A_216 = arith.index_cast %add3A_210 : i32 to index
      %get3A_217 = tpu.vector_load %arg14[%get3A_216] {strides = array<i32>} : memref<4096xi32, #tpu.memory_space<vmem>>, vector<16xi32>,
      %gather3A_218 = tpu.vector_load_idx %arg11[%get3A_215] : memref<10240xf32, #tpu.memory_space<vmem>>[vector<16xi32>], vector<16xf32>,
      %gather3A_219 = tpu.vector_load_idx %arg12[%get3A_217] : memref<128xf32, #tpu.memory_space<vmem>>[vector<16xi32>], vector<16xf32>,
      %sub3A_220 = arith.subf %gather3A_218, %gather3A_219 : vector<16xf32>
      %exp3A_221 = math.exp %get3A_213 : vector<16xf32>
      %swap3A_222 = arith.index_cast %add3A_145 : i32 to index
      %swap3A_223 = arith.constant 48 : index
      %swap3A_224 = tpu.vector_load %arg19[%swap3A_222, %swap3A_223] {strides = array<i32>} : memref<32x128xf32, #tpu.memory_space<vmem>>, vector<16xf32>,
      tpu.vector_store %arg19[%swap3A_222, %swap3A_223], %exp3A_221 {strides = array<i32>} : memref<32x128xf32, #tpu.memory_space<vmem>>, vector<16xf32>,
      %mul3A_225 = arith.mulf %exp3A_221, %sub3A_220 : vector<16xf32>
      %swap3A_226 = arith.index_cast %add3A_145 : i32 to index
      %swap3A_227 = arith.constant 48 : index
      %swap3A_228 = tpu.vector_load %arg20[%swap3A_226, %swap3A_227] {strides = array<i32>} : memref<32x128xf32, #tpu.memory_space<vmem>>, vector<16xf32>,
      tpu.vector_store %arg20[%swap3A_226, %swap3A_227], %mul3A_225 {strides = array<i32>} : memref<32x128xf32, #tpu.memory_space<vmem>>, vector<16xf32>,
      %mul3A_229 = arith.constant 128 : i32
      %mul3A_230 = arith.muli %add3A_145, %mul3A_229 : i32
      %add3A_231 = arith.constant 64 : i32
      %add3A_232 = arith.addi %mul3A_230, %add3A_231 : i32
      %get3A_233 = arith.index_cast %add3A_145 : i32 to index
      %get3A_234 = arith.constant 64 : index
      %get3A_235 = tpu.vector_load %arg18[%get3A_233, %get3A_234] {strides = array<i32>} : memref<32x128xf32, #tpu.memory_space<vmem>>, vector<16xf32>,
      %get3A_236 = arith.index_cast %add3A_232 : i32 to index
      %get3A_237 = tpu.vector_load %arg15[%get3A_236] {strides = array<i32>} : memref<4096xi32, #tpu.memory_space<vmem>>, vector<16xi32>,
      %get3A_238 = arith.index_cast %add3A_232 : i32 to index
      %get3A_239 = tpu.vector_load %arg14[%get3A_238] {strides = array<i32>} : memref<4096xi32, #tpu.memory_space<vmem>>, vector<16xi32>,
      %gather3A_240 = tpu.vector_load_idx %arg11[%get3A_237] : memref<10240xf32, #tpu.memory_space<vmem>>[vector<16xi32>], vector<16xf32>,
      %gather3A_241 = tpu.vector_load_idx %arg12[%get3A_239] : memref<128xf32, #tpu.memory_space<vmem>>[vector<16xi32>], vector<16xf32>,
      %sub3A_242 = arith.subf %gather3A_240, %gather3A_241 : vector<16xf32>
      %exp3A_243 = math.exp %get3A_235 : vector<16xf32>
      %swap3A_244 = arith.index_cast %add3A_145 : i32 to index
      %swap3A_245 = arith.constant 64 : index
      %swap3A_246 = tpu.vector_load %arg19[%swap3A_244, %swap3A_245] {strides = array<i32>} : memref<32x128xf32, #tpu.memory_space<vmem>>, vector<16xf32>,
      tpu.vector_store %arg19[%swap3A_244, %swap3A_245], %exp3A_243 {strides = array<i32>} : memref<32x128xf32, #tpu.memory_space<vmem>>, vector<16xf32>,
      %mul3A_247 = arith.mulf %exp3A_243, %sub3A_242 : vector<16xf32>
      %swap3A_248 = arith.index_cast %add3A_145 : i32 to index
      %swap3A_249 = arith.constant 64 : index
      %swap3A_250 = tpu.vector_load %arg20[%swap3A_248, %swap3A_249] {strides = array<i32>} : memref<32x128xf32, #tpu.memory_space<vmem>>, vector<16xf32>,
      tpu.vector_store %arg20[%swap3A_248, %swap3A_249], %mul3A_247 {strides = array<i32>} : memref<32x128xf32, #tpu.memory_space<vmem>>, vector<16xf32>,
      %mul3A_251 = arith.constant 128 : i32
      %mul3A_252 = arith.muli %add3A_145, %mul3A_251 : i32
      %add3A_253 = arith.constant 80 : i32
      %add3A_254 = arith.addi %mul3A_252, %add3A_253 : i32
      %get3A_255 = arith.index_cast %add3A_145 : i32 to index
      %get3A_256 = arith.constant 80 : index
      %get3A_257 = tpu.vector_load %arg18[%get3A_255, %get3A_256] {strides = array<i32>} : memref<32x128xf32, #tpu.memory_space<vmem>>, vector<16xf32>,
      %get3A_258 = arith.index_cast %add3A_254 : i32 to index
      %get3A_259 = tpu.vector_load %arg15[%get3A_258] {strides = array<i32>} : memref<4096xi32, #tpu.memory_space<vmem>>, vector<16xi32>,
      %get3A_260 = arith.index_cast %add3A_254 : i32 to index
      %get3A_261 = tpu.vector_load %arg14[%get3A_260] {strides = array<i32>} : memref<4096xi32, #tpu.memory_space<vmem>>, vector<16xi32>,
      %gather3A_262 = tpu.vector_load_idx %arg11[%get3A_259] : memref<10240xf32, #tpu.memory_space<vmem>>[vector<16xi32>], vector<16xf32>,
      %gather3A_263 = tpu.vector_load_idx %arg12[%get3A_261] : memref<128xf32, #tpu.memory_space<vmem>>[vector<16xi32>], vector<16xf32>,
      %sub3A_264 = arith.subf %gather3A_262, %gather3A_263 : vector<16xf32>
      %exp3A_265 = math.exp %get3A_257 : vector<16xf32>
      %swap3A_266 = arith.index_cast %add3A_145 : i32 to index
      %swap3A_267 = arith.constant 80 : index
      %swap3A_268 = tpu.vector_load %arg19[%swap3A_266, %swap3A_267] {strides = array<i32>} : memref<32x128xf32, #tpu.memory_space<vmem>>, vector<16xf32>,
      tpu.vector_store %arg19[%swap3A_266, %swap3A_267], %exp3A_265 {strides = array<i32>} : memref<32x128xf32, #tpu.memory_space<vmem>>, vector<16xf32>,
      %mul3A_269 = arith.mulf %exp3A_265, %sub3A_264 : vector<16xf32>
      %swap3A_270 = arith.index_cast %add3A_145 : i32 to index
      %swap3A_271 = arith.constant 80 : index
      %swap3A_272 = tpu.vector_load %arg20[%swap3A_270, %swap3A_271] {strides = array<i32>} : memref<32x128xf32, #tpu.memory_space<vmem>>, vector<16xf32>,
      tpu.vector_store %arg20[%swap3A_270, %swap3A_271], %mul3A_269 {strides = array<i32>} : memref<32x128xf32, #tpu.memory_space<vmem>>, vector<16xf32>,
      %mul3A_273 = arith.constant 128 : i32
      %mul3A_274 = arith.muli %add3A_145, %mul3A_273 : i32
      %add3A_275 = arith.constant 96 : i32
      %add3A_276 = arith.addi %mul3A_274, %add3A_275 : i32
      %get3A_277 = arith.index_cast %add3A_145 : i32 to index
      %get3A_278 = arith.constant 96 : index
      %get3A_279 = tpu.vector_load %arg18[%get3A_277, %get3A_278] {strides = array<i32>} : memref<32x128xf32, #tpu.memory_space<vmem>>, vector<16xf32>,
      %get3A_280 = arith.index_cast %add3A_276 : i32 to index
      %get3A_281 = tpu.vector_load %arg15[%get3A_280] {strides = array<i32>} : memref<4096xi32, #tpu.memory_space<vmem>>, vector<16xi32>,
      %get3A_282 = arith.index_cast %add3A_276 : i32 to index
      %get3A_283 = tpu.vector_load %arg14[%get3A_282] {strides = array<i32>} : memref<4096xi32, #tpu.memory_space<vmem>>, vector<16xi32>,
      %gather3A_284 = tpu.vector_load_idx %arg11[%get3A_281] : memref<10240xf32, #tpu.memory_space<vmem>>[vector<16xi32>], vector<16xf32>,
      %gather3A_285 = tpu.vector_load_idx %arg12[%get3A_283] : memref<128xf32, #tpu.memory_space<vmem>>[vector<16xi32>], vector<16xf32>,
      %sub3A_286 = arith.subf %gather3A_284, %gather3A_285 : vector<16xf32>
      %exp3A_287 = math.exp %get3A_279 : vector<16xf32>
      %swap3A_288 = arith.index_cast %add3A_145 : i32 to index
      %swap3A_289 = arith.constant 96 : index
      %swap3A_290 = tpu.vector_load %arg19[%swap3A_288, %swap3A_289] {strides = array<i32>} : memref<32x128xf32, #tpu.memory_space<vmem>>, vector<16xf32>,
      tpu.vector_store %arg19[%swap3A_288, %swap3A_289], %exp3A_287 {strides = array<i32>} : memref<32x128xf32, #tpu.memory_space<vmem>>, vector<16xf32>,
      %mul3A_291 = arith.mulf %exp3A_287, %sub3A_286 : vector<16xf32>
      %swap3A_292 = arith.index_cast %add3A_145 : i32 to index
      %swap3A_293 = arith.constant 96 : index
      %swap3A_294 = tpu.vector_load %arg20[%swap3A_292, %swap3A_293] {strides = array<i32>} : memref<32x128xf32, #tpu.memory_space<vmem>>, vector<16xf32>,
      tpu.vector_store %arg20[%swap3A_292, %swap3A_293], %mul3A_291 {strides = array<i32>} : memref<32x128xf32, #tpu.memory_space<vmem>>, vector<16xf32>,
      %mul3A_295 = arith.constant 128 : i32
      %mul3A_296 = arith.muli %add3A_145, %mul3A_295 : i32
      %add3A_297 = arith.constant 112 : i32
      %add3A_298 = arith.addi %mul3A_296, %add3A_297 : i32
      %get3A_299 = arith.index_cast %add3A_145 : i32 to index
      %get3A_300 = arith.constant 112 : index
      %get3A_301 = tpu.vector_load %arg18[%get3A_299, %get3A_300] {strides = array<i32>} : memref<32x128xf32, #tpu.memory_space<vmem>>, vector<16xf32>,
      %get3A_302 = arith.index_cast %add3A_298 : i32 to index
      %get3A_303 = tpu.vector_load %arg15[%get3A_302] {strides = array<i32>} : memref<4096xi32, #tpu.memory_space<vmem>>, vector<16xi32>,
      %get3A_304 = arith.index_cast %add3A_298 : i32 to index
      %get3A_305 = tpu.vector_load %arg14[%get3A_304] {strides = array<i32>} : memref<4096xi32, #tpu.memory_space<vmem>>, vector<16xi32>,
      %gather3A_306 = tpu.vector_load_idx %arg11[%get3A_303] : memref<10240xf32, #tpu.memory_space<vmem>>[vector<16xi32>], vector<16xf32>,
      %gather3A_307 = tpu.vector_load_idx %arg12[%get3A_305] : memref<128xf32, #tpu.memory_space<vmem>>[vector<16xi32>], vector<16xf32>,
      %sub3A_308 = arith.subf %gather3A_306, %gather3A_307 : vector<16xf32>
      %exp3A_309 = math.exp %get3A_301 : vector<16xf32>
      %swap3A_310 = arith.index_cast %add3A_145 : i32 to index
      %swap3A_311 = arith.constant 112 : index
      %swap3A_312 = tpu.vector_load %arg19[%swap3A_310, %swap3A_311] {strides = array<i32>} : memref<32x128xf32, #tpu.memory_space<vmem>>, vector<16xf32>,
      tpu.vector_store %arg19[%swap3A_310, %swap3A_311], %exp3A_309 {strides = array<i32>} : memref<32x128xf32, #tpu.memory_space<vmem>>, vector<16xf32>,
      %mul3A_313 = arith.mulf %exp3A_309, %sub3A_308 : vector<16xf32>
      %swap3A_314 = arith.index_cast %add3A_145 : i32 to index
      %swap3A_315 = arith.constant 112 : index
      %swap3A_316 = tpu.vector_load %arg20[%swap3A_314, %swap3A_315] {strides = array<i32>} : memref<32x128xf32, #tpu.memory_space<vmem>>, vector<16xf32>,
      tpu.vector_store %arg20[%swap3A_314, %swap3A_315], %mul3A_313 {strides = array<i32>} : memref<32x128xf32, #tpu.memory_space<vmem>>, vector<16xf32>,
    }
    %scan3A_75 = arith.constant 8 : i32
    %scan3A_76 = arith.constant 0 : i32
    %scan3A_77 = arith.constant 8 : i32
    %scan3A_78 = arith.addi %scan3A_76, %scan3A_77 : i32
    %scan3A_79 = arith.constant 1 : i32
    scf.for %scan3A_141 = %scan3A_76 to %scan3A_78 step %scan3A_79  : i32 {
      %mul3A_142 = arith.constant 1 : i32
      %mul3A_143 = arith.muli %scan3A_141, %mul3A_142 : i32
      %add3A_144 = arith.constant 8 : i32
      %add3A_145 = arith.addi %add3A_144, %mul3A_143 : i32
      %dma_start3A_146 = arith.constant 0 : i32
      %dma_start3A_147 = tpu.memref_slice %arg19[%add3A_145, %dma_start3A_146] : memref<32x128xf32, #tpu.memory_space<vmem>> -> memref<1x128xf32, #tpu.memory_space<vmem>>
      %dma_start3A_148 = tpu.memref_squeeze %dma_start3A_147 : memref<1x128xf32, #tpu.memory_space<vmem>> -> memref<128xf32, #tpu.memory_space<vmem>>
      %dma_start3A_149 = arith.constant 0 : i32
      %dma_start3A_150 = tpu.memref_slice %arg16[%add3A_145, %dma_start3A_149] : memref<32x128xi32, #tpu.memory_space<vmem>> -> memref<1x128xi32, #tpu.memory_space<vmem>>
      %dma_start3A_151 = tpu.memref_squeeze %dma_start3A_150 : memref<1x128xi32, #tpu.memory_space<vmem>> -> memref<128xi32, #tpu.memory_space<vmem>>
      %dma_start3A_152 = arith.constant 0 : i32
      %dma_start3A_153 = tpu.memref_slice %arg22[%dma_start3A_152] : memref<16384xf32, #tpu.memory_space<vmem_shared>> -> memref<16384xf32, #tpu.memory_space<vmem_shared>>
      tpu.enqueue_indirect_dma source(%dma_start3A_148 : memref<128xf32, #tpu.memory_space<vmem>>) target(%dma_start3A_153 : memref<16384xf32, #tpu.memory_space<vmem_shared>>) offsets(%dma_start3A_151 : memref<128xi32, #tpu.memory_space<vmem>>) semaphore(%arg28 : memref<!tpu.dma_semaphore, #tpu.memory_space<semaphore_mem>>) {add = true}
      %dma_start3A_154 = arith.constant 0 : i32
      %dma_start3A_155 = tpu.memref_slice %arg20[%add3A_145, %dma_start3A_154] : memref<32x128xf32, #tpu.memory_space<vmem>> -> memref<1x128xf32, #tpu.memory_space<vmem>>
      %dma_start3A_156 = tpu.memref_squeeze %dma_start3A_155 : memref<1x128xf32, #tpu.memory_space<vmem>> -> memref<128xf32, #tpu.memory_space<vmem>>
      %dma_start3A_157 = arith.constant 0 : i32
      %dma_start3A_158 = tpu.memref_slice %arg16[%add3A_145, %dma_start3A_157] : memref<32x128xi32, #tpu.memory_space<vmem>> -> memref<1x128xi32, #tpu.memory_space<vmem>>
      %dma_start3A_159 = tpu.memref_squeeze %dma_start3A_158 : memref<1x128xi32, #tpu.memory_space<vmem>> -> memref<128xi32, #tpu.memory_space<vmem>>
      %dma_start3A_160 = arith.constant 0 : i32
      %dma_start3A_161 = tpu.memref_slice %arg23[%dma_start3A_160] : memref<16384xf32, #tpu.memory_space<vmem_shared>> -> memref<16384xf32, #tpu.memory_space<vmem_shared>>
      tpu.enqueue_indirect_dma source(%dma_start3A_156 : memref<128xf32, #tpu.memory_space<vmem>>) target(%dma_start3A_161 : memref<16384xf32, #tpu.memory_space<vmem_shared>>) offsets(%dma_start3A_159 : memref<128xi32, #tpu.memory_space<vmem>>) semaphore(%arg28 : memref<!tpu.dma_semaphore, #tpu.memory_space<semaphore_mem>>) {add = true}
    }
    %scan3A_80 = arith.constant 8 : i32
    %scan3A_81 = arith.constant 0 : i32
    %scan3A_82 = arith.constant 8 : i32
    %scan3A_83 = arith.addi %scan3A_81, %scan3A_82 : i32
    %scan3A_84 = arith.constant 1 : i32
    scf.for %scan3A_141 = %scan3A_81 to %scan3A_83 step %scan3A_84  : i32 {
      %mul3A_142 = arith.constant 1 : i32
      %mul3A_143 = arith.muli %scan3A_141, %mul3A_142 : i32
      %add3A_144 = arith.constant 24 : i32
      %add3A_145 = arith.addi %add3A_144, %mul3A_143 : i32
      %mul3A_146 = arith.constant 128 : i32
      %mul3A_147 = arith.muli %add3A_145, %mul3A_146 : i32
      %add3A_148 = arith.constant 0 : i32
      %add3A_149 = arith.addi %mul3A_147, %add3A_148 : i32
      %get3A = arith.index_cast %add3A_149 : i32 to index
      %get3A_150 = tpu.vector_load %arg13[%get3A] {strides = array<i32>} : memref<4096xi32, #tpu.memory_space<vmem>>, vector<16xi32>,
      %get3A_151 = arith.index_cast %add3A_149 : i32 to index
      %get3A_152 = tpu.vector_load %arg14[%get3A_151] {strides = array<i32>} : memref<4096xi32, #tpu.memory_space<vmem>>, vector<16xi32>,
      %gather3A = tpu.vector_load_idx %arg10[%get3A_150] : memref<16384xi32, #tpu.memory_space<vmem>>[vector<16xi32>], vector<16xi32>,
      %swap3A = arith.index_cast %add3A_145 : i32 to index
      %swap3A_153 = arith.constant 0 : index
      %swap3A_154 = tpu.vector_load %arg16[%swap3A, %swap3A_153] {strides = array<i32>} : memref<32x128xi32, #tpu.memory_space<vmem>>, vector<16xi32>,
      tpu.vector_store %arg16[%swap3A, %swap3A_153], %get3A_150 {strides = array<i32>} : memref<32x128xi32, #tpu.memory_space<vmem>>, vector<16xi32>,
      %mul3A_155 = arith.constant 128 : i32
      %mul3A_156 = vector.broadcast %mul3A_155 : i32 to vector<16xi32>
      %mul3A_157 = arith.muli %gather3A, %mul3A_156 : vector<16xi32>
      %add3A_158 = arith.addi %mul3A_157, %get3A_152 : vector<16xi32>
      %swap3A_159 = arith.index_cast %add3A_145 : i32 to index
      %swap3A_160 = arith.constant 0 : index
      %swap3A_161 = tpu.vector_load %arg17[%swap3A_159, %swap3A_160] {strides = array<i32>} : memref<32x128xi32, #tpu.memory_space<vmem>>, vector<16xi32>,
      tpu.vector_store %arg17[%swap3A_159, %swap3A_160], %add3A_158 {strides = array<i32>} : memref<32x128xi32, #tpu.memory_space<vmem>>, vector<16xi32>,
      %mul3A_162 = arith.constant 128 : i32
      %mul3A_163 = arith.muli %add3A_145, %mul3A_162 : i32
      %add3A_164 = arith.constant 16 : i32
      %add3A_165 = arith.addi %mul3A_163, %add3A_164 : i32
      %get3A_166 = arith.index_cast %add3A_165 : i32 to index
      %get3A_167 = tpu.vector_load %arg13[%get3A_166] {strides = array<i32>} : memref<4096xi32, #tpu.memory_space<vmem>>, vector<16xi32>,
      %get3A_168 = arith.index_cast %add3A_165 : i32 to index
      %get3A_169 = tpu.vector_load %arg14[%get3A_168] {strides = array<i32>} : memref<4096xi32, #tpu.memory_space<vmem>>, vector<16xi32>,
      %gather3A_170 = tpu.vector_load_idx %arg10[%get3A_167] : memref<16384xi32, #tpu.memory_space<vmem>>[vector<16xi32>], vector<16xi32>,
      %swap3A_171 = arith.index_cast %add3A_145 : i32 to index
      %swap3A_172 = arith.constant 16 : index
      %swap3A_173 = tpu.vector_load %arg16[%swap3A_171, %swap3A_172] {strides = array<i32>} : memref<32x128xi32, #tpu.memory_space<vmem>>, vector<16xi32>,
      tpu.vector_store %arg16[%swap3A_171, %swap3A_172], %get3A_167 {strides = array<i32>} : memref<32x128xi32, #tpu.memory_space<vmem>>, vector<16xi32>,
      %mul3A_174 = arith.constant 128 : i32
      %mul3A_175 = vector.broadcast %mul3A_174 : i32 to vector<16xi32>
      %mul3A_176 = arith.muli %gather3A_170, %mul3A_175 : vector<16xi32>
      %add3A_177 = arith.addi %mul3A_176, %get3A_169 : vector<16xi32>
      %swap3A_178 = arith.index_cast %add3A_145 : i32 to index
      %swap3A_179 = arith.constant 16 : index
      %swap3A_180 = tpu.vector_load %arg17[%swap3A_178, %swap3A_179] {strides = array<i32>} : memref<32x128xi32, #tpu.memory_space<vmem>>, vector<16xi32>,
      tpu.vector_store %arg17[%swap3A_178, %swap3A_179], %add3A_177 {strides = array<i32>} : memref<32x128xi32, #tpu.memory_space<vmem>>, vector<16xi32>,
      %mul3A_181 = arith.constant 128 : i32
      %mul3A_182 = arith.muli %add3A_145, %mul3A_181 : i32
      %add3A_183 = arith.constant 32 : i32
      %add3A_184 = arith.addi %mul3A_182, %add3A_183 : i32
      %get3A_185 = arith.index_cast %add3A_184 : i32 to index
      %get3A_186 = tpu.vector_load %arg13[%get3A_185] {strides = array<i32>} : memref<4096xi32, #tpu.memory_space<vmem>>, vector<16xi32>,
      %get3A_187 = arith.index_cast %add3A_184 : i32 to index
      %get3A_188 = tpu.vector_load %arg14[%get3A_187] {strides = array<i32>} : memref<4096xi32, #tpu.memory_space<vmem>>, vector<16xi32>,
      %gather3A_189 = tpu.vector_load_idx %arg10[%get3A_186] : memref<16384xi32, #tpu.memory_space<vmem>>[vector<16xi32>], vector<16xi32>,
      %swap3A_190 = arith.index_cast %add3A_145 : i32 to index
      %swap3A_191 = arith.constant 32 : index
      %swap3A_192 = tpu.vector_load %arg16[%swap3A_190, %swap3A_191] {strides = array<i32>} : memref<32x128xi32, #tpu.memory_space<vmem>>, vector<16xi32>,
      tpu.vector_store %arg16[%swap3A_190, %swap3A_191], %get3A_186 {strides = array<i32>} : memref<32x128xi32, #tpu.memory_space<vmem>>, vector<16xi32>,
      %mul3A_193 = arith.constant 128 : i32
      %mul3A_194 = vector.broadcast %mul3A_193 : i32 to vector<16xi32>
      %mul3A_195 = arith.muli %gather3A_189, %mul3A_194 : vector<16xi32>
      %add3A_196 = arith.addi %mul3A_195, %get3A_188 : vector<16xi32>
      %swap3A_197 = arith.index_cast %add3A_145 : i32 to index
      %swap3A_198 = arith.constant 32 : index
      %swap3A_199 = tpu.vector_load %arg17[%swap3A_197, %swap3A_198] {strides = array<i32>} : memref<32x128xi32, #tpu.memory_space<vmem>>, vector<16xi32>,
      tpu.vector_store %arg17[%swap3A_197, %swap3A_198], %add3A_196 {strides = array<i32>} : memref<32x128xi32, #tpu.memory_space<vmem>>, vector<16xi32>,
      %mul3A_200 = arith.constant 128 : i32
      %mul3A_201 = arith.muli %add3A_145, %mul3A_200 : i32
      %add3A_202 = arith.constant 48 : i32
      %add3A_203 = arith.addi %mul3A_201, %add3A_202 : i32
      %get3A_204 = arith.index_cast %add3A_203 : i32 to index
      %get3A_205 = tpu.vector_load %arg13[%get3A_204] {strides = array<i32>} : memref<4096xi32, #tpu.memory_space<vmem>>, vector<16xi32>,
      %get3A_206 = arith.index_cast %add3A_203 : i32 to index
      %get3A_207 = tpu.vector_load %arg14[%get3A_206] {strides = array<i32>} : memref<4096xi32, #tpu.memory_space<vmem>>, vector<16xi32>,
      %gather3A_208 = tpu.vector_load_idx %arg10[%get3A_205] : memref<16384xi32, #tpu.memory_space<vmem>>[vector<16xi32>], vector<16xi32>,
      %swap3A_209 = arith.index_cast %add3A_145 : i32 to index
      %swap3A_210 = arith.constant 48 : index
      %swap3A_211 = tpu.vector_load %arg16[%swap3A_209, %swap3A_210] {strides = array<i32>} : memref<32x128xi32, #tpu.memory_space<vmem>>, vector<16xi32>,
      tpu.vector_store %arg16[%swap3A_209, %swap3A_210], %get3A_205 {strides = array<i32>} : memref<32x128xi32, #tpu.memory_space<vmem>>, vector<16xi32>,
      %mul3A_212 = arith.constant 128 : i32
      %mul3A_213 = vector.broadcast %mul3A_212 : i32 to vector<16xi32>
      %mul3A_214 = arith.muli %gather3A_208, %mul3A_213 : vector<16xi32>
      %add3A_215 = arith.addi %mul3A_214, %get3A_207 : vector<16xi32>
      %swap3A_216 = arith.index_cast %add3A_145 : i32 to index
      %swap3A_217 = arith.constant 48 : index
      %swap3A_218 = tpu.vector_load %arg17[%swap3A_216, %swap3A_217] {strides = array<i32>} : memref<32x128xi32, #tpu.memory_space<vmem>>, vector<16xi32>,
      tpu.vector_store %arg17[%swap3A_216, %swap3A_217], %add3A_215 {strides = array<i32>} : memref<32x128xi32, #tpu.memory_space<vmem>>, vector<16xi32>,
      %mul3A_219 = arith.constant 128 : i32
      %mul3A_220 = arith.muli %add3A_145, %mul3A_219 : i32
      %add3A_221 = arith.constant 64 : i32
      %add3A_222 = arith.addi %mul3A_220, %add3A_221 : i32
      %get3A_223 = arith.index_cast %add3A_222 : i32 to index
      %get3A_224 = tpu.vector_load %arg13[%get3A_223] {strides = array<i32>} : memref<4096xi32, #tpu.memory_space<vmem>>, vector<16xi32>,
      %get3A_225 = arith.index_cast %add3A_222 : i32 to index
      %get3A_226 = tpu.vector_load %arg14[%get3A_225] {strides = array<i32>} : memref<4096xi32, #tpu.memory_space<vmem>>, vector<16xi32>,
      %gather3A_227 = tpu.vector_load_idx %arg10[%get3A_224] : memref<16384xi32, #tpu.memory_space<vmem>>[vector<16xi32>], vector<16xi32>,
      %swap3A_228 = arith.index_cast %add3A_145 : i32 to index
      %swap3A_229 = arith.constant 64 : index
      %swap3A_230 = tpu.vector_load %arg16[%swap3A_228, %swap3A_229] {strides = array<i32>} : memref<32x128xi32, #tpu.memory_space<vmem>>, vector<16xi32>,
      tpu.vector_store %arg16[%swap3A_228, %swap3A_229], %get3A_224 {strides = array<i32>} : memref<32x128xi32, #tpu.memory_space<vmem>>, vector<16xi32>,
      %mul3A_231 = arith.constant 128 : i32
      %mul3A_232 = vector.broadcast %mul3A_231 : i32 to vector<16xi32>
      %mul3A_233 = arith.muli %gather3A_227, %mul3A_232 : vector<16xi32>
      %add3A_234 = arith.addi %mul3A_233, %get3A_226 : vector<16xi32>
      %swap3A_235 = arith.index_cast %add3A_145 : i32 to index
      %swap3A_236 = arith.constant 64 : index
      %swap3A_237 = tpu.vector_load %arg17[%swap3A_235, %swap3A_236] {strides = array<i32>} : memref<32x128xi32, #tpu.memory_space<vmem>>, vector<16xi32>,
      tpu.vector_store %arg17[%swap3A_235, %swap3A_236], %add3A_234 {strides = array<i32>} : memref<32x128xi32, #tpu.memory_space<vmem>>, vector<16xi32>,
      %mul3A_238 = arith.constant 128 : i32
      %mul3A_239 = arith.muli %add3A_145, %mul3A_238 : i32
      %add3A_240 = arith.constant 80 : i32
      %add3A_241 = arith.addi %mul3A_239, %add3A_240 : i32
      %get3A_242 = arith.index_cast %add3A_241 : i32 to index
      %get3A_243 = tpu.vector_load %arg13[%get3A_242] {strides = array<i32>} : memref<4096xi32, #tpu.memory_space<vmem>>, vector<16xi32>,
      %get3A_244 = arith.index_cast %add3A_241 : i32 to index
      %get3A_245 = tpu.vector_load %arg14[%get3A_244] {strides = array<i32>} : memref<4096xi32, #tpu.memory_space<vmem>>, vector<16xi32>,
      %gather3A_246 = tpu.vector_load_idx %arg10[%get3A_243] : memref<16384xi32, #tpu.memory_space<vmem>>[vector<16xi32>], vector<16xi32>,
      %swap3A_247 = arith.index_cast %add3A_145 : i32 to index
      %swap3A_248 = arith.constant 80 : index
      %swap3A_249 = tpu.vector_load %arg16[%swap3A_247, %swap3A_248] {strides = array<i32>} : memref<32x128xi32, #tpu.memory_space<vmem>>, vector<16xi32>,
      tpu.vector_store %arg16[%swap3A_247, %swap3A_248], %get3A_243 {strides = array<i32>} : memref<32x128xi32, #tpu.memory_space<vmem>>, vector<16xi32>,
      %mul3A_250 = arith.constant 128 : i32
      %mul3A_251 = vector.broadcast %mul3A_250 : i32 to vector<16xi32>
      %mul3A_252 = arith.muli %gather3A_246, %mul3A_251 : vector<16xi32>
      %add3A_253 = arith.addi %mul3A_252, %get3A_245 : vector<16xi32>
      %swap3A_254 = arith.index_cast %add3A_145 : i32 to index
      %swap3A_255 = arith.constant 80 : index
      %swap3A_256 = tpu.vector_load %arg17[%swap3A_254, %swap3A_255] {strides = array<i32>} : memref<32x128xi32, #tpu.memory_space<vmem>>, vector<16xi32>,
      tpu.vector_store %arg17[%swap3A_254, %swap3A_255], %add3A_253 {strides = array<i32>} : memref<32x128xi32, #tpu.memory_space<vmem>>, vector<16xi32>,
      %mul3A_257 = arith.constant 128 : i32
      %mul3A_258 = arith.muli %add3A_145, %mul3A_257 : i32
      %add3A_259 = arith.constant 96 : i32
      %add3A_260 = arith.addi %mul3A_258, %add3A_259 : i32
      %get3A_261 = arith.index_cast %add3A_260 : i32 to index
      %get3A_262 = tpu.vector_load %arg13[%get3A_261] {strides = array<i32>} : memref<4096xi32, #tpu.memory_space<vmem>>, vector<16xi32>,
      %get3A_263 = arith.index_cast %add3A_260 : i32 to index
      %get3A_264 = tpu.vector_load %arg14[%get3A_263] {strides = array<i32>} : memref<4096xi32, #tpu.memory_space<vmem>>, vector<16xi32>,
      %gather3A_265 = tpu.vector_load_idx %arg10[%get3A_262] : memref<16384xi32, #tpu.memory_space<vmem>>[vector<16xi32>], vector<16xi32>,
      %swap3A_266 = arith.index_cast %add3A_145 : i32 to index
      %swap3A_267 = arith.constant 96 : index
      %swap3A_268 = tpu.vector_load %arg16[%swap3A_266, %swap3A_267] {strides = array<i32>} : memref<32x128xi32, #tpu.memory_space<vmem>>, vector<16xi32>,
      tpu.vector_store %arg16[%swap3A_266, %swap3A_267], %get3A_262 {strides = array<i32>} : memref<32x128xi32, #tpu.memory_space<vmem>>, vector<16xi32>,
      %mul3A_269 = arith.constant 128 : i32
      %mul3A_270 = vector.broadcast %mul3A_269 : i32 to vector<16xi32>
      %mul3A_271 = arith.muli %gather3A_265, %mul3A_270 : vector<16xi32>
      %add3A_272 = arith.addi %mul3A_271, %get3A_264 : vector<16xi32>
      %swap3A_273 = arith.index_cast %add3A_145 : i32 to index
      %swap3A_274 = arith.constant 96 : index
      %swap3A_275 = tpu.vector_load %arg17[%swap3A_273, %swap3A_274] {strides = array<i32>} : memref<32x128xi32, #tpu.memory_space<vmem>>, vector<16xi32>,
      tpu.vector_store %arg17[%swap3A_273, %swap3A_274], %add3A_272 {strides = array<i32>} : memref<32x128xi32, #tpu.memory_space<vmem>>, vector<16xi32>,
      %mul3A_276 = arith.constant 128 : i32
      %mul3A_277 = arith.muli %add3A_145, %mul3A_276 : i32
      %add3A_278 = arith.constant 112 : i32
      %add3A_279 = arith.addi %mul3A_277, %add3A_278 : i32
      %get3A_280 = arith.index_cast %add3A_279 : i32 to index
      %get3A_281 = tpu.vector_load %arg13[%get3A_280] {strides = array<i32>} : memref<4096xi32, #tpu.memory_space<vmem>>, vector<16xi32>,
      %get3A_282 = arith.index_cast %add3A_279 : i32 to index
      %get3A_283 = tpu.vector_load %arg14[%get3A_282] {strides = array<i32>} : memref<4096xi32, #tpu.memory_space<vmem>>, vector<16xi32>,
      %gather3A_284 = tpu.vector_load_idx %arg10[%get3A_281] : memref<16384xi32, #tpu.memory_space<vmem>>[vector<16xi32>], vector<16xi32>,
      %swap3A_285 = arith.index_cast %add3A_145 : i32 to index
      %swap3A_286 = arith.constant 112 : index
      %swap3A_287 = tpu.vector_load %arg16[%swap3A_285, %swap3A_286] {strides = array<i32>} : memref<32x128xi32, #tpu.memory_space<vmem>>, vector<16xi32>,
      tpu.vector_store %arg16[%swap3A_285, %swap3A_286], %get3A_281 {strides = array<i32>} : memref<32x128xi32, #tpu.memory_space<vmem>>, vector<16xi32>,
      %mul3A_288 = arith.constant 128 : i32
      %mul3A_289 = vector.broadcast %mul3A_288 : i32 to vector<16xi32>
      %mul3A_290 = arith.muli %gather3A_284, %mul3A_289 : vector<16xi32>
      %add3A_291 = arith.addi %mul3A_290, %get3A_283 : vector<16xi32>
      %swap3A_292 = arith.index_cast %add3A_145 : i32 to index
      %swap3A_293 = arith.constant 112 : index
      %swap3A_294 = tpu.vector_load %arg17[%swap3A_292, %swap3A_293] {strides = array<i32>} : memref<32x128xi32, #tpu.memory_space<vmem>>, vector<16xi32>,
      tpu.vector_store %arg17[%swap3A_292, %swap3A_293], %add3A_291 {strides = array<i32>} : memref<32x128xi32, #tpu.memory_space<vmem>>, vector<16xi32>,
    }
    %scan3A_85 = arith.constant 8 : i32
    %scan3A_86 = arith.constant 0 : i32
    %scan3A_87 = arith.constant 8 : i32
    %scan3A_88 = arith.addi %scan3A_86, %scan3A_87 : i32
    %scan3A_89 = arith.constant 1 : i32
    scf.for %scan3A_141 = %scan3A_86 to %scan3A_88 step %scan3A_89  : i32 {
      %mul3A_142 = arith.constant 1 : i32
      %mul3A_143 = arith.muli %scan3A_141, %mul3A_142 : i32
      %add3A_144 = arith.constant 24 : i32
      %add3A_145 = arith.addi %add3A_144, %mul3A_143 : i32
      %dma_start3A_146 = arith.constant 0 : i32
      %dma_start3A_147 = tpu.memref_slice %arg18[%add3A_145, %dma_start3A_146] : memref<32x128xf32, #tpu.memory_space<vmem>> -> memref<1x128xf32, #tpu.memory_space<vmem>>
      %dma_start3A_148 = tpu.memref_squeeze %dma_start3A_147 : memref<1x128xf32, #tpu.memory_space<vmem>> -> memref<128xf32, #tpu.memory_space<vmem>>
      %dma_start3A_149 = arith.constant 0 : i32
      %dma_start3A_150 = tpu.memref_slice %arg17[%add3A_145, %dma_start3A_149] : memref<32x128xi32, #tpu.memory_space<vmem>> -> memref<1x128xi32, #tpu.memory_space<vmem>>
      %dma_start3A_151 = tpu.memref_squeeze %dma_start3A_150 : memref<1x128xi32, #tpu.memory_space<vmem>> -> memref<128xi32, #tpu.memory_space<vmem>>
      %dma_start3A_152 = arith.constant 0 : i32
      %dma_start3A_153 = tpu.memref_slice %arg6[%dma_start3A_152] : memref<492544xf32, #tpu.memory_space<hbm>> -> memref<492544xf32, #tpu.memory_space<hbm>>
      tpu.enqueue_indirect_dma source(%dma_start3A_153 : memref<492544xf32, #tpu.memory_space<hbm>>) target(%dma_start3A_148 : memref<128xf32, #tpu.memory_space<vmem>>) offsets(%dma_start3A_151 : memref<128xi32, #tpu.memory_space<vmem>>) semaphore(%arg27 : memref<!tpu.dma_semaphore, #tpu.memory_space<semaphore_mem>>)
    }
    %scan3A_90 = arith.constant 8 : i32
    %scan3A_91 = arith.constant 0 : i32
    %scan3A_92 = arith.constant 8 : i32
    %scan3A_93 = arith.addi %scan3A_91, %scan3A_92 : i32
    %scan3A_94 = arith.constant 1 : i32
    scf.for %scan3A_141 = %scan3A_91 to %scan3A_93 step %scan3A_94  : i32 {
      %mul3A_142 = arith.constant 1 : i32
      %mul3A_143 = arith.muli %scan3A_141, %mul3A_142 : i32
      %add3A_144 = arith.constant 16 : i32
      %add3A_145 = arith.addi %add3A_144, %mul3A_143 : i32
      %dma_wait3A_146 = arith.constant 0 : i32
      %dma_wait3A_147 = tpu.memref_slice %arg18[%add3A_145, %dma_wait3A_146] : memref<32x128xf32, #tpu.memory_space<vmem>> -> memref<1x128xf32, #tpu.memory_space<vmem>>
      %dma_wait3A_148 = tpu.memref_squeeze %dma_wait3A_147 : memref<1x128xf32, #tpu.memory_space<vmem>> -> memref<128xf32, #tpu.memory_space<vmem>>
      %dma_wait3A_149 = arith.constant 0 : i32
      %dma_wait3A_150 = tpu.memref_slice %arg17[%add3A_145, %dma_wait3A_149] : memref<32x128xi32, #tpu.memory_space<vmem>> -> memref<1x128xi32, #tpu.memory_space<vmem>>
      %dma_wait3A_151 = tpu.memref_squeeze %dma_wait3A_150 : memref<1x128xi32, #tpu.memory_space<vmem>> -> memref<128xi32, #tpu.memory_space<vmem>>
      %dma_wait3A_152 = arith.constant 0 : i32
      %dma_wait3A_153 = tpu.memref_slice %arg6[%dma_wait3A_152] : memref<492544xf32, #tpu.memory_space<hbm>> -> memref<492544xf32, #tpu.memory_space<hbm>>
      tpu.wait_indirect_dma semaphore(%arg26 : memref<!tpu.dma_semaphore, #tpu.memory_space<semaphore_mem>>) src(%dma_wait3A_153 : memref<492544xf32, #tpu.memory_space<hbm>>) dst(%dma_wait3A_148 : memref<128xf32, #tpu.memory_space<vmem>>)
    }
    %scan3A_95 = arith.constant 8 : i32
    %scan3A_96 = arith.constant 0 : i32
    %scan3A_97 = arith.constant 8 : i32
    %scan3A_98 = arith.addi %scan3A_96, %scan3A_97 : i32
    %scan3A_99 = arith.constant 1 : i32
    scf.for %scan3A_141 = %scan3A_96 to %scan3A_98 step %scan3A_99  : i32 {
      %mul3A_142 = arith.constant 1 : i32
      %mul3A_143 = arith.muli %scan3A_141, %mul3A_142 : i32
      %add3A_144 = arith.constant 16 : i32
      %add3A_145 = arith.addi %add3A_144, %mul3A_143 : i32
      %mul3A_146 = arith.constant 128 : i32
      %mul3A_147 = arith.muli %add3A_145, %mul3A_146 : i32
      %add3A_148 = arith.constant 0 : i32
      %add3A_149 = arith.addi %mul3A_147, %add3A_148 : i32
      %get3A = arith.index_cast %add3A_145 : i32 to index
      %get3A_150 = arith.constant 0 : index
      %get3A_151 = tpu.vector_load %arg18[%get3A, %get3A_150] {strides = array<i32>} : memref<32x128xf32, #tpu.memory_space<vmem>>, vector<16xf32>,
      %get3A_152 = arith.index_cast %add3A_149 : i32 to index
      %get3A_153 = tpu.vector_load %arg15[%get3A_152] {strides = array<i32>} : memref<4096xi32, #tpu.memory_space<vmem>>, vector<16xi32>,
      %get3A_154 = arith.index_cast %add3A_149 : i32 to index
      %get3A_155 = tpu.vector_load %arg14[%get3A_154] {strides = array<i32>} : memref<4096xi32, #tpu.memory_space<vmem>>, vector<16xi32>,
      %gather3A = tpu.vector_load_idx %arg11[%get3A_153] : memref<10240xf32, #tpu.memory_space<vmem>>[vector<16xi32>], vector<16xf32>,
      %gather3A_156 = tpu.vector_load_idx %arg12[%get3A_155] : memref<128xf32, #tpu.memory_space<vmem>>[vector<16xi32>], vector<16xf32>,
      %sub3A = arith.subf %gather3A, %gather3A_156 : vector<16xf32>
      %exp3A = math.exp %get3A_151 : vector<16xf32>
      %swap3A = arith.index_cast %add3A_145 : i32 to index
      %swap3A_157 = arith.constant 0 : index
      %swap3A_158 = tpu.vector_load %arg19[%swap3A, %swap3A_157] {strides = array<i32>} : memref<32x128xf32, #tpu.memory_space<vmem>>, vector<16xf32>,
      tpu.vector_store %arg19[%swap3A, %swap3A_157], %exp3A {strides = array<i32>} : memref<32x128xf32, #tpu.memory_space<vmem>>, vector<16xf32>,
      %mul3A_159 = arith.mulf %exp3A, %sub3A : vector<16xf32>
      %swap3A_160 = arith.index_cast %add3A_145 : i32 to index
      %swap3A_161 = arith.constant 0 : index
      %swap3A_162 = tpu.vector_load %arg20[%swap3A_160, %swap3A_161] {strides = array<i32>} : memref<32x128xf32, #tpu.memory_space<vmem>>, vector<16xf32>,
      tpu.vector_store %arg20[%swap3A_160, %swap3A_161], %mul3A_159 {strides = array<i32>} : memref<32x128xf32, #tpu.memory_space<vmem>>, vector<16xf32>,
      %mul3A_163 = arith.constant 128 : i32
      %mul3A_164 = arith.muli %add3A_145, %mul3A_163 : i32
      %add3A_165 = arith.constant 16 : i32
      %add3A_166 = arith.addi %mul3A_164, %add3A_165 : i32
      %get3A_167 = arith.index_cast %add3A_145 : i32 to index
      %get3A_168 = arith.constant 16 : index
      %get3A_169 = tpu.vector_load %arg18[%get3A_167, %get3A_168] {strides = array<i32>} : memref<32x128xf32, #tpu.memory_space<vmem>>, vector<16xf32>,
      %get3A_170 = arith.index_cast %add3A_166 : i32 to index
      %get3A_171 = tpu.vector_load %arg15[%get3A_170] {strides = array<i32>} : memref<4096xi32, #tpu.memory_space<vmem>>, vector<16xi32>,
      %get3A_172 = arith.index_cast %add3A_166 : i32 to index
      %get3A_173 = tpu.vector_load %arg14[%get3A_172] {strides = array<i32>} : memref<4096xi32, #tpu.memory_space<vmem>>, vector<16xi32>,
      %gather3A_174 = tpu.vector_load_idx %arg11[%get3A_171] : memref<10240xf32, #tpu.memory_space<vmem>>[vector<16xi32>], vector<16xf32>,
      %gather3A_175 = tpu.vector_load_idx %arg12[%get3A_173] : memref<128xf32, #tpu.memory_space<vmem>>[vector<16xi32>], vector<16xf32>,
      %sub3A_176 = arith.subf %gather3A_174, %gather3A_175 : vector<16xf32>
      %exp3A_177 = math.exp %get3A_169 : vector<16xf32>
      %swap3A_178 = arith.index_cast %add3A_145 : i32 to index
      %swap3A_179 = arith.constant 16 : index
      %swap3A_180 = tpu.vector_load %arg19[%swap3A_178, %swap3A_179] {strides = array<i32>} : memref<32x128xf32, #tpu.memory_space<vmem>>, vector<16xf32>,
      tpu.vector_store %arg19[%swap3A_178, %swap3A_179], %exp3A_177 {strides = array<i32>} : memref<32x128xf32, #tpu.memory_space<vmem>>, vector<16xf32>,
      %mul3A_181 = arith.mulf %exp3A_177, %sub3A_176 : vector<16xf32>
      %swap3A_182 = arith.index_cast %add3A_145 : i32 to index
      %swap3A_183 = arith.constant 16 : index
      %swap3A_184 = tpu.vector_load %arg20[%swap3A_182, %swap3A_183] {strides = array<i32>} : memref<32x128xf32, #tpu.memory_space<vmem>>, vector<16xf32>,
      tpu.vector_store %arg20[%swap3A_182, %swap3A_183], %mul3A_181 {strides = array<i32>} : memref<32x128xf32, #tpu.memory_space<vmem>>, vector<16xf32>,
      %mul3A_185 = arith.constant 128 : i32
      %mul3A_186 = arith.muli %add3A_145, %mul3A_185 : i32
      %add3A_187 = arith.constant 32 : i32
      %add3A_188 = arith.addi %mul3A_186, %add3A_187 : i32
      %get3A_189 = arith.index_cast %add3A_145 : i32 to index
      %get3A_190 = arith.constant 32 : index
      %get3A_191 = tpu.vector_load %arg18[%get3A_189, %get3A_190] {strides = array<i32>} : memref<32x128xf32, #tpu.memory_space<vmem>>, vector<16xf32>,
      %get3A_192 = arith.index_cast %add3A_188 : i32 to index
      %get3A_193 = tpu.vector_load %arg15[%get3A_192] {strides = array<i32>} : memref<4096xi32, #tpu.memory_space<vmem>>, vector<16xi32>,
      %get3A_194 = arith.index_cast %add3A_188 : i32 to index
      %get3A_195 = tpu.vector_load %arg14[%get3A_194] {strides = array<i32>} : memref<4096xi32, #tpu.memory_space<vmem>>, vector<16xi32>,
      %gather3A_196 = tpu.vector_load_idx %arg11[%get3A_193] : memref<10240xf32, #tpu.memory_space<vmem>>[vector<16xi32>], vector<16xf32>,
      %gather3A_197 = tpu.vector_load_idx %arg12[%get3A_195] : memref<128xf32, #tpu.memory_space<vmem>>[vector<16xi32>], vector<16xf32>,
      %sub3A_198 = arith.subf %gather3A_196, %gather3A_197 : vector<16xf32>
      %exp3A_199 = math.exp %get3A_191 : vector<16xf32>
      %swap3A_200 = arith.index_cast %add3A_145 : i32 to index
      %swap3A_201 = arith.constant 32 : index
      %swap3A_202 = tpu.vector_load %arg19[%swap3A_200, %swap3A_201] {strides = array<i32>} : memref<32x128xf32, #tpu.memory_space<vmem>>, vector<16xf32>,
      tpu.vector_store %arg19[%swap3A_200, %swap3A_201], %exp3A_199 {strides = array<i32>} : memref<32x128xf32, #tpu.memory_space<vmem>>, vector<16xf32>,
      %mul3A_203 = arith.mulf %exp3A_199, %sub3A_198 : vector<16xf32>
      %swap3A_204 = arith.index_cast %add3A_145 : i32 to index
      %swap3A_205 = arith.constant 32 : index
      %swap3A_206 = tpu.vector_load %arg20[%swap3A_204, %swap3A_205] {strides = array<i32>} : memref<32x128xf32, #tpu.memory_space<vmem>>, vector<16xf32>,
      tpu.vector_store %arg20[%swap3A_204, %swap3A_205], %mul3A_203 {strides = array<i32>} : memref<32x128xf32, #tpu.memory_space<vmem>>, vector<16xf32>,
      %mul3A_207 = arith.constant 128 : i32
      %mul3A_208 = arith.muli %add3A_145, %mul3A_207 : i32
      %add3A_209 = arith.constant 48 : i32
      %add3A_210 = arith.addi %mul3A_208, %add3A_209 : i32
      %get3A_211 = arith.index_cast %add3A_145 : i32 to index
      %get3A_212 = arith.constant 48 : index
      %get3A_213 = tpu.vector_load %arg18[%get3A_211, %get3A_212] {strides = array<i32>} : memref<32x128xf32, #tpu.memory_space<vmem>>, vector<16xf32>,
      %get3A_214 = arith.index_cast %add3A_210 : i32 to index
      %get3A_215 = tpu.vector_load %arg15[%get3A_214] {strides = array<i32>} : memref<4096xi32, #tpu.memory_space<vmem>>, vector<16xi32>,
      %get3A_216 = arith.index_cast %add3A_210 : i32 to index
      %get3A_217 = tpu.vector_load %arg14[%get3A_216] {strides = array<i32>} : memref<4096xi32, #tpu.memory_space<vmem>>, vector<16xi32>,
      %gather3A_218 = tpu.vector_load_idx %arg11[%get3A_215] : memref<10240xf32, #tpu.memory_space<vmem>>[vector<16xi32>], vector<16xf32>,
      %gather3A_219 = tpu.vector_load_idx %arg12[%get3A_217] : memref<128xf32, #tpu.memory_space<vmem>>[vector<16xi32>], vector<16xf32>,
      %sub3A_220 = arith.subf %gather3A_218, %gather3A_219 : vector<16xf32>
      %exp3A_221 = math.exp %get3A_213 : vector<16xf32>
      %swap3A_222 = arith.index_cast %add3A_145 : i32 to index
      %swap3A_223 = arith.constant 48 : index
      %swap3A_224 = tpu.vector_load %arg19[%swap3A_222, %swap3A_223] {strides = array<i32>} : memref<32x128xf32, #tpu.memory_space<vmem>>, vector<16xf32>,
      tpu.vector_store %arg19[%swap3A_222, %swap3A_223], %exp3A_221 {strides = array<i32>} : memref<32x128xf32, #tpu.memory_space<vmem>>, vector<16xf32>,
      %mul3A_225 = arith.mulf %exp3A_221, %sub3A_220 : vector<16xf32>
      %swap3A_226 = arith.index_cast %add3A_145 : i32 to index
      %swap3A_227 = arith.constant 48 : index
      %swap3A_228 = tpu.vector_load %arg20[%swap3A_226, %swap3A_227] {strides = array<i32>} : memref<32x128xf32, #tpu.memory_space<vmem>>, vector<16xf32>,
      tpu.vector_store %arg20[%swap3A_226, %swap3A_227], %mul3A_225 {strides = array<i32>} : memref<32x128xf32, #tpu.memory_space<vmem>>, vector<16xf32>,
      %mul3A_229 = arith.constant 128 : i32
      %mul3A_230 = arith.muli %add3A_145, %mul3A_229 : i32
      %add3A_231 = arith.constant 64 : i32
      %add3A_232 = arith.addi %mul3A_230, %add3A_231 : i32
      %get3A_233 = arith.index_cast %add3A_145 : i32 to index
      %get3A_234 = arith.constant 64 : index
      %get3A_235 = tpu.vector_load %arg18[%get3A_233, %get3A_234] {strides = array<i32>} : memref<32x128xf32, #tpu.memory_space<vmem>>, vector<16xf32>,
      %get3A_236 = arith.index_cast %add3A_232 : i32 to index
      %get3A_237 = tpu.vector_load %arg15[%get3A_236] {strides = array<i32>} : memref<4096xi32, #tpu.memory_space<vmem>>, vector<16xi32>,
      %get3A_238 = arith.index_cast %add3A_232 : i32 to index
      %get3A_239 = tpu.vector_load %arg14[%get3A_238] {strides = array<i32>} : memref<4096xi32, #tpu.memory_space<vmem>>, vector<16xi32>,
      %gather3A_240 = tpu.vector_load_idx %arg11[%get3A_237] : memref<10240xf32, #tpu.memory_space<vmem>>[vector<16xi32>], vector<16xf32>,
      %gather3A_241 = tpu.vector_load_idx %arg12[%get3A_239] : memref<128xf32, #tpu.memory_space<vmem>>[vector<16xi32>], vector<16xf32>,
      %sub3A_242 = arith.subf %gather3A_240, %gather3A_241 : vector<16xf32>
      %exp3A_243 = math.exp %get3A_235 : vector<16xf32>
      %swap3A_244 = arith.index_cast %add3A_145 : i32 to index
      %swap3A_245 = arith.constant 64 : index
      %swap3A_246 = tpu.vector_load %arg19[%swap3A_244, %swap3A_245] {strides = array<i32>} : memref<32x128xf32, #tpu.memory_space<vmem>>, vector<16xf32>,
      tpu.vector_store %arg19[%swap3A_244, %swap3A_245], %exp3A_243 {strides = array<i32>} : memref<32x128xf32, #tpu.memory_space<vmem>>, vector<16xf32>,
      %mul3A_247 = arith.mulf %exp3A_243, %sub3A_242 : vector<16xf32>
      %swap3A_248 = arith.index_cast %add3A_145 : i32 to index
      %swap3A_249 = arith.constant 64 : index
      %swap3A_250 = tpu.vector_load %arg20[%swap3A_248, %swap3A_249] {strides = array<i32>} : memref<32x128xf32, #tpu.memory_space<vmem>>, vector<16xf32>,
      tpu.vector_store %arg20[%swap3A_248, %swap3A_249], %mul3A_247 {strides = array<i32>} : memref<32x128xf32, #tpu.memory_space<vmem>>, vector<16xf32>,
      %mul3A_251 = arith.constant 128 : i32
      %mul3A_252 = arith.muli %add3A_145, %mul3A_251 : i32
      %add3A_253 = arith.constant 80 : i32
      %add3A_254 = arith.addi %mul3A_252, %add3A_253 : i32
      %get3A_255 = arith.index_cast %add3A_145 : i32 to index
      %get3A_256 = arith.constant 80 : index
      %get3A_257 = tpu.vector_load %arg18[%get3A_255, %get3A_256] {strides = array<i32>} : memref<32x128xf32, #tpu.memory_space<vmem>>, vector<16xf32>,
      %get3A_258 = arith.index_cast %add3A_254 : i32 to index
      %get3A_259 = tpu.vector_load %arg15[%get3A_258] {strides = array<i32>} : memref<4096xi32, #tpu.memory_space<vmem>>, vector<16xi32>,
      %get3A_260 = arith.index_cast %add3A_254 : i32 to index
      %get3A_261 = tpu.vector_load %arg14[%get3A_260] {strides = array<i32>} : memref<4096xi32, #tpu.memory_space<vmem>>, vector<16xi32>,
      %gather3A_262 = tpu.vector_load_idx %arg11[%get3A_259] : memref<10240xf32, #tpu.memory_space<vmem>>[vector<16xi32>], vector<16xf32>,
      %gather3A_263 = tpu.vector_load_idx %arg12[%get3A_261] : memref<128xf32, #tpu.memory_space<vmem>>[vector<16xi32>], vector<16xf32>,
      %sub3A_264 = arith.subf %gather3A_262, %gather3A_263 : vector<16xf32>
      %exp3A_265 = math.exp %get3A_257 : vector<16xf32>
      %swap3A_266 = arith.index_cast %add3A_145 : i32 to index
      %swap3A_267 = arith.constant 80 : index
      %swap3A_268 = tpu.vector_load %arg19[%swap3A_266, %swap3A_267] {strides = array<i32>} : memref<32x128xf32, #tpu.memory_space<vmem>>, vector<16xf32>,
      tpu.vector_store %arg19[%swap3A_266, %swap3A_267], %exp3A_265 {strides = array<i32>} : memref<32x128xf32, #tpu.memory_space<vmem>>, vector<16xf32>,
      %mul3A_269 = arith.mulf %exp3A_265, %sub3A_264 : vector<16xf32>
      %swap3A_270 = arith.index_cast %add3A_145 : i32 to index
      %swap3A_271 = arith.constant 80 : index
      %swap3A_272 = tpu.vector_load %arg20[%swap3A_270, %swap3A_271] {strides = array<i32>} : memref<32x128xf32, #tpu.memory_space<vmem>>, vector<16xf32>,
      tpu.vector_store %arg20[%swap3A_270, %swap3A_271], %mul3A_269 {strides = array<i32>} : memref<32x128xf32, #tpu.memory_space<vmem>>, vector<16xf32>,
      %mul3A_273 = arith.constant 128 : i32
      %mul3A_274 = arith.muli %add3A_145, %mul3A_273 : i32
      %add3A_275 = arith.constant 96 : i32
      %add3A_276 = arith.addi %mul3A_274, %add3A_275 : i32
      %get3A_277 = arith.index_cast %add3A_145 : i32 to index
      %get3A_278 = arith.constant 96 : index
      %get3A_279 = tpu.vector_load %arg18[%get3A_277, %get3A_278] {strides = array<i32>} : memref<32x128xf32, #tpu.memory_space<vmem>>, vector<16xf32>,
      %get3A_280 = arith.index_cast %add3A_276 : i32 to index
      %get3A_281 = tpu.vector_load %arg15[%get3A_280] {strides = array<i32>} : memref<4096xi32, #tpu.memory_space<vmem>>, vector<16xi32>,
      %get3A_282 = arith.index_cast %add3A_276 : i32 to index
      %get3A_283 = tpu.vector_load %arg14[%get3A_282] {strides = array<i32>} : memref<4096xi32, #tpu.memory_space<vmem>>, vector<16xi32>,
      %gather3A_284 = tpu.vector_load_idx %arg11[%get3A_281] : memref<10240xf32, #tpu.memory_space<vmem>>[vector<16xi32>], vector<16xf32>,
      %gather3A_285 = tpu.vector_load_idx %arg12[%get3A_283] : memref<128xf32, #tpu.memory_space<vmem>>[vector<16xi32>], vector<16xf32>,
      %sub3A_286 = arith.subf %gather3A_284, %gather3A_285 : vector<16xf32>
      %exp3A_287 = math.exp %get3A_279 : vector<16xf32>
      %swap3A_288 = arith.index_cast %add3A_145 : i32 to index
      %swap3A_289 = arith.constant 96 : index
      %swap3A_290 = tpu.vector_load %arg19[%swap3A_288, %swap3A_289] {strides = array<i32>} : memref<32x128xf32, #tpu.memory_space<vmem>>, vector<16xf32>,
      tpu.vector_store %arg19[%swap3A_288, %swap3A_289], %exp3A_287 {strides = array<i32>} : memref<32x128xf32, #tpu.memory_space<vmem>>, vector<16xf32>,
      %mul3A_291 = arith.mulf %exp3A_287, %sub3A_286 : vector<16xf32>
      %swap3A_292 = arith.index_cast %add3A_145 : i32 to index
      %swap3A_293 = arith.constant 96 : index
      %swap3A_294 = tpu.vector_load %arg20[%swap3A_292, %swap3A_293] {strides = array<i32>} : memref<32x128xf32, #tpu.memory_space<vmem>>, vector<16xf32>,
      tpu.vector_store %arg20[%swap3A_292, %swap3A_293], %mul3A_291 {strides = array<i32>} : memref<32x128xf32, #tpu.memory_space<vmem>>, vector<16xf32>,
      %mul3A_295 = arith.constant 128 : i32
      %mul3A_296 = arith.muli %add3A_145, %mul3A_295 : i32
      %add3A_297 = arith.constant 112 : i32
      %add3A_298 = arith.addi %mul3A_296, %add3A_297 : i32
      %get3A_299 = arith.index_cast %add3A_145 : i32 to index
      %get3A_300 = arith.constant 112 : index
      %get3A_301 = tpu.vector_load %arg18[%get3A_299, %get3A_300] {strides = array<i32>} : memref<32x128xf32, #tpu.memory_space<vmem>>, vector<16xf32>,
      %get3A_302 = arith.index_cast %add3A_298 : i32 to index
      %get3A_303 = tpu.vector_load %arg15[%get3A_302] {strides = array<i32>} : memref<4096xi32, #tpu.memory_space<vmem>>, vector<16xi32>,
      %get3A_304 = arith.index_cast %add3A_298 : i32 to index
      %get3A_305 = tpu.vector_load %arg14[%get3A_304] {strides = array<i32>} : memref<4096xi32, #tpu.memory_space<vmem>>, vector<16xi32>,
      %gather3A_306 = tpu.vector_load_idx %arg11[%get3A_303] : memref<10240xf32, #tpu.memory_space<vmem>>[vector<16xi32>], vector<16xf32>,
      %gather3A_307 = tpu.vector_load_idx %arg12[%get3A_305] : memref<128xf32, #tpu.memory_space<vmem>>[vector<16xi32>], vector<16xf32>,
      %sub3A_308 = arith.subf %gather3A_306, %gather3A_307 : vector<16xf32>
      %exp3A_309 = math.exp %get3A_301 : vector<16xf32>
      %swap3A_310 = arith.index_cast %add3A_145 : i32 to index
      %swap3A_311 = arith.constant 112 : index
      %swap3A_312 = tpu.vector_load %arg19[%swap3A_310, %swap3A_311] {strides = array<i32>} : memref<32x128xf32, #tpu.memory_space<vmem>>, vector<16xf32>,
      tpu.vector_store %arg19[%swap3A_310, %swap3A_311], %exp3A_309 {strides = array<i32>} : memref<32x128xf32, #tpu.memory_space<vmem>>, vector<16xf32>,
      %mul3A_313 = arith.mulf %exp3A_309, %sub3A_308 : vector<16xf32>
      %swap3A_314 = arith.index_cast %add3A_145 : i32 to index
      %swap3A_315 = arith.constant 112 : index
      %swap3A_316 = tpu.vector_load %arg20[%swap3A_314, %swap3A_315] {strides = array<i32>} : memref<32x128xf32, #tpu.memory_space<vmem>>, vector<16xf32>,
      tpu.vector_store %arg20[%swap3A_314, %swap3A_315], %mul3A_313 {strides = array<i32>} : memref<32x128xf32, #tpu.memory_space<vmem>>, vector<16xf32>,
    }
    %scan3A_100 = arith.constant 8 : i32
    %scan3A_101 = arith.constant 0 : i32
    %scan3A_102 = arith.constant 8 : i32
    %scan3A_103 = arith.addi %scan3A_101, %scan3A_102 : i32
    %scan3A_104 = arith.constant 1 : i32
    scf.for %scan3A_141 = %scan3A_101 to %scan3A_103 step %scan3A_104  : i32 {
      %mul3A_142 = arith.constant 1 : i32
      %mul3A_143 = arith.muli %scan3A_141, %mul3A_142 : i32
      %add3A_144 = arith.constant 16 : i32
      %add3A_145 = arith.addi %add3A_144, %mul3A_143 : i32
      %dma_start3A_146 = arith.constant 0 : i32
      %dma_start3A_147 = tpu.memref_slice %arg19[%add3A_145, %dma_start3A_146] : memref<32x128xf32, #tpu.memory_space<vmem>> -> memref<1x128xf32, #tpu.memory_space<vmem>>
      %dma_start3A_148 = tpu.memref_squeeze %dma_start3A_147 : memref<1x128xf32, #tpu.memory_space<vmem>> -> memref<128xf32, #tpu.memory_space<vmem>>
      %dma_start3A_149 = arith.constant 0 : i32
      %dma_start3A_150 = tpu.memref_slice %arg16[%add3A_145, %dma_start3A_149] : memref<32x128xi32, #tpu.memory_space<vmem>> -> memref<1x128xi32, #tpu.memory_space<vmem>>
      %dma_start3A_151 = tpu.memref_squeeze %dma_start3A_150 : memref<1x128xi32, #tpu.memory_space<vmem>> -> memref<128xi32, #tpu.memory_space<vmem>>
      %dma_start3A_152 = arith.constant 0 : i32
      %dma_start3A_153 = tpu.memref_slice %arg22[%dma_start3A_152] : memref<16384xf32, #tpu.memory_space<vmem_shared>> -> memref<16384xf32, #tpu.memory_space<vmem_shared>>
      tpu.enqueue_indirect_dma source(%dma_start3A_148 : memref<128xf32, #tpu.memory_space<vmem>>) target(%dma_start3A_153 : memref<16384xf32, #tpu.memory_space<vmem_shared>>) offsets(%dma_start3A_151 : memref<128xi32, #tpu.memory_space<vmem>>) semaphore(%arg28 : memref<!tpu.dma_semaphore, #tpu.memory_space<semaphore_mem>>) {add = true}
      %dma_start3A_154 = arith.constant 0 : i32
      %dma_start3A_155 = tpu.memref_slice %arg20[%add3A_145, %dma_start3A_154] : memref<32x128xf32, #tpu.memory_space<vmem>> -> memref<1x128xf32, #tpu.memory_space<vmem>>
      %dma_start3A_156 = tpu.memref_squeeze %dma_start3A_155 : memref<1x128xf32, #tpu.memory_space<vmem>> -> memref<128xf32, #tpu.memory_space<vmem>>
      %dma_start3A_157 = arith.constant 0 : i32
      %dma_start3A_158 = tpu.memref_slice %arg16[%add3A_145, %dma_start3A_157] : memref<32x128xi32, #tpu.memory_space<vmem>> -> memref<1x128xi32, #tpu.memory_space<vmem>>
      %dma_start3A_159 = tpu.memref_squeeze %dma_start3A_158 : memref<1x128xi32, #tpu.memory_space<vmem>> -> memref<128xi32, #tpu.memory_space<vmem>>
      %dma_start3A_160 = arith.constant 0 : i32
      %dma_start3A_161 = tpu.memref_slice %arg23[%dma_start3A_160] : memref<16384xf32, #tpu.memory_space<vmem_shared>> -> memref<16384xf32, #tpu.memory_space<vmem_shared>>
      tpu.enqueue_indirect_dma source(%dma_start3A_156 : memref<128xf32, #tpu.memory_space<vmem>>) target(%dma_start3A_161 : memref<16384xf32, #tpu.memory_space<vmem_shared>>) offsets(%dma_start3A_159 : memref<128xi32, #tpu.memory_space<vmem>>) semaphore(%arg28 : memref<!tpu.dma_semaphore, #tpu.memory_space<semaphore_mem>>) {add = true}
    }
    %scan3A_105 = arith.constant 8 : i32
    %scan3A_106 = arith.constant 0 : i32
    %scan3A_107 = arith.constant 8 : i32
    %scan3A_108 = arith.addi %scan3A_106, %scan3A_107 : i32
    %scan3A_109 = arith.constant 1 : i32
    scf.for %scan3A_141 = %scan3A_106 to %scan3A_108 step %scan3A_109  : i32 {
      %mul3A_142 = arith.constant 1 : i32
      %mul3A_143 = arith.muli %scan3A_141, %mul3A_142 : i32
      %add3A_144 = arith.constant 24 : i32
      %add3A_145 = arith.addi %add3A_144, %mul3A_143 : i32
      %dma_wait3A_146 = arith.constant 0 : i32
      %dma_wait3A_147 = tpu.memref_slice %arg18[%add3A_145, %dma_wait3A_146] : memref<32x128xf32, #tpu.memory_space<vmem>> -> memref<1x128xf32, #tpu.memory_space<vmem>>
      %dma_wait3A_148 = tpu.memref_squeeze %dma_wait3A_147 : memref<1x128xf32, #tpu.memory_space<vmem>> -> memref<128xf32, #tpu.memory_space<vmem>>
      %dma_wait3A_149 = arith.constant 0 : i32
      %dma_wait3A_150 = tpu.memref_slice %arg17[%add3A_145, %dma_wait3A_149] : memref<32x128xi32, #tpu.memory_space<vmem>> -> memref<1x128xi32, #tpu.memory_space<vmem>>
      %dma_wait3A_151 = tpu.memref_squeeze %dma_wait3A_150 : memref<1x128xi32, #tpu.memory_space<vmem>> -> memref<128xi32, #tpu.memory_space<vmem>>
      %dma_wait3A_152 = arith.constant 0 : i32
      %dma_wait3A_153 = tpu.memref_slice %arg6[%dma_wait3A_152] : memref<492544xf32, #tpu.memory_space<hbm>> -> memref<492544xf32, #tpu.memory_space<hbm>>
      tpu.wait_indirect_dma semaphore(%arg27 : memref<!tpu.dma_semaphore, #tpu.memory_space<semaphore_mem>>) src(%dma_wait3A_153 : memref<492544xf32, #tpu.memory_space<hbm>>) dst(%dma_wait3A_148 : memref<128xf32, #tpu.memory_space<vmem>>)
    }
    %scan3A_110 = arith.constant 8 : i32
    %scan3A_111 = arith.constant 0 : i32
    %scan3A_112 = arith.constant 8 : i32
    %scan3A_113 = arith.addi %scan3A_111, %scan3A_112 : i32
    %scan3A_114 = arith.constant 1 : i32
    scf.for %scan3A_141 = %scan3A_111 to %scan3A_113 step %scan3A_114  : i32 {
      %mul3A_142 = arith.constant 1 : i32
      %mul3A_143 = arith.muli %scan3A_141, %mul3A_142 : i32
      %add3A_144 = arith.constant 24 : i32
      %add3A_145 = arith.addi %add3A_144, %mul3A_143 : i32
      %mul3A_146 = arith.constant 128 : i32
      %mul3A_147 = arith.muli %add3A_145, %mul3A_146 : i32
      %add3A_148 = arith.constant 0 : i32
      %add3A_149 = arith.addi %mul3A_147, %add3A_148 : i32
      %get3A = arith.index_cast %add3A_145 : i32 to index
      %get3A_150 = arith.constant 0 : index
      %get3A_151 = tpu.vector_load %arg18[%get3A, %get3A_150] {strides = array<i32>} : memref<32x128xf32, #tpu.memory_space<vmem>>, vector<16xf32>,
      %get3A_152 = arith.index_cast %add3A_149 : i32 to index
      %get3A_153 = tpu.vector_load %arg15[%get3A_152] {strides = array<i32>} : memref<4096xi32, #tpu.memory_space<vmem>>, vector<16xi32>,
      %get3A_154 = arith.index_cast %add3A_149 : i32 to index
      %get3A_155 = tpu.vector_load %arg14[%get3A_154] {strides = array<i32>} : memref<4096xi32, #tpu.memory_space<vmem>>, vector<16xi32>,
      %gather3A = tpu.vector_load_idx %arg11[%get3A_153] : memref<10240xf32, #tpu.memory_space<vmem>>[vector<16xi32>], vector<16xf32>,
      %gather3A_156 = tpu.vector_load_idx %arg12[%get3A_155] : memref<128xf32, #tpu.memory_space<vmem>>[vector<16xi32>], vector<16xf32>,
      %sub3A = arith.subf %gather3A, %gather3A_156 : vector<16xf32>
      %exp3A = math.exp %get3A_151 : vector<16xf32>
      %swap3A = arith.index_cast %add3A_145 : i32 to index
      %swap3A_157 = arith.constant 0 : index
      %swap3A_158 = tpu.vector_load %arg19[%swap3A, %swap3A_157] {strides = array<i32>} : memref<32x128xf32, #tpu.memory_space<vmem>>, vector<16xf32>,
      tpu.vector_store %arg19[%swap3A, %swap3A_157], %exp3A {strides = array<i32>} : memref<32x128xf32, #tpu.memory_space<vmem>>, vector<16xf32>,
      %mul3A_159 = arith.mulf %exp3A, %sub3A : vector<16xf32>
      %swap3A_160 = arith.index_cast %add3A_145 : i32 to index
      %swap3A_161 = arith.constant 0 : index
      %swap3A_162 = tpu.vector_load %arg20[%swap3A_160, %swap3A_161] {strides = array<i32>} : memref<32x128xf32, #tpu.memory_space<vmem>>, vector<16xf32>,
      tpu.vector_store %arg20[%swap3A_160, %swap3A_161], %mul3A_159 {strides = array<i32>} : memref<32x128xf32, #tpu.memory_space<vmem>>, vector<16xf32>,
      %mul3A_163 = arith.constant 128 : i32
      %mul3A_164 = arith.muli %add3A_145, %mul3A_163 : i32
      %add3A_165 = arith.constant 16 : i32
      %add3A_166 = arith.addi %mul3A_164, %add3A_165 : i32
      %get3A_167 = arith.index_cast %add3A_145 : i32 to index
      %get3A_168 = arith.constant 16 : index
      %get3A_169 = tpu.vector_load %arg18[%get3A_167, %get3A_168] {strides = array<i32>} : memref<32x128xf32, #tpu.memory_space<vmem>>, vector<16xf32>,
      %get3A_170 = arith.index_cast %add3A_166 : i32 to index
      %get3A_171 = tpu.vector_load %arg15[%get3A_170] {strides = array<i32>} : memref<4096xi32, #tpu.memory_space<vmem>>, vector<16xi32>,
      %get3A_172 = arith.index_cast %add3A_166 : i32 to index
      %get3A_173 = tpu.vector_load %arg14[%get3A_172] {strides = array<i32>} : memref<4096xi32, #tpu.memory_space<vmem>>, vector<16xi32>,
      %gather3A_174 = tpu.vector_load_idx %arg11[%get3A_171] : memref<10240xf32, #tpu.memory_space<vmem>>[vector<16xi32>], vector<16xf32>,
      %gather3A_175 = tpu.vector_load_idx %arg12[%get3A_173] : memref<128xf32, #tpu.memory_space<vmem>>[vector<16xi32>], vector<16xf32>,
      %sub3A_176 = arith.subf %gather3A_174, %gather3A_175 : vector<16xf32>
      %exp3A_177 = math.exp %get3A_169 : vector<16xf32>
      %swap3A_178 = arith.index_cast %add3A_145 : i32 to index
      %swap3A_179 = arith.constant 16 : index
      %swap3A_180 = tpu.vector_load %arg19[%swap3A_178, %swap3A_179] {strides = array<i32>} : memref<32x128xf32, #tpu.memory_space<vmem>>, vector<16xf32>,
      tpu.vector_store %arg19[%swap3A_178, %swap3A_179], %exp3A_177 {strides = array<i32>} : memref<32x128xf32, #tpu.memory_space<vmem>>, vector<16xf32>,
      %mul3A_181 = arith.mulf %exp3A_177, %sub3A_176 : vector<16xf32>
      %swap3A_182 = arith.index_cast %add3A_145 : i32 to index
      %swap3A_183 = arith.constant 16 : index
      %swap3A_184 = tpu.vector_load %arg20[%swap3A_182, %swap3A_183] {strides = array<i32>} : memref<32x128xf32, #tpu.memory_space<vmem>>, vector<16xf32>,
      tpu.vector_store %arg20[%swap3A_182, %swap3A_183], %mul3A_181 {strides = array<i32>} : memref<32x128xf32, #tpu.memory_space<vmem>>, vector<16xf32>,
      %mul3A_185 = arith.constant 128 : i32
      %mul3A_186 = arith.muli %add3A_145, %mul3A_185 : i32
      %add3A_187 = arith.constant 32 : i32
      %add3A_188 = arith.addi %mul3A_186, %add3A_187 : i32
      %get3A_189 = arith.index_cast %add3A_145 : i32 to index
      %get3A_190 = arith.constant 32 : index
      %get3A_191 = tpu.vector_load %arg18[%get3A_189, %get3A_190] {strides = array<i32>} : memref<32x128xf32, #tpu.memory_space<vmem>>, vector<16xf32>,
      %get3A_192 = arith.index_cast %add3A_188 : i32 to index
      %get3A_193 = tpu.vector_load %arg15[%get3A_192] {strides = array<i32>} : memref<4096xi32, #tpu.memory_space<vmem>>, vector<16xi32>,
      %get3A_194 = arith.index_cast %add3A_188 : i32 to index
      %get3A_195 = tpu.vector_load %arg14[%get3A_194] {strides = array<i32>} : memref<4096xi32, #tpu.memory_space<vmem>>, vector<16xi32>,
      %gather3A_196 = tpu.vector_load_idx %arg11[%get3A_193] : memref<10240xf32, #tpu.memory_space<vmem>>[vector<16xi32>], vector<16xf32>,
      %gather3A_197 = tpu.vector_load_idx %arg12[%get3A_195] : memref<128xf32, #tpu.memory_space<vmem>>[vector<16xi32>], vector<16xf32>,
      %sub3A_198 = arith.subf %gather3A_196, %gather3A_197 : vector<16xf32>
      %exp3A_199 = math.exp %get3A_191 : vector<16xf32>
      %swap3A_200 = arith.index_cast %add3A_145 : i32 to index
      %swap3A_201 = arith.constant 32 : index
      %swap3A_202 = tpu.vector_load %arg19[%swap3A_200, %swap3A_201] {strides = array<i32>} : memref<32x128xf32, #tpu.memory_space<vmem>>, vector<16xf32>,
      tpu.vector_store %arg19[%swap3A_200, %swap3A_201], %exp3A_199 {strides = array<i32>} : memref<32x128xf32, #tpu.memory_space<vmem>>, vector<16xf32>,
      %mul3A_203 = arith.mulf %exp3A_199, %sub3A_198 : vector<16xf32>
      %swap3A_204 = arith.index_cast %add3A_145 : i32 to index
      %swap3A_205 = arith.constant 32 : index
      %swap3A_206 = tpu.vector_load %arg20[%swap3A_204, %swap3A_205] {strides = array<i32>} : memref<32x128xf32, #tpu.memory_space<vmem>>, vector<16xf32>,
      tpu.vector_store %arg20[%swap3A_204, %swap3A_205], %mul3A_203 {strides = array<i32>} : memref<32x128xf32, #tpu.memory_space<vmem>>, vector<16xf32>,
      %mul3A_207 = arith.constant 128 : i32
      %mul3A_208 = arith.muli %add3A_145, %mul3A_207 : i32
      %add3A_209 = arith.constant 48 : i32
      %add3A_210 = arith.addi %mul3A_208, %add3A_209 : i32
      %get3A_211 = arith.index_cast %add3A_145 : i32 to index
      %get3A_212 = arith.constant 48 : index
      %get3A_213 = tpu.vector_load %arg18[%get3A_211, %get3A_212] {strides = array<i32>} : memref<32x128xf32, #tpu.memory_space<vmem>>, vector<16xf32>,
      %get3A_214 = arith.index_cast %add3A_210 : i32 to index
      %get3A_215 = tpu.vector_load %arg15[%get3A_214] {strides = array<i32>} : memref<4096xi32, #tpu.memory_space<vmem>>, vector<16xi32>,
      %get3A_216 = arith.index_cast %add3A_210 : i32 to index
      %get3A_217 = tpu.vector_load %arg14[%get3A_216] {strides = array<i32>} : memref<4096xi32, #tpu.memory_space<vmem>>, vector<16xi32>,
      %gather3A_218 = tpu.vector_load_idx %arg11[%get3A_215] : memref<10240xf32, #tpu.memory_space<vmem>>[vector<16xi32>], vector<16xf32>,
      %gather3A_219 = tpu.vector_load_idx %arg12[%get3A_217] : memref<128xf32, #tpu.memory_space<vmem>>[vector<16xi32>], vector<16xf32>,
      %sub3A_220 = arith.subf %gather3A_218, %gather3A_219 : vector<16xf32>
      %exp3A_221 = math.exp %get3A_213 : vector<16xf32>
      %swap3A_222 = arith.index_cast %add3A_145 : i32 to index
      %swap3A_223 = arith.constant 48 : index
      %swap3A_224 = tpu.vector_load %arg19[%swap3A_222, %swap3A_223] {strides = array<i32>} : memref<32x128xf32, #tpu.memory_space<vmem>>, vector<16xf32>,
      tpu.vector_store %arg19[%swap3A_222, %swap3A_223], %exp3A_221 {strides = array<i32>} : memref<32x128xf32, #tpu.memory_space<vmem>>, vector<16xf32>,
      %mul3A_225 = arith.mulf %exp3A_221, %sub3A_220 : vector<16xf32>
      %swap3A_226 = arith.index_cast %add3A_145 : i32 to index
      %swap3A_227 = arith.constant 48 : index
      %swap3A_228 = tpu.vector_load %arg20[%swap3A_226, %swap3A_227] {strides = array<i32>} : memref<32x128xf32, #tpu.memory_space<vmem>>, vector<16xf32>,
      tpu.vector_store %arg20[%swap3A_226, %swap3A_227], %mul3A_225 {strides = array<i32>} : memref<32x128xf32, #tpu.memory_space<vmem>>, vector<16xf32>,
      %mul3A_229 = arith.constant 128 : i32
      %mul3A_230 = arith.muli %add3A_145, %mul3A_229 : i32
      %add3A_231 = arith.constant 64 : i32
      %add3A_232 = arith.addi %mul3A_230, %add3A_231 : i32
      %get3A_233 = arith.index_cast %add3A_145 : i32 to index
      %get3A_234 = arith.constant 64 : index
      %get3A_235 = tpu.vector_load %arg18[%get3A_233, %get3A_234] {strides = array<i32>} : memref<32x128xf32, #tpu.memory_space<vmem>>, vector<16xf32>,
      %get3A_236 = arith.index_cast %add3A_232 : i32 to index
      %get3A_237 = tpu.vector_load %arg15[%get3A_236] {strides = array<i32>} : memref<4096xi32, #tpu.memory_space<vmem>>, vector<16xi32>,
      %get3A_238 = arith.index_cast %add3A_232 : i32 to index
      %get3A_239 = tpu.vector_load %arg14[%get3A_238] {strides = array<i32>} : memref<4096xi32, #tpu.memory_space<vmem>>, vector<16xi32>,
      %gather3A_240 = tpu.vector_load_idx %arg11[%get3A_237] : memref<10240xf32, #tpu.memory_space<vmem>>[vector<16xi32>], vector<16xf32>,
      %gather3A_241 = tpu.vector_load_idx %arg12[%get3A_239] : memref<128xf32, #tpu.memory_space<vmem>>[vector<16xi32>], vector<16xf32>,
      %sub3A_242 = arith.subf %gather3A_240, %gather3A_241 : vector<16xf32>
      %exp3A_243 = math.exp %get3A_235 : vector<16xf32>
      %swap3A_244 = arith.index_cast %add3A_145 : i32 to index
      %swap3A_245 = arith.constant 64 : index
      %swap3A_246 = tpu.vector_load %arg19[%swap3A_244, %swap3A_245] {strides = array<i32>} : memref<32x128xf32, #tpu.memory_space<vmem>>, vector<16xf32>,
      tpu.vector_store %arg19[%swap3A_244, %swap3A_245], %exp3A_243 {strides = array<i32>} : memref<32x128xf32, #tpu.memory_space<vmem>>, vector<16xf32>,
      %mul3A_247 = arith.mulf %exp3A_243, %sub3A_242 : vector<16xf32>
      %swap3A_248 = arith.index_cast %add3A_145 : i32 to index
      %swap3A_249 = arith.constant 64 : index
      %swap3A_250 = tpu.vector_load %arg20[%swap3A_248, %swap3A_249] {strides = array<i32>} : memref<32x128xf32, #tpu.memory_space<vmem>>, vector<16xf32>,
      tpu.vector_store %arg20[%swap3A_248, %swap3A_249], %mul3A_247 {strides = array<i32>} : memref<32x128xf32, #tpu.memory_space<vmem>>, vector<16xf32>,
      %mul3A_251 = arith.constant 128 : i32
      %mul3A_252 = arith.muli %add3A_145, %mul3A_251 : i32
      %add3A_253 = arith.constant 80 : i32
      %add3A_254 = arith.addi %mul3A_252, %add3A_253 : i32
      %get3A_255 = arith.index_cast %add3A_145 : i32 to index
      %get3A_256 = arith.constant 80 : index
      %get3A_257 = tpu.vector_load %arg18[%get3A_255, %get3A_256] {strides = array<i32>} : memref<32x128xf32, #tpu.memory_space<vmem>>, vector<16xf32>,
      %get3A_258 = arith.index_cast %add3A_254 : i32 to index
      %get3A_259 = tpu.vector_load %arg15[%get3A_258] {strides = array<i32>} : memref<4096xi32, #tpu.memory_space<vmem>>, vector<16xi32>,
      %get3A_260 = arith.index_cast %add3A_254 : i32 to index
      %get3A_261 = tpu.vector_load %arg14[%get3A_260] {strides = array<i32>} : memref<4096xi32, #tpu.memory_space<vmem>>, vector<16xi32>,
      %gather3A_262 = tpu.vector_load_idx %arg11[%get3A_259] : memref<10240xf32, #tpu.memory_space<vmem>>[vector<16xi32>], vector<16xf32>,
      %gather3A_263 = tpu.vector_load_idx %arg12[%get3A_261] : memref<128xf32, #tpu.memory_space<vmem>>[vector<16xi32>], vector<16xf32>,
      %sub3A_264 = arith.subf %gather3A_262, %gather3A_263 : vector<16xf32>
      %exp3A_265 = math.exp %get3A_257 : vector<16xf32>
      %swap3A_266 = arith.index_cast %add3A_145 : i32 to index
      %swap3A_267 = arith.constant 80 : index
      %swap3A_268 = tpu.vector_load %arg19[%swap3A_266, %swap3A_267] {strides = array<i32>} : memref<32x128xf32, #tpu.memory_space<vmem>>, vector<16xf32>,
      tpu.vector_store %arg19[%swap3A_266, %swap3A_267], %exp3A_265 {strides = array<i32>} : memref<32x128xf32, #tpu.memory_space<vmem>>, vector<16xf32>,
      %mul3A_269 = arith.mulf %exp3A_265, %sub3A_264 : vector<16xf32>
      %swap3A_270 = arith.index_cast %add3A_145 : i32 to index
      %swap3A_271 = arith.constant 80 : index
      %swap3A_272 = tpu.vector_load %arg20[%swap3A_270, %swap3A_271] {strides = array<i32>} : memref<32x128xf32, #tpu.memory_space<vmem>>, vector<16xf32>,
      tpu.vector_store %arg20[%swap3A_270, %swap3A_271], %mul3A_269 {strides = array<i32>} : memref<32x128xf32, #tpu.memory_space<vmem>>, vector<16xf32>,
      %mul3A_273 = arith.constant 128 : i32
      %mul3A_274 = arith.muli %add3A_145, %mul3A_273 : i32
      %add3A_275 = arith.constant 96 : i32
      %add3A_276 = arith.addi %mul3A_274, %add3A_275 : i32
      %get3A_277 = arith.index_cast %add3A_145 : i32 to index
      %get3A_278 = arith.constant 96 : index
      %get3A_279 = tpu.vector_load %arg18[%get3A_277, %get3A_278] {strides = array<i32>} : memref<32x128xf32, #tpu.memory_space<vmem>>, vector<16xf32>,
      %get3A_280 = arith.index_cast %add3A_276 : i32 to index
      %get3A_281 = tpu.vector_load %arg15[%get3A_280] {strides = array<i32>} : memref<4096xi32, #tpu.memory_space<vmem>>, vector<16xi32>,
      %get3A_282 = arith.index_cast %add3A_276 : i32 to index
      %get3A_283 = tpu.vector_load %arg14[%get3A_282] {strides = array<i32>} : memref<4096xi32, #tpu.memory_space<vmem>>, vector<16xi32>,
      %gather3A_284 = tpu.vector_load_idx %arg11[%get3A_281] : memref<10240xf32, #tpu.memory_space<vmem>>[vector<16xi32>], vector<16xf32>,
      %gather3A_285 = tpu.vector_load_idx %arg12[%get3A_283] : memref<128xf32, #tpu.memory_space<vmem>>[vector<16xi32>], vector<16xf32>,
      %sub3A_286 = arith.subf %gather3A_284, %gather3A_285 : vector<16xf32>
      %exp3A_287 = math.exp %get3A_279 : vector<16xf32>
      %swap3A_288 = arith.index_cast %add3A_145 : i32 to index
      %swap3A_289 = arith.constant 96 : index
      %swap3A_290 = tpu.vector_load %arg19[%swap3A_288, %swap3A_289] {strides = array<i32>} : memref<32x128xf32, #tpu.memory_space<vmem>>, vector<16xf32>,
      tpu.vector_store %arg19[%swap3A_288, %swap3A_289], %exp3A_287 {strides = array<i32>} : memref<32x128xf32, #tpu.memory_space<vmem>>, vector<16xf32>,
      %mul3A_291 = arith.mulf %exp3A_287, %sub3A_286 : vector<16xf32>
      %swap3A_292 = arith.index_cast %add3A_145 : i32 to index
      %swap3A_293 = arith.constant 96 : index
      %swap3A_294 = tpu.vector_load %arg20[%swap3A_292, %swap3A_293] {strides = array<i32>} : memref<32x128xf32, #tpu.memory_space<vmem>>, vector<16xf32>,
      tpu.vector_store %arg20[%swap3A_292, %swap3A_293], %mul3A_291 {strides = array<i32>} : memref<32x128xf32, #tpu.memory_space<vmem>>, vector<16xf32>,
      %mul3A_295 = arith.constant 128 : i32
      %mul3A_296 = arith.muli %add3A_145, %mul3A_295 : i32
      %add3A_297 = arith.constant 112 : i32
      %add3A_298 = arith.addi %mul3A_296, %add3A_297 : i32
      %get3A_299 = arith.index_cast %add3A_145 : i32 to index
      %get3A_300 = arith.constant 112 : index
      %get3A_301 = tpu.vector_load %arg18[%get3A_299, %get3A_300] {strides = array<i32>} : memref<32x128xf32, #tpu.memory_space<vmem>>, vector<16xf32>,
      %get3A_302 = arith.index_cast %add3A_298 : i32 to index
      %get3A_303 = tpu.vector_load %arg15[%get3A_302] {strides = array<i32>} : memref<4096xi32, #tpu.memory_space<vmem>>, vector<16xi32>,
      %get3A_304 = arith.index_cast %add3A_298 : i32 to index
      %get3A_305 = tpu.vector_load %arg14[%get3A_304] {strides = array<i32>} : memref<4096xi32, #tpu.memory_space<vmem>>, vector<16xi32>,
      %gather3A_306 = tpu.vector_load_idx %arg11[%get3A_303] : memref<10240xf32, #tpu.memory_space<vmem>>[vector<16xi32>], vector<16xf32>,
      %gather3A_307 = tpu.vector_load_idx %arg12[%get3A_305] : memref<128xf32, #tpu.memory_space<vmem>>[vector<16xi32>], vector<16xf32>,
      %sub3A_308 = arith.subf %gather3A_306, %gather3A_307 : vector<16xf32>
      %exp3A_309 = math.exp %get3A_301 : vector<16xf32>
      %swap3A_310 = arith.index_cast %add3A_145 : i32 to index
      %swap3A_311 = arith.constant 112 : index
      %swap3A_312 = tpu.vector_load %arg19[%swap3A_310, %swap3A_311] {strides = array<i32>} : memref<32x128xf32, #tpu.memory_space<vmem>>, vector<16xf32>,
      tpu.vector_store %arg19[%swap3A_310, %swap3A_311], %exp3A_309 {strides = array<i32>} : memref<32x128xf32, #tpu.memory_space<vmem>>, vector<16xf32>,
      %mul3A_313 = arith.mulf %exp3A_309, %sub3A_308 : vector<16xf32>
      %swap3A_314 = arith.index_cast %add3A_145 : i32 to index
      %swap3A_315 = arith.constant 112 : index
      %swap3A_316 = tpu.vector_load %arg20[%swap3A_314, %swap3A_315] {strides = array<i32>} : memref<32x128xf32, #tpu.memory_space<vmem>>, vector<16xf32>,
      tpu.vector_store %arg20[%swap3A_314, %swap3A_315], %mul3A_313 {strides = array<i32>} : memref<32x128xf32, #tpu.memory_space<vmem>>, vector<16xf32>,
    }
    %scan3A_115 = arith.constant 8 : i32
    %scan3A_116 = arith.constant 0 : i32
    %scan3A_117 = arith.constant 8 : i32
    %scan3A_118 = arith.addi %scan3A_116, %scan3A_117 : i32
    %scan3A_119 = arith.constant 1 : i32
    scf.for %scan3A_141 = %scan3A_116 to %scan3A_118 step %scan3A_119  : i32 {
      %mul3A_142 = arith.constant 1 : i32
      %mul3A_143 = arith.muli %scan3A_141, %mul3A_142 : i32
      %add3A_144 = arith.constant 24 : i32
      %add3A_145 = arith.addi %add3A_144, %mul3A_143 : i32
      %dma_start3A_146 = arith.constant 0 : i32
      %dma_start3A_147 = tpu.memref_slice %arg19[%add3A_145, %dma_start3A_146] : memref<32x128xf32, #tpu.memory_space<vmem>> -> memref<1x128xf32, #tpu.memory_space<vmem>>
      %dma_start3A_148 = tpu.memref_squeeze %dma_start3A_147 : memref<1x128xf32, #tpu.memory_space<vmem>> -> memref<128xf32, #tpu.memory_space<vmem>>
      %dma_start3A_149 = arith.constant 0 : i32
      %dma_start3A_150 = tpu.memref_slice %arg16[%add3A_145, %dma_start3A_149] : memref<32x128xi32, #tpu.memory_space<vmem>> -> memref<1x128xi32, #tpu.memory_space<vmem>>
      %dma_start3A_151 = tpu.memref_squeeze %dma_start3A_150 : memref<1x128xi32, #tpu.memory_space<vmem>> -> memref<128xi32, #tpu.memory_space<vmem>>
      %dma_start3A_152 = arith.constant 0 : i32
      %dma_start3A_153 = tpu.memref_slice %arg22[%dma_start3A_152] : memref<16384xf32, #tpu.memory_space<vmem_shared>> -> memref<16384xf32, #tpu.memory_space<vmem_shared>>
      tpu.enqueue_indirect_dma source(%dma_start3A_148 : memref<128xf32, #tpu.memory_space<vmem>>) target(%dma_start3A_153 : memref<16384xf32, #tpu.memory_space<vmem_shared>>) offsets(%dma_start3A_151 : memref<128xi32, #tpu.memory_space<vmem>>) semaphore(%arg28 : memref<!tpu.dma_semaphore, #tpu.memory_space<semaphore_mem>>) {add = true}
      %dma_start3A_154 = arith.constant 0 : i32
      %dma_start3A_155 = tpu.memref_slice %arg20[%add3A_145, %dma_start3A_154] : memref<32x128xf32, #tpu.memory_space<vmem>> -> memref<1x128xf32, #tpu.memory_space<vmem>>
      %dma_start3A_156 = tpu.memref_squeeze %dma_start3A_155 : memref<1x128xf32, #tpu.memory_space<vmem>> -> memref<128xf32, #tpu.memory_space<vmem>>
      %dma_start3A_157 = arith.constant 0 : i32
      %dma_start3A_158 = tpu.memref_slice %arg16[%add3A_145, %dma_start3A_157] : memref<32x128xi32, #tpu.memory_space<vmem>> -> memref<1x128xi32, #tpu.memory_space<vmem>>
      %dma_start3A_159 = tpu.memref_squeeze %dma_start3A_158 : memref<1x128xi32, #tpu.memory_space<vmem>> -> memref<128xi32, #tpu.memory_space<vmem>>
      %dma_start3A_160 = arith.constant 0 : i32
      %dma_start3A_161 = tpu.memref_slice %arg23[%dma_start3A_160] : memref<16384xf32, #tpu.memory_space<vmem_shared>> -> memref<16384xf32, #tpu.memory_space<vmem_shared>>
      tpu.enqueue_indirect_dma source(%dma_start3A_156 : memref<128xf32, #tpu.memory_space<vmem>>) target(%dma_start3A_161 : memref<16384xf32, #tpu.memory_space<vmem_shared>>) offsets(%dma_start3A_159 : memref<128xi32, #tpu.memory_space<vmem>>) semaphore(%arg28 : memref<!tpu.dma_semaphore, #tpu.memory_space<semaphore_mem>>) {add = true}
    }
    %scan3A_120 = arith.constant 8 : i32
    %scan3A_121 = arith.constant 0 : i32
    %scan3A_122 = arith.constant 32 : i32
    %scan3A_123 = arith.addi %scan3A_121, %scan3A_122 : i32
    %scan3A_124 = arith.constant 1 : i32
    scf.for %scan3A_141 = %scan3A_121 to %scan3A_123 step %scan3A_124  : i32 {
      %mul3A_142 = arith.constant 1 : i32
      %mul3A_143 = arith.muli %scan3A_141, %mul3A_142 : i32
      %add3A_144 = arith.constant 0 : i32
      %add3A_145 = arith.addi %add3A_144, %mul3A_143 : i32
      %dma_wait3A_146 = arith.constant 0 : i32
      %dma_wait3A_147 = tpu.memref_slice %arg19[%add3A_145, %dma_wait3A_146] : memref<32x128xf32, #tpu.memory_space<vmem>> -> memref<1x128xf32, #tpu.memory_space<vmem>>
      %dma_wait3A_148 = tpu.memref_squeeze %dma_wait3A_147 : memref<1x128xf32, #tpu.memory_space<vmem>> -> memref<128xf32, #tpu.memory_space<vmem>>
      %dma_wait3A_149 = arith.constant 0 : i32
      %dma_wait3A_150 = tpu.memref_slice %arg16[%add3A_145, %dma_wait3A_149] : memref<32x128xi32, #tpu.memory_space<vmem>> -> memref<1x128xi32, #tpu.memory_space<vmem>>
      %dma_wait3A_151 = tpu.memref_squeeze %dma_wait3A_150 : memref<1x128xi32, #tpu.memory_space<vmem>> -> memref<128xi32, #tpu.memory_space<vmem>>
      %dma_wait3A_152 = arith.constant 0 : i32
      %dma_wait3A_153 = tpu.memref_slice %arg22[%dma_wait3A_152] : memref<16384xf32, #tpu.memory_space<vmem_shared>> -> memref<16384xf32, #tpu.memory_space<vmem_shared>>
      tpu.wait_indirect_dma semaphore(%arg28 : memref<!tpu.dma_semaphore, #tpu.memory_space<semaphore_mem>>) src(%dma_wait3A_148 : memref<128xf32, #tpu.memory_space<vmem>>) dst(%dma_wait3A_153 : memref<16384xf32, #tpu.memory_space<vmem_shared>>)
      %dma_wait3A_154 = arith.constant 0 : i32
      %dma_wait3A_155 = tpu.memref_slice %arg20[%add3A_145, %dma_wait3A_154] : memref<32x128xf32, #tpu.memory_space<vmem>> -> memref<1x128xf32, #tpu.memory_space<vmem>>
      %dma_wait3A_156 = tpu.memref_squeeze %dma_wait3A_155 : memref<1x128xf32, #tpu.memory_space<vmem>> -> memref<128xf32, #tpu.memory_space<vmem>>
      %dma_wait3A_157 = arith.constant 0 : i32
      %dma_wait3A_158 = tpu.memref_slice %arg16[%add3A_145, %dma_wait3A_157] : memref<32x128xi32, #tpu.memory_space<vmem>> -> memref<1x128xi32, #tpu.memory_space<vmem>>
      %dma_wait3A_159 = tpu.memref_squeeze %dma_wait3A_158 : memref<1x128xi32, #tpu.memory_space<vmem>> -> memref<128xi32, #tpu.memory_space<vmem>>
      %dma_wait3A_160 = arith.constant 0 : i32
      %dma_wait3A_161 = tpu.memref_slice %arg23[%dma_wait3A_160] : memref<16384xf32, #tpu.memory_space<vmem_shared>> -> memref<16384xf32, #tpu.memory_space<vmem_shared>>
      tpu.wait_indirect_dma semaphore(%arg28 : memref<!tpu.dma_semaphore, #tpu.memory_space<semaphore_mem>>) src(%dma_wait3A_156 : memref<128xf32, #tpu.memory_space<vmem>>) dst(%dma_wait3A_161 : memref<16384xf32, #tpu.memory_space<vmem_shared>>)
    }
    %scan3A_125 = arith.constant 32 : i32
    %barrier3A_126 = arith.constant 0 : index
    tpu.barrier barrier_id(%barrier3A_126)
    %mul3A_127 = arith.constant 1024 : i32
    %mul3A_128 = arith.muli %arg1, %mul3A_127 : i32
    %mul3A_129 = arith.constant 2 : i32
    %mul3A_130 = arith.muli %mul3A_129, %arg0 : i32
    %mul3A_131 = arith.constant 1024 : i32
    %mul3A_132 = arith.muli %arg1, %mul3A_131 : i32
    "tpu.region"() ({
      %run_scoped3A = tpu.sem_alloc : memref<!tpu.dma_semaphore, #tpu.memory_space<semaphore_mem>>
      %dma_start3A_141 = tpu.memref_slice %arg9[%mul3A_130, %mul3A_132] : memref<4x16384xf32, #tpu.memory_space<hbm>> -> memref<1x1024xf32, #tpu.memory_space<hbm>>
      %dma_start3A_142 = tpu.memref_squeeze %dma_start3A_141 : memref<1x1024xf32, #tpu.memory_space<hbm>> -> memref<1024xf32, #tpu.memory_space<hbm>>
      %dma_start3A_143 = tpu.memref_slice %arg22[%mul3A_128] : memref<16384xf32, #tpu.memory_space<vmem_shared>> -> memref<1024xf32, #tpu.memory_space<vmem_shared>>
      tpu.enqueue_dma source(%dma_start3A_143 : memref<1024xf32, #tpu.memory_space<vmem_shared>>) target(%dma_start3A_142 : memref<1024xf32, #tpu.memory_space<hbm>>) target_semaphore(%run_scoped3A : memref<!tpu.dma_semaphore, #tpu.memory_space<semaphore_mem>>)
      %dma_wait3A_144 = tpu.memref_slice %arg9[%mul3A_130, %mul3A_132] : memref<4x16384xf32, #tpu.memory_space<hbm>> -> memref<1x1024xf32, #tpu.memory_space<hbm>>
      %dma_wait3A_145 = tpu.memref_squeeze %dma_wait3A_144 : memref<1x1024xf32, #tpu.memory_space<hbm>> -> memref<1024xf32, #tpu.memory_space<hbm>>
      %dma_wait3A_146 = tpu.memref_slice %arg22[%mul3A_128] : memref<16384xf32, #tpu.memory_space<vmem_shared>> -> memref<1024xf32, #tpu.memory_space<vmem_shared>>
      tpu.wait_dma2 semaphore(%run_scoped3A : memref<!tpu.dma_semaphore, #tpu.memory_space<semaphore_mem>>) src(%dma_wait3A_146 : memref<1024xf32, #tpu.memory_space<vmem_shared>>) dst(%dma_wait3A_145 : memref<1024xf32, #tpu.memory_space<hbm>>)
      tpu.yield
    }) : () -> ()
    %mul3A_133 = arith.constant 1024 : i32
    %mul3A_134 = arith.muli %arg1, %mul3A_133 : i32
    %mul3A_135 = arith.constant 2 : i32
    %mul3A_136 = arith.muli %mul3A_135, %arg0 : i32
    %add3A_137 = arith.constant 1 : i32
    %add3A_138 = arith.addi %mul3A_136, %add3A_137 : i32
    %mul3A_139 = arith.constant 1024 : i32
    %mul3A_140 = arith.muli %arg1, %mul3A_139 : i32
    "tpu.region"() ({
      %run_scoped3A = tpu.sem_alloc : memref<!tpu.dma_semaphore, #tpu.memory_space<semaphore_mem>>
      %dma_start3A_141 = tpu.memref_slice %arg9[%add3A_138, %mul3A_140] : memref<4x16384xf32, #tpu.memory_space<hbm>> -> memref<1x1024xf32, #tpu.memory_space<hbm>>
      %dma_start3A_142 = tpu.memref_squeeze %dma_start3A_141 : memref<1x1024xf32, #tpu.memory_space<hbm>> -> memref<1024xf32, #tpu.memory_space<hbm>>
      %dma_start3A_143 = tpu.memref_slice %arg23[%mul3A_134] : memref<16384xf32, #tpu.memory_space<vmem_shared>> -> memref<1024xf32, #tpu.memory_space<vmem_shared>>
      tpu.enqueue_dma source(%dma_start3A_143 : memref<1024xf32, #tpu.memory_space<vmem_shared>>) target(%dma_start3A_142 : memref<1024xf32, #tpu.memory_space<hbm>>) target_semaphore(%run_scoped3A : memref<!tpu.dma_semaphore, #tpu.memory_space<semaphore_mem>>)
      %dma_wait3A_144 = tpu.memref_slice %arg9[%add3A_138, %mul3A_140] : memref<4x16384xf32, #tpu.memory_space<hbm>> -> memref<1x1024xf32, #tpu.memory_space<hbm>>
      %dma_wait3A_145 = tpu.memref_squeeze %dma_wait3A_144 : memref<1x1024xf32, #tpu.memory_space<hbm>> -> memref<1024xf32, #tpu.memory_space<hbm>>
      %dma_wait3A_146 = tpu.memref_slice %arg23[%mul3A_134] : memref<16384xf32, #tpu.memory_space<vmem_shared>> -> memref<1024xf32, #tpu.memory_space<vmem_shared>>
      tpu.wait_dma2 semaphore(%run_scoped3A : memref<!tpu.dma_semaphore, #tpu.memory_space<semaphore_mem>>) src(%dma_wait3A_146 : memref<1024xf32, #tpu.memory_space<vmem_shared>>) dst(%dma_wait3A_145 : memref<1024xf32, #tpu.memory_space<hbm>>)
      tpu.yield
    }) : () -> ()
    return
  }
}

module attributes {stable_mosaic.version = 14 : i64} {
  func.func @_precompute_body(%arg0: memref<32x3846xf32, #tpu.memory_space<vmem>>, %arg1: memref<32x60xf32, #tpu.memory_space<vmem>>, %arg2: memref<32x9366xf32, #tpu.memory_space<vmem>>, %arg3: memref<3848x128xf32, #tpu.memory_space<vmem>>, %arg4: memref<1x10240xf32, #tpu.memory_space<vmem>>, %arg5: memref<1x128xf32, #tpu.memory_space<vmem>>) attributes {dimension_semantics = [], scalar_prefetch = 0 : i64, scratch_operands = 0 : i64, tpu.core_type = #tpu.core_type<tc>} {
    %get3A = arith.constant 0 : index
    %get3A_0 = arith.constant 0 : index
    %get3A_1 = vector.load %arg0[%get3A, %get3A_0] : memref<32x3846xf32, #tpu.memory_space<vmem>>, vector<32x3846xf32>
    %get3A_2 = arith.constant 0 : index
    %get3A_3 = arith.constant 0 : index
    %get3A_4 = vector.load %arg1[%get3A_2, %get3A_3] : memref<32x60xf32, #tpu.memory_space<vmem>>, vector<32x60xf32>
    %broadcast_in_dim3A = arith.constant 0.000000e+00 : f32
    %broadcast_in_dim3A_5 = vector.broadcast %broadcast_in_dim3A : f32 to vector<32x68xf32>
    %concatenate3A = tpu.concatenate %get3A_4, %broadcast_in_dim3A_5 in 1 : vector<32x60xf32>, vector<32x68xf32> -> vector<32x128xf32>
    %get3A_6 = arith.constant 0 : index
    %get3A_7 = arith.constant 0 : index
    %get3A_8 = vector.load %arg2[%get3A_6, %get3A_7] : memref<32x9366xf32, #tpu.memory_space<vmem>>, vector<32x9366xf32>
    %dot_general3A = arith.constant dense<0.000000e+00> : vector<3846x128xf32>
    %dot_general3A_9 = tpu.matmul %get3A_1, %concatenate3A, %dot_general3A {dimension_numbers = #tpu.dot_dimension_numbers<[0], [0], [1], [1], [0, 1, 1, 1], [], []>, transpose_lhs_hint = false} : vector<32x3846xf32>, vector<32x128xf32>, vector<3846x128xf32> -> vector<3846x128xf32>
    %broadcast_in_dim3A_10 = arith.constant 0.000000e+00 : f32
    %broadcast_in_dim3A_11 = vector.broadcast %broadcast_in_dim3A_10 : f32 to vector<2x128xf32>
    %concatenate3A_12 = tpu.concatenate %dot_general3A_9, %broadcast_in_dim3A_11 in 0 : vector<3846x128xf32>, vector<2x128xf32> -> vector<3848x128xf32>
    %swap3A = arith.constant 0 : index
    %swap3A_13 = arith.constant 0 : index
    %swap3A_14 = vector.load %arg3[%swap3A, %swap3A_13] : memref<3848x128xf32, #tpu.memory_space<vmem>>, vector<3848x128xf32>
    tpu.vector_store %arg3[%swap3A, %swap3A_13], %concatenate3A_12 {strides = array<i32>} : memref<3848x128xf32, #tpu.memory_space<vmem>>, vector<3848x128xf32>,
    %reduce_sum3A = arith.constant dense<0.000000e+00> : vector<9366xf32>
    %reduce_sum3A_15 = vector.multi_reduction <add>, %get3A_8, %reduce_sum3A [0] : vector<32x9366xf32> to vector<9366xf32>
    %broadcast_in_dim3A_16 = vector.shape_cast %reduce_sum3A_15 : vector<9366xf32> to vector<1x9366xf32>
    %broadcast_in_dim3A_17 = arith.constant 0.000000e+00 : f32
    %broadcast_in_dim3A_18 = vector.broadcast %broadcast_in_dim3A_17 : f32 to vector<1x874xf32>
    %concatenate3A_19 = tpu.concatenate %broadcast_in_dim3A_16, %broadcast_in_dim3A_18 in 1 : vector<1x9366xf32>, vector<1x874xf32> -> vector<1x10240xf32>
    %swap3A_20 = arith.constant 0 : index
    %swap3A_21 = arith.constant 0 : index
    %swap3A_22 = vector.load %arg4[%swap3A_20, %swap3A_21] : memref<1x10240xf32, #tpu.memory_space<vmem>>, vector<1x10240xf32>
    tpu.vector_store %arg4[%swap3A_20, %swap3A_21], %concatenate3A_19 {strides = array<i32>} : memref<1x10240xf32, #tpu.memory_space<vmem>>, vector<1x10240xf32>,
    %reduce_sum3A_23 = arith.constant dense<0.000000e+00> : vector<128xf32>
    %reduce_sum3A_24 = vector.multi_reduction <add>, %concatenate3A, %reduce_sum3A_23 [0] : vector<32x128xf32> to vector<128xf32>
    %broadcast_in_dim3A_25 = vector.shape_cast %reduce_sum3A_24 : vector<128xf32> to vector<1x128xf32>
    %swap3A_26 = arith.constant 0 : index
    %swap3A_27 = arith.constant 0 : index
    %swap3A_28 = vector.load %arg5[%swap3A_26, %swap3A_27] : memref<1x128xf32, #tpu.memory_space<vmem>>, vector<1x128xf32>
    tpu.vector_store %arg5[%swap3A_26, %swap3A_27], %broadcast_in_dim3A_25 {strides = array<i32>} : memref<1x128xf32, #tpu.memory_space<vmem>>, vector<1x128xf32>,
    return
  }
}

module attributes {stable_mosaic.version = 14 : i64} {
  func.func @_combine_body(%arg0: memref<4x16384xf32, #tpu.memory_space<vmem>>, %arg1: memref<32x16384xf32, #tpu.memory_space<vmem>>) attributes {dimension_semantics = [], scalar_prefetch = 0 : i64, scratch_operands = 0 : i64, tpu.core_type = #tpu.core_type<tc>} {
    %get3A = arith.constant 0 : index
    %get3A_0 = arith.constant 0 : index
    %get3A_1 = vector.load %arg0[%get3A, %get3A_0] : memref<4x16384xf32, #tpu.memory_space<vmem>>, vector<4x16384xf32>
    %slice3A = vector.extract_strided_slice %get3A_1 {offsets = [0, 0], sizes = [1, 16384], strides = [1, 1]} : vector<4x16384xf32> to vector<1x16384xf32>
    %slice3A_2 = vector.extract_strided_slice %get3A_1 {offsets = [2, 0], sizes = [1, 16384], strides = [1, 1]} : vector<4x16384xf32> to vector<1x16384xf32>
    %add3A = arith.addf %slice3A, %slice3A_2 : vector<1x16384xf32>
    %slice3A_3 = vector.extract_strided_slice %get3A_1 {offsets = [1, 0], sizes = [1, 16384], strides = [1, 1]} : vector<4x16384xf32> to vector<1x16384xf32>
    %slice3A_4 = vector.extract_strided_slice %get3A_1 {offsets = [3, 0], sizes = [1, 16384], strides = [1, 1]} : vector<4x16384xf32> to vector<1x16384xf32>
    %add3A_5 = arith.addf %slice3A_3, %slice3A_4 : vector<1x16384xf32>
    %gt3A = arith.constant 0.000000e+00 : f32
    %gt3A_6 = vector.broadcast %gt3A : f32 to vector<1x16384xf32>
    %gt3A_7 = arith.cmpf ogt, %add3A, %gt3A_6 : vector<1x16384xf32>
    %div3A = arith.divf %add3A_5, %add3A : vector<1x16384xf32>
    %jit3A = arith.constant 0.000000e+00 : f32
    %broadcast_in_dim3A = vector.broadcast %jit3A : f32 to vector<1x16384xf32>
    %select_n3A = arith.select %gt3A_7, %div3A, %broadcast_in_dim3A : vector<1x16384xi1>, vector<1x16384xf32>
    %broadcast_in_dim3A_8 = vector.shape_cast %select_n3A : vector<1x16384xf32> to vector<1x16384xf32>
    %broadcast_in_dim3A_9 = vector.broadcast %broadcast_in_dim3A_8 : vector<1x16384xf32> to vector<32x16384xf32>
    %swap3A = arith.constant 0 : index
    %swap3A_10 = arith.constant 0 : index
    %swap3A_11 = vector.load %arg1[%swap3A, %swap3A_10] : memref<32x16384xf32, #tpu.memory_space<vmem>>, vector<32x16384xf32>
    tpu.vector_store %arg1[%swap3A, %swap3A_10], %broadcast_in_dim3A_9 {strides = array<i32>} : memref<32x16384xf32, #tpu.memory_space<vmem>>, vector<32x16384xf32>,
    return
  }
}

</mosaic_0001>

<sc_bundles>
// kernel: kernel.5.cloned.1.call-start
scs
__scs_entry_jumppad:
0x0: {  	(pc) =	sbr.rel $0x88, $3  }
0x1: {  	(tag) =	ssettag $0x0;
	lr =	simm.s32 $0x1  }
0x2: {  	[smem:$0x3F9A] =	sst lr;
	_ =	strace $0xD0000000  }
0x3: {  	_ = 	snop  }
0x4: {  	_ = 	snop  }
0x5: {  	_ = 	snop  }
0x6: {  	_ = 	snop  }
0x7: {  	_ = 	snop  }
__scs_overlays_trampoline_lowered:
0x8: {  	[smem:$0x3FA9] =	sst s0  }
0x9: {  	[smem:$0x3FAA] =	sst s1  }
0xa: {  	[smem:$0x3FAB] =	sst s2  }
0xb: {  	[smem:$0x3FAC] =	sst s3  }
0xc: {  	[smem:$0x3FAD] =	sst s4  }
0xd: {  	[smem:$0x3FAE] =	sst s5  }
0xe: {  	[smem:$0x3FAF] =	sst s6  }
0xf: {  	[smem:$0x3FB0] =	sst s7  }
0x10: {  	[smem:$0x3FB1] =	sst s8  }
0x11: {  	[smem:$0x3FB2] =	sst s9;
	s0 =	simm.s32 @!p0 $0x0  }
0x12: {  	s1 =	sld [smem:$0x3F98];
	s0 =	simm.s32 @p0 $0x1  }
0x13: {  	[smem:$0x3FB3] =	sst s0;
	s0 =	simm.s32 @!p1 $0x0  }
0x14: {  	s2 =	sld [smem:$0x3F97];
	s0 =	simm.s32 @p1 $0x1  }
0x15: {  	[smem:$0x3FB4] =	sst s0;
	s0 =	simm.s32 @!p2 $0x0  }
0x16: {  	s3 =	sld [smem:$0x3FDB];
	s0 =	simm.s32 @p2 $0x1  }
0x17: {  	s4 =	simm.s32 $0x1BF5;
	[smem:$0x3FB6] =	sst s0  }
0x18: {  	s0 =	sld [smem:$0x3F99];
	_ =	swait.ge [sflag:s4], $0x0  }
0x19: {  	s7 =	sld [smem:$0x3F9A]  }
0x1a: {  	s8 =	sadd.s32 $0xFFFFE003, lr  }
0x1b: {  	s9 =	sadd.s32 $0xFFFFFEF7, lr;
	s5 =	simm.s32 $0xFFFFFFFF;
	p2 =	slt.u32 s8, $0xFFFFF086  }
0x1c: {  	p1 =	slt.u32 s9, $0xF7A;
	s5 =	simm.s32 @!p2 $0x0  }
0x1d: {  	s5 =	simm.s32 @p1 $0x1;
	p0 =	seq.s32 s7, s2  }
0x1e: {  	s7 =	smul.u32 @!p0 $0xF7A, s2;
	p2 =	seq.s32 @!p0 s5, $0x0  }
0x1f: {  	s9 =	smul.u32 $0xF7A, s1;
	s8 =	simm.s32 @!p0 $0x1BF5;
	p2 =	por !p2, p0  }
0x20: {  	[sflag:s8] =	ssyncset.s32 @!p0 $0xFFFFF086;
	s6 =	sadd.s32 @!p0 s3, s7;
	s7 =	simm.s32 @!p0 $0x108  }
0x21: {  	s3 =	sadd.s32 s3, s9;
	s6 =	sadd.s32 @!p0 $0x88, s6;
	s7 =	simm.s32 @p2 $0x1082  }
0x22: {  	[simem:s7], [sflag:s8] =	dma.local @!p0 [hbm:s6], $0xF7A  }
0x23: {  	s9 =	sor.u32 $0xD0000000, s2;
	s6 =	simm.s32 $0x108;
	_ =	swait.ge @!p0 [sflag:s8], $0x0  }
0x24: {  	s3 =	sadd.s32 $0x88, s3;
	s6 =	simm.s32 @!p1 $0x1082;
	[sflag:s4] =	ssyncset.s32 $0xFFFFF086  }
0x25: {  	[simem:s6], [sflag:s4] =	dma.local [hbm:s3], $0xF7A  }
0x26: {  	[smem:$0x3F9A] =	sst s1;
	(tag) =	ssettag s2;
	_ =	strace s9  }
0x27: {  	s1 =	sld [smem:$0x3FAA]  }
0x28: {  	s2 =	sld [smem:$0x3FAB]  }
0x29: {  	s4 =	sld [smem:$0x3FAD]  }
0x2a: {  	p0 =	seq.s32 s5, $0x0;
	s5 =	sld [smem:$0x3FAE]  }
0x2b: {  	s6 =	sld [smem:$0x3FAF]  }
0x2c: {  	s7 =	sld [smem:$0x3FB0]  }
0x2d: {  	s3 =	simm.s32 $0x108;
	s8 =	sld [smem:$0x3FB1]  }
0x2e: {  	s3 =	simm.s32 @!p0 $0x1082;
	s9 =	sld [smem:$0x3FB2]  }
0x2f: {  	lr =	sadd.s32 s0, s3;
	s0 =	sld [smem:$0x3FA9]  }
0x30: {  	s3 =	sld [smem:$0x3FAC]  }
0x31: {  	[smem:$0x3FB5] =	sst s10  }
0x32: {  	s10 =	sld [smem:$0x3FB3];
	_ =	sdelay $0x3  }
0x33: {  	p0 =	seq.s32 s10, $0x1;
	s10 =	sld [smem:$0x3FB5];
	_ =	sdelay $0x3  }
0x34: {  	[smem:$0x3FB5] =	sst s10  }
0x35: {  	s10 =	sld [smem:$0x3FB4];
	_ =	sdelay $0x3  }
0x36: {  	p1 =	seq.s32 s10, $0x1;
	s10 =	sld [smem:$0x3FB5];
	_ =	sdelay $0x3  }
0x37: {  	[smem:$0x3FB5] =	sst s10  }
0x38: {  	s10 =	sld [smem:$0x3FB6]  }
0x39: {  	_ = 	snop;
	(pc) =	sbr.ind lr, $3  }
0x3a: {  	_ = 	snop  }
0x3b: {  	_ = 	snop  }
0x3c: {  	p2 =	seq.s32 s10, $0x1;
	s10 =	sld [smem:$0x3FB5]  }
0x3d: {  	_ =	shalt  }
0x3e: {  	_ =	shalt  }
0x3f: {  	_ =	shalt  }
0x40: {  	_ =	shalt  }
0x41: {  	_ =	shalt  }
0x42: {  	_ =	shalt  }
0x43: {  	_ =	shalt  }
0x44: {  	_ =	shalt  }
0x45: {  	_ =	shalt  }
0x46: {  	_ =	shalt  }
0x47: {  	_ =	shalt  }
0x48: {  	_ =	shalt  }
0x49: {  	_ =	shalt  }
0x4a: {  	_ =	shalt  }
0x4b: {  	_ =	shalt  }
0x4c: {  	_ =	shalt  }
0x4d: {  	_ =	shalt  }
0x4e: {  	_ =	shalt  }
0x4f: {  	_ =	shalt  }
0x50: {  	_ =	shalt  }
0x51: {  	_ =	shalt  }
0x52: {  	_ =	shalt  }
0x53: {  	_ =	shalt  }
0x54: {  	_ =	shalt  }
0x55: {  	_ =	shalt  }
0x56: {  	_ =	shalt  }
0x57: {  	_ =	shalt  }
0x58: {  	_ =	shalt  }
0x59: {  	_ =	shalt  }
0x5a: {  	_ =	shalt  }
0x5b: {  	_ =	shalt  }
0x5c: {  	_ =	shalt  }
0x5d: {  	_ =	shalt  }
0x5e: {  	_ =	shalt  }
0x5f: {  	_ =	shalt  }
0x60: {  	_ =	shalt  }
0x61: {  	_ =	shalt  }
0x62: {  	_ =	shalt  }
0x63: {  	_ =	shalt  }
0x64: {  	_ =	shalt  }
0x65: {  	_ =	shalt  }
0x66: {  	_ =	shalt  }
0x67: {  	_ =	shalt  }
0x68: {  	_ =	shalt  }
0x69: {  	_ =	shalt  }
0x6a: {  	_ =	shalt  }
0x6b: {  	_ =	shalt  }
0x6c: {  	_ =	shalt  }
0x6d: {  	_ =	shalt  }
0x6e: {  	_ =	shalt  }
0x6f: {  	_ =	shalt  }
0x70: {  	_ =	shalt  }
0x71: {  	_ =	shalt  }
0x72: {  	_ =	shalt  }
0x73: {  	_ =	shalt  }
0x74: {  	_ =	shalt  }
0x75: {  	_ =	shalt  }
0x76: {  	_ =	shalt  }
0x77: {  	_ =	shalt  }
0x78: {  	_ =	shalt  }
0x79: {  	_ =	shalt  }
0x7a: {  	_ =	shalt  }
0x7b: {  	_ =	shalt  }
0x7c: {  	_ =	shalt  }
0x7d: {  	_ =	shalt  }
0x7e: {  	_ =	shalt  }
0x7f: {  	_ =	shalt  }
0x80: {  	_ =	shalt  }
0x81: {  	_ =	shalt  }
0x82: {  	_ =	shalt  }
0x83: {  	_ =	shalt  }
0x84: {  	_ =	shalt  }
0x85: {  	_ =	shalt  }
0x86: {  	_ =	shalt  }
0x87: {  	_ =	shalt  }
.Lfunc_end0:
.L_simem_size_0:
called_computation_lowered:
.L_overlay_start_0:
0x88: {  	s2 =	sld [smem:$0x3FD9]  }
0x89: {  	s3 =	sld [smem:$0x3FFE];
	_ =	sdelay $0x1  }
0x8a: {  	s1 =	srdreg.scid  }
0x8b: {  	s0 =	sand.u32 $0x1, s1  }
0x8c: {  	s17 =	sshll.u32 s0, $0xA;
	s2 =	sadd.s32 s3, s2  }
0x8d: {  	s2 =	sadd.s32 s2, s17  }
0x8e: {  	[smem:$0x3FC1] =	sst s2  }
0x8f: {  	_ = 	snop  }
0x90: {  	s2 =	sld [smem:$0x3FC9]  }
0x91: {  	s18 =	sld [smem:$0x3FC8]  }
0x92: {  	s4 =	sld [smem:$0x3FC7]  }
0x93: {  	s5 =	sld [smem:$0x3FC6]  }
0x94: {  	s6 =	sld [smem:$0x3FD0];
	(tm) =	ssettm $0x1  }
0x95: {  	s7 =	sld [smem:$0x3FFB];
	_ =	sdelay $0x3  }
0x96: {  	_ =	strace s7  }
0x97: {  	s7 =	sld [smem:$0x3FFC];
	_ =	sdelay $0x3  }
0x98: {  	_ =	strace s7  }
0x99: {  	s7 =	sld [smem:$0x3FFD];
	_ =	sdelay $0x3  }
0x9a: {  	_ =	strace s7  }
0x9b: {  	_ =	strace $0x8FFFFFFF  }
0x9c: {  	s19 =	sld [smem:$0x3FDB];
	_ =	sdelay $0x1  }
0x9d: {  	s8 =	simm.s32 $_scs_section_size  }
0x9e: {  	s9 =	simm.s32 $_size__tile_overlayer_lowered;
	s10 =	simm.s32 $_tile_overlayer_lowered  }
0x9f: {  	s22 =	simm.s32 $0x1BFF;
	s21 =	sshll.u32 s10, $0x1;
	s7 =	sadd.s32 s8, s19  }
0xa0: {  	s11 =	simm.s32 $0x0;
	s20 =	sshll.u32 s9, $0x1;
	s9 =	sadd.s32 s21, s7  }
0xa1: {  	[timem:s11], [sflag:s22] =	dma.local [hbm:s9], s20  }
0xa2: {  	_ =	swait.ge [sflag:s22], s20  }
0xa3: {  	s8 =	ssub.s32 $0x0, s20;
	[sflag:s22] =	ssyncset.done $0x0  }
0xa4: {  	[sflag:s22] =	ssyncadd.s32 s8;
	_ =	sdelay $0x1  }
0xa5: {  	s23 =	simm.s32 $0x1B8B  }
0xa6: {  	_ =	swait.ge [sflag:s23], $0x1  }
0xa7: {  	[sflag:s23] =	ssyncset.done $0x0  }
0xa8: {  	s25 =	simm.s32 $0x1B8E;
	s24 =	sld [smem:$0x3FFE];
	[sflag:s23] =	ssyncadd.s32 $0xFFFFFFFF  }
0xa9: {  	s26 =	simm.s32 $execute0_lowered;
	[smem:$0x3FD2] =	sst s25  }
0xaa: {  	s9 =	sshll.u32 s26, $0x1;
	_ =	strace $0x80000046;
	[dreg:$0x1] =	wrdreg $0xFFFFFFFF  }
0xab: {  	s28 =	simm.s32 $_size_execute0_lowered;
	s7 =	sadd.s32 s7, s9;
	[dreg:$0x0] =	wrdreg $0x0  }
0xac: {  	s9 =	sshll.u32 s28, $0x1;
	[dreg:$0x2] =	wrdreg s7  }
0xad: {  	[dreg:$0x3] =	wrdreg s9  }
0xae: {  	[dreg:$0x4] =	wrdreg $0xC0  }
0xaf: {  	_ =	task [dreg:s11], $0x5FFFF  }
0xb0: {  	[dreg:$0x1] =	wrdreg $0xFFFFFFFF  }
0xb1: {  	[dreg:$0x0] =	wrdreg $0x60  }
0xb2: {  	[dreg:$0x2] =	wrdreg s5  }
0xb3: {  	[dreg:$0x3] =	wrdreg s18  }
0xb4: {  	[dreg:$0x4] =	wrdreg s4  }
0xb5: {  	[dreg:$0x5] =	wrdreg s2  }
0xb6: {  	[dreg:$0x6] =	wrdreg s6  }
0xb7: {  	[dreg:$0x7] =	wrdreg s24  }
0xb8: {  	[dreg:$0x8] =	wrdreg $0xEC800  }
0xb9: {  	[dreg:$0x9] =	wrdreg $0xF0800  }
0xba: {  	[dreg:$0xa] =	wrdreg $0x9  }
0xbb: {  	_ =	task.clear_ibuf [dreg:s11], $0xBFFFF;
	_ =	strace $0x90000046  }
0xbc: {  	s29 =	simm.s32 $0x9;
	_ =	strace $0x80000048  }
0xbd: {  	_ =	swait.ge [sflag:s29], $0x1  }
0xbe: {  	[sflag:s29] =	ssyncadd.s32 $0xFFFFFFFF  }
0xbf: {  	_ =	strace $0x90000048  }
0xc0: {  	_ =	sfence  }
0xc1: {  	s30 =	sld [smem:$0x0];
	_ =	sdelay $0x2  }
0xc2: {  	s31 =	sshll.u32 s1, $0xD;
	s1 =	sshrl.u32 s1, $0x2  }
0xc3: {  	s3 =	sand.u32 $0x4000, s31;
	s1 =	sadd.s32 s1, s30  }
0xc4: {  	s0 =	sor.u32 s3, s0;
	s1 =	sshll.u32 s1, $0x11  }
0xc5: {  	s0 =	sor.u32 s1, s0  }
0xc6: {  	s0 =	sadd.s32 $0x8F2B, s0  }
0xc7: {  	[sflag:s0] =	ssyncadd.remote.s32 $0x1  }
0xc8: {  	_ =	sfence.sel $0xFFFF  }
0xc9: {  	[dreg:$0x0] =	wrdreg $0xFFFFFFFF;
	(pc) =	sbr.abs _section_cstart, $3  }
0xca: {  	[dreg:$0x1] =	wrdreg $0xFFFFFFFF  }
0xcb: {  	_ =	task.clear_ibuf [dreg:s11], $0x2FFFF;
	_ =	strace $0x9FFFFFFF  }
0xcc: {  	(tm) =	ssettm $0x7FFFFFFF  }
0xcd: {  	_ =	shalt  }
tec
execute0_lowered:
.L_overlay_start_1:
0x0: {  	(tag) =	ssettag $0x1  }
0x1: {  	s0 =	rddreg [dreg:$0x0]  }
0x2: {  	s1 =	rddreg [dreg:$0x1]  }
0x3: {  	s5 =	rddreg [dreg:$0x2]  }
0x4: {  	s2 =	rddreg [dreg:$0x4]  }
0x5: {  	s7 =	rddreg [dreg:$0x5]  }
0x6: {  	s3 =	rddreg [dreg:$0x6]  }
0x7: {  	s4 =	rddreg [dreg:$0x7]  }
0x8: {  	s6 =	simm.s32 $0x0;
	s8 =	srdreg.scid;
	s12 =	stileid.u32  }
0x9: {  	s20 =	simm.s32 $0x4000;
	s21 =	simm.s32 $0x6800;
	s31 =	simm.s32 $0x3  }
0xa: {  	s17 =	simm.s32 $0xA400;
	s14 =	simm.s32 $0x5;
	s15 =	simm.s32 $0x40  }
0xb: {  	s16 =	simm.s32 $0x10;
	s19 =	simm.s32 $0x0;
	[smem:$0x7FF] =	sst s6  }
0xc: {  	s8 =	sand.u32 $0x1, s8;
	s9 =	sadd.s32 $0x1400, s7;
	s22 =	sshll.u32 s12, $0xC  }
0xd: {  	s11 =	sadd.s32 $0x1A00, s7;
	_ =	strace $0x80000047;
	[dreg:$0x9] =	wrdreg s9  }
0xe: {  	s25 =	sshll.u32 s12, $0xA;
	s10 =	sshll.u32 s8, $0x8;
	[dreg:$0xa] =	wrdreg s11  }
0xf: {  	s23 =	sshll.u32 s8, $0x10;
	s8 =	ssub.s32 $0x2, s8;
	s12 =	sadd.s32 s25, s3  }
0x10: {  	s13 =	sadd.s32 s25, s4;
	s25 =	simm.s32 $0x80;
	s11 =	simm.s32 $0xA780  }
0x11: {  	s10 =	sor.u32 s10, s22;
	s9 =	sor.u32 s22, s23;
	s24 =	sshrl.u32 s8, $0x1  }
0x12: {  	s23 =	simm.s32 $0x6;
	s22 =	simm.s32 $0xA500;
	s10 =	sshrl.u32 s10, $0x3  }
0x13: {  	s9 =	sshrl.u32 s9, $0x3;
	s8 =	ssub.s32 s8, s24;
	s24 =	simm.s32 $0x1  }
0x14: {  	s7 =	sadd.s32 s10, s7;
	s0 =	sadd.s32 s0, s9;
	s1 =	sadd.s32 s1, s9  }
0x15: {  	s26 =	sadd.s32 s5, s9;
	s30 =	smax.u32 s8, $0x1;
	[dreg:$0xb] =	wrdreg s0  }
0x16: {  	s5 =	simm.s32 $0x4;
	s8 =	simm.s32 $0xA600;
	[dreg:$0xc] =	wrdreg s1  }
0x17: {  	s9 =	simm.s32 $0xA680;
	s10 =	simm.s32 $0xA700;
	[dreg:$0xd] =	wrdreg s26  }
0x18: {  	s28 =	sadd.s32 $0x1C00, s7;
	s29 =	sadd.s32 $0x1C10, s7;
	[dreg:$0x10] =	wrdreg s30  }
0x19: {  	s1 =	simm.s32 $0x2;
	s26 =	simm.s32 $0xA480;
	[dreg:$0xe] =	wrdreg s28  }
0x1a: {  	v0 =	vimm.f32 $0.0e+00;
	s7 =	simm.s32 $0xA580;
	s0 =	simm.s32 $0xA800;
	[dreg:$0xf] =	wrdreg s29  }
.LBB2_1:
0x1b: {  	s18 =	rddreg [dreg:$0xb];
	s28 =	simm.s32 $0x6880  }
0x1c: {  	[tilespmem:s28], [sflag:$0x1] =	stream.linear.gather [hbm4b:s18+s6], $0x1000, $0x38;
	[tilespmem:$0xF480] =	vst v63  }
0x1d: {  	s30 =	rddreg [dreg:$0xc];
	s28 =	simm.s32 $0x7880  }
0x1e: {  	[tilespmem:s28], [sflag:$0x1] =	stream.linear.gather [hbm4b:s30+s6], $0x1000, $0x38;
	[tilespmem:$0xF480] =	vst v63  }
0x1f: {  	s29 =	rddreg [dreg:$0x3]  }
0x20: {  	[tilespmem:s6], [sflag:$0x1] =	stream.linear.gather [hbm4b:s29+s6], $0x4000, $0x38;
	[tilespmem:$0xF480] =	vst v63  }
0x21: {  	s30 =	rddreg [dreg:$0xd];
	s28 =	simm.s32 $0x8880  }
0x22: {  	[tilespmem:s28], [sflag:$0x2] =	stream.linear.gather [hbm4b:s30+s6], $0x1000, $0x38;
	[tilespmem:$0xF480] =	vst v63  }
0x23: {  	s29 =	rddreg [dreg:$0x9]  }
0x24: {  	[tilespmem:s20], [sflag:$0x2] =	stream.linear.gather [hbm4b:s29+s6], $0x2800, $0x38;
	[tilespmem:$0xF480] =	vst v63  }
0x25: {  	s18 =	simm.s32 $0x40;
	s30 =	rddreg [dreg:$0xa];
	s28 =	simm.s32 $0x0  }
0x26: {  	[tilespmem:s21], [sflag:$0x2] =	stream.linear.gather [hbm4b:s30+s6], $0x80, $0x38;
	[tilespmem:$0xF480] =	vst v63  }
.LBB2_2:
0x27: {  	p0 =	sne.s32 s18, $0xFC0;
	[tilespmem:s28+$0xE880] =	vst v0;
	s28 =	smov.u32 s18;
	s18 =	sadd.s32 $0x40, s18  }
.Ltmp0:
0x28: {  	(pc) =	sbr.rel @p0 .LBB2_2-.Ltmp0, $2  }
0x29: {  	_ =	sdelay $0x2  }
0x2a: {  	s28 =	sshra.s32 s28, $0x2  }
0x2b: {  	[tilespmem:s28+$0xE880] =	vst v0;
	s18 =	simm.s32 $0xE880  }
0x2c: {  	[spmem:s12] =	stream.linear.scatter [tilespmem:s18], [sflag:$0x6], $0x400, $0x38;
	[tilespmem:$0xF480] =	vst v63  }
0x2d: {  	_ =	swait.ge [sflag:s23], $0x400  }
0x2e: {  	[sflag:s23] =	ssyncset.done $0x0  }
0x2f: {  	[sflag:s23] =	ssyncadd.s32 $0xFFFFFC00  }
0x30: {  	[spmem:s13] =	stream.linear.scatter [tilespmem:s18], [sflag:$0x6], $0x400, $0x38;
	[tilespmem:$0xF480] =	vst v63  }
0x31: {  	_ =	swait.ge [sflag:s23], $0x400  }
0x32: {  	[sflag:s23] =	ssyncset.done $0x0  }
0x33: {  	[sflag:s23] =	ssyncadd.s32 $0xFFFFFC00  }
0x34: {  	_ =	swait.ge [sflag:s24], $0x1000  }
0x35: {  	[sflag:s24] =	ssyncset.done $0x0  }
0x36: {  	[sflag:s24] =	ssyncadd.s32 $0xFFFFF000  }
0x37: {  	_ =	swait.ge [sflag:s24], $0x1000  }
0x38: {  	[sflag:s24] =	ssyncset.done $0x0  }
0x39: {  	[sflag:s24] =	ssyncadd.s32 $0xFFFFF000  }
0x3a: {  	_ =	swait.ge [sflag:s24], $0x4000  }
0x3b: {  	[sflag:s24] =	ssyncset.done $0x0  }
0x3c: {  	s18 =	simm.s32 $0x0;
	[sflag:s24] =	ssyncadd.s32 $0xFFFFC000  }
0x3d: {  	v1 =	vld [tilespmem:s18+$0x6880];
	_ =	sdelay $0x7  }
0x3e: {  	v2 =	vld.idx.msk [tilespmem:v1+s6+$0x0], $0xffff  }
0x3f: {  	[tilespmem:s18+$0x9880] =	vst v1;
	v1 =	vld [tilespmem:s18+$0x6890]  }
0x40: {  	v3 =	vld [tilespmem:s18+$0x7880];
	_ =	sdelay $0x3  }
0x41: {  	v2 =	vshll.u32 v2, $0x7  }
0x42: {  	v2 =	vadd.s32 v3, v2  }
0x43: {  	[tilespmem:s18+$0xA880] =	vst v2  }
0x44: {  	v2 =	vld.idx.msk [tilespmem:v1+s6+$0x0], $0xffff  }
0x45: {  	[tilespmem:s18+$0x9890] =	vst v1;
	v1 =	vld [tilespmem:s18+$0x68A0]  }
0x46: {  	v3 =	vld [tilespmem:s18+$0x7890];
	_ =	sdelay $0x3  }
0x47: {  	v2 =	vshll.u32 v2, $0x7  }
0x48: {  	v2 =	vadd.s32 v3, v2  }
0x49: {  	v3 =	vld [tilespmem:s18+$0x68B0];
	[tilespmem:s18+$0xA890] =	vst v2  }
0x4a: {  	v2 =	vld.idx.msk [tilespmem:v1+s6+$0x0], $0xffff  }
0x4b: {  	v4 =	vld [tilespmem:s18+$0x78A0];
	_ =	sdelay $0x3  }
0x4c: {  	v2 =	vshll.u32 v2, $0x7  }
0x4d: {  	[tilespmem:s18+$0x98A0] =	vst v1;
	v1 =	vadd.s32 v4, v2  }
0x4e: {  	v2 =	vld [tilespmem:s18+$0x68C0];
	[tilespmem:s18+$0xA8A0] =	vst v1  }
0x4f: {  	v1 =	vld.idx.msk [tilespmem:v3+s6+$0x0], $0xffff  }
0x50: {  	v60 =	vld [tilespmem:s18+$0x78B0];
	_ =	sdelay $0x3  }
0x51: {  	v1 =	vshll.u32 v1, $0x7  }
0x52: {  	[tilespmem:s18+$0x98B0] =	vst v3;
	v1 =	vadd.s32 v60, v1  }
0x53: {  	v3 =	vld [tilespmem:s18+$0x68D0];
	[tilespmem:s18+$0xA8B0] =	vst v1  }
0x54: {  	v1 =	vld.idx.msk [tilespmem:v2+s6+$0x0], $0xffff  }
0x55: {  	v61 =	vld [tilespmem:s18+$0x78C0];
	_ =	sdelay $0x3  }
0x56: {  	v1 =	vshll.u32 v1, $0x7  }
0x57: {  	[tilespmem:s18+$0x98C0] =	vst v2;
	v1 =	vadd.s32 v61, v1  }
0x58: {  	v2 =	vld [tilespmem:s18+$0x68E0];
	[tilespmem:s18+$0xA8C0] =	vst v1  }
0x59: {  	v1 =	vld.idx.msk [tilespmem:v3+s6+$0x0], $0xffff  }
0x5a: {  	v62 =	vld [tilespmem:s18+$0x78D0];
	_ =	sdelay $0x3  }
0x5b: {  	v1 =	vshll.u32 v1, $0x7  }
0x5c: {  	[tilespmem:s18+$0x98D0] =	vst v3;
	v1 =	vadd.s32 v62, v1  }
0x5d: {  	v3 =	vld [tilespmem:s18+$0x68F0];
	[tilespmem:s18+$0xA8D0] =	vst v1  }
0x5e: {  	v1 =	vld.idx.msk [tilespmem:v2+s6+$0x0], $0xffff  }
0x5f: {  	v63 =	vld [tilespmem:s18+$0x78E0];
	_ =	sdelay $0x3  }
0x60: {  	v1 =	vshll.u32 v1, $0x7  }
0x61: {  	[tilespmem:s18+$0x98E0] =	vst v2;
	v1 =	vadd.s32 v63, v1  }
0x62: {  	[tilespmem:s18+$0xA8E0] =	vst v1  }
0x63: {  	s28 =	simm.s32 $0x80;
	s29 =	simm.s32 $0x400;
	v1 =	vld.idx.msk [tilespmem:v3+s6+$0x0], $0xffff;
	[tilespmem:s18+$0x98F0] =	vst v3  }
.LBB2_4:
0x64: {  	p0 =	sne.s32 s29, $0xE00;
	v2 =	vld [tilespmem:s28+$0x6880]  }
0x65: {  	v3 =	vld [tilespmem:s18+$0x78F0];
	_ =	sdelay $0x3  }
0x66: {  	v1 =	vshll.u32 v1, $0x7  }
0x67: {  	v1 =	vadd.s32 v3, v1  }
0x68: {  	[tilespmem:s18+$0xA8F0] =	vst v1;
	s18 =	smov.u32 s28  }
0x69: {  	v1 =	vld.idx.msk [tilespmem:v2+s6+$0x0], $0xffff;
	[tilespmem:s18+$0x9880] =	vst v2  }
0x6a: {  	v2 =	vld [tilespmem:s18+$0x6890]  }
0x6b: {  	v3 =	vld [tilespmem:s18+$0x7880];
	_ =	sdelay $0x3  }
0x6c: {  	v1 =	vshll.u32 v1, $0x7  }
0x6d: {  	v1 =	vadd.s32 v3, v1  }
0x6e: {  	[tilespmem:s18+$0xA880] =	vst v1  }
0x6f: {  	v1 =	vld.idx.msk [tilespmem:v2+s6+$0x0], $0xffff;
	[tilespmem:s18+$0x9890] =	vst v2  }
0x70: {  	v2 =	vld [tilespmem:s18+$0x68A0]  }
0x71: {  	v3 =	vld [tilespmem:s18+$0x7890];
	_ =	sdelay $0x3  }
0x72: {  	v1 =	vshll.u32 v1, $0x7  }
0x73: {  	v1 =	vadd.s32 v3, v1  }
0x74: {  	[tilespmem:s18+$0xA890] =	vst v1  }
0x75: {  	v1 =	vld.idx.msk [tilespmem:v2+s6+$0x0], $0xffff  }
0x76: {  	v3 =	vld [tilespmem:s18+$0x68B0]  }
0x77: {  	v4 =	vld [tilespmem:s18+$0x78A0];
	_ =	sdelay $0x3  }
0x78: {  	v1 =	vshll.u32 v1, $0x7  }
0x79: {  	[tilespmem:s18+$0x98A0] =	vst v2;
	v1 =	vadd.s32 v4, v1  }
0x7a: {  	[tilespmem:s18+$0xA8A0] =	vst v1  }
0x7b: {  	v1 =	vld.idx.msk [tilespmem:v3+s6+$0x0], $0xffff  }
0x7c: {  	v2 =	vld [tilespmem:s18+$0x68C0]  }
0x7d: {  	v4 =	vld [tilespmem:s18+$0x78B0];
	_ =	sdelay $0x3  }
0x7e: {  	v1 =	vshll.u32 v1, $0x7  }
0x7f: {  	[tilespmem:s18+$0x98B0] =	vst v3;
	v1 =	vadd.s32 v4, v1  }
0x80: {  	[tilespmem:s18+$0xA8B0] =	vst v1  }
0x81: {  	v1 =	vld.idx.msk [tilespmem:v2+s6+$0x0], $0xffff  }
0x82: {  	v3 =	vld [tilespmem:s18+$0x68D0]  }
0x83: {  	v4 =	vld [tilespmem:s18+$0x78C0];
	_ =	sdelay $0x3  }
0x84: {  	v1 =	vshll.u32 v1, $0x7  }
0x85: {  	[tilespmem:s18+$0x98C0] =	vst v2;
	v1 =	vadd.s32 v4, v1  }
0x86: {  	[tilespmem:s18+$0xA8C0] =	vst v1  }
0x87: {  	v1 =	vld.idx.msk [tilespmem:v3+s6+$0x0], $0xffff  }
0x88: {  	v2 =	vld [tilespmem:s18+$0x68E0]  }
0x89: {  	v4 =	vld [tilespmem:s18+$0x78D0];
	_ =	sdelay $0x3  }
0x8a: {  	v1 =	vshll.u32 v1, $0x7  }
0x8b: {  	[tilespmem:s18+$0x98D0] =	vst v3;
	v1 =	vadd.s32 v4, v1  }
0x8c: {  	[tilespmem:s18+$0xA8D0] =	vst v1  }
0x8d: {  	v1 =	vld.idx.msk [tilespmem:v2+s6+$0x0], $0xffff  }
0x8e: {  	v3 =	vld [tilespmem:s18+$0x68F0]  }
0x8f: {  	v4 =	vld [tilespmem:s18+$0x78E0];
	_ =	sdelay $0x2  }
.Ltmp1:
0x90: {  	(pc) =	sbr.rel @p0 .LBB2_4-.Ltmp1, $4  }
0x91: {  	v1 =	vshll.u32 v1, $0x7  }
0x92: {  	[tilespmem:s18+$0x98E0] =	vst v2;
	v1 =	vadd.s32 v4, v1  }
0x93: {  	[tilespmem:s18+$0xA8E0] =	vst v1  }
0x94: {  	s28 =	sshra.s32 s29, $0x2;
	s29 =	sadd.s32 $0x200, s29;
	v1 =	vld.idx.msk [tilespmem:v3+s6+$0x0], $0xffff;
	[tilespmem:s18+$0x98F0] =	vst v3  }
0x95: {  	v2 =	vld [tilespmem:s28+$0x6880]  }
0x96: {  	v3 =	vld [tilespmem:s18+$0x78F0];
	_ =	sdelay $0x3  }
0x97: {  	v1 =	vshll.u32 v1, $0x7  }
0x98: {  	v1 =	vadd.s32 v3, v1  }
0x99: {  	[tilespmem:s18+$0xA8F0] =	vst v1  }
0x9a: {  	v1 =	vld.idx.msk [tilespmem:v2+s6+$0x0], $0xffff  }
0x9b: {  	[tilespmem:s28+$0x9880] =	vst v2;
	v2 =	vld [tilespmem:s28+$0x6890]  }
0x9c: {  	v3 =	vld [tilespmem:s28+$0x7880];
	_ =	sdelay $0x3  }
0x9d: {  	v1 =	vshll.u32 v1, $0x7  }
0x9e: {  	v1 =	vadd.s32 v3, v1  }
0x9f: {  	[tilespmem:s28+$0xA880] =	vst v1  }
0xa0: {  	v1 =	vld.idx.msk [tilespmem:v2+s6+$0x0], $0xffff  }
0xa1: {  	[tilespmem:s28+$0x9890] =	vst v2;
	v2 =	vld [tilespmem:s28+$0x68A0]  }
0xa2: {  	v3 =	vld [tilespmem:s28+$0x7890];
	_ =	sdelay $0x3  }
0xa3: {  	v1 =	vshll.u32 v1, $0x7  }
0xa4: {  	v1 =	vadd.s32 v3, v1  }
0xa5: {  	v3 =	vld [tilespmem:s28+$0x68B0];
	[tilespmem:s28+$0xA890] =	vst v1  }
0xa6: {  	v1 =	vld.idx.msk [tilespmem:v2+s6+$0x0], $0xffff  }
0xa7: {  	v4 =	vld [tilespmem:s28+$0x78A0];
	_ =	sdelay $0x3  }
0xa8: {  	v1 =	vshll.u32 v1, $0x7  }
0xa9: {  	[tilespmem:s28+$0x98A0] =	vst v2;
	v1 =	vadd.s32 v4, v1  }
0xaa: {  	v2 =	vld [tilespmem:s28+$0x68C0];
	[tilespmem:s28+$0xA8A0] =	vst v1  }
0xab: {  	v1 =	vld.idx.msk [tilespmem:v3+s6+$0x0], $0xffff  }
0xac: {  	v55 =	vld [tilespmem:s28+$0x78B0];
	_ =	sdelay $0x3  }
0xad: {  	v1 =	vshll.u32 v1, $0x7  }
0xae: {  	[tilespmem:s28+$0x98B0] =	vst v3;
	v1 =	vadd.s32 v55, v1  }
0xaf: {  	v3 =	vld [tilespmem:s28+$0x68D0];
	[tilespmem:s28+$0xA8B0] =	vst v1  }
0xb0: {  	v1 =	vld.idx.msk [tilespmem:v2+s6+$0x0], $0xffff  }
0xb1: {  	v56 =	vld [tilespmem:s28+$0x78C0];
	_ =	sdelay $0x3  }
0xb2: {  	v1 =	vshll.u32 v1, $0x7  }
0xb3: {  	[tilespmem:s28+$0x98C0] =	vst v2;
	v1 =	vadd.s32 v56, v1  }
0xb4: {  	v2 =	vld [tilespmem:s28+$0x68E0];
	[tilespmem:s28+$0xA8C0] =	vst v1  }
0xb5: {  	v1 =	vld.idx.msk [tilespmem:v3+s6+$0x0], $0xffff  }
0xb6: {  	v57 =	vld [tilespmem:s28+$0x78D0];
	_ =	sdelay $0x3  }
0xb7: {  	v1 =	vshll.u32 v1, $0x7  }
0xb8: {  	[tilespmem:s28+$0x98D0] =	vst v3;
	v1 =	vadd.s32 v57, v1  }
0xb9: {  	v3 =	vld [tilespmem:s28+$0x68F0];
	[tilespmem:s28+$0xA8D0] =	vst v1  }
0xba: {  	v1 =	vld.idx.msk [tilespmem:v2+s6+$0x0], $0xffff  }
0xbb: {  	v58 =	vld [tilespmem:s28+$0x78E0];
	_ =	sdelay $0x3  }
0xbc: {  	v1 =	vshll.u32 v1, $0x7  }
0xbd: {  	[tilespmem:s28+$0x98E0] =	vst v2;
	v1 =	vadd.s32 v58, v1  }
0xbe: {  	[tilespmem:s28+$0xA8E0] =	vst v1  }
0xbf: {  	v1 =	vld.idx.msk [tilespmem:v3+s6+$0x0], $0xffff  }
0xc0: {  	v2 =	vld [tilespmem:s28+$0x78F0];
	_ =	sdelay $0x3  }
0xc1: {  	v1 =	vshll.u32 v1, $0x7  }
0xc2: {  	[tilespmem:s28+$0x98F0] =	vst v3;
	v1 =	vadd.s32 v2, v1  }
0xc3: {  	s30 =	simm.s32 $0xA880;
	[tilespmem:s28+$0xA8F0] =	vst v1;
	s28 =	simm.s32 $0xB880  }
0xc4: {  	[tilespmem:s28], [sflag:$0x3] =	stream.indirect.gather [hbm4b:s2+s25], $0x1, s30, s25, $0xb8;
	[tilespmem:$0xF480] =	vst v63  }
0xc5: {  	s30 =	simm.s32 $0xA900;
	s28 =	simm.s32 $0xB900  }
0xc6: {  	[tilespmem:s28], [sflag:$0x3] =	stream.indirect.gather [hbm4b:s2+s25], $0x1, s30, s25, $0xb8;
	[tilespmem:$0xF480] =	vst v63  }
0xc7: {  	s30 =	simm.s32 $0xA980;
	s28 =	simm.s32 $0xB980  }
0xc8: {  	[tilespmem:s28], [sflag:$0x3] =	stream.indirect.gather [hbm4b:s2+s25], $0x1, s30, s25, $0xb8;
	[tilespmem:$0xF480] =	vst v63  }
0xc9: {  	s30 =	simm.s32 $0xAA00;
	s28 =	simm.s32 $0xBA00  }
0xca: {  	[tilespmem:s28], [sflag:$0x3] =	stream.indirect.gather [hbm4b:s2+s25], $0x1, s30, s25, $0xb8;
	[tilespmem:$0xF480] =	vst v63  }
0xcb: {  	s30 =	simm.s32 $0xAA80;
	s28 =	simm.s32 $0xBA80  }
0xcc: {  	[tilespmem:s28], [sflag:$0x3] =	stream.indirect.gather [hbm4b:s2+s25], $0x1, s30, s25, $0xb8;
	[tilespmem:$0xF480] =	vst v63  }
0xcd: {  	s30 =	simm.s32 $0xAB00;
	s28 =	simm.s32 $0xBB00  }
0xce: {  	[tilespmem:s28], [sflag:$0x3] =	stream.indirect.gather [hbm4b:s2+s25], $0x1, s30, s25, $0xb8;
	[tilespmem:$0xF480] =	vst v63  }
0xcf: {  	s30 =	simm.s32 $0xAB80;
	s28 =	simm.s32 $0xBB80  }
0xd0: {  	[tilespmem:s28], [sflag:$0x3] =	stream.indirect.gather [hbm4b:s2+s25], $0x1, s30, s25, $0xb8;
	[tilespmem:$0xF480] =	vst v63  }
0xd1: {  	s18 =	simm.s32 $0x0;
	s30 =	simm.s32 $0xAC00;
	s28 =	simm.s32 $0xBC00  }
0xd2: {  	[tilespmem:s28], [sflag:$0x3] =	stream.indirect.gather [hbm4b:s2+s25], $0x1, s30, s25, $0xb8;
	[tilespmem:$0xF480] =	vst v63  }
0xd3: {  	v1 =	vld [tilespmem:s18+$0x6C80];
	_ =	sdelay $0x7  }
0xd4: {  	v2 =	vld.idx.msk [tilespmem:v1+s6+$0x0], $0xffff  }
0xd5: {  	[tilespmem:s18+$0x9C80] =	vst v1;
	v1 =	vld [tilespmem:s18+$0x6C90]  }
0xd6: {  	v3 =	vld [tilespmem:s18+$0x7C80];
	_ =	sdelay $0x3  }
0xd7: {  	v2 =	vshll.u32 v2, $0x7  }
0xd8: {  	v2 =	vadd.s32 v3, v2  }
0xd9: {  	[tilespmem:s18+$0xAC80] =	vst v2  }
0xda: {  	v2 =	vld.idx.msk [tilespmem:v1+s6+$0x0], $0xffff  }
0xdb: {  	[tilespmem:s18+$0x9C90] =	vst v1;
	v1 =	vld [tilespmem:s18+$0x6CA0]  }
0xdc: {  	v3 =	vld [tilespmem:s18+$0x7C90];
	_ =	sdelay $0x3  }
0xdd: {  	v2 =	vshll.u32 v2, $0x7  }
0xde: {  	v2 =	vadd.s32 v3, v2  }
0xdf: {  	v3 =	vld [tilespmem:s18+$0x6CB0];
	[tilespmem:s18+$0xAC90] =	vst v2  }
0xe0: {  	v2 =	vld.idx.msk [tilespmem:v1+s6+$0x0], $0xffff  }
0xe1: {  	v59 =	vld [tilespmem:s18+$0x7CA0];
	_ =	sdelay $0x3  }
0xe2: {  	v2 =	vshll.u32 v2, $0x7  }
0xe3: {  	[tilespmem:s18+$0x9CA0] =	vst v1;
	v1 =	vadd.s32 v59, v2  }
0xe4: {  	v2 =	vld [tilespmem:s18+$0x6CC0];
	[tilespmem:s18+$0xACA0] =	vst v1  }
0xe5: {  	v1 =	vld.idx.msk [tilespmem:v3+s6+$0x0], $0xffff  }
0xe6: {  	v60 =	vld [tilespmem:s18+$0x7CB0];
	_ =	sdelay $0x3  }
0xe7: {  	v1 =	vshll.u32 v1, $0x7  }
0xe8: {  	[tilespmem:s18+$0x9CB0] =	vst v3;
	v1 =	vadd.s32 v60, v1  }
0xe9: {  	v3 =	vld [tilespmem:s18+$0x6CD0];
	[tilespmem:s18+$0xACB0] =	vst v1  }
0xea: {  	v1 =	vld.idx.msk [tilespmem:v2+s6+$0x0], $0xffff  }
0xeb: {  	v61 =	vld [tilespmem:s18+$0x7CC0];
	_ =	sdelay $0x3  }
0xec: {  	v1 =	vshll.u32 v1, $0x7  }
0xed: {  	[tilespmem:s18+$0x9CC0] =	vst v2;
	v1 =	vadd.s32 v61, v1  }
0xee: {  	v2 =	vld [tilespmem:s18+$0x6CE0];
	[tilespmem:s18+$0xACC0] =	vst v1  }
0xef: {  	v1 =	vld.idx.msk [tilespmem:v3+s6+$0x0], $0xffff  }
0xf0: {  	v62 =	vld [tilespmem:s18+$0x7CD0];
	_ =	sdelay $0x3  }
0xf1: {  	v1 =	vshll.u32 v1, $0x7  }
0xf2: {  	[tilespmem:s18+$0x9CD0] =	vst v3;
	v1 =	vadd.s32 v62, v1  }
0xf3: {  	v3 =	vld [tilespmem:s18+$0x6CF0];
	[tilespmem:s18+$0xACD0] =	vst v1  }
0xf4: {  	v1 =	vld.idx.msk [tilespmem:v2+s6+$0x0], $0xffff  }
0xf5: {  	v63 =	vld [tilespmem:s18+$0x7CE0];
	_ =	sdelay $0x3  }
0xf6: {  	v1 =	vshll.u32 v1, $0x7  }
0xf7: {  	[tilespmem:s18+$0x9CE0] =	vst v2;
	v1 =	vadd.s32 v63, v1  }
0xf8: {  	[tilespmem:s18+$0xACE0] =	vst v1  }
0xf9: {  	s29 =	simm.s32 $0x400;
	s28 =	simm.s32 $0x80;
	v1 =	vld.idx.msk [tilespmem:v3+s6+$0x0], $0xffff;
	[tilespmem:s18+$0x9CF0] =	vst v3  }
.LBB2_6:
0xfa: {  	p0 =	sne.s32 s29, $0xE00;
	v2 =	vld [tilespmem:s28+$0x6C80]  }
0xfb: {  	v3 =	vld [tilespmem:s18+$0x7CF0];
	_ =	sdelay $0x3  }
0xfc: {  	v1 =	vshll.u32 v1, $0x7  }
0xfd: {  	v1 =	vadd.s32 v3, v1  }
0xfe: {  	[tilespmem:s18+$0xACF0] =	vst v1;
	s18 =	smov.u32 s28  }
0xff: {  	v1 =	vld.idx.msk [tilespmem:v2+s6+$0x0], $0xffff;
	[tilespmem:s18+$0x9C80] =	vst v2  }
0x100: {  	v2 =	vld [tilespmem:s18+$0x6C90]  }
0x101: {  	v3 =	vld [tilespmem:s18+$0x7C80];
	_ =	sdelay $0x3  }
0x102: {  	v1 =	vshll.u32 v1, $0x7  }
0x103: {  	v1 =	vadd.s32 v3, v1  }
0x104: {  	[tilespmem:s18+$0xAC80] =	vst v1  }
0x105: {  	v1 =	vld.idx.msk [tilespmem:v2+s6+$0x0], $0xffff;
	[tilespmem:s18+$0x9C90] =	vst v2  }
0x106: {  	v2 =	vld [tilespmem:s18+$0x6CA0]  }
0x107: {  	v3 =	vld [tilespmem:s18+$0x7C90];
	_ =	sdelay $0x3  }
0x108: {  	v1 =	vshll.u32 v1, $0x7  }
0x109: {  	v1 =	vadd.s32 v3, v1  }
0x10a: {  	[tilespmem:s18+$0xAC90] =	vst v1  }
0x10b: {  	v1 =	vld.idx.msk [tilespmem:v2+s6+$0x0], $0xffff  }
0x10c: {  	v3 =	vld [tilespmem:s18+$0x6CB0]  }
0x10d: {  	v4 =	vld [tilespmem:s18+$0x7CA0];
	_ =	sdelay $0x3  }
0x10e: {  	v1 =	vshll.u32 v1, $0x7  }
0x10f: {  	[tilespmem:s18+$0x9CA0] =	vst v2;
	v1 =	vadd.s32 v4, v1  }
0x110: {  	[tilespmem:s18+$0xACA0] =	vst v1  }
0x111: {  	v1 =	vld.idx.msk [tilespmem:v3+s6+$0x0], $0xffff  }
0x112: {  	v2 =	vld [tilespmem:s18+$0x6CC0]  }
0x113: {  	v4 =	vld [tilespmem:s18+$0x7CB0];
	_ =	sdelay $0x3  }
0x114: {  	v1 =	vshll.u32 v1, $0x7  }
0x115: {  	[tilespmem:s18+$0x9CB0] =	vst v3;
	v1 =	vadd.s32 v4, v1  }
0x116: {  	[tilespmem:s18+$0xACB0] =	vst v1  }
0x117: {  	v1 =	vld.idx.msk [tilespmem:v2+s6+$0x0], $0xffff  }
0x118: {  	v3 =	vld [tilespmem:s18+$0x6CD0]  }
0x119: {  	v4 =	vld [tilespmem:s18+$0x7CC0];
	_ =	sdelay $0x3  }
0x11a: {  	v1 =	vshll.u32 v1, $0x7  }
0x11b: {  	[tilespmem:s18+$0x9CC0] =	vst v2;
	v1 =	vadd.s32 v4, v1  }
0x11c: {  	[tilespmem:s18+$0xACC0] =	vst v1  }
0x11d: {  	v1 =	vld.idx.msk [tilespmem:v3+s6+$0x0], $0xffff  }
0x11e: {  	v2 =	vld [tilespmem:s18+$0x6CE0]  }
0x11f: {  	v4 =	vld [tilespmem:s18+$0x7CD0];
	_ =	sdelay $0x3  }
0x120: {  	v1 =	vshll.u32 v1, $0x7  }
0x121: {  	[tilespmem:s18+$0x9CD0] =	vst v3;
	v1 =	vadd.s32 v4, v1  }
0x122: {  	[tilespmem:s18+$0xACD0] =	vst v1  }
0x123: {  	v1 =	vld.idx.msk [tilespmem:v2+s6+$0x0], $0xffff  }
0x124: {  	v3 =	vld [tilespmem:s18+$0x6CF0]  }
0x125: {  	v4 =	vld [tilespmem:s18+$0x7CE0];
	_ =	sdelay $0x2  }
.Ltmp2:
0x126: {  	(pc) =	sbr.rel @p0 .LBB2_6-.Ltmp2, $4  }
0x127: {  	v1 =	vshll.u32 v1, $0x7  }
0x128: {  	[tilespmem:s18+$0x9CE0] =	vst v2;
	v1 =	vadd.s32 v4, v1  }
0x129: {  	[tilespmem:s18+$0xACE0] =	vst v1  }
0x12a: {  	s28 =	sshra.s32 s29, $0x2;
	s29 =	sadd.s32 $0x200, s29;
	v1 =	vld.idx.msk [tilespmem:v3+s6+$0x0], $0xffff;
	[tilespmem:s18+$0x9CF0] =	vst v3  }
0x12b: {  	v2 =	vld [tilespmem:s28+$0x6C80]  }
0x12c: {  	v3 =	vld [tilespmem:s18+$0x7CF0];
	_ =	sdelay $0x3  }
0x12d: {  	v1 =	vshll.u32 v1, $0x7  }
0x12e: {  	v1 =	vadd.s32 v3, v1  }
0x12f: {  	[tilespmem:s18+$0xACF0] =	vst v1  }
0x130: {  	v1 =	vld.idx.msk [tilespmem:v2+s6+$0x0], $0xffff  }
0x131: {  	[tilespmem:s28+$0x9C80] =	vst v2;
	v2 =	vld [tilespmem:s28+$0x6C90]  }
0x132: {  	v3 =	vld [tilespmem:s28+$0x7C80];
	_ =	sdelay $0x3  }
0x133: {  	v1 =	vshll.u32 v1, $0x7  }
0x134: {  	v1 =	vadd.s32 v3, v1  }
0x135: {  	[tilespmem:s28+$0xAC80] =	vst v1  }
0x136: {  	v1 =	vld.idx.msk [tilespmem:v2+s6+$0x0], $0xffff  }
0x137: {  	[tilespmem:s28+$0x9C90] =	vst v2;
	v2 =	vld [tilespmem:s28+$0x6CA0]  }
0x138: {  	v3 =	vld [tilespmem:s28+$0x7C90];
	_ =	sdelay $0x3  }
0x139: {  	v1 =	vshll.u32 v1, $0x7  }
0x13a: {  	v1 =	vadd.s32 v3, v1  }
0x13b: {  	v3 =	vld [tilespmem:s28+$0x6CB0];
	[tilespmem:s28+$0xAC90] =	vst v1  }
0x13c: {  	v1 =	vld.idx.msk [tilespmem:v2+s6+$0x0], $0xffff  }
0x13d: {  	v4 =	vld [tilespmem:s28+$0x7CA0];
	_ =	sdelay $0x3  }
0x13e: {  	v1 =	vshll.u32 v1, $0x7  }
0x13f: {  	[tilespmem:s28+$0x9CA0] =	vst v2;
	v1 =	vadd.s32 v4, v1  }
0x140: {  	v2 =	vld [tilespmem:s28+$0x6CC0];
	[tilespmem:s28+$0xACA0] =	vst v1  }
0x141: {  	v1 =	vld.idx.msk [tilespmem:v3+s6+$0x0], $0xffff  }
0x142: {  	v4 =	vld [tilespmem:s28+$0x7CB0];
	_ =	sdelay $0x3  }
0x143: {  	v1 =	vshll.u32 v1, $0x7  }
0x144: {  	[tilespmem:s28+$0x9CB0] =	vst v3;
	v1 =	vadd.s32 v4, v1  }
0x145: {  	v3 =	vld [tilespmem:s28+$0x6CD0];
	[tilespmem:s28+$0xACB0] =	vst v1  }
0x146: {  	v1 =	vld.idx.msk [tilespmem:v2+s6+$0x0], $0xffff  }
0x147: {  	v4 =	vld [tilespmem:s28+$0x7CC0];
	_ =	sdelay $0x3  }
0x148: {  	v1 =	vshll.u32 v1, $0x7  }
0x149: {  	[tilespmem:s28+$0x9CC0] =	vst v2;
	v1 =	vadd.s32 v4, v1  }
0x14a: {  	v2 =	vld [tilespmem:s28+$0x6CE0];
	[tilespmem:s28+$0xACC0] =	vst v1  }
0x14b: {  	v1 =	vld.idx.msk [tilespmem:v3+s6+$0x0], $0xffff  }
0x14c: {  	v4 =	vld [tilespmem:s28+$0x7CD0];
	_ =	sdelay $0x3  }
0x14d: {  	v1 =	vshll.u32 v1, $0x7  }
0x14e: {  	[tilespmem:s28+$0x9CD0] =	vst v3;
	v1 =	vadd.s32 v4, v1  }
0x14f: {  	v3 =	vld [tilespmem:s28+$0x6CF0];
	[tilespmem:s28+$0xACD0] =	vst v1  }
0x150: {  	v1 =	vld.idx.msk [tilespmem:v2+s6+$0x0], $0xffff  }
0x151: {  	v4 =	vld [tilespmem:s28+$0x7CE0];
	_ =	sdelay $0x3  }
0x152: {  	v1 =	vshll.u32 v1, $0x7  }
0x153: {  	[tilespmem:s28+$0x9CE0] =	vst v2;
	v1 =	vadd.s32 v4, v1  }
0x154: {  	[tilespmem:s28+$0xACE0] =	vst v1  }
0x155: {  	v1 =	vld.idx.msk [tilespmem:v3+s6+$0x0], $0xffff  }
0x156: {  	v2 =	vld [tilespmem:s28+$0x7CF0];
	_ =	sdelay $0x3  }
0x157: {  	v1 =	vshll.u32 v1, $0x7  }
0x158: {  	[tilespmem:s28+$0x9CF0] =	vst v3;
	v1 =	vadd.s32 v2, v1  }
0x159: {  	[tilespmem:s28+$0xACF0] =	vst v1  }
0x15a: {  	_ =	swait.ge [sflag:s1], $0x1000  }
0x15b: {  	[sflag:s1] =	ssyncset.done $0x0  }
0x15c: {  	[sflag:s1] =	ssyncadd.s32 $0xFFFFF000  }
0x15d: {  	_ =	swait.ge [sflag:s1], $0x2800  }
0x15e: {  	[sflag:s1] =	ssyncset.done $0x0  }
0x15f: {  	[sflag:s1] =	ssyncadd.s32 $0xFFFFD800  }
0x160: {  	_ =	swait.ge [sflag:s1], $0x80  }
0x161: {  	[sflag:s1] =	ssyncset.done $0x0  }
0x162: {  	[sflag:s1] =	ssyncadd.s32 $0xFFFFFF80  }
0x163: {  	s30 =	simm.s32 $0xAC80;
	s28 =	simm.s32 $0xBC80;
	[bflag:$0x0] =	sbarrier.arrive $0xFFFF  }
0x164: {  	[tilespmem:s28], [sflag:$0x4] =	stream.indirect.gather [hbm4b:s2+s25], $0x1, s30, s25, $0xb8;
	[tilespmem:$0xF480] =	vst v63  }
0x165: {  	s30 =	simm.s32 $0xAD00;
	s28 =	simm.s32 $0xBD00  }
0x166: {  	[tilespmem:s28], [sflag:$0x4] =	stream.indirect.gather [hbm4b:s2+s25], $0x1, s30, s25, $0xb8;
	[tilespmem:$0xF480] =	vst v63  }
0x167: {  	s30 =	simm.s32 $0xAD80;
	s28 =	simm.s32 $0xBD80  }
0x168: {  	[tilespmem:s28], [sflag:$0x4] =	stream.indirect.gather [hbm4b:s2+s25], $0x1, s30, s25, $0xb8;
	[tilespmem:$0xF480] =	vst v63  }
0x169: {  	s30 =	simm.s32 $0xAE00;
	s28 =	simm.s32 $0xBE00  }
0x16a: {  	[tilespmem:s28], [sflag:$0x4] =	stream.indirect.gather [hbm4b:s2+s25], $0x1, s30, s25, $0xb8;
	[tilespmem:$0xF480] =	vst v63  }
0x16b: {  	s30 =	simm.s32 $0xAE80;
	s28 =	simm.s32 $0xBE80  }
0x16c: {  	[tilespmem:s28], [sflag:$0x4] =	stream.indirect.gather [hbm4b:s2+s25], $0x1, s30, s25, $0xb8;
	[tilespmem:$0xF480] =	vst v63  }
0x16d: {  	s30 =	simm.s32 $0xAF00;
	s28 =	simm.s32 $0xBF00  }
0x16e: {  	[tilespmem:s28], [sflag:$0x4] =	stream.indirect.gather [hbm4b:s2+s25], $0x1, s30, s25, $0xb8;
	[tilespmem:$0xF480] =	vst v63  }
0x16f: {  	s30 =	simm.s32 $0xAF80;
	s28 =	simm.s32 $0xBF80  }
0x170: {  	[tilespmem:s28], [sflag:$0x4] =	stream.indirect.gather [hbm4b:s2+s25], $0x1, s30, s25, $0xb8;
	[tilespmem:$0xF480] =	vst v63  }
0x171: {  	s30 =	simm.s32 $0xB000;
	s28 =	simm.s32 $0xC000  }
0x172: {  	[tilespmem:s28], [sflag:$0x4] =	stream.indirect.gather [hbm4b:s2+s25], $0x1, s30, s25, $0xb8;
	[tilespmem:$0xF480] =	vst v63  }
0x173: {  	_ =	swait.ge [sflag:s31], $0x80  }
0x174: {  	[sflag:s31] =	ssyncset.done $0x0  }
0x175: {  	[sflag:s31] =	ssyncadd.s32 $0xFFFFFF80  }
0x176: {  	_ =	swait.ge [sflag:s31], $0x80  }
0x177: {  	[sflag:s31] =	ssyncset.done $0x0  }
0x178: {  	[sflag:s31] =	ssyncadd.s32 $0xFFFFFF80  }
0x179: {  	_ =	swait.ge [sflag:s31], $0x80  }
0x17a: {  	[sflag:s31] =	ssyncset.done $0x0  }
0x17b: {  	[sflag:s31] =	ssyncadd.s32 $0xFFFFFF80  }
0x17c: {  	_ =	swait.ge [sflag:s31], $0x80  }
0x17d: {  	[sflag:s31] =	ssyncset.done $0x0  }
0x17e: {  	[sflag:s31] =	ssyncadd.s32 $0xFFFFFF80  }
0x17f: {  	_ =	swait.ge [sflag:s31], $0x80  }
0x180: {  	[sflag:s31] =	ssyncset.done $0x0  }
0x181: {  	[sflag:s31] =	ssyncadd.s32 $0xFFFFFF80  }
0x182: {  	_ =	swait.ge [sflag:s31], $0x80  }
0x183: {  	[sflag:s31] =	ssyncset.done $0x0  }
0x184: {  	[sflag:s31] =	ssyncadd.s32 $0xFFFFFF80  }
0x185: {  	_ =	swait.ge [sflag:s31], $0x80  }
0x186: {  	[sflag:s31] =	ssyncset.done $0x0  }
0x187: {  	[sflag:s31] =	ssyncadd.s32 $0xFFFFFF80  }
0x188: {  	_ =	swait.ge [sflag:s31], $0x80  }
0x189: {  	[sflag:s31] =	ssyncset.done $0x0  }
0x18a: {  	s29 =	simm.s32 $0x0;
	[sflag:s31] =	ssyncadd.s32 $0xFFFFFF80  }
0x18b: {  	v1 =	vld [tilespmem:s29+$0xB880]  }
0x18c: {  	v2 =	vld [tilespmem:s29+$0x8880]  }
0x18d: {  	v3 =	vld [tilespmem:s29+$0x7880];
	_ =	sdelay $0x2  }
0x18e: {  	v1 =	vmul.f32 $1.442695020e+00, v1;
	_ =	sdelay $0x1  }
0x18f: {  	(erf) = vpow2.f32 v1;
	_ =	sdelay $0x1  }
0x190: {  	v1 =	vld.idx.msk [tilespmem:v2+s20+$0x0], $0xffff  }
0x191: {  	v2 =	vld.idx.msk [tilespmem:v3+s21+$0x0], $0xffff  }
0x192: {  	v3 =	vld [tilespmem:s29+$0xB890]  }
0x193: {  	v4 =	vld [tilespmem:s29+$0x8890]  }
0x194: {  	v5 =	vld [tilespmem:s29+$0x7890];
	_ =	sdelay $0x1  }
0x195: {  	v1 =	vsub.f32 v1, v2  }
0x196: {  	v3 =	vmul.f32 $1.442695020e+00, v3;
	v2 =	vpop (erf)  }
0x197: {  	v1 =	vmul.f32 v1, v2  }
0x198: {  	(erf) = vpow2.f32 v3;
	[tilespmem:s29+$0xC880] =	vst v2  }
0x199: {  	[tilespmem:s29+$0xD880] =	vst v1  }
0x19a: {  	v1 =	vld.idx.msk [tilespmem:v4+s20+$0x0], $0xffff  }
0x19b: {  	v2 =	vld.idx.msk [tilespmem:v5+s21+$0x0], $0xffff  }
0x19c: {  	v3 =	vld [tilespmem:s29+$0xB8A0]  }
0x19d: {  	v4 =	vld [tilespmem:s29+$0x88A0]  }
0x19e: {  	v5 =	vld [tilespmem:s29+$0x78A0];
	_ =	sdelay $0x1  }
0x19f: {  	v1 =	vsub.f32 v1, v2  }
0x1a0: {  	v3 =	vmul.f32 $1.442695020e+00, v3;
	v2 =	vpop (erf)  }
0x1a1: {  	v6 =	vld [tilespmem:s29+$0xB8B0];
	v1 =	vmul.f32 v1, v2  }
0x1a2: {  	(erf) = vpow2.f32 v3;
	[tilespmem:s29+$0xC890] =	vst v2  }
0x1a3: {  	[tilespmem:s29+$0xD890] =	vst v1  }
0x1a4: {  	v1 =	vld.idx.msk [tilespmem:v4+s20+$0x0], $0xffff  }
0x1a5: {  	v2 =	vld.idx.msk [tilespmem:v5+s21+$0x0], $0xffff  }
0x1a6: {  	v3 =	vmul.f32 $1.442695020e+00, v6  }
0x1a7: {  	v4 =	vld [tilespmem:s29+$0x88B0]  }
0x1a8: {  	(erf) = vpow2.f32 v3;
	v3 =	vld [tilespmem:s29+$0x78B0];
	_ =	sdelay $0x1  }
0x1a9: {  	v1 =	vsub.f32 v1, v2  }
0x1aa: {  	v2 =	vpop (erf)  }
0x1ab: {  	v5 =	vld [tilespmem:s29+$0xB8C0];
	v1 =	vmul.f32 v1, v2  }
0x1ac: {  	[tilespmem:s29+$0xC8A0] =	vst v2  }
0x1ad: {  	[tilespmem:s29+$0xD8A0] =	vst v1  }
0x1ae: {  	v1 =	vld.idx.msk [tilespmem:v4+s20+$0x0], $0xffff  }
0x1af: {  	v2 =	vld.idx.msk [tilespmem:v3+s21+$0x0], $0xffff  }
0x1b0: {  	v4 =	vmul.f32 $1.442695020e+00, v5  }
0x1b1: {  	v5 =	vld [tilespmem:s29+$0x88C0]  }
0x1b2: {  	(erf) = vpow2.f32 v4;
	v4 =	vld [tilespmem:s29+$0x78C0];
	_ =	sdelay $0x1  }
0x1b3: {  	v1 =	vsub.f32 v1, v2  }
0x1b4: {  	v3 =	vpop (erf)  }
0x1b5: {  	v2 =	vld [tilespmem:s29+$0xB8D0];
	v1 =	vmul.f32 v1, v3  }
0x1b6: {  	[tilespmem:s29+$0xC8B0] =	vst v3  }
0x1b7: {  	[tilespmem:s29+$0xD8B0] =	vst v1  }
0x1b8: {  	v1 =	vld.idx.msk [tilespmem:v5+s20+$0x0], $0xffff  }
0x1b9: {  	v3 =	vld.idx.msk [tilespmem:v4+s21+$0x0], $0xffff  }
0x1ba: {  	v2 =	vmul.f32 $1.442695020e+00, v2  }
0x1bb: {  	v5 =	vld [tilespmem:s29+$0x88D0]  }
0x1bc: {  	v4 =	vpop (erf);
	(erf) = vpow2.f32 v2;
	v2 =	vld [tilespmem:s29+$0x78D0];
	_ =	sdelay $0x1  }
0x1bd: {  	v1 =	vsub.f32 v1, v3;
	_ =	sdelay $0x1  }
0x1be: {  	v3 =	vld [tilespmem:s29+$0xB8E0];
	v1 =	vmul.f32 v1, v4  }
0x1bf: {  	[tilespmem:s29+$0xC8C0] =	vst v4  }
0x1c0: {  	[tilespmem:s29+$0xD8C0] =	vst v1  }
0x1c1: {  	v1 =	vld.idx.msk [tilespmem:v5+s20+$0x0], $0xffff  }
0x1c2: {  	v2 =	vld.idx.msk [tilespmem:v2+s21+$0x0], $0xffff  }
0x1c3: {  	v3 =	vmul.f32 $1.442695020e+00, v3  }
0x1c4: {  	v5 =	vld [tilespmem:s29+$0x88E0]  }
0x1c5: {  	v4 =	vpop (erf);
	(erf) = vpow2.f32 v3;
	v3 =	vld [tilespmem:s29+$0x78E0];
	_ =	sdelay $0x1  }
0x1c6: {  	v1 =	vsub.f32 v1, v2  }
0x1c7: {  	v2 =	vld [tilespmem:s29+$0xB8F0]  }
0x1c8: {  	v1 =	vmul.f32 v1, v4  }
0x1c9: {  	[tilespmem:s29+$0xC8D0] =	vst v4  }
0x1ca: {  	[tilespmem:s29+$0xD8D0] =	vst v1  }
0x1cb: {  	v1 =	vld.idx.msk [tilespmem:v5+s20+$0x0], $0xffff  }
0x1cc: {  	v3 =	vld.idx.msk [tilespmem:v3+s21+$0x0], $0xffff;
	v2 =	vmul.f32 $1.442695020e+00, v2;
	_ =	sdelay $0x1  }
0x1cd: {  	v4 =	vpop (erf);
	(erf) = vpow2.f32 v2  }
0x1ce: {  	v5 =	vld [tilespmem:s29+$0x88F0]  }
0x1cf: {  	v63 =	vld [tilespmem:s29+$0x78F0]  }
0x1d0: {  	v1 =	vsub.f32 v1, v3;
	_ =	sdelay $0x1  }
0x1d1: {  	v1 =	vmul.f32 v1, v4;
	_ =	sdelay $0x1  }
0x1d2: {  	[tilespmem:s29+$0xC8E0] =	vst v4  }
0x1d3: {  	[tilespmem:s29+$0xD8E0] =	vst v1  }
0x1d4: {  	v2 =	vld.idx.msk [tilespmem:v5+s20+$0x0], $0xffff;
	v1 =	vpop (erf)  }
0x1d5: {  	s18 =	simm.s32 $0x400;
	s28 =	simm.s32 $0x80;
	v3 =	vld.idx.msk [tilespmem:v63+s21+$0x0], $0xffff;
	[tilespmem:s29+$0xC8F0] =	vst v1  }
.LBB2_8:
0x1d6: {  	p0 =	sne.s32 s18, $0xE00;
	v4 =	vld [tilespmem:s28+$0x8880];
	s30 =	smov.u32 s18;
	s18 =	sadd.s32 $0x200, s18  }
0x1d7: {  	v5 =	vld [tilespmem:s28+$0xB880]  }
0x1d8: {  	v6 =	vld [tilespmem:s28+$0x7880];
	_ =	sdelay $0x1  }
0x1d9: {  	v2 =	vsub.f32 v2, v3;
	_ =	sdelay $0x1  }
0x1da: {  	v1 =	vmul.f32 v2, v1;
	v3 =	vmul.f32 $1.442695020e+00, v5;
	_ =	sdelay $0x1  }
0x1db: {  	(erf) = vpow2.f32 v3;
	[tilespmem:s29+$0xD8F0] =	vst v1;
	s29 =	smov.u32 s28  }
0x1dc: {  	v1 =	vld.idx.msk [tilespmem:v4+s20+$0x0], $0xffff  }
0x1dd: {  	v2 =	vld.idx.msk [tilespmem:v6+s21+$0x0], $0xffff;
	_ =	sdelay $0x1  }
0x1de: {  	v3 =	vld [tilespmem:s29+$0x8890]  }
0x1df: {  	v4 =	vld [tilespmem:s29+$0xB890]  }
0x1e0: {  	v5 =	vld [tilespmem:s29+$0x7890];
	_ =	sdelay $0x1  }
0x1e1: {  	v1 =	vsub.f32 v1, v2  }
0x1e2: {  	v2 =	vpop (erf)  }
0x1e3: {  	v1 =	vmul.f32 v1, v2;
	v4 =	vmul.f32 $1.442695020e+00, v4  }
0x1e4: {  	[tilespmem:s29+$0xC880] =	vst v2  }
0x1e5: {  	[tilespmem:s29+$0xD880] =	vst v1;
	(erf) = vpow2.f32 v4  }
0x1e6: {  	v1 =	vld.idx.msk [tilespmem:v3+s20+$0x0], $0xffff  }
0x1e7: {  	v2 =	vld.idx.msk [tilespmem:v5+s21+$0x0], $0xffff;
	_ =	sdelay $0x1  }
0x1e8: {  	v3 =	vld [tilespmem:s29+$0x88A0]  }
0x1e9: {  	v4 =	vld [tilespmem:s29+$0xB8A0]  }
0x1ea: {  	v5 =	vld [tilespmem:s29+$0x78A0];
	_ =	sdelay $0x1  }
0x1eb: {  	v1 =	vsub.f32 v1, v2  }
0x1ec: {  	v2 =	vpop (erf)  }
0x1ed: {  	v1 =	vmul.f32 v1, v2;
	v4 =	vmul.f32 $1.442695020e+00, v4;
	v6 =	vld [tilespmem:s29+$0xB8B0]  }
0x1ee: {  	[tilespmem:s29+$0xC890] =	vst v2  }
0x1ef: {  	[tilespmem:s29+$0xD890] =	vst v1;
	(erf) = vpow2.f32 v4  }
0x1f0: {  	v1 =	vld.idx.msk [tilespmem:v3+s20+$0x0], $0xffff  }
0x1f1: {  	v2 =	vld.idx.msk [tilespmem:v5+s21+$0x0], $0xffff  }
0x1f2: {  	v3 =	vmul.f32 $1.442695020e+00, v6;
	_ =	sdelay $0x1  }
0x1f3: {  	v4 =	vld [tilespmem:s29+$0x88B0];
	(erf) = vpow2.f32 v3  }
0x1f4: {  	v3 =	vld [tilespmem:s29+$0x78B0];
	_ =	sdelay $0x1  }
0x1f5: {  	v1 =	vsub.f32 v1, v2  }
0x1f6: {  	v2 =	vpop (erf)  }
0x1f7: {  	v1 =	vmul.f32 v1, v2;
	v5 =	vld [tilespmem:s29+$0xB8C0]  }
0x1f8: {  	[tilespmem:s29+$0xC8A0] =	vst v2  }
0x1f9: {  	[tilespmem:s29+$0xD8A0] =	vst v1  }
0x1fa: {  	v1 =	vld.idx.msk [tilespmem:v4+s20+$0x0], $0xffff  }
0x1fb: {  	v2 =	vld.idx.msk [tilespmem:v3+s21+$0x0], $0xffff;
	v3 =	vpop (erf)  }
0x1fc: {  	[tilespmem:s29+$0xC8B0] =	vst v3;
	v4 =	vmul.f32 $1.442695020e+00, v5;
	_ =	sdelay $0x1  }
0x1fd: {  	v5 =	vld [tilespmem:s29+$0x88C0];
	(erf) = vpow2.f32 v4  }
0x1fe: {  	v4 =	vld [tilespmem:s29+$0x78C0];
	_ =	sdelay $0x1  }
0x1ff: {  	v1 =	vsub.f32 v1, v2;
	_ =	sdelay $0x1  }
0x200: {  	v1 =	vmul.f32 v1, v3;
	v2 =	vld [tilespmem:s29+$0xB8D0];
	_ =	sdelay $0x1  }
0x201: {  	[tilespmem:s29+$0xD8B0] =	vst v1  }
0x202: {  	v1 =	vld.idx.msk [tilespmem:v5+s20+$0x0], $0xffff  }
0x203: {  	v3 =	vld.idx.msk [tilespmem:v4+s21+$0x0], $0xffff;
	v4 =	vpop (erf)  }
0x204: {  	[tilespmem:s29+$0xC8C0] =	vst v4;
	v2 =	vmul.f32 $1.442695020e+00, v2;
	_ =	sdelay $0x1  }
0x205: {  	v5 =	vld [tilespmem:s29+$0x88D0];
	(erf) = vpow2.f32 v2  }
0x206: {  	v2 =	vld [tilespmem:s29+$0x78D0];
	_ =	sdelay $0x1  }
0x207: {  	v1 =	vsub.f32 v1, v3;
	_ =	sdelay $0x1  }
0x208: {  	v1 =	vmul.f32 v1, v4;
	v3 =	vld [tilespmem:s29+$0xB8E0];
	_ =	sdelay $0x1  }
0x209: {  	[tilespmem:s29+$0xD8C0] =	vst v1  }
0x20a: {  	v1 =	vld.idx.msk [tilespmem:v5+s20+$0x0], $0xffff  }
0x20b: {  	v2 =	vld.idx.msk [tilespmem:v2+s21+$0x0], $0xffff;
	v4 =	vpop (erf)  }
0x20c: {  	[tilespmem:s29+$0xC8D0] =	vst v4;
	v3 =	vmul.f32 $1.442695020e+00, v3;
	_ =	sdelay $0x1  }
0x20d: {  	v5 =	vld [tilespmem:s29+$0x88E0];
	(erf) = vpow2.f32 v3  }
0x20e: {  	v3 =	vld [tilespmem:s29+$0x78E0];
	_ =	sdelay $0x1  }
0x20f: {  	v1 =	vsub.f32 v1, v2;
	_ =	sdelay $0x1  }
0x210: {  	v1 =	vmul.f32 v1, v4;
	v2 =	vld [tilespmem:s29+$0xB8F0];
	_ =	sdelay $0x1  }
0x211: {  	[tilespmem:s29+$0xD8D0] =	vst v1  }
0x212: {  	v1 =	vld.idx.msk [tilespmem:v5+s20+$0x0], $0xffff  }
0x213: {  	v3 =	vld.idx.msk [tilespmem:v3+s21+$0x0], $0xffff;
	v4 =	vpop (erf)  }
0x214: {  	[tilespmem:s29+$0xC8E0] =	vst v4;
	v2 =	vmul.f32 $1.442695020e+00, v2;
	_ =	sdelay $0x1  }
0x215: {  	v5 =	vld [tilespmem:s29+$0x88F0];
	(erf) = vpow2.f32 v2  }
0x216: {  	v6 =	vld [tilespmem:s29+$0x78F0];
	_ =	sdelay $0x1  }
0x217: {  	v1 =	vsub.f32 v1, v3;
	_ =	sdelay $0x1  }
0x218: {  	v1 =	vmul.f32 v1, v4  }
.Ltmp3:
0x219: {  	(pc) =	sbr.rel @p0 .LBB2_8-.Ltmp3, $4  }
0x21a: {  	[tilespmem:s29+$0xD8E0] =	vst v1  }
0x21b: {  	v2 =	vld.idx.msk [tilespmem:v5+s20+$0x0], $0xffff  }
0x21c: {  	v3 =	vld.idx.msk [tilespmem:v6+s21+$0x0], $0xffff;
	v1 =	vpop (erf)  }
0x21d: {  	s28 =	sshra.s32 s30, $0x2;
	[tilespmem:s29+$0xC8F0] =	vst v1  }
0x21e: {  	v4 =	vld [tilespmem:s28+$0xB880]  }
0x21f: {  	v5 =	vld [tilespmem:s28+$0x8880]  }
0x220: {  	v6 =	vld [tilespmem:s28+$0x7880];
	_ =	sdelay $0x1  }
0x221: {  	v2 =	vsub.f32 v2, v3  }
0x222: {  	v3 =	vmul.f32 $1.442695020e+00, v4  }
0x223: {  	v1 =	vmul.f32 v2, v1  }
0x224: {  	(erf) = vpow2.f32 v3  }
0x225: {  	[tilespmem:s29+$0xD8F0] =	vst v1  }
0x226: {  	v1 =	vld.idx.msk [tilespmem:v5+s20+$0x0], $0xffff  }
0x227: {  	v2 =	vld.idx.msk [tilespmem:v6+s21+$0x0], $0xffff  }
0x228: {  	v3 =	vld [tilespmem:s28+$0xB890]  }
0x229: {  	v42 =	vld [tilespmem:s28+$0x8890]  }
0x22a: {  	v43 =	vld [tilespmem:s28+$0x7890];
	_ =	sdelay $0x1  }
0x22b: {  	v1 =	vsub.f32 v1, v2  }
0x22c: {  	v3 =	vmul.f32 $1.442695020e+00, v3;
	v2 =	vpop (erf)  }
0x22d: {  	v1 =	vmul.f32 v1, v2  }
0x22e: {  	(erf) = vpow2.f32 v3;
	[tilespmem:s28+$0xC880] =	vst v2  }
0x22f: {  	[tilespmem:s28+$0xD880] =	vst v1  }
0x230: {  	v1 =	vld.idx.msk [tilespmem:v42+s20+$0x0], $0xffff  }
0x231: {  	v2 =	vld.idx.msk [tilespmem:v43+s21+$0x0], $0xffff  }
0x232: {  	v3 =	vld [tilespmem:s28+$0xB8A0]  }
0x233: {  	v44 =	vld [tilespmem:s28+$0x88A0]  }
0x234: {  	v45 =	vld [tilespmem:s28+$0x78A0];
	_ =	sdelay $0x1  }
0x235: {  	v1 =	vsub.f32 v1, v2  }
0x236: {  	v3 =	vmul.f32 $1.442695020e+00, v3;
	v2 =	vpop (erf)  }
0x237: {  	v46 =	vld [tilespmem:s28+$0xB8B0];
	v1 =	vmul.f32 v1, v2  }
0x238: {  	(erf) = vpow2.f32 v3;
	[tilespmem:s28+$0xC890] =	vst v2  }
0x239: {  	[tilespmem:s28+$0xD890] =	vst v1  }
0x23a: {  	v1 =	vld.idx.msk [tilespmem:v44+s20+$0x0], $0xffff  }
0x23b: {  	v2 =	vld.idx.msk [tilespmem:v45+s21+$0x0], $0xffff  }
0x23c: {  	v3 =	vmul.f32 $1.442695020e+00, v46  }
0x23d: {  	v47 =	vld [tilespmem:s28+$0x88B0]  }
0x23e: {  	(erf) = vpow2.f32 v3;
	v3 =	vld [tilespmem:s28+$0x78B0];
	_ =	sdelay $0x1  }
0x23f: {  	v1 =	vsub.f32 v1, v2  }
0x240: {  	v2 =	vpop (erf)  }
0x241: {  	v1 =	vmul.f32 v1, v2  }
0x242: {  	[tilespmem:s28+$0xC8A0] =	vst v2  }
0x243: {  	v48 =	vld [tilespmem:s28+$0xB8C0];
	[tilespmem:s28+$0xD8A0] =	vst v1  }
0x244: {  	v1 =	vld.idx.msk [tilespmem:v47+s20+$0x0], $0xffff  }
0x245: {  	v2 =	vld.idx.msk [tilespmem:v3+s21+$0x0], $0xffff;
	_ =	sdelay $0x1  }
0x246: {  	v50 =	vld [tilespmem:s28+$0x88C0]  }
0x247: {  	v51 =	vld [tilespmem:s28+$0x78C0];
	v49 =	vmul.f32 $1.442695020e+00, v48;
	_ =	sdelay $0x1  }
0x248: {  	(erf) = vpow2.f32 v49;
	v1 =	vsub.f32 v1, v2  }
0x249: {  	v3 =	vpop (erf)  }
0x24a: {  	v2 =	vld [tilespmem:s28+$0xB8D0];
	v1 =	vmul.f32 v1, v3  }
0x24b: {  	[tilespmem:s28+$0xC8B0] =	vst v3  }
0x24c: {  	[tilespmem:s28+$0xD8B0] =	vst v1  }
0x24d: {  	v1 =	vld.idx.msk [tilespmem:v50+s20+$0x0], $0xffff  }
0x24e: {  	v3 =	vld.idx.msk [tilespmem:v51+s21+$0x0], $0xffff  }
0x24f: {  	v2 =	vmul.f32 $1.442695020e+00, v2  }
0x250: {  	v53 =	vld [tilespmem:s28+$0x88D0]  }
0x251: {  	v52 =	vpop (erf);
	(erf) = vpow2.f32 v2;
	v2 =	vld [tilespmem:s28+$0x78D0];
	_ =	sdelay $0x1  }
0x252: {  	v1 =	vsub.f32 v1, v3;
	_ =	sdelay $0x1  }
0x253: {  	v3 =	vld [tilespmem:s28+$0xB8E0];
	v1 =	vmul.f32 v1, v52  }
0x254: {  	[tilespmem:s28+$0xC8C0] =	vst v52  }
0x255: {  	[tilespmem:s28+$0xD8C0] =	vst v1  }
0x256: {  	v1 =	vld.idx.msk [tilespmem:v53+s20+$0x0], $0xffff  }
0x257: {  	v2 =	vld.idx.msk [tilespmem:v2+s21+$0x0], $0xffff  }
0x258: {  	v3 =	vmul.f32 $1.442695020e+00, v3  }
0x259: {  	v55 =	vld [tilespmem:s28+$0x88E0]  }
0x25a: {  	v54 =	vpop (erf);
	(erf) = vpow2.f32 v3;
	v3 =	vld [tilespmem:s28+$0x78E0];
	_ =	sdelay $0x1  }
0x25b: {  	v1 =	vsub.f32 v1, v2;
	_ =	sdelay $0x1  }
0x25c: {  	v1 =	vmul.f32 v1, v54  }
0x25d: {  	[tilespmem:s28+$0xC8D0] =	vst v54  }
0x25e: {  	[tilespmem:s28+$0xD8D0] =	vst v1  }
0x25f: {  	v1 =	vld.idx.msk [tilespmem:v55+s20+$0x0], $0xffff  }
0x260: {  	v3 =	vld.idx.msk [tilespmem:v3+s21+$0x0], $0xffff  }
0x261: {  	v2 =	vld [tilespmem:s28+$0xB8F0]  }
0x262: {  	v57 =	vld [tilespmem:s28+$0x88F0]  }
0x263: {  	v58 =	vld [tilespmem:s28+$0x78F0];
	_ =	sdelay $0x1  }
0x264: {  	v1 =	vsub.f32 v1, v3  }
0x265: {  	v2 =	vmul.f32 $1.442695020e+00, v2;
	v56 =	vpop (erf)  }
0x266: {  	v1 =	vmul.f32 v1, v56  }
0x267: {  	[tilespmem:s28+$0xC8E0] =	vst v56;
	(erf) = vpow2.f32 v2  }
0x268: {  	[tilespmem:s28+$0xD8E0] =	vst v1  }
0x269: {  	v1 =	vld.idx.msk [tilespmem:v57+s20+$0x0], $0xffff  }
0x26a: {  	v2 =	vld.idx.msk [tilespmem:v58+s21+$0x0], $0xffff;
	_ =	sdelay $0x4  }
0x26b: {  	v1 =	vsub.f32 v1, v2  }
0x26c: {  	v2 =	vpop (erf)  }
0x26d: {  	v1 =	vmul.f32 v1, v2  }
0x26e: {  	[tilespmem:s28+$0xC8F0] =	vst v2  }
0x26f: {  	s18 =	simm.s32 $0x9880;
	[tilespmem:s28+$0xD8F0] =	vst v1;
	s28 =	simm.s32 $0xC880  }
0x270: {  	[spmem:s3] =	stream.indirect.scatter.add.f32 [tilespmem:s28], [sflag:$0x5], $0x1, s18, s25, $0xb8;
	[tilespmem:$0xF480] =	vst v63  }
0x271: {  	s28 =	simm.s32 $0xD880  }
0x272: {  	[spmem:s4] =	stream.indirect.scatter.add.f32 [tilespmem:s28], [sflag:$0x5], $0x1, s18, s25, $0xb8;
	[tilespmem:$0xF480] =	vst v63  }
0x273: {  	s30 =	simm.s32 $0x9900;
	s28 =	simm.s32 $0xC900  }
0x274: {  	[spmem:s3] =	stream.indirect.scatter.add.f32 [tilespmem:s28], [sflag:$0x5], $0x1, s30, s25, $0xb8;
	[tilespmem:$0xF480] =	vst v63  }
0x275: {  	s28 =	simm.s32 $0xD900  }
0x276: {  	[spmem:s4] =	stream.indirect.scatter.add.f32 [tilespmem:s28], [sflag:$0x5], $0x1, s30, s25, $0xb8;
	[tilespmem:$0xF480] =	vst v63  }
0x277: {  	s30 =	simm.s32 $0x9980;
	s28 =	simm.s32 $0xC980  }
0x278: {  	[spmem:s3] =	stream.indirect.scatter.add.f32 [tilespmem:s28], [sflag:$0x5], $0x1, s30, s25, $0xb8;
	[tilespmem:$0xF480] =	vst v63  }
0x279: {  	s28 =	simm.s32 $0xD980  }
0x27a: {  	[spmem:s4] =	stream.indirect.scatter.add.f32 [tilespmem:s28], [sflag:$0x5], $0x1, s30, s25, $0xb8;
	[tilespmem:$0xF480] =	vst v63  }
0x27b: {  	s30 =	simm.s32 $0x9A00;
	s28 =	simm.s32 $0xCA00  }
0x27c: {  	[spmem:s3] =	stream.indirect.scatter.add.f32 [tilespmem:s28], [sflag:$0x5], $0x1, s30, s25, $0xb8;
	[tilespmem:$0xF480] =	vst v63  }
0x27d: {  	s28 =	simm.s32 $0xDA00  }
0x27e: {  	[spmem:s4] =	stream.indirect.scatter.add.f32 [tilespmem:s28], [sflag:$0x5], $0x1, s30, s25, $0xb8;
	[tilespmem:$0xF480] =	vst v63  }
0x27f: {  	s30 =	simm.s32 $0x9A80;
	s28 =	simm.s32 $0xCA80  }
0x280: {  	[spmem:s3] =	stream.indirect.scatter.add.f32 [tilespmem:s28], [sflag:$0x5], $0x1, s30, s25, $0xb8;
	[tilespmem:$0xF480] =	vst v63  }
0x281: {  	s28 =	simm.s32 $0xDA80  }
0x282: {  	[spmem:s4] =	stream.indirect.scatter.add.f32 [tilespmem:s28], [sflag:$0x5], $0x1, s30, s25, $0xb8;
	[tilespmem:$0xF480] =	vst v63  }
0x283: {  	s30 =	simm.s32 $0x9B00;
	s28 =	simm.s32 $0xCB00  }
0x284: {  	[spmem:s3] =	stream.indirect.scatter.add.f32 [tilespmem:s28], [sflag:$0x5], $0x1, s30, s25, $0xb8;
	[tilespmem:$0xF480] =	vst v63  }
0x285: {  	s28 =	simm.s32 $0xDB00  }
0x286: {  	[spmem:s4] =	stream.indirect.scatter.add.f32 [tilespmem:s28], [sflag:$0x5], $0x1, s30, s25, $0xb8;
	[tilespmem:$0xF480] =	vst v63  }
0x287: {  	s30 =	simm.s32 $0x9B80;
	s28 =	simm.s32 $0xCB80  }
0x288: {  	[spmem:s3] =	stream.indirect.scatter.add.f32 [tilespmem:s28], [sflag:$0x5], $0x1, s30, s25, $0xb8;
	[tilespmem:$0xF480] =	vst v63  }
0x289: {  	s28 =	simm.s32 $0xDB80  }
0x28a: {  	[spmem:s4] =	stream.indirect.scatter.add.f32 [tilespmem:s28], [sflag:$0x5], $0x1, s30, s25, $0xb8;
	[tilespmem:$0xF480] =	vst v63  }
0x28b: {  	s30 =	simm.s32 $0x9C00;
	s28 =	simm.s32 $0xCC00  }
0x28c: {  	[spmem:s3] =	stream.indirect.scatter.add.f32 [tilespmem:s28], [sflag:$0x5], $0x1, s30, s25, $0xb8;
	[tilespmem:$0xF480] =	vst v63  }
0x28d: {  	s18 =	simm.s32 $0x0;
	s28 =	simm.s32 $0xDC00  }
0x28e: {  	[spmem:s4] =	stream.indirect.scatter.add.f32 [tilespmem:s28], [sflag:$0x5], $0x1, s30, s25, $0xb8;
	[tilespmem:$0xF480] =	vst v63  }
0x28f: {  	v1 =	vld [tilespmem:s18+$0x7080];
	_ =	sdelay $0x7  }
0x290: {  	v2 =	vld.idx.msk [tilespmem:v1+s6+$0x0], $0xffff  }
0x291: {  	[tilespmem:s18+$0xA080] =	vst v1;
	v1 =	vld [tilespmem:s18+$0x7090]  }
0x292: {  	v3 =	vld [tilespmem:s18+$0x8080];
	_ =	sdelay $0x3  }
0x293: {  	v2 =	vshll.u32 v2, $0x7  }
0x294: {  	v2 =	vadd.s32 v3, v2  }
0x295: {  	[tilespmem:s18+$0xB080] =	vst v2  }
0x296: {  	v2 =	vld.idx.msk [tilespmem:v1+s6+$0x0], $0xffff  }
0x297: {  	[tilespmem:s18+$0xA090] =	vst v1;
	v1 =	vld [tilespmem:s18+$0x70A0]  }
0x298: {  	v3 =	vld [tilespmem:s18+$0x8090];
	_ =	sdelay $0x3  }
0x299: {  	v2 =	vshll.u32 v2, $0x7  }
0x29a: {  	v2 =	vadd.s32 v3, v2  }
0x29b: {  	v3 =	vld [tilespmem:s18+$0x70B0];
	[tilespmem:s18+$0xB090] =	vst v2  }
0x29c: {  	v2 =	vld.idx.msk [tilespmem:v1+s6+$0x0], $0xffff  }
0x29d: {  	v59 =	vld [tilespmem:s18+$0x80A0];
	_ =	sdelay $0x3  }
0x29e: {  	v2 =	vshll.u32 v2, $0x7  }
0x29f: {  	[tilespmem:s18+$0xA0A0] =	vst v1;
	v1 =	vadd.s32 v59, v2  }
0x2a0: {  	v2 =	vld [tilespmem:s18+$0x70C0];
	[tilespmem:s18+$0xB0A0] =	vst v1  }
0x2a1: {  	v1 =	vld.idx.msk [tilespmem:v3+s6+$0x0], $0xffff  }
0x2a2: {  	v60 =	vld [tilespmem:s18+$0x80B0];
	_ =	sdelay $0x3  }
0x2a3: {  	v1 =	vshll.u32 v1, $0x7  }
0x2a4: {  	[tilespmem:s18+$0xA0B0] =	vst v3;
	v1 =	vadd.s32 v60, v1  }
0x2a5: {  	v3 =	vld [tilespmem:s18+$0x70D0];
	[tilespmem:s18+$0xB0B0] =	vst v1  }
0x2a6: {  	v1 =	vld.idx.msk [tilespmem:v2+s6+$0x0], $0xffff  }
0x2a7: {  	v61 =	vld [tilespmem:s18+$0x80C0];
	_ =	sdelay $0x3  }
0x2a8: {  	v1 =	vshll.u32 v1, $0x7  }
0x2a9: {  	[tilespmem:s18+$0xA0C0] =	vst v2;
	v1 =	vadd.s32 v61, v1  }
0x2aa: {  	v2 =	vld [tilespmem:s18+$0x70E0];
	[tilespmem:s18+$0xB0C0] =	vst v1  }
0x2ab: {  	v1 =	vld.idx.msk [tilespmem:v3+s6+$0x0], $0xffff  }
0x2ac: {  	v62 =	vld [tilespmem:s18+$0x80D0];
	_ =	sdelay $0x3  }
0x2ad: {  	v1 =	vshll.u32 v1, $0x7  }
0x2ae: {  	[tilespmem:s18+$0xA0D0] =	vst v3;
	v1 =	vadd.s32 v62, v1  }
0x2af: {  	v3 =	vld [tilespmem:s18+$0x70F0];
	[tilespmem:s18+$0xB0D0] =	vst v1  }
0x2b0: {  	v1 =	vld.idx.msk [tilespmem:v2+s6+$0x0], $0xffff  }
0x2b1: {  	v63 =	vld [tilespmem:s18+$0x80E0];
	_ =	sdelay $0x3  }
0x2b2: {  	v1 =	vshll.u32 v1, $0x7  }
0x2b3: {  	[tilespmem:s18+$0xA0E0] =	vst v2;
	v1 =	vadd.s32 v63, v1  }
0x2b4: {  	[tilespmem:s18+$0xB0E0] =	vst v1  }
0x2b5: {  	s29 =	simm.s32 $0x400;
	s28 =	simm.s32 $0x80;
	v1 =	vld.idx.msk [tilespmem:v3+s6+$0x0], $0xffff;
	[tilespmem:s18+$0xA0F0] =	vst v3  }
.LBB2_10:
0x2b6: {  	p0 =	sne.s32 s29, $0xE00;
	v2 =	vld [tilespmem:s28+$0x7080]  }
0x2b7: {  	v3 =	vld [tilespmem:s18+$0x80F0];
	_ =	sdelay $0x3  }
0x2b8: {  	v1 =	vshll.u32 v1, $0x7  }
0x2b9: {  	v1 =	vadd.s32 v3, v1  }
0x2ba: {  	[tilespmem:s18+$0xB0F0] =	vst v1;
	s18 =	smov.u32 s28  }
0x2bb: {  	v1 =	vld.idx.msk [tilespmem:v2+s6+$0x0], $0xffff;
	[tilespmem:s18+$0xA080] =	vst v2  }
0x2bc: {  	v2 =	vld [tilespmem:s18+$0x7090]  }
0x2bd: {  	v3 =	vld [tilespmem:s18+$0x8080];
	_ =	sdelay $0x3  }
0x2be: {  	v1 =	vshll.u32 v1, $0x7  }
0x2bf: {  	v1 =	vadd.s32 v3, v1  }
0x2c0: {  	[tilespmem:s18+$0xB080] =	vst v1  }
0x2c1: {  	v1 =	vld.idx.msk [tilespmem:v2+s6+$0x0], $0xffff;
	[tilespmem:s18+$0xA090] =	vst v2  }
0x2c2: {  	v2 =	vld [tilespmem:s18+$0x70A0]  }
0x2c3: {  	v3 =	vld [tilespmem:s18+$0x8090];
	_ =	sdelay $0x3  }
0x2c4: {  	v1 =	vshll.u32 v1, $0x7  }
0x2c5: {  	v1 =	vadd.s32 v3, v1  }
0x2c6: {  	[tilespmem:s18+$0xB090] =	vst v1  }
0x2c7: {  	v1 =	vld.idx.msk [tilespmem:v2+s6+$0x0], $0xffff  }
0x2c8: {  	v3 =	vld [tilespmem:s18+$0x70B0]  }
0x2c9: {  	v4 =	vld [tilespmem:s18+$0x80A0];
	_ =	sdelay $0x3  }
0x2ca: {  	v1 =	vshll.u32 v1, $0x7  }
0x2cb: {  	[tilespmem:s18+$0xA0A0] =	vst v2;
	v1 =	vadd.s32 v4, v1  }
0x2cc: {  	[tilespmem:s18+$0xB0A0] =	vst v1  }
0x2cd: {  	v1 =	vld.idx.msk [tilespmem:v3+s6+$0x0], $0xffff  }
0x2ce: {  	v2 =	vld [tilespmem:s18+$0x70C0]  }
0x2cf: {  	v4 =	vld [tilespmem:s18+$0x80B0];
	_ =	sdelay $0x3  }
0x2d0: {  	v1 =	vshll.u32 v1, $0x7  }
0x2d1: {  	[tilespmem:s18+$0xA0B0] =	vst v3;
	v1 =	vadd.s32 v4, v1  }
0x2d2: {  	[tilespmem:s18+$0xB0B0] =	vst v1  }
0x2d3: {  	v1 =	vld.idx.msk [tilespmem:v2+s6+$0x0], $0xffff  }
0x2d4: {  	v3 =	vld [tilespmem:s18+$0x70D0]  }
0x2d5: {  	v4 =	vld [tilespmem:s18+$0x80C0];
	_ =	sdelay $0x3  }
0x2d6: {  	v1 =	vshll.u32 v1, $0x7  }
0x2d7: {  	[tilespmem:s18+$0xA0C0] =	vst v2;
	v1 =	vadd.s32 v4, v1  }
0x2d8: {  	[tilespmem:s18+$0xB0C0] =	vst v1  }
0x2d9: {  	v1 =	vld.idx.msk [tilespmem:v3+s6+$0x0], $0xffff  }
0x2da: {  	v2 =	vld [tilespmem:s18+$0x70E0]  }
0x2db: {  	v4 =	vld [tilespmem:s18+$0x80D0];
	_ =	sdelay $0x3  }
0x2dc: {  	v1 =	vshll.u32 v1, $0x7  }
0x2dd: {  	[tilespmem:s18+$0xA0D0] =	vst v3;
	v1 =	vadd.s32 v4, v1  }
0x2de: {  	[tilespmem:s18+$0xB0D0] =	vst v1  }
0x2df: {  	v1 =	vld.idx.msk [tilespmem:v2+s6+$0x0], $0xffff  }
0x2e0: {  	v3 =	vld [tilespmem:s18+$0x70F0]  }
0x2e1: {  	v4 =	vld [tilespmem:s18+$0x80E0];
	_ =	sdelay $0x2  }
.Ltmp4:
0x2e2: {  	(pc) =	sbr.rel @p0 .LBB2_10-.Ltmp4, $4  }
0x2e3: {  	v1 =	vshll.u32 v1, $0x7  }
0x2e4: {  	[tilespmem:s18+$0xA0E0] =	vst v2;
	v1 =	vadd.s32 v4, v1  }
0x2e5: {  	[tilespmem:s18+$0xB0E0] =	vst v1  }
0x2e6: {  	s28 =	sshra.s32 s29, $0x2;
	s29 =	sadd.s32 $0x200, s29;
	v1 =	vld.idx.msk [tilespmem:v3+s6+$0x0], $0xffff;
	[tilespmem:s18+$0xA0F0] =	vst v3  }
0x2e7: {  	v2 =	vld [tilespmem:s28+$0x7080]  }
0x2e8: {  	v3 =	vld [tilespmem:s18+$0x80F0];
	_ =	sdelay $0x3  }
0x2e9: {  	v1 =	vshll.u32 v1, $0x7  }
0x2ea: {  	v1 =	vadd.s32 v3, v1  }
0x2eb: {  	[tilespmem:s18+$0xB0F0] =	vst v1  }
0x2ec: {  	v1 =	vld.idx.msk [tilespmem:v2+s6+$0x0], $0xffff  }
0x2ed: {  	[tilespmem:s28+$0xA080] =	vst v2;
	v2 =	vld [tilespmem:s28+$0x7090]  }
0x2ee: {  	v3 =	vld [tilespmem:s28+$0x8080];
	_ =	sdelay $0x3  }
0x2ef: {  	v1 =	vshll.u32 v1, $0x7  }
0x2f0: {  	v1 =	vadd.s32 v3, v1  }
0x2f1: {  	[tilespmem:s28+$0xB080] =	vst v1  }
0x2f2: {  	v1 =	vld.idx.msk [tilespmem:v2+s6+$0x0], $0xffff  }
0x2f3: {  	[tilespmem:s28+$0xA090] =	vst v2;
	v2 =	vld [tilespmem:s28+$0x70A0]  }
0x2f4: {  	v3 =	vld [tilespmem:s28+$0x8090];
	_ =	sdelay $0x3  }
0x2f5: {  	v1 =	vshll.u32 v1, $0x7  }
0x2f6: {  	v1 =	vadd.s32 v3, v1  }
0x2f7: {  	v3 =	vld [tilespmem:s28+$0x70B0];
	[tilespmem:s28+$0xB090] =	vst v1  }
0x2f8: {  	v1 =	vld.idx.msk [tilespmem:v2+s6+$0x0], $0xffff  }
0x2f9: {  	v4 =	vld [tilespmem:s28+$0x80A0];
	_ =	sdelay $0x3  }
0x2fa: {  	v1 =	vshll.u32 v1, $0x7  }
0x2fb: {  	[tilespmem:s28+$0xA0A0] =	vst v2;
	v1 =	vadd.s32 v4, v1  }
0x2fc: {  	v2 =	vld [tilespmem:s28+$0x70C0];
	[tilespmem:s28+$0xB0A0] =	vst v1  }
0x2fd: {  	v1 =	vld.idx.msk [tilespmem:v3+s6+$0x0], $0xffff  }
0x2fe: {  	v4 =	vld [tilespmem:s28+$0x80B0];
	_ =	sdelay $0x3  }
0x2ff: {  	v1 =	vshll.u32 v1, $0x7  }
0x300: {  	[tilespmem:s28+$0xA0B0] =	vst v3;
	v1 =	vadd.s32 v4, v1  }
0x301: {  	v3 =	vld [tilespmem:s28+$0x70D0];
	[tilespmem:s28+$0xB0B0] =	vst v1  }
0x302: {  	v1 =	vld.idx.msk [tilespmem:v2+s6+$0x0], $0xffff  }
0x303: {  	v4 =	vld [tilespmem:s28+$0x80C0];
	_ =	sdelay $0x3  }
0x304: {  	v1 =	vshll.u32 v1, $0x7  }
0x305: {  	[tilespmem:s28+$0xA0C0] =	vst v2;
	v1 =	vadd.s32 v4, v1  }
0x306: {  	v2 =	vld [tilespmem:s28+$0x70E0];
	[tilespmem:s28+$0xB0C0] =	vst v1  }
0x307: {  	v1 =	vld.idx.msk [tilespmem:v3+s6+$0x0], $0xffff  }
0x308: {  	v4 =	vld [tilespmem:s28+$0x80D0];
	_ =	sdelay $0x3  }
0x309: {  	v1 =	vshll.u32 v1, $0x7  }
0x30a: {  	[tilespmem:s28+$0xA0D0] =	vst v3;
	v1 =	vadd.s32 v4, v1  }
0x30b: {  	v3 =	vld [tilespmem:s28+$0x70F0];
	[tilespmem:s28+$0xB0D0] =	vst v1  }
0x30c: {  	v1 =	vld.idx.msk [tilespmem:v2+s6+$0x0], $0xffff  }
0x30d: {  	v4 =	vld [tilespmem:s28+$0x80E0];
	_ =	sdelay $0x3  }
0x30e: {  	v1 =	vshll.u32 v1, $0x7  }
0x30f: {  	[tilespmem:s28+$0xA0E0] =	vst v2;
	v1 =	vadd.s32 v4, v1  }
0x310: {  	[tilespmem:s28+$0xB0E0] =	vst v1  }
0x311: {  	v1 =	vld.idx.msk [tilespmem:v3+s6+$0x0], $0xffff  }
0x312: {  	v2 =	vld [tilespmem:s28+$0x80F0];
	_ =	sdelay $0x3  }
0x313: {  	v1 =	vshll.u32 v1, $0x7  }
0x314: {  	[tilespmem:s28+$0xA0F0] =	vst v3;
	v1 =	vadd.s32 v2, v1  }
0x315: {  	s30 =	simm.s32 $0xB080;
	[tilespmem:s28+$0xB0F0] =	vst v1;
	s28 =	simm.s32 $0xC080  }
0x316: {  	[tilespmem:s28], [sflag:$0x3] =	stream.indirect.gather [hbm4b:s2+s25], $0x1, s30, s25, $0xb8;
	[tilespmem:$0xF480] =	vst v63  }
0x317: {  	s30 =	simm.s32 $0xB100;
	s28 =	simm.s32 $0xC100  }
0x318: {  	[tilespmem:s28], [sflag:$0x3] =	stream.indirect.gather [hbm4b:s2+s25], $0x1, s30, s25, $0xb8;
	[tilespmem:$0xF480] =	vst v63  }
0x319: {  	s30 =	simm.s32 $0xB180;
	s28 =	simm.s32 $0xC180  }
0x31a: {  	[tilespmem:s28], [sflag:$0x3] =	stream.indirect.gather [hbm4b:s2+s25], $0x1, s30, s25, $0xb8;
	[tilespmem:$0xF480] =	vst v63  }
0x31b: {  	s30 =	simm.s32 $0xB200;
	s28 =	simm.s32 $0xC200  }
0x31c: {  	[tilespmem:s28], [sflag:$0x3] =	stream.indirect.gather [hbm4b:s2+s25], $0x1, s30, s25, $0xb8;
	[tilespmem:$0xF480] =	vst v63  }
0x31d: {  	s30 =	simm.s32 $0xB280;
	s28 =	simm.s32 $0xC280  }
0x31e: {  	[tilespmem:s28], [sflag:$0x3] =	stream.indirect.gather [hbm4b:s2+s25], $0x1, s30, s25, $0xb8;
	[tilespmem:$0xF480] =	vst v63  }
0x31f: {  	s30 =	simm.s32 $0xB300;
	s28 =	simm.s32 $0xC300  }
0x320: {  	[tilespmem:s28], [sflag:$0x3] =	stream.indirect.gather [hbm4b:s2+s25], $0x1, s30, s25, $0xb8;
	[tilespmem:$0xF480] =	vst v63  }
0x321: {  	s30 =	simm.s32 $0xB380;
	s28 =	simm.s32 $0xC380  }
0x322: {  	[tilespmem:s28], [sflag:$0x3] =	stream.indirect.gather [hbm4b:s2+s25], $0x1, s30, s25, $0xb8;
	[tilespmem:$0xF480] =	vst v63  }
0x323: {  	s30 =	simm.s32 $0xB400;
	s28 =	simm.s32 $0xC400  }
0x324: {  	[tilespmem:s28], [sflag:$0x3] =	stream.indirect.gather [hbm4b:s2+s25], $0x1, s30, s25, $0xb8;
	[tilespmem:$0xF480] =	vst v63  }
0x325: {  	_ =	swait.ge [sflag:s5], $0x80  }
0x326: {  	[sflag:s5] =	ssyncset.done $0x0  }
0x327: {  	[sflag:s5] =	ssyncadd.s32 $0xFFFFFF80  }
0x328: {  	_ =	swait.ge [sflag:s5], $0x80  }
0x329: {  	[sflag:s5] =	ssyncset.done $0x0  }
0x32a: {  	[sflag:s5] =	ssyncadd.s32 $0xFFFFFF80  }
0x32b: {  	_ =	swait.ge [sflag:s5], $0x80  }
0x32c: {  	[sflag:s5] =	ssyncset.done $0x0  }
0x32d: {  	[sflag:s5] =	ssyncadd.s32 $0xFFFFFF80  }
0x32e: {  	_ =	swait.ge [sflag:s5], $0x80  }
0x32f: {  	[sflag:s5] =	ssyncset.done $0x0  }
0x330: {  	[sflag:s5] =	ssyncadd.s32 $0xFFFFFF80  }
0x331: {  	_ =	swait.ge [sflag:s5], $0x80  }
0x332: {  	[sflag:s5] =	ssyncset.done $0x0  }
0x333: {  	[sflag:s5] =	ssyncadd.s32 $0xFFFFFF80  }
0x334: {  	_ =	swait.ge [sflag:s5], $0x80  }
0x335: {  	[sflag:s5] =	ssyncset.done $0x0  }
0x336: {  	[sflag:s5] =	ssyncadd.s32 $0xFFFFFF80  }
0x337: {  	_ =	swait.ge [sflag:s5], $0x80  }
0x338: {  	[sflag:s5] =	ssyncset.done $0x0  }
0x339: {  	[sflag:s5] =	ssyncadd.s32 $0xFFFFFF80  }
0x33a: {  	_ =	swait.ge [sflag:s5], $0x80  }
0x33b: {  	[sflag:s5] =	ssyncset.done $0x0  }
0x33c: {  	s29 =	simm.s32 $0x0;
	[sflag:s5] =	ssyncadd.s32 $0xFFFFFF80  }
0x33d: {  	v1 =	vld [tilespmem:s29+$0xBC80]  }
0x33e: {  	v2 =	vld [tilespmem:s29+$0x8C80]  }
0x33f: {  	v3 =	vld [tilespmem:s29+$0x7C80];
	_ =	sdelay $0x2  }
0x340: {  	v1 =	vmul.f32 $1.442695020e+00, v1;
	_ =	sdelay $0x1  }
0x341: {  	(erf) = vpow2.f32 v1;
	_ =	sdelay $0x1  }
0x342: {  	v1 =	vld.idx.msk [tilespmem:v2+s20+$0x0], $0xffff  }
0x343: {  	v2 =	vld.idx.msk [tilespmem:v3+s21+$0x0], $0xffff  }
0x344: {  	v3 =	vld [tilespmem:s29+$0xBC90]  }
0x345: {  	v4 =	vld [tilespmem:s29+$0x8C90]  }
0x346: {  	v5 =	vld [tilespmem:s29+$0x7C90];
	_ =	sdelay $0x1  }
0x347: {  	v1 =	vsub.f32 v1, v2  }
0x348: {  	v3 =	vmul.f32 $1.442695020e+00, v3;
	v2 =	vpop (erf)  }
0x349: {  	v1 =	vmul.f32 v1, v2  }
0x34a: {  	(erf) = vpow2.f32 v3;
	[tilespmem:s29+$0xCC80] =	vst v2  }
0x34b: {  	[tilespmem:s29+$0xDC80] =	vst v1  }
0x34c: {  	v1 =	vld.idx.msk [tilespmem:v4+s20+$0x0], $0xffff  }
0x34d: {  	v2 =	vld.idx.msk [tilespmem:v5+s21+$0x0], $0xffff  }
0x34e: {  	v3 =	vld [tilespmem:s29+$0xBCA0]  }
0x34f: {  	v4 =	vld [tilespmem:s29+$0x8CA0]  }
0x350: {  	v5 =	vld [tilespmem:s29+$0x7CA0];
	_ =	sdelay $0x1  }
0x351: {  	v1 =	vsub.f32 v1, v2  }
0x352: {  	v3 =	vmul.f32 $1.442695020e+00, v3;
	v2 =	vpop (erf)  }
0x353: {  	v6 =	vld [tilespmem:s29+$0xBCB0];
	v1 =	vmul.f32 v1, v2  }
0x354: {  	(erf) = vpow2.f32 v3;
	[tilespmem:s29+$0xCC90] =	vst v2  }
0x355: {  	[tilespmem:s29+$0xDC90] =	vst v1  }
0x356: {  	v1 =	vld.idx.msk [tilespmem:v4+s20+$0x0], $0xffff  }
0x357: {  	v2 =	vld.idx.msk [tilespmem:v5+s21+$0x0], $0xffff  }
0x358: {  	v3 =	vmul.f32 $1.442695020e+00, v6  }
0x359: {  	v4 =	vld [tilespmem:s29+$0x8CB0]  }
0x35a: {  	(erf) = vpow2.f32 v3;
	v3 =	vld [tilespmem:s29+$0x7CB0];
	_ =	sdelay $0x1  }
0x35b: {  	v1 =	vsub.f32 v1, v2  }
0x35c: {  	v2 =	vpop (erf)  }
0x35d: {  	v5 =	vld [tilespmem:s29+$0xBCC0];
	v1 =	vmul.f32 v1, v2  }
0x35e: {  	[tilespmem:s29+$0xCCA0] =	vst v2  }
0x35f: {  	[tilespmem:s29+$0xDCA0] =	vst v1  }
0x360: {  	v1 =	vld.idx.msk [tilespmem:v4+s20+$0x0], $0xffff  }
0x361: {  	v2 =	vld.idx.msk [tilespmem:v3+s21+$0x0], $0xffff  }
0x362: {  	v4 =	vmul.f32 $1.442695020e+00, v5  }
0x363: {  	v5 =	vld [tilespmem:s29+$0x8CC0]  }
0x364: {  	(erf) = vpow2.f32 v4;
	v4 =	vld [tilespmem:s29+$0x7CC0];
	_ =	sdelay $0x1  }
0x365: {  	v1 =	vsub.f32 v1, v2  }
0x366: {  	v3 =	vpop (erf)  }
0x367: {  	v2 =	vld [tilespmem:s29+$0xBCD0];
	v1 =	vmul.f32 v1, v3  }
0x368: {  	[tilespmem:s29+$0xCCB0] =	vst v3  }
0x369: {  	[tilespmem:s29+$0xDCB0] =	vst v1  }
0x36a: {  	v1 =	vld.idx.msk [tilespmem:v5+s20+$0x0], $0xffff  }
0x36b: {  	v3 =	vld.idx.msk [tilespmem:v4+s21+$0x0], $0xffff  }
0x36c: {  	v2 =	vmul.f32 $1.442695020e+00, v2  }
0x36d: {  	v5 =	vld [tilespmem:s29+$0x8CD0]  }
0x36e: {  	v4 =	vpop (erf);
	(erf) = vpow2.f32 v2;
	v2 =	vld [tilespmem:s29+$0x7CD0];
	_ =	sdelay $0x1  }
0x36f: {  	v1 =	vsub.f32 v1, v3;
	_ =	sdelay $0x1  }
0x370: {  	v3 =	vld [tilespmem:s29+$0xBCE0];
	v1 =	vmul.f32 v1, v4  }
0x371: {  	[tilespmem:s29+$0xCCC0] =	vst v4  }
0x372: {  	[tilespmem:s29+$0xDCC0] =	vst v1  }
0x373: {  	v1 =	vld.idx.msk [tilespmem:v5+s20+$0x0], $0xffff  }
0x374: {  	v2 =	vld.idx.msk [tilespmem:v2+s21+$0x0], $0xffff  }
0x375: {  	v3 =	vmul.f32 $1.442695020e+00, v3  }
0x376: {  	v5 =	vld [tilespmem:s29+$0x8CE0]  }
0x377: {  	v4 =	vpop (erf);
	(erf) = vpow2.f32 v3;
	v3 =	vld [tilespmem:s29+$0x7CE0];
	_ =	sdelay $0x1  }
0x378: {  	v1 =	vsub.f32 v1, v2  }
0x379: {  	v2 =	vld [tilespmem:s29+$0xBCF0]  }
0x37a: {  	v1 =	vmul.f32 v1, v4  }
0x37b: {  	[tilespmem:s29+$0xCCD0] =	vst v4  }
0x37c: {  	[tilespmem:s29+$0xDCD0] =	vst v1  }
0x37d: {  	v1 =	vld.idx.msk [tilespmem:v5+s20+$0x0], $0xffff  }
0x37e: {  	v3 =	vld.idx.msk [tilespmem:v3+s21+$0x0], $0xffff;
	v2 =	vmul.f32 $1.442695020e+00, v2;
	_ =	sdelay $0x1  }
0x37f: {  	v4 =	vpop (erf);
	(erf) = vpow2.f32 v2  }
0x380: {  	v5 =	vld [tilespmem:s29+$0x8CF0]  }
0x381: {  	v63 =	vld [tilespmem:s29+$0x7CF0]  }
0x382: {  	v1 =	vsub.f32 v1, v3;
	_ =	sdelay $0x1  }
0x383: {  	v1 =	vmul.f32 v1, v4;
	_ =	sdelay $0x1  }
0x384: {  	[tilespmem:s29+$0xCCE0] =	vst v4  }
0x385: {  	[tilespmem:s29+$0xDCE0] =	vst v1  }
0x386: {  	v2 =	vld.idx.msk [tilespmem:v5+s20+$0x0], $0xffff;
	v1 =	vpop (erf)  }
0x387: {  	s18 =	simm.s32 $0x400;
	s28 =	simm.s32 $0x80;
	v3 =	vld.idx.msk [tilespmem:v63+s21+$0x0], $0xffff;
	[tilespmem:s29+$0xCCF0] =	vst v1  }
.LBB2_12:
0x388: {  	p0 =	sne.s32 s18, $0xE00;
	v4 =	vld [tilespmem:s28+$0x8C80];
	s30 =	smov.u32 s18;
	s18 =	sadd.s32 $0x200, s18  }
0x389: {  	v5 =	vld [tilespmem:s28+$0xBC80]  }
0x38a: {  	v6 =	vld [tilespmem:s28+$0x7C80];
	_ =	sdelay $0x1  }
0x38b: {  	v2 =	vsub.f32 v2, v3;
	_ =	sdelay $0x1  }
0x38c: {  	v1 =	vmul.f32 v2, v1;
	v3 =	vmul.f32 $1.442695020e+00, v5;
	_ =	sdelay $0x1  }
0x38d: {  	(erf) = vpow2.f32 v3;
	[tilespmem:s29+$0xDCF0] =	vst v1;
	s29 =	smov.u32 s28  }
0x38e: {  	v1 =	vld.idx.msk [tilespmem:v4+s20+$0x0], $0xffff  }
0x38f: {  	v2 =	vld.idx.msk [tilespmem:v6+s21+$0x0], $0xffff;
	_ =	sdelay $0x1  }
0x390: {  	v3 =	vld [tilespmem:s29+$0x8C90]  }
0x391: {  	v4 =	vld [tilespmem:s29+$0xBC90]  }
0x392: {  	v5 =	vld [tilespmem:s29+$0x7C90];
	_ =	sdelay $0x1  }
0x393: {  	v1 =	vsub.f32 v1, v2  }
0x394: {  	v2 =	vpop (erf)  }
0x395: {  	v1 =	vmul.f32 v1, v2;
	v4 =	vmul.f32 $1.442695020e+00, v4  }
0x396: {  	[tilespmem:s29+$0xCC80] =	vst v2  }
0x397: {  	[tilespmem:s29+$0xDC80] =	vst v1;
	(erf) = vpow2.f32 v4  }
0x398: {  	v1 =	vld.idx.msk [tilespmem:v3+s20+$0x0], $0xffff  }
0x399: {  	v2 =	vld.idx.msk [tilespmem:v5+s21+$0x0], $0xffff;
	_ =	sdelay $0x1  }
0x39a: {  	v3 =	vld [tilespmem:s29+$0x8CA0]  }
0x39b: {  	v4 =	vld [tilespmem:s29+$0xBCA0]  }
0x39c: {  	v5 =	vld [tilespmem:s29+$0x7CA0];
	_ =	sdelay $0x1  }
0x39d: {  	v1 =	vsub.f32 v1, v2  }
0x39e: {  	v2 =	vpop (erf)  }
0x39f: {  	v1 =	vmul.f32 v1, v2;
	v4 =	vmul.f32 $1.442695020e+00, v4;
	v6 =	vld [tilespmem:s29+$0xBCB0]  }
0x3a0: {  	[tilespmem:s29+$0xCC90] =	vst v2  }
0x3a1: {  	[tilespmem:s29+$0xDC90] =	vst v1;
	(erf) = vpow2.f32 v4  }
0x3a2: {  	v1 =	vld.idx.msk [tilespmem:v3+s20+$0x0], $0xffff  }
0x3a3: {  	v2 =	vld.idx.msk [tilespmem:v5+s21+$0x0], $0xffff  }
0x3a4: {  	v3 =	vmul.f32 $1.442695020e+00, v6;
	_ =	sdelay $0x1  }
0x3a5: {  	v4 =	vld [tilespmem:s29+$0x8CB0];
	(erf) = vpow2.f32 v3  }
0x3a6: {  	v3 =	vld [tilespmem:s29+$0x7CB0];
	_ =	sdelay $0x1  }
0x3a7: {  	v1 =	vsub.f32 v1, v2  }
0x3a8: {  	v2 =	vpop (erf)  }
0x3a9: {  	v1 =	vmul.f32 v1, v2;
	v5 =	vld [tilespmem:s29+$0xBCC0]  }
0x3aa: {  	[tilespmem:s29+$0xCCA0] =	vst v2  }
0x3ab: {  	[tilespmem:s29+$0xDCA0] =	vst v1  }
0x3ac: {  	v1 =	vld.idx.msk [tilespmem:v4+s20+$0x0], $0xffff  }
0x3ad: {  	v2 =	vld.idx.msk [tilespmem:v3+s21+$0x0], $0xffff;
	v3 =	vpop (erf)  }
0x3ae: {  	[tilespmem:s29+$0xCCB0] =	vst v3;
	v4 =	vmul.f32 $1.442695020e+00, v5;
	_ =	sdelay $0x1  }
0x3af: {  	v5 =	vld [tilespmem:s29+$0x8CC0];
	(erf) = vpow2.f32 v4  }
0x3b0: {  	v4 =	vld [tilespmem:s29+$0x7CC0];
	_ =	sdelay $0x1  }
0x3b1: {  	v1 =	vsub.f32 v1, v2;
	_ =	sdelay $0x1  }
0x3b2: {  	v1 =	vmul.f32 v1, v3;
	v2 =	vld [tilespmem:s29+$0xBCD0];
	_ =	sdelay $0x1  }
0x3b3: {  	[tilespmem:s29+$0xDCB0] =	vst v1  }
0x3b4: {  	v1 =	vld.idx.msk [tilespmem:v5+s20+$0x0], $0xffff  }
0x3b5: {  	v3 =	vld.idx.msk [tilespmem:v4+s21+$0x0], $0xffff;
	v4 =	vpop (erf)  }
0x3b6: {  	[tilespmem:s29+$0xCCC0] =	vst v4;
	v2 =	vmul.f32 $1.442695020e+00, v2;
	_ =	sdelay $0x1  }
0x3b7: {  	v5 =	vld [tilespmem:s29+$0x8CD0];
	(erf) = vpow2.f32 v2  }
0x3b8: {  	v2 =	vld [tilespmem:s29+$0x7CD0];
	_ =	sdelay $0x1  }
0x3b9: {  	v1 =	vsub.f32 v1, v3;
	_ =	sdelay $0x1  }
0x3ba: {  	v1 =	vmul.f32 v1, v4;
	v3 =	vld [tilespmem:s29+$0xBCE0];
	_ =	sdelay $0x1  }
0x3bb: {  	[tilespmem:s29+$0xDCC0] =	vst v1  }
0x3bc: {  	v1 =	vld.idx.msk [tilespmem:v5+s20+$0x0], $0xffff  }
0x3bd: {  	v2 =	vld.idx.msk [tilespmem:v2+s21+$0x0], $0xffff;
	v4 =	vpop (erf)  }
0x3be: {  	[tilespmem:s29+$0xCCD0] =	vst v4;
	v3 =	vmul.f32 $1.442695020e+00, v3;
	_ =	sdelay $0x1  }
0x3bf: {  	v5 =	vld [tilespmem:s29+$0x8CE0];
	(erf) = vpow2.f32 v3  }
0x3c0: {  	v3 =	vld [tilespmem:s29+$0x7CE0];
	_ =	sdelay $0x1  }
0x3c1: {  	v1 =	vsub.f32 v1, v2;
	_ =	sdelay $0x1  }
0x3c2: {  	v1 =	vmul.f32 v1, v4;
	v2 =	vld [tilespmem:s29+$0xBCF0];
	_ =	sdelay $0x1  }
0x3c3: {  	[tilespmem:s29+$0xDCD0] =	vst v1  }
0x3c4: {  	v1 =	vld.idx.msk [tilespmem:v5+s20+$0x0], $0xffff  }
0x3c5: {  	v3 =	vld.idx.msk [tilespmem:v3+s21+$0x0], $0xffff;
	v4 =	vpop (erf)  }
0x3c6: {  	[tilespmem:s29+$0xCCE0] =	vst v4;
	v2 =	vmul.f32 $1.442695020e+00, v2;
	_ =	sdelay $0x1  }
0x3c7: {  	v5 =	vld [tilespmem:s29+$0x8CF0];
	(erf) = vpow2.f32 v2  }
0x3c8: {  	v6 =	vld [tilespmem:s29+$0x7CF0];
	_ =	sdelay $0x1  }
0x3c9: {  	v1 =	vsub.f32 v1, v3;
	_ =	sdelay $0x1  }
0x3ca: {  	v1 =	vmul.f32 v1, v4  }
.Ltmp5:
0x3cb: {  	(pc) =	sbr.rel @p0 .LBB2_12-.Ltmp5, $4  }
0x3cc: {  	[tilespmem:s29+$0xDCE0] =	vst v1  }
0x3cd: {  	v2 =	vld.idx.msk [tilespmem:v5+s20+$0x0], $0xffff  }
0x3ce: {  	v3 =	vld.idx.msk [tilespmem:v6+s21+$0x0], $0xffff;
	v1 =	vpop (erf)  }
0x3cf: {  	s28 =	sshra.s32 s30, $0x2;
	[tilespmem:s29+$0xCCF0] =	vst v1  }
0x3d0: {  	v4 =	vld [tilespmem:s28+$0xBC80]  }
0x3d1: {  	v5 =	vld [tilespmem:s28+$0x8C80]  }
0x3d2: {  	v6 =	vld [tilespmem:s28+$0x7C80];
	_ =	sdelay $0x1  }
0x3d3: {  	v2 =	vsub.f32 v2, v3  }
0x3d4: {  	v3 =	vmul.f32 $1.442695020e+00, v4  }
0x3d5: {  	v1 =	vmul.f32 v2, v1  }
0x3d6: {  	(erf) = vpow2.f32 v3  }
0x3d7: {  	[tilespmem:s29+$0xDCF0] =	vst v1  }
0x3d8: {  	v1 =	vld.idx.msk [tilespmem:v5+s20+$0x0], $0xffff  }
0x3d9: {  	v2 =	vld.idx.msk [tilespmem:v6+s21+$0x0], $0xffff  }
0x3da: {  	v3 =	vld [tilespmem:s28+$0xBC90]  }
0x3db: {  	v42 =	vld [tilespmem:s28+$0x8C90]  }
0x3dc: {  	v43 =	vld [tilespmem:s28+$0x7C90];
	_ =	sdelay $0x1  }
0x3dd: {  	v1 =	vsub.f32 v1, v2  }
0x3de: {  	v3 =	vmul.f32 $1.442695020e+00, v3;
	v2 =	vpop (erf)  }
0x3df: {  	v1 =	vmul.f32 v1, v2  }
0x3e0: {  	(erf) = vpow2.f32 v3;
	[tilespmem:s28+$0xCC80] =	vst v2  }
0x3e1: {  	[tilespmem:s28+$0xDC80] =	vst v1  }
0x3e2: {  	v1 =	vld.idx.msk [tilespmem:v42+s20+$0x0], $0xffff  }
0x3e3: {  	v2 =	vld.idx.msk [tilespmem:v43+s21+$0x0], $0xffff  }
0x3e4: {  	v3 =	vld [tilespmem:s28+$0xBCA0]  }
0x3e5: {  	v44 =	vld [tilespmem:s28+$0x8CA0]  }
0x3e6: {  	v45 =	vld [tilespmem:s28+$0x7CA0];
	_ =	sdelay $0x1  }
0x3e7: {  	v1 =	vsub.f32 v1, v2  }
0x3e8: {  	v3 =	vmul.f32 $1.442695020e+00, v3;
	v2 =	vpop (erf)  }
0x3e9: {  	v46 =	vld [tilespmem:s28+$0xBCB0];
	v1 =	vmul.f32 v1, v2  }
0x3ea: {  	(erf) = vpow2.f32 v3;
	[tilespmem:s28+$0xCC90] =	vst v2  }
0x3eb: {  	[tilespmem:s28+$0xDC90] =	vst v1  }
0x3ec: {  	v1 =	vld.idx.msk [tilespmem:v44+s20+$0x0], $0xffff  }
0x3ed: {  	v2 =	vld.idx.msk [tilespmem:v45+s21+$0x0], $0xffff  }
0x3ee: {  	v3 =	vmul.f32 $1.442695020e+00, v46  }
0x3ef: {  	v47 =	vld [tilespmem:s28+$0x8CB0]  }
0x3f0: {  	(erf) = vpow2.f32 v3;
	v3 =	vld [tilespmem:s28+$0x7CB0];
	_ =	sdelay $0x1  }
0x3f1: {  	v1 =	vsub.f32 v1, v2  }
0x3f2: {  	v2 =	vpop (erf)  }
0x3f3: {  	v1 =	vmul.f32 v1, v2  }
0x3f4: {  	[tilespmem:s28+$0xCCA0] =	vst v2  }
0x3f5: {  	v48 =	vld [tilespmem:s28+$0xBCC0];
	[tilespmem:s28+$0xDCA0] =	vst v1  }
0x3f6: {  	v1 =	vld.idx.msk [tilespmem:v47+s20+$0x0], $0xffff  }
0x3f7: {  	v2 =	vld.idx.msk [tilespmem:v3+s21+$0x0], $0xffff;
	_ =	sdelay $0x1  }
0x3f8: {  	v50 =	vld [tilespmem:s28+$0x8CC0]  }
0x3f9: {  	v51 =	vld [tilespmem:s28+$0x7CC0];
	v49 =	vmul.f32 $1.442695020e+00, v48;
	_ =	sdelay $0x1  }
0x3fa: {  	(erf) = vpow2.f32 v49;
	v1 =	vsub.f32 v1, v2  }
0x3fb: {  	v3 =	vpop (erf)  }
0x3fc: {  	v2 =	vld [tilespmem:s28+$0xBCD0];
	v1 =	vmul.f32 v1, v3  }
0x3fd: {  	[tilespmem:s28+$0xCCB0] =	vst v3  }
0x3fe: {  	[tilespmem:s28+$0xDCB0] =	vst v1  }
0x3ff: {  	v1 =	vld.idx.msk [tilespmem:v50+s20+$0x0], $0xffff  }
0x400: {  	v3 =	vld.idx.msk [tilespmem:v51+s21+$0x0], $0xffff  }
0x401: {  	v2 =	vmul.f32 $1.442695020e+00, v2  }
0x402: {  	v53 =	vld [tilespmem:s28+$0x8CD0]  }
0x403: {  	v52 =	vpop (erf);
	(erf) = vpow2.f32 v2;
	v2 =	vld [tilespmem:s28+$0x7CD0];
	_ =	sdelay $0x1  }
0x404: {  	v1 =	vsub.f32 v1, v3;
	_ =	sdelay $0x1  }
0x405: {  	v3 =	vld [tilespmem:s28+$0xBCE0];
	v1 =	vmul.f32 v1, v52  }
0x406: {  	[tilespmem:s28+$0xCCC0] =	vst v52  }
0x407: {  	[tilespmem:s28+$0xDCC0] =	vst v1  }
0x408: {  	v1 =	vld.idx.msk [tilespmem:v53+s20+$0x0], $0xffff  }
0x409: {  	v2 =	vld.idx.msk [tilespmem:v2+s21+$0x0], $0xffff  }
0x40a: {  	v3 =	vmul.f32 $1.442695020e+00, v3  }
0x40b: {  	v55 =	vld [tilespmem:s28+$0x8CE0]  }
0x40c: {  	v54 =	vpop (erf);
	(erf) = vpow2.f32 v3;
	v3 =	vld [tilespmem:s28+$0x7CE0];
	_ =	sdelay $0x1  }
0x40d: {  	v1 =	vsub.f32 v1, v2;
	_ =	sdelay $0x1  }
0x40e: {  	v1 =	vmul.f32 v1, v54  }
0x40f: {  	[tilespmem:s28+$0xCCD0] =	vst v54  }
0x410: {  	[tilespmem:s28+$0xDCD0] =	vst v1  }
0x411: {  	v1 =	vld.idx.msk [tilespmem:v55+s20+$0x0], $0xffff  }
0x412: {  	v3 =	vld.idx.msk [tilespmem:v3+s21+$0x0], $0xffff  }
0x413: {  	v2 =	vld [tilespmem:s28+$0xBCF0]  }
0x414: {  	v57 =	vld [tilespmem:s28+$0x8CF0]  }
0x415: {  	v58 =	vld [tilespmem:s28+$0x7CF0];
	_ =	sdelay $0x1  }
0x416: {  	v1 =	vsub.f32 v1, v3  }
0x417: {  	v2 =	vmul.f32 $1.442695020e+00, v2;
	v56 =	vpop (erf)  }
0x418: {  	v1 =	vmul.f32 v1, v56  }
0x419: {  	[tilespmem:s28+$0xCCE0] =	vst v56;
	(erf) = vpow2.f32 v2  }
0x41a: {  	[tilespmem:s28+$0xDCE0] =	vst v1  }
0x41b: {  	v1 =	vld.idx.msk [tilespmem:v57+s20+$0x0], $0xffff  }
0x41c: {  	v2 =	vld.idx.msk [tilespmem:v58+s21+$0x0], $0xffff;
	_ =	sdelay $0x4  }
0x41d: {  	v1 =	vsub.f32 v1, v2  }
0x41e: {  	v2 =	vpop (erf)  }
0x41f: {  	v1 =	vmul.f32 v1, v2  }
0x420: {  	[tilespmem:s28+$0xCCF0] =	vst v2  }
0x421: {  	s18 =	simm.s32 $0x9C80;
	[tilespmem:s28+$0xDCF0] =	vst v1;
	s28 =	simm.s32 $0xCC80  }
0x422: {  	[spmem:s3] =	stream.indirect.scatter.add.f32 [tilespmem:s28], [sflag:$0x5], $0x1, s18, s25, $0xb8;
	[tilespmem:$0xF480] =	vst v63  }
0x423: {  	s28 =	simm.s32 $0xDC80  }
0x424: {  	[spmem:s4] =	stream.indirect.scatter.add.f32 [tilespmem:s28], [sflag:$0x5], $0x1, s18, s25, $0xb8;
	[tilespmem:$0xF480] =	vst v63  }
0x425: {  	s30 =	simm.s32 $0x9D00;
	s28 =	simm.s32 $0xCD00  }
0x426: {  	[spmem:s3] =	stream.indirect.scatter.add.f32 [tilespmem:s28], [sflag:$0x5], $0x1, s30, s25, $0xb8;
	[tilespmem:$0xF480] =	vst v63  }
0x427: {  	s28 =	simm.s32 $0xDD00  }
0x428: {  	[spmem:s4] =	stream.indirect.scatter.add.f32 [tilespmem:s28], [sflag:$0x5], $0x1, s30, s25, $0xb8;
	[tilespmem:$0xF480] =	vst v63  }
0x429: {  	s30 =	simm.s32 $0x9D80;
	s28 =	simm.s32 $0xCD80  }
0x42a: {  	[spmem:s3] =	stream.indirect.scatter.add.f32 [tilespmem:s28], [sflag:$0x5], $0x1, s30, s25, $0xb8;
	[tilespmem:$0xF480] =	vst v63  }
0x42b: {  	s28 =	simm.s32 $0xDD80  }
0x42c: {  	[spmem:s4] =	stream.indirect.scatter.add.f32 [tilespmem:s28], [sflag:$0x5], $0x1, s30, s25, $0xb8;
	[tilespmem:$0xF480] =	vst v63  }
0x42d: {  	s30 =	simm.s32 $0x9E00;
	s28 =	simm.s32 $0xCE00  }
0x42e: {  	[spmem:s3] =	stream.indirect.scatter.add.f32 [tilespmem:s28], [sflag:$0x5], $0x1, s30, s25, $0xb8;
	[tilespmem:$0xF480] =	vst v63  }
0x42f: {  	s28 =	simm.s32 $0xDE00  }
0x430: {  	[spmem:s4] =	stream.indirect.scatter.add.f32 [tilespmem:s28], [sflag:$0x5], $0x1, s30, s25, $0xb8;
	[tilespmem:$0xF480] =	vst v63  }
0x431: {  	s30 =	simm.s32 $0x9E80;
	s28 =	simm.s32 $0xCE80  }
0x432: {  	[spmem:s3] =	stream.indirect.scatter.add.f32 [tilespmem:s28], [sflag:$0x5], $0x1, s30, s25, $0xb8;
	[tilespmem:$0xF480] =	vst v63  }
0x433: {  	s28 =	simm.s32 $0xDE80  }
0x434: {  	[spmem:s4] =	stream.indirect.scatter.add.f32 [tilespmem:s28], [sflag:$0x5], $0x1, s30, s25, $0xb8;
	[tilespmem:$0xF480] =	vst v63  }
0x435: {  	s30 =	simm.s32 $0x9F00;
	s28 =	simm.s32 $0xCF00  }
0x436: {  	[spmem:s3] =	stream.indirect.scatter.add.f32 [tilespmem:s28], [sflag:$0x5], $0x1, s30, s25, $0xb8;
	[tilespmem:$0xF480] =	vst v63  }
0x437: {  	s28 =	simm.s32 $0xDF00  }
0x438: {  	[spmem:s4] =	stream.indirect.scatter.add.f32 [tilespmem:s28], [sflag:$0x5], $0x1, s30, s25, $0xb8;
	[tilespmem:$0xF480] =	vst v63  }
0x439: {  	s30 =	simm.s32 $0x9F80;
	s28 =	simm.s32 $0xCF80  }
0x43a: {  	[spmem:s3] =	stream.indirect.scatter.add.f32 [tilespmem:s28], [sflag:$0x5], $0x1, s30, s25, $0xb8;
	[tilespmem:$0xF480] =	vst v63  }
0x43b: {  	s28 =	simm.s32 $0xDF80  }
0x43c: {  	[spmem:s4] =	stream.indirect.scatter.add.f32 [tilespmem:s28], [sflag:$0x5], $0x1, s30, s25, $0xb8;
	[tilespmem:$0xF480] =	vst v63  }
0x43d: {  	s30 =	simm.s32 $0xA000;
	s28 =	simm.s32 $0xD000  }
0x43e: {  	[spmem:s3] =	stream.indirect.scatter.add.f32 [tilespmem:s28], [sflag:$0x5], $0x1, s30, s25, $0xb8;
	[tilespmem:$0xF480] =	vst v63  }
0x43f: {  	s18 =	simm.s32 $0x0;
	s28 =	simm.s32 $0xE000  }
0x440: {  	[spmem:s4] =	stream.indirect.scatter.add.f32 [tilespmem:s28], [sflag:$0x5], $0x1, s30, s25, $0xb8;
	[tilespmem:$0xF480] =	vst v63  }
0x441: {  	v1 =	vld [tilespmem:s18+$0x7480];
	_ =	sdelay $0x7  }
0x442: {  	v2 =	vld.idx.msk [tilespmem:v1+s6+$0x0], $0xffff  }
0x443: {  	[tilespmem:s18+$0xA480] =	vst v1;
	v1 =	vld [tilespmem:s18+$0x7490]  }
0x444: {  	v3 =	vld [tilespmem:s18+$0x8480];
	_ =	sdelay $0x3  }
0x445: {  	v2 =	vshll.u32 v2, $0x7  }
0x446: {  	v2 =	vadd.s32 v3, v2  }
0x447: {  	[tilespmem:s18+$0xB480] =	vst v2  }
0x448: {  	v2 =	vld.idx.msk [tilespmem:v1+s6+$0x0], $0xffff  }
0x449: {  	[tilespmem:s18+$0xA490] =	vst v1;
	v1 =	vld [tilespmem:s18+$0x74A0]  }
0x44a: {  	v3 =	vld [tilespmem:s18+$0x8490];
	_ =	sdelay $0x3  }
0x44b: {  	v2 =	vshll.u32 v2, $0x7  }
0x44c: {  	v2 =	vadd.s32 v3, v2  }
0x44d: {  	v3 =	vld [tilespmem:s18+$0x74B0];
	[tilespmem:s18+$0xB490] =	vst v2  }
0x44e: {  	v2 =	vld.idx.msk [tilespmem:v1+s6+$0x0], $0xffff  }
0x44f: {  	v59 =	vld [tilespmem:s18+$0x84A0];
	_ =	sdelay $0x3  }
0x450: {  	v2 =	vshll.u32 v2, $0x7  }
0x451: {  	[tilespmem:s18+$0xA4A0] =	vst v1;
	v1 =	vadd.s32 v59, v2  }
0x452: {  	v2 =	vld [tilespmem:s18+$0x74C0];
	[tilespmem:s18+$0xB4A0] =	vst v1  }
0x453: {  	v1 =	vld.idx.msk [tilespmem:v3+s6+$0x0], $0xffff  }
0x454: {  	v60 =	vld [tilespmem:s18+$0x84B0];
	_ =	sdelay $0x3  }
0x455: {  	v1 =	vshll.u32 v1, $0x7  }
0x456: {  	[tilespmem:s18+$0xA4B0] =	vst v3;
	v1 =	vadd.s32 v60, v1  }
0x457: {  	v3 =	vld [tilespmem:s18+$0x74D0];
	[tilespmem:s18+$0xB4B0] =	vst v1  }
0x458: {  	v1 =	vld.idx.msk [tilespmem:v2+s6+$0x0], $0xffff  }
0x459: {  	v61 =	vld [tilespmem:s18+$0x84C0];
	_ =	sdelay $0x3  }
0x45a: {  	v1 =	vshll.u32 v1, $0x7  }
0x45b: {  	[tilespmem:s18+$0xA4C0] =	vst v2;
	v1 =	vadd.s32 v61, v1  }
0x45c: {  	v2 =	vld [tilespmem:s18+$0x74E0];
	[tilespmem:s18+$0xB4C0] =	vst v1  }
0x45d: {  	v1 =	vld.idx.msk [tilespmem:v3+s6+$0x0], $0xffff  }
0x45e: {  	v62 =	vld [tilespmem:s18+$0x84D0];
	_ =	sdelay $0x3  }
0x45f: {  	v1 =	vshll.u32 v1, $0x7  }
0x460: {  	[tilespmem:s18+$0xA4D0] =	vst v3;
	v1 =	vadd.s32 v62, v1  }
0x461: {  	v3 =	vld [tilespmem:s18+$0x74F0];
	[tilespmem:s18+$0xB4D0] =	vst v1  }
0x462: {  	v1 =	vld.idx.msk [tilespmem:v2+s6+$0x0], $0xffff  }
0x463: {  	v63 =	vld [tilespmem:s18+$0x84E0];
	_ =	sdelay $0x3  }
0x464: {  	v1 =	vshll.u32 v1, $0x7  }
0x465: {  	[tilespmem:s18+$0xA4E0] =	vst v2;
	v1 =	vadd.s32 v63, v1  }
0x466: {  	[tilespmem:s18+$0xB4E0] =	vst v1  }
0x467: {  	s29 =	simm.s32 $0x400;
	s28 =	simm.s32 $0x80;
	v1 =	vld.idx.msk [tilespmem:v3+s6+$0x0], $0xffff;
	[tilespmem:s18+$0xA4F0] =	vst v3  }
.LBB2_14:
0x468: {  	p0 =	sne.s32 s29, $0xE00;
	v2 =	vld [tilespmem:s28+$0x7480]  }
0x469: {  	v3 =	vld [tilespmem:s18+$0x84F0];
	_ =	sdelay $0x3  }
0x46a: {  	v1 =	vshll.u32 v1, $0x7  }
0x46b: {  	v1 =	vadd.s32 v3, v1  }
0x46c: {  	[tilespmem:s18+$0xB4F0] =	vst v1;
	s18 =	smov.u32 s28  }
0x46d: {  	v1 =	vld.idx.msk [tilespmem:v2+s6+$0x0], $0xffff;
	[tilespmem:s18+$0xA480] =	vst v2  }
0x46e: {  	v2 =	vld [tilespmem:s18+$0x7490]  }
0x46f: {  	v3 =	vld [tilespmem:s18+$0x8480];
	_ =	sdelay $0x3  }
0x470: {  	v1 =	vshll.u32 v1, $0x7  }
0x471: {  	v1 =	vadd.s32 v3, v1  }
0x472: {  	[tilespmem:s18+$0xB480] =	vst v1  }
0x473: {  	v1 =	vld.idx.msk [tilespmem:v2+s6+$0x0], $0xffff;
	[tilespmem:s18+$0xA490] =	vst v2  }
0x474: {  	v2 =	vld [tilespmem:s18+$0x74A0]  }
0x475: {  	v3 =	vld [tilespmem:s18+$0x8490];
	_ =	sdelay $0x3  }
0x476: {  	v1 =	vshll.u32 v1, $0x7  }
0x477: {  	v1 =	vadd.s32 v3, v1  }
0x478: {  	[tilespmem:s18+$0xB490] =	vst v1  }
0x479: {  	v1 =	vld.idx.msk [tilespmem:v2+s6+$0x0], $0xffff  }
0x47a: {  	v3 =	vld [tilespmem:s18+$0x74B0]  }
0x47b: {  	v4 =	vld [tilespmem:s18+$0x84A0];
	_ =	sdelay $0x3  }
0x47c: {  	v1 =	vshll.u32 v1, $0x7  }
0x47d: {  	[tilespmem:s18+$0xA4A0] =	vst v2;
	v1 =	vadd.s32 v4, v1  }
0x47e: {  	[tilespmem:s18+$0xB4A0] =	vst v1  }
0x47f: {  	v1 =	vld.idx.msk [tilespmem:v3+s6+$0x0], $0xffff  }
0x480: {  	v2 =	vld [tilespmem:s18+$0x74C0]  }
0x481: {  	v4 =	vld [tilespmem:s18+$0x84B0];
	_ =	sdelay $0x3  }
0x482: {  	v1 =	vshll.u32 v1, $0x7  }
0x483: {  	[tilespmem:s18+$0xA4B0] =	vst v3;
	v1 =	vadd.s32 v4, v1  }
0x484: {  	[tilespmem:s18+$0xB4B0] =	vst v1  }
0x485: {  	v1 =	vld.idx.msk [tilespmem:v2+s6+$0x0], $0xffff  }
0x486: {  	v3 =	vld [tilespmem:s18+$0x74D0]  }
0x487: {  	v4 =	vld [tilespmem:s18+$0x84C0];
	_ =	sdelay $0x3  }
0x488: {  	v1 =	vshll.u32 v1, $0x7  }
0x489: {  	[tilespmem:s18+$0xA4C0] =	vst v2;
	v1 =	vadd.s32 v4, v1  }
0x48a: {  	[tilespmem:s18+$0xB4C0] =	vst v1  }
0x48b: {  	v1 =	vld.idx.msk [tilespmem:v3+s6+$0x0], $0xffff  }
0x48c: {  	v2 =	vld [tilespmem:s18+$0x74E0]  }
0x48d: {  	v4 =	vld [tilespmem:s18+$0x84D0];
	_ =	sdelay $0x3  }
0x48e: {  	v1 =	vshll.u32 v1, $0x7  }
0x48f: {  	[tilespmem:s18+$0xA4D0] =	vst v3;
	v1 =	vadd.s32 v4, v1  }
0x490: {  	[tilespmem:s18+$0xB4D0] =	vst v1  }
0x491: {  	v1 =	vld.idx.msk [tilespmem:v2+s6+$0x0], $0xffff  }
0x492: {  	v3 =	vld [tilespmem:s18+$0x74F0]  }
0x493: {  	v4 =	vld [tilespmem:s18+$0x84E0];
	_ =	sdelay $0x2  }
.Ltmp6:
0x494: {  	(pc) =	sbr.rel @p0 .LBB2_14-.Ltmp6, $4  }
0x495: {  	v1 =	vshll.u32 v1, $0x7  }
0x496: {  	[tilespmem:s18+$0xA4E0] =	vst v2;
	v1 =	vadd.s32 v4, v1  }
0x497: {  	[tilespmem:s18+$0xB4E0] =	vst v1  }
0x498: {  	s28 =	sshra.s32 s29, $0x2;
	s29 =	sadd.s32 $0x200, s29;
	v1 =	vld.idx.msk [tilespmem:v3+s6+$0x0], $0xffff;
	[tilespmem:s18+$0xA4F0] =	vst v3  }
0x499: {  	v2 =	vld [tilespmem:s28+$0x7480]  }
0x49a: {  	v3 =	vld [tilespmem:s18+$0x84F0];
	_ =	sdelay $0x3  }
0x49b: {  	v1 =	vshll.u32 v1, $0x7  }
0x49c: {  	v1 =	vadd.s32 v3, v1  }
0x49d: {  	[tilespmem:s18+$0xB4F0] =	vst v1  }
0x49e: {  	v1 =	vld.idx.msk [tilespmem:v2+s6+$0x0], $0xffff  }
0x49f: {  	[tilespmem:s28+$0xA480] =	vst v2;
	v2 =	vld [tilespmem:s28+$0x7490]  }
0x4a0: {  	v3 =	vld [tilespmem:s28+$0x8480];
	_ =	sdelay $0x3  }
0x4a1: {  	v1 =	vshll.u32 v1, $0x7  }
0x4a2: {  	v1 =	vadd.s32 v3, v1  }
0x4a3: {  	[tilespmem:s28+$0xB480] =	vst v1  }
0x4a4: {  	v1 =	vld.idx.msk [tilespmem:v2+s6+$0x0], $0xffff  }
0x4a5: {  	[tilespmem:s28+$0xA490] =	vst v2;
	v2 =	vld [tilespmem:s28+$0x74A0]  }
0x4a6: {  	v3 =	vld [tilespmem:s28+$0x8490];
	_ =	sdelay $0x3  }
0x4a7: {  	v1 =	vshll.u32 v1, $0x7  }
0x4a8: {  	v1 =	vadd.s32 v3, v1  }
0x4a9: {  	v3 =	vld [tilespmem:s28+$0x74B0];
	[tilespmem:s28+$0xB490] =	vst v1  }
0x4aa: {  	v1 =	vld.idx.msk [tilespmem:v2+s6+$0x0], $0xffff  }
0x4ab: {  	v4 =	vld [tilespmem:s28+$0x84A0];
	_ =	sdelay $0x3  }
0x4ac: {  	v1 =	vshll.u32 v1, $0x7  }
0x4ad: {  	[tilespmem:s28+$0xA4A0] =	vst v2;
	v1 =	vadd.s32 v4, v1  }
0x4ae: {  	v2 =	vld [tilespmem:s28+$0x74C0];
	[tilespmem:s28+$0xB4A0] =	vst v1  }
0x4af: {  	v1 =	vld.idx.msk [tilespmem:v3+s6+$0x0], $0xffff  }
0x4b0: {  	v4 =	vld [tilespmem:s28+$0x84B0];
	_ =	sdelay $0x3  }
0x4b1: {  	v1 =	vshll.u32 v1, $0x7  }
0x4b2: {  	[tilespmem:s28+$0xA4B0] =	vst v3;
	v1 =	vadd.s32 v4, v1  }
0x4b3: {  	v3 =	vld [tilespmem:s28+$0x74D0];
	[tilespmem:s28+$0xB4B0] =	vst v1  }
0x4b4: {  	v1 =	vld.idx.msk [tilespmem:v2+s6+$0x0], $0xffff  }
0x4b5: {  	v4 =	vld [tilespmem:s28+$0x84C0];
	_ =	sdelay $0x3  }
0x4b6: {  	v1 =	vshll.u32 v1, $0x7  }
0x4b7: {  	[tilespmem:s28+$0xA4C0] =	vst v2;
	v1 =	vadd.s32 v4, v1  }
0x4b8: {  	v2 =	vld [tilespmem:s28+$0x74E0];
	[tilespmem:s28+$0xB4C0] =	vst v1  }
0x4b9: {  	v1 =	vld.idx.msk [tilespmem:v3+s6+$0x0], $0xffff  }
0x4ba: {  	v4 =	vld [tilespmem:s28+$0x84D0];
	_ =	sdelay $0x3  }
0x4bb: {  	v1 =	vshll.u32 v1, $0x7  }
0x4bc: {  	[tilespmem:s28+$0xA4D0] =	vst v3;
	v1 =	vadd.s32 v4, v1  }
0x4bd: {  	v3 =	vld [tilespmem:s28+$0x74F0];
	[tilespmem:s28+$0xB4D0] =	vst v1  }
0x4be: {  	v1 =	vld.idx.msk [tilespmem:v2+s6+$0x0], $0xffff  }
0x4bf: {  	v4 =	vld [tilespmem:s28+$0x84E0];
	_ =	sdelay $0x3  }
0x4c0: {  	v1 =	vshll.u32 v1, $0x7  }
0x4c1: {  	[tilespmem:s28+$0xA4E0] =	vst v2;
	v1 =	vadd.s32 v4, v1  }
0x4c2: {  	[tilespmem:s28+$0xB4E0] =	vst v1  }
0x4c3: {  	v1 =	vld.idx.msk [tilespmem:v3+s6+$0x0], $0xffff  }
0x4c4: {  	v2 =	vld [tilespmem:s28+$0x84F0];
	_ =	sdelay $0x3  }
0x4c5: {  	v1 =	vshll.u32 v1, $0x7  }
0x4c6: {  	[tilespmem:s28+$0xA4F0] =	vst v3;
	v1 =	vadd.s32 v2, v1  }
0x4c7: {  	s30 =	simm.s32 $0xB480;
	[tilespmem:s28+$0xB4F0] =	vst v1;
	s28 =	simm.s32 $0xC480  }
0x4c8: {  	[tilespmem:s28], [sflag:$0x4] =	stream.indirect.gather [hbm4b:s2+s25], $0x1, s30, s25, $0xb8;
	[tilespmem:$0xF480] =	vst v63  }
0x4c9: {  	s30 =	simm.s32 $0xB500;
	s28 =	simm.s32 $0xC500  }
0x4ca: {  	[tilespmem:s28], [sflag:$0x4] =	stream.indirect.gather [hbm4b:s2+s25], $0x1, s30, s25, $0xb8;
	[tilespmem:$0xF480] =	vst v63  }
0x4cb: {  	s30 =	simm.s32 $0xB580;
	s28 =	simm.s32 $0xC580  }
0x4cc: {  	[tilespmem:s28], [sflag:$0x4] =	stream.indirect.gather [hbm4b:s2+s25], $0x1, s30, s25, $0xb8;
	[tilespmem:$0xF480] =	vst v63  }
0x4cd: {  	s30 =	simm.s32 $0xB600;
	s28 =	simm.s32 $0xC600  }
0x4ce: {  	[tilespmem:s28], [sflag:$0x4] =	stream.indirect.gather [hbm4b:s2+s25], $0x1, s30, s25, $0xb8;
	[tilespmem:$0xF480] =	vst v63  }
0x4cf: {  	s30 =	simm.s32 $0xB680;
	s28 =	simm.s32 $0xC680  }
0x4d0: {  	[tilespmem:s28], [sflag:$0x4] =	stream.indirect.gather [hbm4b:s2+s25], $0x1, s30, s25, $0xb8;
	[tilespmem:$0xF480] =	vst v63  }
0x4d1: {  	s30 =	simm.s32 $0xB700;
	s28 =	simm.s32 $0xC700  }
0x4d2: {  	[tilespmem:s28], [sflag:$0x4] =	stream.indirect.gather [hbm4b:s2+s25], $0x1, s30, s25, $0xb8;
	[tilespmem:$0xF480] =	vst v63  }
0x4d3: {  	s30 =	simm.s32 $0xB780;
	s28 =	simm.s32 $0xC780  }
0x4d4: {  	[tilespmem:s28], [sflag:$0x4] =	stream.indirect.gather [hbm4b:s2+s25], $0x1, s30, s25, $0xb8;
	[tilespmem:$0xF480] =	vst v63  }
0x4d5: {  	s30 =	simm.s32 $0xB800;
	s28 =	simm.s32 $0xC800  }
0x4d6: {  	[tilespmem:s28], [sflag:$0x4] =	stream.indirect.gather [hbm4b:s2+s25], $0x1, s30, s25, $0xb8;
	[tilespmem:$0xF480] =	vst v63  }
0x4d7: {  	_ =	swait.ge [sflag:s31], $0x80  }
0x4d8: {  	[sflag:s31] =	ssyncset.done $0x0  }
0x4d9: {  	[sflag:s31] =	ssyncadd.s32 $0xFFFFFF80  }
0x4da: {  	_ =	swait.ge [sflag:s31], $0x80  }
0x4db: {  	[sflag:s31] =	ssyncset.done $0x0  }
0x4dc: {  	[sflag:s31] =	ssyncadd.s32 $0xFFFFFF80  }
0x4dd: {  	_ =	swait.ge [sflag:s31], $0x80  }
0x4de: {  	[sflag:s31] =	ssyncset.done $0x0  }
0x4df: {  	[sflag:s31] =	ssyncadd.s32 $0xFFFFFF80  }
0x4e0: {  	_ =	swait.ge [sflag:s31], $0x80  }
0x4e1: {  	[sflag:s31] =	ssyncset.done $0x0  }
0x4e2: {  	[sflag:s31] =	ssyncadd.s32 $0xFFFFFF80  }
0x4e3: {  	_ =	swait.ge [sflag:s31], $0x80  }
0x4e4: {  	[sflag:s31] =	ssyncset.done $0x0  }
0x4e5: {  	[sflag:s31] =	ssyncadd.s32 $0xFFFFFF80  }
0x4e6: {  	_ =	swait.ge [sflag:s31], $0x80  }
0x4e7: {  	[sflag:s31] =	ssyncset.done $0x0  }
0x4e8: {  	[sflag:s31] =	ssyncadd.s32 $0xFFFFFF80  }
0x4e9: {  	_ =	swait.ge [sflag:s31], $0x80  }
0x4ea: {  	[sflag:s31] =	ssyncset.done $0x0  }
0x4eb: {  	[sflag:s31] =	ssyncadd.s32 $0xFFFFFF80  }
0x4ec: {  	_ =	swait.ge [sflag:s31], $0x80  }
0x4ed: {  	[sflag:s31] =	ssyncset.done $0x0  }
0x4ee: {  	s29 =	simm.s32 $0x0;
	[sflag:s31] =	ssyncadd.s32 $0xFFFFFF80  }
0x4ef: {  	v1 =	vld [tilespmem:s29+$0xC080]  }
0x4f0: {  	v2 =	vld [tilespmem:s29+$0x9080]  }
0x4f1: {  	v3 =	vld [tilespmem:s29+$0x8080];
	_ =	sdelay $0x2  }
0x4f2: {  	v1 =	vmul.f32 $1.442695020e+00, v1;
	_ =	sdelay $0x1  }
0x4f3: {  	(erf) = vpow2.f32 v1;
	_ =	sdelay $0x1  }
0x4f4: {  	v1 =	vld.idx.msk [tilespmem:v2+s20+$0x0], $0xffff  }
0x4f5: {  	v2 =	vld.idx.msk [tilespmem:v3+s21+$0x0], $0xffff  }
0x4f6: {  	v3 =	vld [tilespmem:s29+$0xC090]  }
0x4f7: {  	v4 =	vld [tilespmem:s29+$0x9090]  }
0x4f8: {  	v5 =	vld [tilespmem:s29+$0x8090];
	_ =	sdelay $0x1  }
0x4f9: {  	v1 =	vsub.f32 v1, v2  }
0x4fa: {  	v3 =	vmul.f32 $1.442695020e+00, v3;
	v2 =	vpop (erf)  }
0x4fb: {  	v1 =	vmul.f32 v1, v2  }
0x4fc: {  	(erf) = vpow2.f32 v3;
	[tilespmem:s29+$0xD080] =	vst v2  }
0x4fd: {  	[tilespmem:s29+$0xE080] =	vst v1  }
0x4fe: {  	v1 =	vld.idx.msk [tilespmem:v4+s20+$0x0], $0xffff  }
0x4ff: {  	v2 =	vld.idx.msk [tilespmem:v5+s21+$0x0], $0xffff  }
0x500: {  	v3 =	vld [tilespmem:s29+$0xC0A0]  }
0x501: {  	v4 =	vld [tilespmem:s29+$0x90A0]  }
0x502: {  	v5 =	vld [tilespmem:s29+$0x80A0];
	_ =	sdelay $0x1  }
0x503: {  	v1 =	vsub.f32 v1, v2  }
0x504: {  	v3 =	vmul.f32 $1.442695020e+00, v3;
	v2 =	vpop (erf)  }
0x505: {  	v6 =	vld [tilespmem:s29+$0xC0B0];
	v1 =	vmul.f32 v1, v2  }
0x506: {  	(erf) = vpow2.f32 v3;
	[tilespmem:s29+$0xD090] =	vst v2  }
0x507: {  	[tilespmem:s29+$0xE090] =	vst v1  }
0x508: {  	v1 =	vld.idx.msk [tilespmem:v4+s20+$0x0], $0xffff  }
0x509: {  	v2 =	vld.idx.msk [tilespmem:v5+s21+$0x0], $0xffff  }
0x50a: {  	v3 =	vmul.f32 $1.442695020e+00, v6  }
0x50b: {  	v4 =	vld [tilespmem:s29+$0x90B0]  }
0x50c: {  	(erf) = vpow2.f32 v3;
	v3 =	vld [tilespmem:s29+$0x80B0];
	_ =	sdelay $0x1  }
0x50d: {  	v1 =	vsub.f32 v1, v2  }
0x50e: {  	v2 =	vpop (erf)  }
0x50f: {  	v5 =	vld [tilespmem:s29+$0xC0C0];
	v1 =	vmul.f32 v1, v2  }
0x510: {  	[tilespmem:s29+$0xD0A0] =	vst v2  }
0x511: {  	[tilespmem:s29+$0xE0A0] =	vst v1  }
0x512: {  	v1 =	vld.idx.msk [tilespmem:v4+s20+$0x0], $0xffff  }
0x513: {  	v2 =	vld.idx.msk [tilespmem:v3+s21+$0x0], $0xffff  }
0x514: {  	v4 =	vmul.f32 $1.442695020e+00, v5  }
0x515: {  	v5 =	vld [tilespmem:s29+$0x90C0]  }
0x516: {  	(erf) = vpow2.f32 v4;
	v4 =	vld [tilespmem:s29+$0x80C0];
	_ =	sdelay $0x1  }
0x517: {  	v1 =	vsub.f32 v1, v2  }
0x518: {  	v3 =	vpop (erf)  }
0x519: {  	v2 =	vld [tilespmem:s29+$0xC0D0];
	v1 =	vmul.f32 v1, v3  }
0x51a: {  	[tilespmem:s29+$0xD0B0] =	vst v3  }
0x51b: {  	[tilespmem:s29+$0xE0B0] =	vst v1  }
0x51c: {  	v1 =	vld.idx.msk [tilespmem:v5+s20+$0x0], $0xffff  }
0x51d: {  	v3 =	vld.idx.msk [tilespmem:v4+s21+$0x0], $0xffff  }
0x51e: {  	v2 =	vmul.f32 $1.442695020e+00, v2  }
0x51f: {  	v5 =	vld [tilespmem:s29+$0x90D0]  }
0x520: {  	v4 =	vpop (erf);
	(erf) = vpow2.f32 v2;
	v2 =	vld [tilespmem:s29+$0x80D0];
	_ =	sdelay $0x1  }
0x521: {  	v1 =	vsub.f32 v1, v3;
	_ =	sdelay $0x1  }
0x522: {  	v3 =	vld [tilespmem:s29+$0xC0E0];
	v1 =	vmul.f32 v1, v4  }
0x523: {  	[tilespmem:s29+$0xD0C0] =	vst v4  }
0x524: {  	[tilespmem:s29+$0xE0C0] =	vst v1  }
0x525: {  	v1 =	vld.idx.msk [tilespmem:v5+s20+$0x0], $0xffff  }
0x526: {  	v2 =	vld.idx.msk [tilespmem:v2+s21+$0x0], $0xffff  }
0x527: {  	v3 =	vmul.f32 $1.442695020e+00, v3  }
0x528: {  	v5 =	vld [tilespmem:s29+$0x90E0]  }
0x529: {  	v4 =	vpop (erf);
	(erf) = vpow2.f32 v3;
	v3 =	vld [tilespmem:s29+$0x80E0];
	_ =	sdelay $0x1  }
0x52a: {  	v1 =	vsub.f32 v1, v2  }
0x52b: {  	v2 =	vld [tilespmem:s29+$0xC0F0]  }
0x52c: {  	v1 =	vmul.f32 v1, v4  }
0x52d: {  	[tilespmem:s29+$0xD0D0] =	vst v4  }
0x52e: {  	[tilespmem:s29+$0xE0D0] =	vst v1  }
0x52f: {  	v1 =	vld.idx.msk [tilespmem:v5+s20+$0x0], $0xffff  }
0x530: {  	v3 =	vld.idx.msk [tilespmem:v3+s21+$0x0], $0xffff;
	v2 =	vmul.f32 $1.442695020e+00, v2;
	_ =	sdelay $0x1  }
0x531: {  	v4 =	vpop (erf);
	(erf) = vpow2.f32 v2  }
0x532: {  	v5 =	vld [tilespmem:s29+$0x90F0]  }
0x533: {  	v63 =	vld [tilespmem:s29+$0x80F0]  }
0x534: {  	v1 =	vsub.f32 v1, v3;
	_ =	sdelay $0x1  }
0x535: {  	v1 =	vmul.f32 v1, v4;
	_ =	sdelay $0x1  }
0x536: {  	[tilespmem:s29+$0xD0E0] =	vst v4  }
0x537: {  	[tilespmem:s29+$0xE0E0] =	vst v1  }
0x538: {  	v2 =	vld.idx.msk [tilespmem:v5+s20+$0x0], $0xffff;
	v1 =	vpop (erf)  }
0x539: {  	s18 =	simm.s32 $0x400;
	s28 =	simm.s32 $0x80;
	v3 =	vld.idx.msk [tilespmem:v63+s21+$0x0], $0xffff;
	[tilespmem:s29+$0xD0F0] =	vst v1  }
.LBB2_16:
0x53a: {  	p0 =	sne.s32 s18, $0xE00;
	v4 =	vld [tilespmem:s28+$0x9080];
	s30 =	smov.u32 s18;
	s18 =	sadd.s32 $0x200, s18  }
0x53b: {  	v5 =	vld [tilespmem:s28+$0xC080]  }
0x53c: {  	v6 =	vld [tilespmem:s28+$0x8080];
	_ =	sdelay $0x1  }
0x53d: {  	v2 =	vsub.f32 v2, v3;
	_ =	sdelay $0x1  }
0x53e: {  	v1 =	vmul.f32 v2, v1;
	v3 =	vmul.f32 $1.442695020e+00, v5;
	_ =	sdelay $0x1  }
0x53f: {  	(erf) = vpow2.f32 v3;
	[tilespmem:s29+$0xE0F0] =	vst v1;
	s29 =	smov.u32 s28  }
0x540: {  	v1 =	vld.idx.msk [tilespmem:v4+s20+$0x0], $0xffff  }
0x541: {  	v2 =	vld.idx.msk [tilespmem:v6+s21+$0x0], $0xffff;
	_ =	sdelay $0x1  }
0x542: {  	v3 =	vld [tilespmem:s29+$0x9090]  }
0x543: {  	v4 =	vld [tilespmem:s29+$0xC090]  }
0x544: {  	v5 =	vld [tilespmem:s29+$0x8090];
	_ =	sdelay $0x1  }
0x545: {  	v1 =	vsub.f32 v1, v2  }
0x546: {  	v2 =	vpop (erf)  }
0x547: {  	v1 =	vmul.f32 v1, v2;
	v4 =	vmul.f32 $1.442695020e+00, v4  }
0x548: {  	[tilespmem:s29+$0xD080] =	vst v2  }
0x549: {  	[tilespmem:s29+$0xE080] =	vst v1;
	(erf) = vpow2.f32 v4  }
0x54a: {  	v1 =	vld.idx.msk [tilespmem:v3+s20+$0x0], $0xffff  }
0x54b: {  	v2 =	vld.idx.msk [tilespmem:v5+s21+$0x0], $0xffff;
	_ =	sdelay $0x1  }
0x54c: {  	v3 =	vld [tilespmem:s29+$0x90A0]  }
0x54d: {  	v4 =	vld [tilespmem:s29+$0xC0A0]  }
0x54e: {  	v5 =	vld [tilespmem:s29+$0x80A0];
	_ =	sdelay $0x1  }
0x54f: {  	v1 =	vsub.f32 v1, v2  }
0x550: {  	v2 =	vpop (erf)  }
0x551: {  	v1 =	vmul.f32 v1, v2;
	v4 =	vmul.f32 $1.442695020e+00, v4;
	v6 =	vld [tilespmem:s29+$0xC0B0]  }
0x552: {  	[tilespmem:s29+$0xD090] =	vst v2  }
0x553: {  	[tilespmem:s29+$0xE090] =	vst v1;
	(erf) = vpow2.f32 v4  }
0x554: {  	v1 =	vld.idx.msk [tilespmem:v3+s20+$0x0], $0xffff  }
0x555: {  	v2 =	vld.idx.msk [tilespmem:v5+s21+$0x0], $0xffff  }
0x556: {  	v3 =	vmul.f32 $1.442695020e+00, v6;
	_ =	sdelay $0x1  }
0x557: {  	v4 =	vld [tilespmem:s29+$0x90B0];
	(erf) = vpow2.f32 v3  }
0x558: {  	v3 =	vld [tilespmem:s29+$0x80B0];
	_ =	sdelay $0x1  }
0x559: {  	v1 =	vsub.f32 v1, v2  }
0x55a: {  	v2 =	vpop (erf)  }
0x55b: {  	v1 =	vmul.f32 v1, v2;
	v5 =	vld [tilespmem:s29+$0xC0C0]  }
0x55c: {  	[tilespmem:s29+$0xD0A0] =	vst v2  }
0x55d: {  	[tilespmem:s29+$0xE0A0] =	vst v1  }
0x55e: {  	v1 =	vld.idx.msk [tilespmem:v4+s20+$0x0], $0xffff  }
0x55f: {  	v2 =	vld.idx.msk [tilespmem:v3+s21+$0x0], $0xffff;
	v3 =	vpop (erf)  }
0x560: {  	[tilespmem:s29+$0xD0B0] =	vst v3;
	v4 =	vmul.f32 $1.442695020e+00, v5;
	_ =	sdelay $0x1  }
0x561: {  	v5 =	vld [tilespmem:s29+$0x90C0];
	(erf) = vpow2.f32 v4  }
0x562: {  	v4 =	vld [tilespmem:s29+$0x80C0];
	_ =	sdelay $0x1  }
0x563: {  	v1 =	vsub.f32 v1, v2;
	_ =	sdelay $0x1  }
0x564: {  	v1 =	vmul.f32 v1, v3;
	v2 =	vld [tilespmem:s29+$0xC0D0];
	_ =	sdelay $0x1  }
0x565: {  	[tilespmem:s29+$0xE0B0] =	vst v1  }
0x566: {  	v1 =	vld.idx.msk [tilespmem:v5+s20+$0x0], $0xffff  }
0x567: {  	v3 =	vld.idx.msk [tilespmem:v4+s21+$0x0], $0xffff;
	v4 =	vpop (erf)  }
0x568: {  	[tilespmem:s29+$0xD0C0] =	vst v4;
	v2 =	vmul.f32 $1.442695020e+00, v2;
	_ =	sdelay $0x1  }
0x569: {  	v5 =	vld [tilespmem:s29+$0x90D0];
	(erf) = vpow2.f32 v2  }
0x56a: {  	v2 =	vld [tilespmem:s29+$0x80D0];
	_ =	sdelay $0x1  }
0x56b: {  	v1 =	vsub.f32 v1, v3;
	_ =	sdelay $0x1  }
0x56c: {  	v1 =	vmul.f32 v1, v4;
	v3 =	vld [tilespmem:s29+$0xC0E0];
	_ =	sdelay $0x1  }
0x56d: {  	[tilespmem:s29+$0xE0C0] =	vst v1  }
0x56e: {  	v1 =	vld.idx.msk [tilespmem:v5+s20+$0x0], $0xffff  }
0x56f: {  	v2 =	vld.idx.msk [tilespmem:v2+s21+$0x0], $0xffff;
	v4 =	vpop (erf)  }
0x570: {  	[tilespmem:s29+$0xD0D0] =	vst v4;
	v3 =	vmul.f32 $1.442695020e+00, v3;
	_ =	sdelay $0x1  }
0x571: {  	v5 =	vld [tilespmem:s29+$0x90E0];
	(erf) = vpow2.f32 v3  }
0x572: {  	v3 =	vld [tilespmem:s29+$0x80E0];
	_ =	sdelay $0x1  }
0x573: {  	v1 =	vsub.f32 v1, v2;
	_ =	sdelay $0x1  }
0x574: {  	v1 =	vmul.f32 v1, v4;
	v2 =	vld [tilespmem:s29+$0xC0F0];
	_ =	sdelay $0x1  }
0x575: {  	[tilespmem:s29+$0xE0D0] =	vst v1  }
0x576: {  	v1 =	vld.idx.msk [tilespmem:v5+s20+$0x0], $0xffff  }
0x577: {  	v3 =	vld.idx.msk [tilespmem:v3+s21+$0x0], $0xffff;
	v4 =	vpop (erf)  }
0x578: {  	[tilespmem:s29+$0xD0E0] =	vst v4;
	v2 =	vmul.f32 $1.442695020e+00, v2;
	_ =	sdelay $0x1  }
0x579: {  	v5 =	vld [tilespmem:s29+$0x90F0];
	(erf) = vpow2.f32 v2  }
0x57a: {  	v6 =	vld [tilespmem:s29+$0x80F0];
	_ =	sdelay $0x1  }
0x57b: {  	v1 =	vsub.f32 v1, v3;
	_ =	sdelay $0x1  }
0x57c: {  	v1 =	vmul.f32 v1, v4  }
.Ltmp7:
0x57d: {  	(pc) =	sbr.rel @p0 .LBB2_16-.Ltmp7, $4  }
0x57e: {  	[tilespmem:s29+$0xE0E0] =	vst v1  }
0x57f: {  	v2 =	vld.idx.msk [tilespmem:v5+s20+$0x0], $0xffff  }
0x580: {  	v3 =	vld.idx.msk [tilespmem:v6+s21+$0x0], $0xffff;
	v1 =	vpop (erf)  }
0x581: {  	s28 =	sshra.s32 s30, $0x2;
	[tilespmem:s29+$0xD0F0] =	vst v1  }
0x582: {  	v4 =	vld [tilespmem:s28+$0xC080]  }
0x583: {  	v5 =	vld [tilespmem:s28+$0x9080]  }
0x584: {  	v6 =	vld [tilespmem:s28+$0x8080];
	_ =	sdelay $0x1  }
0x585: {  	v2 =	vsub.f32 v2, v3  }
0x586: {  	v3 =	vmul.f32 $1.442695020e+00, v4  }
0x587: {  	v1 =	vmul.f32 v2, v1  }
0x588: {  	(erf) = vpow2.f32 v3  }
0x589: {  	[tilespmem:s29+$0xE0F0] =	vst v1  }
0x58a: {  	v1 =	vld.idx.msk [tilespmem:v5+s20+$0x0], $0xffff  }
0x58b: {  	v2 =	vld.idx.msk [tilespmem:v6+s21+$0x0], $0xffff  }
0x58c: {  	v3 =	vld [tilespmem:s28+$0xC090]  }
0x58d: {  	v4 =	vld [tilespmem:s28+$0x9090]  }
0x58e: {  	v5 =	vld [tilespmem:s28+$0x8090];
	_ =	sdelay $0x1  }
0x58f: {  	v1 =	vsub.f32 v1, v2  }
0x590: {  	v3 =	vmul.f32 $1.442695020e+00, v3;
	v2 =	vpop (erf)  }
0x591: {  	v1 =	vmul.f32 v1, v2  }
0x592: {  	(erf) = vpow2.f32 v3;
	[tilespmem:s28+$0xD080] =	vst v2  }
0x593: {  	[tilespmem:s28+$0xE080] =	vst v1  }
0x594: {  	v1 =	vld.idx.msk [tilespmem:v4+s20+$0x0], $0xffff  }
0x595: {  	v2 =	vld.idx.msk [tilespmem:v5+s21+$0x0], $0xffff  }
0x596: {  	v3 =	vld [tilespmem:s28+$0xC0A0]  }
0x597: {  	v4 =	vld [tilespmem:s28+$0x90A0]  }
0x598: {  	v5 =	vld [tilespmem:s28+$0x80A0];
	_ =	sdelay $0x1  }
0x599: {  	v1 =	vsub.f32 v1, v2  }
0x59a: {  	v3 =	vmul.f32 $1.442695020e+00, v3;
	v2 =	vpop (erf)  }
0x59b: {  	v60 =	vld [tilespmem:s28+$0xC0B0];
	v1 =	vmul.f32 v1, v2  }
0x59c: {  	(erf) = vpow2.f32 v3;
	[tilespmem:s28+$0xD090] =	vst v2  }
0x59d: {  	[tilespmem:s28+$0xE090] =	vst v1  }
0x59e: {  	v1 =	vld.idx.msk [tilespmem:v4+s20+$0x0], $0xffff  }
0x59f: {  	v2 =	vld.idx.msk [tilespmem:v5+s21+$0x0], $0xffff  }
0x5a0: {  	v3 =	vmul.f32 $1.442695020e+00, v60  }
0x5a1: {  	v4 =	vld [tilespmem:s28+$0x90B0]  }
0x5a2: {  	(erf) = vpow2.f32 v3;
	v3 =	vld [tilespmem:s28+$0x80B0];
	_ =	sdelay $0x1  }
0x5a3: {  	v1 =	vsub.f32 v1, v2  }
0x5a4: {  	v2 =	vpop (erf)  }
0x5a5: {  	v5 =	vld [tilespmem:s28+$0xC0C0];
	v1 =	vmul.f32 v1, v2  }
0x5a6: {  	[tilespmem:s28+$0xD0A0] =	vst v2  }
0x5a7: {  	[tilespmem:s28+$0xE0A0] =	vst v1  }
0x5a8: {  	v1 =	vld.idx.msk [tilespmem:v4+s20+$0x0], $0xffff  }
0x5a9: {  	v2 =	vld.idx.msk [tilespmem:v3+s21+$0x0], $0xffff  }
0x5aa: {  	v4 =	vmul.f32 $1.442695020e+00, v5  }
0x5ab: {  	v5 =	vld [tilespmem:s28+$0x90C0]  }
0x5ac: {  	v3 =	vpop (erf);
	(erf) = vpow2.f32 v4;
	v4 =	vld [tilespmem:s28+$0x80C0];
	_ =	sdelay $0x1  }
0x5ad: {  	v1 =	vsub.f32 v1, v2;
	_ =	sdelay $0x1  }
0x5ae: {  	v2 =	vld [tilespmem:s28+$0xC0D0];
	v1 =	vmul.f32 v1, v3  }
0x5af: {  	[tilespmem:s28+$0xD0B0] =	vst v3  }
0x5b0: {  	[tilespmem:s28+$0xE0B0] =	vst v1  }
0x5b1: {  	v1 =	vld.idx.msk [tilespmem:v5+s20+$0x0], $0xffff  }
0x5b2: {  	v3 =	vld.idx.msk [tilespmem:v4+s21+$0x0], $0xffff  }
0x5b3: {  	v2 =	vmul.f32 $1.442695020e+00, v2  }
0x5b4: {  	v5 =	vld [tilespmem:s28+$0x90D0]  }
0x5b5: {  	v4 =	vpop (erf);
	(erf) = vpow2.f32 v2;
	v2 =	vld [tilespmem:s28+$0x80D0];
	_ =	sdelay $0x1  }
0x5b6: {  	v1 =	vsub.f32 v1, v3;
	_ =	sdelay $0x1  }
0x5b7: {  	v3 =	vld [tilespmem:s28+$0xC0E0];
	v1 =	vmul.f32 v1, v4  }
0x5b8: {  	[tilespmem:s28+$0xD0C0] =	vst v4  }
0x5b9: {  	[tilespmem:s28+$0xE0C0] =	vst v1  }
0x5ba: {  	v1 =	vld.idx.msk [tilespmem:v5+s20+$0x0], $0xffff  }
0x5bb: {  	v2 =	vld.idx.msk [tilespmem:v2+s21+$0x0], $0xffff  }
0x5bc: {  	v3 =	vmul.f32 $1.442695020e+00, v3  }
0x5bd: {  	v5 =	vld [tilespmem:s28+$0x90E0]  }
0x5be: {  	v4 =	vpop (erf);
	(erf) = vpow2.f32 v3;
	v3 =	vld [tilespmem:s28+$0x80E0];
	_ =	sdelay $0x1  }
0x5bf: {  	v1 =	vsub.f32 v1, v2;
	_ =	sdelay $0x1  }
0x5c0: {  	v1 =	vmul.f32 v1, v4  }
0x5c1: {  	[tilespmem:s28+$0xD0D0] =	vst v4  }
0x5c2: {  	[tilespmem:s28+$0xE0D0] =	vst v1  }
0x5c3: {  	v1 =	vld.idx.msk [tilespmem:v5+s20+$0x0], $0xffff  }
0x5c4: {  	v3 =	vld.idx.msk [tilespmem:v3+s21+$0x0], $0xffff  }
0x5c5: {  	v2 =	vld [tilespmem:s28+$0xC0F0]  }
0x5c6: {  	v5 =	vld [tilespmem:s28+$0x90F0]  }
0x5c7: {  	v61 =	vld [tilespmem:s28+$0x80F0];
	_ =	sdelay $0x1  }
0x5c8: {  	v1 =	vsub.f32 v1, v3  }
0x5c9: {  	v2 =	vmul.f32 $1.442695020e+00, v2;
	v4 =	vpop (erf)  }
0x5ca: {  	v1 =	vmul.f32 v1, v4  }
0x5cb: {  	[tilespmem:s28+$0xD0E0] =	vst v4;
	(erf) = vpow2.f32 v2  }
0x5cc: {  	[tilespmem:s28+$0xE0E0] =	vst v1  }
0x5cd: {  	v1 =	vld.idx.msk [tilespmem:v5+s20+$0x0], $0xffff  }
0x5ce: {  	v2 =	vld.idx.msk [tilespmem:v61+s21+$0x0], $0xffff;
	_ =	sdelay $0x4  }
0x5cf: {  	v1 =	vsub.f32 v1, v2  }
0x5d0: {  	v2 =	vpop (erf)  }
0x5d1: {  	v1 =	vmul.f32 v1, v2  }
0x5d2: {  	[tilespmem:s28+$0xD0F0] =	vst v2  }
0x5d3: {  	s18 =	simm.s32 $0xA080;
	[tilespmem:s28+$0xE0F0] =	vst v1;
	s28 =	simm.s32 $0xD080  }
0x5d4: {  	[spmem:s3] =	stream.indirect.scatter.add.f32 [tilespmem:s28], [sflag:$0x5], $0x1, s18, s25, $0xb8;
	[tilespmem:$0xF480] =	vst v63  }
0x5d5: {  	s28 =	simm.s32 $0xE080  }
0x5d6: {  	[spmem:s4] =	stream.indirect.scatter.add.f32 [tilespmem:s28], [sflag:$0x5], $0x1, s18, s25, $0xb8;
	[tilespmem:$0xF480] =	vst v63  }
0x5d7: {  	s30 =	simm.s32 $0xA100;
	s28 =	simm.s32 $0xD100  }
0x5d8: {  	[spmem:s3] =	stream.indirect.scatter.add.f32 [tilespmem:s28], [sflag:$0x5], $0x1, s30, s25, $0xb8;
	[tilespmem:$0xF480] =	vst v63  }
0x5d9: {  	s28 =	simm.s32 $0xE100  }
0x5da: {  	[spmem:s4] =	stream.indirect.scatter.add.f32 [tilespmem:s28], [sflag:$0x5], $0x1, s30, s25, $0xb8;
	[tilespmem:$0xF480] =	vst v63  }
0x5db: {  	s30 =	simm.s32 $0xA180;
	s28 =	simm.s32 $0xD180  }
0x5dc: {  	[spmem:s3] =	stream.indirect.scatter.add.f32 [tilespmem:s28], [sflag:$0x5], $0x1, s30, s25, $0xb8;
	[tilespmem:$0xF480] =	vst v63  }
0x5dd: {  	s28 =	simm.s32 $0xE180  }
0x5de: {  	[spmem:s4] =	stream.indirect.scatter.add.f32 [tilespmem:s28], [sflag:$0x5], $0x1, s30, s25, $0xb8;
	[tilespmem:$0xF480] =	vst v63  }
0x5df: {  	s30 =	simm.s32 $0xA200;
	s28 =	simm.s32 $0xD200  }
0x5e0: {  	[spmem:s3] =	stream.indirect.scatter.add.f32 [tilespmem:s28], [sflag:$0x5], $0x1, s30, s25, $0xb8;
	[tilespmem:$0xF480] =	vst v63  }
0x5e1: {  	s28 =	simm.s32 $0xE200  }
0x5e2: {  	[spmem:s4] =	stream.indirect.scatter.add.f32 [tilespmem:s28], [sflag:$0x5], $0x1, s30, s25, $0xb8;
	[tilespmem:$0xF480] =	vst v63  }
0x5e3: {  	s30 =	simm.s32 $0xA280;
	s28 =	simm.s32 $0xD280  }
0x5e4: {  	[spmem:s3] =	stream.indirect.scatter.add.f32 [tilespmem:s28], [sflag:$0x5], $0x1, s30, s25, $0xb8;
	[tilespmem:$0xF480] =	vst v63  }
0x5e5: {  	s28 =	simm.s32 $0xE280  }
0x5e6: {  	[spmem:s4] =	stream.indirect.scatter.add.f32 [tilespmem:s28], [sflag:$0x5], $0x1, s30, s25, $0xb8;
	[tilespmem:$0xF480] =	vst v63  }
0x5e7: {  	s30 =	simm.s32 $0xA300;
	s28 =	simm.s32 $0xD300  }
0x5e8: {  	[spmem:s3] =	stream.indirect.scatter.add.f32 [tilespmem:s28], [sflag:$0x5], $0x1, s30, s25, $0xb8;
	[tilespmem:$0xF480] =	vst v63  }
0x5e9: {  	s28 =	simm.s32 $0xE300  }
0x5ea: {  	[spmem:s4] =	stream.indirect.scatter.add.f32 [tilespmem:s28], [sflag:$0x5], $0x1, s30, s25, $0xb8;
	[tilespmem:$0xF480] =	vst v63  }
0x5eb: {  	s30 =	simm.s32 $0xA380;
	s28 =	simm.s32 $0xD380  }
0x5ec: {  	[spmem:s3] =	stream.indirect.scatter.add.f32 [tilespmem:s28], [sflag:$0x5], $0x1, s30, s25, $0xb8;
	[tilespmem:$0xF480] =	vst v63  }
0x5ed: {  	s28 =	simm.s32 $0xE380  }
0x5ee: {  	[spmem:s4] =	stream.indirect.scatter.add.f32 [tilespmem:s28], [sflag:$0x5], $0x1, s30, s25, $0xb8;
	[tilespmem:$0xF480] =	vst v63  }
0x5ef: {  	s30 =	simm.s32 $0xD400  }
0x5f0: {  	[spmem:s3] =	stream.indirect.scatter.add.f32 [tilespmem:s30], [sflag:$0x5], $0x1, s17, s25, $0xb8;
	[tilespmem:$0xF480] =	vst v63  }
0x5f1: {  	s30 =	simm.s32 $0xE400  }
0x5f2: {  	[spmem:s4] =	stream.indirect.scatter.add.f32 [tilespmem:s30], [sflag:$0x5], $0x1, s17, s25, $0xb8;
	[tilespmem:$0xF480] =	vst v63  }
0x5f3: {  	_ =	swait.ge [sflag:s5], $0x80  }
0x5f4: {  	[sflag:s5] =	ssyncset.done $0x0  }
0x5f5: {  	[sflag:s5] =	ssyncadd.s32 $0xFFFFFF80  }
0x5f6: {  	_ =	swait.ge [sflag:s5], $0x80  }
0x5f7: {  	[sflag:s5] =	ssyncset.done $0x0  }
0x5f8: {  	[sflag:s5] =	ssyncadd.s32 $0xFFFFFF80  }
0x5f9: {  	_ =	swait.ge [sflag:s5], $0x80  }
0x5fa: {  	[sflag:s5] =	ssyncset.done $0x0  }
0x5fb: {  	[sflag:s5] =	ssyncadd.s32 $0xFFFFFF80  }
0x5fc: {  	_ =	swait.ge [sflag:s5], $0x80  }
0x5fd: {  	[sflag:s5] =	ssyncset.done $0x0  }
0x5fe: {  	[sflag:s5] =	ssyncadd.s32 $0xFFFFFF80  }
0x5ff: {  	_ =	swait.ge [sflag:s5], $0x80  }
0x600: {  	[sflag:s5] =	ssyncset.done $0x0  }
0x601: {  	[sflag:s5] =	ssyncadd.s32 $0xFFFFFF80  }
0x602: {  	_ =	swait.ge [sflag:s5], $0x80  }
0x603: {  	[sflag:s5] =	ssyncset.done $0x0  }
0x604: {  	[sflag:s5] =	ssyncadd.s32 $0xFFFFFF80  }
0x605: {  	_ =	swait.ge [sflag:s5], $0x80  }
0x606: {  	[sflag:s5] =	ssyncset.done $0x0  }
0x607: {  	[sflag:s5] =	ssyncadd.s32 $0xFFFFFF80  }
0x608: {  	_ =	swait.ge [sflag:s5], $0x80  }
0x609: {  	[sflag:s5] =	ssyncset.done $0x0  }
0x60a: {  	s29 =	simm.s32 $0x0;
	[sflag:s5] =	ssyncadd.s32 $0xFFFFFF80  }
0x60b: {  	v1 =	vld [tilespmem:s29+$0xC480]  }
0x60c: {  	v2 =	vld [tilespmem:s29+$0x9480]  }
0x60d: {  	v3 =	vld [tilespmem:s29+$0x8480];
	_ =	sdelay $0x2  }
0x60e: {  	v1 =	vmul.f32 $1.442695020e+00, v1;
	_ =	sdelay $0x1  }
0x60f: {  	(erf) = vpow2.f32 v1;
	_ =	sdelay $0x1  }
0x610: {  	v1 =	vld.idx.msk [tilespmem:v2+s20+$0x0], $0xffff  }
0x611: {  	v2 =	vld.idx.msk [tilespmem:v3+s21+$0x0], $0xffff  }
0x612: {  	v3 =	vld [tilespmem:s29+$0xC490]  }
0x613: {  	v4 =	vld [tilespmem:s29+$0x9490]  }
0x614: {  	v5 =	vld [tilespmem:s29+$0x8490];
	_ =	sdelay $0x1  }
0x615: {  	v1 =	vsub.f32 v1, v2  }
0x616: {  	v3 =	vmul.f32 $1.442695020e+00, v3;
	v2 =	vpop (erf)  }
0x617: {  	v1 =	vmul.f32 v1, v2  }
0x618: {  	(erf) = vpow2.f32 v3;
	[tilespmem:s29+$0xD480] =	vst v2  }
0x619: {  	[tilespmem:s29+$0xE480] =	vst v1  }
0x61a: {  	v1 =	vld.idx.msk [tilespmem:v4+s20+$0x0], $0xffff  }
0x61b: {  	v2 =	vld.idx.msk [tilespmem:v5+s21+$0x0], $0xffff  }
0x61c: {  	v3 =	vld [tilespmem:s29+$0xC4A0]  }
0x61d: {  	v4 =	vld [tilespmem:s29+$0x94A0]  }
0x61e: {  	v5 =	vld [tilespmem:s29+$0x84A0];
	_ =	sdelay $0x1  }
0x61f: {  	v1 =	vsub.f32 v1, v2  }
0x620: {  	v3 =	vmul.f32 $1.442695020e+00, v3;
	v2 =	vpop (erf)  }
0x621: {  	v62 =	vld [tilespmem:s29+$0xC4B0];
	v1 =	vmul.f32 v1, v2  }
0x622: {  	(erf) = vpow2.f32 v3;
	[tilespmem:s29+$0xD490] =	vst v2  }
0x623: {  	[tilespmem:s29+$0xE490] =	vst v1  }
0x624: {  	v1 =	vld.idx.msk [tilespmem:v4+s20+$0x0], $0xffff  }
0x625: {  	v2 =	vld.idx.msk [tilespmem:v5+s21+$0x0], $0xffff  }
0x626: {  	v3 =	vmul.f32 $1.442695020e+00, v62  }
0x627: {  	v4 =	vld [tilespmem:s29+$0x94B0]  }
0x628: {  	(erf) = vpow2.f32 v3;
	v3 =	vld [tilespmem:s29+$0x84B0];
	_ =	sdelay $0x1  }
0x629: {  	v1 =	vsub.f32 v1, v2  }
0x62a: {  	v2 =	vpop (erf)  }
0x62b: {  	v5 =	vld [tilespmem:s29+$0xC4C0];
	v1 =	vmul.f32 v1, v2  }
0x62c: {  	[tilespmem:s29+$0xD4A0] =	vst v2  }
0x62d: {  	[tilespmem:s29+$0xE4A0] =	vst v1  }
0x62e: {  	v1 =	vld.idx.msk [tilespmem:v4+s20+$0x0], $0xffff  }
0x62f: {  	v2 =	vld.idx.msk [tilespmem:v3+s21+$0x0], $0xffff  }
0x630: {  	v4 =	vmul.f32 $1.442695020e+00, v5  }
0x631: {  	v5 =	vld [tilespmem:s29+$0x94C0]  }
0x632: {  	(erf) = vpow2.f32 v4;
	v4 =	vld [tilespmem:s29+$0x84C0];
	_ =	sdelay $0x1  }
0x633: {  	v1 =	vsub.f32 v1, v2  }
0x634: {  	v3 =	vpop (erf)  }
0x635: {  	v2 =	vld [tilespmem:s29+$0xC4D0];
	v1 =	vmul.f32 v1, v3  }
0x636: {  	[tilespmem:s29+$0xD4B0] =	vst v3  }
0x637: {  	[tilespmem:s29+$0xE4B0] =	vst v1  }
0x638: {  	v1 =	vld.idx.msk [tilespmem:v5+s20+$0x0], $0xffff  }
0x639: {  	v3 =	vld.idx.msk [tilespmem:v4+s21+$0x0], $0xffff  }
0x63a: {  	v2 =	vmul.f32 $1.442695020e+00, v2  }
0x63b: {  	v5 =	vld [tilespmem:s29+$0x94D0]  }
0x63c: {  	v4 =	vpop (erf);
	(erf) = vpow2.f32 v2;
	v2 =	vld [tilespmem:s29+$0x84D0];
	_ =	sdelay $0x1  }
0x63d: {  	v1 =	vsub.f32 v1, v3;
	_ =	sdelay $0x1  }
0x63e: {  	v3 =	vld [tilespmem:s29+$0xC4E0];
	v1 =	vmul.f32 v1, v4  }
0x63f: {  	[tilespmem:s29+$0xD4C0] =	vst v4  }
0x640: {  	[tilespmem:s29+$0xE4C0] =	vst v1  }
0x641: {  	v1 =	vld.idx.msk [tilespmem:v5+s20+$0x0], $0xffff  }
0x642: {  	v2 =	vld.idx.msk [tilespmem:v2+s21+$0x0], $0xffff  }
0x643: {  	v3 =	vmul.f32 $1.442695020e+00, v3  }
0x644: {  	v5 =	vld [tilespmem:s29+$0x94E0]  }
0x645: {  	v4 =	vpop (erf);
	(erf) = vpow2.f32 v3;
	v3 =	vld [tilespmem:s29+$0x84E0];
	_ =	sdelay $0x1  }
0x646: {  	v1 =	vsub.f32 v1, v2  }
0x647: {  	v2 =	vld [tilespmem:s29+$0xC4F0]  }
0x648: {  	v1 =	vmul.f32 v1, v4  }
0x649: {  	[tilespmem:s29+$0xD4D0] =	vst v4  }
0x64a: {  	[tilespmem:s29+$0xE4D0] =	vst v1  }
0x64b: {  	v1 =	vld.idx.msk [tilespmem:v5+s20+$0x0], $0xffff  }
0x64c: {  	v3 =	vld.idx.msk [tilespmem:v3+s21+$0x0], $0xffff;
	v2 =	vmul.f32 $1.442695020e+00, v2;
	_ =	sdelay $0x1  }
0x64d: {  	v4 =	vpop (erf);
	(erf) = vpow2.f32 v2  }
0x64e: {  	v5 =	vld [tilespmem:s29+$0x94F0]  }
0x64f: {  	v63 =	vld [tilespmem:s29+$0x84F0]  }
0x650: {  	v1 =	vsub.f32 v1, v3;
	_ =	sdelay $0x1  }
0x651: {  	v1 =	vmul.f32 v1, v4;
	_ =	sdelay $0x1  }
0x652: {  	[tilespmem:s29+$0xD4E0] =	vst v4  }
0x653: {  	[tilespmem:s29+$0xE4E0] =	vst v1  }
0x654: {  	v2 =	vld.idx.msk [tilespmem:v5+s20+$0x0], $0xffff;
	v1 =	vpop (erf)  }
0x655: {  	s18 =	simm.s32 $0x400;
	s28 =	simm.s32 $0x80;
	v3 =	vld.idx.msk [tilespmem:v63+s21+$0x0], $0xffff;
	[tilespmem:s29+$0xD4F0] =	vst v1  }
.LBB2_18:
0x656: {  	p0 =	sne.s32 s18, $0xE00;
	v4 =	vld [tilespmem:s28+$0x9480];
	s30 =	smov.u32 s18;
	s18 =	sadd.s32 $0x200, s18  }
0x657: {  	v5 =	vld [tilespmem:s28+$0xC480]  }
0x658: {  	v6 =	vld [tilespmem:s28+$0x8480];
	_ =	sdelay $0x1  }
0x659: {  	v2 =	vsub.f32 v2, v3;
	_ =	sdelay $0x1  }
0x65a: {  	v1 =	vmul.f32 v2, v1;
	v3 =	vmul.f32 $1.442695020e+00, v5;
	_ =	sdelay $0x1  }
0x65b: {  	(erf) = vpow2.f32 v3;
	[tilespmem:s29+$0xE4F0] =	vst v1;
	s29 =	smov.u32 s28  }
0x65c: {  	v1 =	vld.idx.msk [tilespmem:v4+s20+$0x0], $0xffff  }
0x65d: {  	v2 =	vld.idx.msk [tilespmem:v6+s21+$0x0], $0xffff;
	_ =	sdelay $0x1  }
0x65e: {  	v3 =	vld [tilespmem:s29+$0x9490]  }
0x65f: {  	v4 =	vld [tilespmem:s29+$0xC490]  }
0x660: {  	v5 =	vld [tilespmem:s29+$0x8490];
	_ =	sdelay $0x1  }
0x661: {  	v1 =	vsub.f32 v1, v2  }
0x662: {  	v2 =	vpop (erf)  }
0x663: {  	v1 =	vmul.f32 v1, v2;
	v4 =	vmul.f32 $1.442695020e+00, v4  }
0x664: {  	[tilespmem:s29+$0xD480] =	vst v2  }
0x665: {  	[tilespmem:s29+$0xE480] =	vst v1;
	(erf) = vpow2.f32 v4  }
0x666: {  	v1 =	vld.idx.msk [tilespmem:v3+s20+$0x0], $0xffff  }
0x667: {  	v2 =	vld.idx.msk [tilespmem:v5+s21+$0x0], $0xffff;
	_ =	sdelay $0x1  }
0x668: {  	v3 =	vld [tilespmem:s29+$0x94A0]  }
0x669: {  	v4 =	vld [tilespmem:s29+$0xC4A0]  }
0x66a: {  	v5 =	vld [tilespmem:s29+$0x84A0];
	_ =	sdelay $0x1  }
0x66b: {  	v1 =	vsub.f32 v1, v2  }
0x66c: {  	v2 =	vpop (erf)  }
0x66d: {  	v1 =	vmul.f32 v1, v2;
	v4 =	vmul.f32 $1.442695020e+00, v4;
	v6 =	vld [tilespmem:s29+$0xC4B0]  }
0x66e: {  	[tilespmem:s29+$0xD490] =	vst v2  }
0x66f: {  	[tilespmem:s29+$0xE490] =	vst v1;
	(erf) = vpow2.f32 v4  }
0x670: {  	v1 =	vld.idx.msk [tilespmem:v3+s20+$0x0], $0xffff  }
0x671: {  	v2 =	vld.idx.msk [tilespmem:v5+s21+$0x0], $0xffff  }
0x672: {  	v3 =	vmul.f32 $1.442695020e+00, v6;
	_ =	sdelay $0x1  }
0x673: {  	v4 =	vld [tilespmem:s29+$0x94B0];
	(erf) = vpow2.f32 v3  }
0x674: {  	v3 =	vld [tilespmem:s29+$0x84B0];
	_ =	sdelay $0x1  }
0x675: {  	v1 =	vsub.f32 v1, v2  }
0x676: {  	v2 =	vpop (erf)  }
0x677: {  	v1 =	vmul.f32 v1, v2;
	v5 =	vld [tilespmem:s29+$0xC4C0]  }
0x678: {  	[tilespmem:s29+$0xD4A0] =	vst v2  }
0x679: {  	[tilespmem:s29+$0xE4A0] =	vst v1  }
0x67a: {  	v1 =	vld.idx.msk [tilespmem:v4+s20+$0x0], $0xffff  }
0x67b: {  	v2 =	vld.idx.msk [tilespmem:v3+s21+$0x0], $0xffff;
	v3 =	vpop (erf)  }
0x67c: {  	[tilespmem:s29+$0xD4B0] =	vst v3;
	v4 =	vmul.f32 $1.442695020e+00, v5;
	_ =	sdelay $0x1  }
0x67d: {  	v5 =	vld [tilespmem:s29+$0x94C0];
	(erf) = vpow2.f32 v4  }
0x67e: {  	v4 =	vld [tilespmem:s29+$0x84C0];
	_ =	sdelay $0x1  }
0x67f: {  	v1 =	vsub.f32 v1, v2;
	_ =	sdelay $0x1  }
0x680: {  	v1 =	vmul.f32 v1, v3;
	v2 =	vld [tilespmem:s29+$0xC4D0];
	_ =	sdelay $0x1  }
0x681: {  	[tilespmem:s29+$0xE4B0] =	vst v1  }
0x682: {  	v1 =	vld.idx.msk [tilespmem:v5+s20+$0x0], $0xffff  }
0x683: {  	v3 =	vld.idx.msk [tilespmem:v4+s21+$0x0], $0xffff;
	v4 =	vpop (erf)  }
0x684: {  	[tilespmem:s29+$0xD4C0] =	vst v4;
	v2 =	vmul.f32 $1.442695020e+00, v2;
	_ =	sdelay $0x1  }
0x685: {  	v5 =	vld [tilespmem:s29+$0x94D0];
	(erf) = vpow2.f32 v2  }
0x686: {  	v2 =	vld [tilespmem:s29+$0x84D0];
	_ =	sdelay $0x1  }
0x687: {  	v1 =	vsub.f32 v1, v3;
	_ =	sdelay $0x1  }
0x688: {  	v1 =	vmul.f32 v1, v4;
	v3 =	vld [tilespmem:s29+$0xC4E0];
	_ =	sdelay $0x1  }
0x689: {  	[tilespmem:s29+$0xE4C0] =	vst v1  }
0x68a: {  	v1 =	vld.idx.msk [tilespmem:v5+s20+$0x0], $0xffff  }
0x68b: {  	v2 =	vld.idx.msk [tilespmem:v2+s21+$0x0], $0xffff;
	v4 =	vpop (erf)  }
0x68c: {  	[tilespmem:s29+$0xD4D0] =	vst v4;
	v3 =	vmul.f32 $1.442695020e+00, v3;
	_ =	sdelay $0x1  }
0x68d: {  	v5 =	vld [tilespmem:s29+$0x94E0];
	(erf) = vpow2.f32 v3  }
0x68e: {  	v3 =	vld [tilespmem:s29+$0x84E0];
	_ =	sdelay $0x1  }
0x68f: {  	v1 =	vsub.f32 v1, v2;
	_ =	sdelay $0x1  }
0x690: {  	v1 =	vmul.f32 v1, v4;
	v2 =	vld [tilespmem:s29+$0xC4F0];
	_ =	sdelay $0x1  }
0x691: {  	[tilespmem:s29+$0xE4D0] =	vst v1  }
0x692: {  	v1 =	vld.idx.msk [tilespmem:v5+s20+$0x0], $0xffff  }
0x693: {  	v3 =	vld.idx.msk [tilespmem:v3+s21+$0x0], $0xffff;
	v4 =	vpop (erf)  }
0x694: {  	[tilespmem:s29+$0xD4E0] =	vst v4;
	v2 =	vmul.f32 $1.442695020e+00, v2;
	_ =	sdelay $0x1  }
0x695: {  	v5 =	vld [tilespmem:s29+$0x94F0];
	(erf) = vpow2.f32 v2  }
0x696: {  	v6 =	vld [tilespmem:s29+$0x84F0];
	_ =	sdelay $0x1  }
0x697: {  	v1 =	vsub.f32 v1, v3;
	_ =	sdelay $0x1  }
0x698: {  	v1 =	vmul.f32 v1, v4  }
.Ltmp8:
0x699: {  	(pc) =	sbr.rel @p0 .LBB2_18-.Ltmp8, $4  }
0x69a: {  	[tilespmem:s29+$0xE4E0] =	vst v1  }
0x69b: {  	v2 =	vld.idx.msk [tilespmem:v5+s20+$0x0], $0xffff  }
0x69c: {  	v3 =	vld.idx.msk [tilespmem:v6+s21+$0x0], $0xffff;
	v1 =	vpop (erf)  }
0x69d: {  	s28 =	sshra.s32 s30, $0x2;
	[tilespmem:s29+$0xD4F0] =	vst v1  }
0x69e: {  	v4 =	vld [tilespmem:s28+$0xC480]  }
0x69f: {  	v5 =	vld [tilespmem:s28+$0x9480]  }
0x6a0: {  	v6 =	vld [tilespmem:s28+$0x8480];
	_ =	sdelay $0x1  }
0x6a1: {  	v2 =	vsub.f32 v2, v3  }
0x6a2: {  	v3 =	vmul.f32 $1.442695020e+00, v4  }
0x6a3: {  	v1 =	vmul.f32 v2, v1  }
0x6a4: {  	(erf) = vpow2.f32 v3  }
0x6a5: {  	[tilespmem:s29+$0xE4F0] =	vst v1  }
0x6a6: {  	v1 =	vld.idx.msk [tilespmem:v5+s20+$0x0], $0xffff  }
0x6a7: {  	v2 =	vld.idx.msk [tilespmem:v6+s21+$0x0], $0xffff  }
0x6a8: {  	v3 =	vld [tilespmem:s28+$0xC490]  }
0x6a9: {  	v47 =	vld [tilespmem:s28+$0x9490]  }
0x6aa: {  	v48 =	vld [tilespmem:s28+$0x8490];
	_ =	sdelay $0x1  }
0x6ab: {  	v1 =	vsub.f32 v1, v2  }
0x6ac: {  	v3 =	vmul.f32 $1.442695020e+00, v3;
	v2 =	vpop (erf)  }
0x6ad: {  	v1 =	vmul.f32 v1, v2  }
0x6ae: {  	(erf) = vpow2.f32 v3;
	[tilespmem:s28+$0xD480] =	vst v2  }
0x6af: {  	[tilespmem:s28+$0xE480] =	vst v1  }
0x6b0: {  	v1 =	vld.idx.msk [tilespmem:v47+s20+$0x0], $0xffff  }
0x6b1: {  	v2 =	vld.idx.msk [tilespmem:v48+s21+$0x0], $0xffff  }
0x6b2: {  	v3 =	vld [tilespmem:s28+$0xC4A0]  }
0x6b3: {  	v49 =	vld [tilespmem:s28+$0x94A0]  }
0x6b4: {  	v50 =	vld [tilespmem:s28+$0x84A0];
	_ =	sdelay $0x1  }
0x6b5: {  	v1 =	vsub.f32 v1, v2  }
0x6b6: {  	v3 =	vmul.f32 $1.442695020e+00, v3;
	v2 =	vpop (erf)  }
0x6b7: {  	v51 =	vld [tilespmem:s28+$0xC4B0];
	v1 =	vmul.f32 v1, v2  }
0x6b8: {  	(erf) = vpow2.f32 v3;
	[tilespmem:s28+$0xD490] =	vst v2  }
0x6b9: {  	[tilespmem:s28+$0xE490] =	vst v1  }
0x6ba: {  	v1 =	vld.idx.msk [tilespmem:v49+s20+$0x0], $0xffff  }
0x6bb: {  	v2 =	vld.idx.msk [tilespmem:v50+s21+$0x0], $0xffff  }
0x6bc: {  	v3 =	vmul.f32 $1.442695020e+00, v51  }
0x6bd: {  	v52 =	vld [tilespmem:s28+$0x94B0]  }
0x6be: {  	(erf) = vpow2.f32 v3;
	v3 =	vld [tilespmem:s28+$0x84B0];
	_ =	sdelay $0x1  }
0x6bf: {  	v1 =	vsub.f32 v1, v2  }
0x6c0: {  	v2 =	vpop (erf)  }
0x6c1: {  	v1 =	vmul.f32 v1, v2  }
0x6c2: {  	[tilespmem:s28+$0xD4A0] =	vst v2  }
0x6c3: {  	v53 =	vld [tilespmem:s28+$0xC4C0];
	[tilespmem:s28+$0xE4A0] =	vst v1  }
0x6c4: {  	v1 =	vld.idx.msk [tilespmem:v52+s20+$0x0], $0xffff  }
0x6c5: {  	v2 =	vld.idx.msk [tilespmem:v3+s21+$0x0], $0xffff;
	_ =	sdelay $0x1  }
0x6c6: {  	v55 =	vld [tilespmem:s28+$0x94C0]  }
0x6c7: {  	v56 =	vld [tilespmem:s28+$0x84C0];
	v54 =	vmul.f32 $1.442695020e+00, v53;
	_ =	sdelay $0x1  }
0x6c8: {  	(erf) = vpow2.f32 v54;
	v1 =	vsub.f32 v1, v2  }
0x6c9: {  	v3 =	vpop (erf)  }
0x6ca: {  	v2 =	vld [tilespmem:s28+$0xC4D0];
	v1 =	vmul.f32 v1, v3  }
0x6cb: {  	[tilespmem:s28+$0xD4B0] =	vst v3  }
0x6cc: {  	[tilespmem:s28+$0xE4B0] =	vst v1  }
0x6cd: {  	v1 =	vld.idx.msk [tilespmem:v55+s20+$0x0], $0xffff  }
0x6ce: {  	v3 =	vld.idx.msk [tilespmem:v56+s21+$0x0], $0xffff  }
0x6cf: {  	v2 =	vmul.f32 $1.442695020e+00, v2  }
0x6d0: {  	v58 =	vld [tilespmem:s28+$0x94D0]  }
0x6d1: {  	v57 =	vpop (erf);
	(erf) = vpow2.f32 v2;
	v2 =	vld [tilespmem:s28+$0x84D0];
	_ =	sdelay $0x1  }
0x6d2: {  	v1 =	vsub.f32 v1, v3;
	_ =	sdelay $0x1  }
0x6d3: {  	v3 =	vld [tilespmem:s28+$0xC4E0];
	v1 =	vmul.f32 v1, v57  }
0x6d4: {  	[tilespmem:s28+$0xD4C0] =	vst v57  }
0x6d5: {  	[tilespmem:s28+$0xE4C0] =	vst v1  }
0x6d6: {  	v1 =	vld.idx.msk [tilespmem:v58+s20+$0x0], $0xffff  }
0x6d7: {  	v2 =	vld.idx.msk [tilespmem:v2+s21+$0x0], $0xffff  }
0x6d8: {  	v3 =	vmul.f32 $1.442695020e+00, v3  }
0x6d9: {  	v60 =	vld [tilespmem:s28+$0x94E0]  }
0x6da: {  	v59 =	vpop (erf);
	(erf) = vpow2.f32 v3;
	v3 =	vld [tilespmem:s28+$0x84E0];
	_ =	sdelay $0x1  }
0x6db: {  	v1 =	vsub.f32 v1, v2;
	_ =	sdelay $0x1  }
0x6dc: {  	v1 =	vmul.f32 v1, v59  }
0x6dd: {  	[tilespmem:s28+$0xD4D0] =	vst v59  }
0x6de: {  	[tilespmem:s28+$0xE4D0] =	vst v1  }
0x6df: {  	v1 =	vld.idx.msk [tilespmem:v60+s20+$0x0], $0xffff  }
0x6e0: {  	v3 =	vld.idx.msk [tilespmem:v3+s21+$0x0], $0xffff  }
0x6e1: {  	v2 =	vld [tilespmem:s28+$0xC4F0]  }
0x6e2: {  	v62 =	vld [tilespmem:s28+$0x94F0]  }
0x6e3: {  	v63 =	vld [tilespmem:s28+$0x84F0];
	_ =	sdelay $0x1  }
0x6e4: {  	v1 =	vsub.f32 v1, v3  }
0x6e5: {  	v2 =	vmul.f32 $1.442695020e+00, v2;
	v61 =	vpop (erf)  }
0x6e6: {  	v1 =	vmul.f32 v1, v61  }
0x6e7: {  	[tilespmem:s28+$0xD4E0] =	vst v61;
	(erf) = vpow2.f32 v2  }
0x6e8: {  	[tilespmem:s28+$0xE4E0] =	vst v1  }
0x6e9: {  	v1 =	vld.idx.msk [tilespmem:v62+s20+$0x0], $0xffff  }
0x6ea: {  	v2 =	vld.idx.msk [tilespmem:v63+s21+$0x0], $0xffff;
	_ =	sdelay $0x4  }
0x6eb: {  	v1 =	vsub.f32 v1, v2  }
0x6ec: {  	v2 =	vpop (erf)  }
0x6ed: {  	v1 =	vmul.f32 v1, v2  }
0x6ee: {  	[tilespmem:s28+$0xD4F0] =	vst v2  }
0x6ef: {  	s18 =	simm.s32 $0xD480;
	[tilespmem:s28+$0xE4F0] =	vst v1  }
0x6f0: {  	[spmem:s3] =	stream.indirect.scatter.add.f32 [tilespmem:s18], [sflag:$0x5], $0x1, s26, s25, $0xb8;
	[tilespmem:$0xF480] =	vst v63  }
0x6f1: {  	s28 =	simm.s32 $0xE480  }
0x6f2: {  	[spmem:s4] =	stream.indirect.scatter.add.f32 [tilespmem:s28], [sflag:$0x5], $0x1, s26, s25, $0xb8;
	[tilespmem:$0xF480] =	vst v63  }
0x6f3: {  	s29 =	simm.s32 $0xD500  }
0x6f4: {  	[spmem:s3] =	stream.indirect.scatter.add.f32 [tilespmem:s29], [sflag:$0x5], $0x1, s22, s25, $0xb8;
	[tilespmem:$0xF480] =	vst v63  }
0x6f5: {  	s30 =	simm.s32 $0xE500  }
0x6f6: {  	[spmem:s4] =	stream.indirect.scatter.add.f32 [tilespmem:s30], [sflag:$0x5], $0x1, s22, s25, $0xb8;
	[tilespmem:$0xF480] =	vst v63  }
0x6f7: {  	s28 =	simm.s32 $0xD580  }
0x6f8: {  	[spmem:s3] =	stream.indirect.scatter.add.f32 [tilespmem:s28], [sflag:$0x5], $0x1, s7, s25, $0xb8;
	[tilespmem:$0xF480] =	vst v63  }
0x6f9: {  	s29 =	simm.s32 $0xE580  }
0x6fa: {  	[spmem:s4] =	stream.indirect.scatter.add.f32 [tilespmem:s29], [sflag:$0x5], $0x1, s7, s25, $0xb8;
	[tilespmem:$0xF480] =	vst v63  }
0x6fb: {  	s30 =	simm.s32 $0xD600  }
0x6fc: {  	[spmem:s3] =	stream.indirect.scatter.add.f32 [tilespmem:s30], [sflag:$0x5], $0x1, s8, s25, $0xb8;
	[tilespmem:$0xF480] =	vst v63  }
0x6fd: {  	s28 =	simm.s32 $0xE600  }
0x6fe: {  	[spmem:s4] =	stream.indirect.scatter.add.f32 [tilespmem:s28], [sflag:$0x5], $0x1, s8, s25, $0xb8;
	[tilespmem:$0xF480] =	vst v63  }
0x6ff: {  	s29 =	simm.s32 $0xD680  }
0x700: {  	[spmem:s3] =	stream.indirect.scatter.add.f32 [tilespmem:s29], [sflag:$0x5], $0x1, s9, s25, $0xb8;
	[tilespmem:$0xF480] =	vst v63  }
0x701: {  	s30 =	simm.s32 $0xE680  }
0x702: {  	[spmem:s4] =	stream.indirect.scatter.add.f32 [tilespmem:s30], [sflag:$0x5], $0x1, s9, s25, $0xb8;
	[tilespmem:$0xF480] =	vst v63  }
0x703: {  	s28 =	simm.s32 $0xD700  }
0x704: {  	[spmem:s3] =	stream.indirect.scatter.add.f32 [tilespmem:s28], [sflag:$0x5], $0x1, s10, s25, $0xb8;
	[tilespmem:$0xF480] =	vst v63  }
0x705: {  	s29 =	simm.s32 $0xE700  }
0x706: {  	[spmem:s4] =	stream.indirect.scatter.add.f32 [tilespmem:s29], [sflag:$0x5], $0x1, s10, s25, $0xb8;
	[tilespmem:$0xF480] =	vst v63  }
0x707: {  	s30 =	simm.s32 $0xD780  }
0x708: {  	[spmem:s3] =	stream.indirect.scatter.add.f32 [tilespmem:s30], [sflag:$0x5], $0x1, s11, s25, $0xb8;
	[tilespmem:$0xF480] =	vst v63  }
0x709: {  	s28 =	simm.s32 $0xE780  }
0x70a: {  	[spmem:s4] =	stream.indirect.scatter.add.f32 [tilespmem:s28], [sflag:$0x5], $0x1, s11, s25, $0xb8;
	[tilespmem:$0xF480] =	vst v63  }
0x70b: {  	s29 =	simm.s32 $0xD800  }
0x70c: {  	[spmem:s3] =	stream.indirect.scatter.add.f32 [tilespmem:s29], [sflag:$0x5], $0x1, s0, s25, $0xb8;
	[tilespmem:$0xF480] =	vst v63  }
0x70d: {  	s30 =	simm.s32 $0xE800  }
0x70e: {  	[spmem:s4] =	stream.indirect.scatter.add.f32 [tilespmem:s30], [sflag:$0x5], $0x1, s0, s25, $0xb8;
	[tilespmem:$0xF480] =	vst v63  }
0x70f: {  	_ =	swait.ge [sflag:s14], $0x80  }
0x710: {  	[sflag:s14] =	ssyncset.done $0x0  }
0x711: {  	[sflag:s14] =	ssyncadd.s32 $0xFFFFFF80  }
0x712: {  	_ =	swait.ge [sflag:s14], $0x80  }
0x713: {  	s18 =	simm.s32 $0x1F;
	[sflag:s14] =	ssyncset.done $0x0  }
.LBB2_20:
0x714: {  	p0 =	sne.s32 s18, $0x1;
	s18 =	sadd.s32 $0xFFFFFFFF, s18;
	[sflag:s14] =	ssyncadd.s32 $0xFFFFFF80  }
.Ltmp9:
0x715: {  	_ =	swait.ge [sflag:s14], $0x80;
	(pc) =	sbr.rel @p0 .LBB2_20-.Ltmp9, $4  }
0x716: {  	[sflag:s14] =	ssyncset.done $0x0  }
0x717: {  	[sflag:s14] =	ssyncadd.s32 $0xFFFFFF80  }
0x718: {  	_ =	swait.ge [sflag:s14], $0x80  }
0x719: {  	[sflag:s14] =	ssyncset.done $0x0  }
0x71a: {  	[sflag:s14] =	ssyncadd.s32 $0xFFFFFF80;
	s18 =	stileid.u32  }
0x71b: {  	s18 =	sshll.u32 s18, $0x6;
	[bflag:$0x0] =	sbarrier.arrive $0xFFFF  }
0x71c: {  	s28 =	sshrl.u32 s12, $0x3;
	s18 =	sor.u32 $0x1C06, s18;
	s29 =	rddreg [dreg:$0xe]  }
0x71d: {  	[hbm:s29@s15], [sflag:s18] =	dma.strided [spmem:s28@s16], $0x80, s24, $0x10   }
0x71e: {  	_ =	swait.ge [sflag:s23], $0x80  }
0x71f: {  	[sflag:s23] =	ssyncset.done $0x0  }
0x720: {  	s28 =	sshrl.u32 s13, $0x3;
	s30 =	rddreg [dreg:$0xf];
	[sflag:s23] =	ssyncadd.s32 $0xFFFFFF80  }
0x721: {  	[hbm:s30@s15], [sflag:s18] =	dma.strided [spmem:s28@s16], $0x80, s24, $0x10   }
0x722: {  	_ =	swait.ge [sflag:s23], $0x80  }
0x723: {  	s19 =	sadd.s32 $0x1, s19;
	s30 =	rddreg [dreg:$0x10]  }
0x724: {  	p0 =	sne.s32 s19, s30  }
.Ltmp10:
0x725: {  	_ = 	snop;
	(pc) =	sbr.rel @p0 .LBB2_1-.Ltmp10, $3  }
0x726: {  	_ =	sdelay $0x1  }
0x727: {  	[sflag:s23] =	ssyncset.done $0x0  }
0x728: {  	[sflag:s23] =	ssyncadd.s32 $0xFFFFFF80  }
0x729: {  	_ =	sfence.sel $0x180000  }
0x72a: {  	[bflag:$0x0] =	sbarrier.arrive $0xFFFF  }
0x72b: {  	_ =	strace $0x90000047  }
0x72c: {  	s0 =	stileid.u32;
	[bflag:$0x2] =	sbarrier.arrive $0xFFFF  }
0x72d: {  	p0 =	sne.s32 s0, $0x0;
	s0 =	rddreg [dreg:$0x8]  }
0x72e: {  	s0 =	sadd.s32 @!p0 $0x100000, s0  }
0x72f: {  	[sflag:s0] =	ssyncadd.tile.s32 @!p0 $0x1;
	_ =	shalt  }
.Lfunc_end2:
_tile_overlayer_lowered:
.L_overlay_start_2:
0x730: {  	(tag) =	ssettag $0x2  }
0x731: {  	s0 =	rddreg [dreg:$0x0];
	s2 =	stileid.u32  }
0x732: {  	s1 =	rddreg [dreg:$0x1];
	p0 =	sne.s32 s2, $0x0  }
0x733: {  	s3 =	rddreg [dreg:$0x2];
	[bflag:$0x3] =	sbarrier.arrive $0xFFFF;
	s2 =	simm.s32 @!p0 $0x1C06  }
0x734: {  	[timem:s3], [sflag:s2] =	dma.local @!p0 [hbm:s0], s1  }
0x735: {  	s0 =	simm.s32 @!p0 $0x6  }
0x736: {  	_ =	swait.ge @!p0 [sflag:s0], s1  }
0x737: {  	s1 =	ssub.s32 @!p0 $0x0, s1;
	[sflag:s0] =	ssyncset.done @!p0 $0x0  }
0x738: {  	[sflag:s0] =	ssyncadd.s32 @!p0 s1  }
0x739: {  	[bflag:$0x3] =	sbarrier.arrive $0xFFFF  }
0x73a: {  	_ =	shalt  }

</sc_bundles>
